<compile_context>
chip_gen: v7x
topology: tpu7x:2x2x1
jax: 0.10.2.dev20260603
libtpu: 0.0.44.dev20260713+nightly
codegen_flags: <defaults>
</compile_context>

<pallas_src>
import functools
import jax
import jax.numpy as jnp
from jax import lax
from jax.experimental import pallas as pl
from jax.experimental.pallas import tpu as pltpu
from jax.experimental.pallas import tpu_sc as plsc

B = 1024
D = 128
K = 8
C = 384
HIGHEST = lax.Precision.HIGHEST
DEFAULT = lax.Precision.DEFAULT
NEG_INF = jnp.float32(float("-inf"))


def _rowsum(x):
    c = 8
    acc = x[:, 0:c]
    for i in range(1, x.shape[1] // c):
        acc = acc + x[:, i * c:(i + 1) * c]
    while c > 1:
        c //= 2
        acc = acc[:, :c] + acc[:, c:2 * c]
    return acc


def _tc_body(feat_ref, pred_ref, targ_ref, sim_ref, fc_ref):
    f = feat_ref[...]
    p = pred_ref[...]
    t = targ_ref[...]

    bce = jnp.maximum(p, 0.0) - p * t + jnp.log1p(jnp.exp(-jnp.abs(p)))
    sample_loss = _rowsum(bce) / jnp.float32(D)
    max_loss = jnp.max(sample_loss)
    sample_loss = jnp.where(max_loss > 0, sample_loss / (max_loss + 1e-8), sample_loss)
    probs = jax.nn.sigmoid(p)
    confidence = _rowsum(jnp.abs(probs - 0.5)) / jnp.float32(D)
    uncertainty = jnp.clip(1.0 - 2.0 * confidence, 0.0, 1.0)
    d = 0.6 * sample_loss + 0.4 * uncertainty

    ones_col = jnp.ones((B, 1), jnp.float32)
    d_cols = lax.dot_general(ones_col, d, (((1,), (1,)), ((), ())),
                             precision=HIGHEST, preferred_element_type=jnp.float32)
    row_i = lax.broadcasted_iota(jnp.int32, (B, B), 0)
    col_i = lax.broadcasted_iota(jnp.int32, (B, B), 1)
    before = (d_cols < d) | ((d_cols == d) & (col_i < row_i))
    rank = jnp.sum(before.astype(jnp.float32), axis=1, keepdims=True)
    s_lo = jnp.sum(jnp.where(rank == 716.0, d, 0.0))
    s_hi = jnp.sum(jnp.where(rank == 717.0, d, 0.0))
    qpos = jnp.float32(0.7) * jnp.float32(1023.0)
    hw = qpos - jnp.float32(716.0)
    threshold = s_lo * (jnp.float32(1.0) - hw) + s_hi * hw

    mask = (d > threshold).astype(jnp.float32)
    tri = (col_i < row_i).astype(jnp.float32)
    pos = lax.dot_general(tri, mask, (((1,), (0,)), ((), ())),
                          precision=HIGHEST, preferred_element_type=jnp.float32)
    n_sel = jnp.sum(mask)
    col_c = lax.broadcasted_iota(jnp.int32, (B, C), 1).astype(jnp.float32)
    pmat = jnp.where((col_c == pos) & (mask > 0.0), 1.0, 0.0)

    norm = jnp.sqrt(_rowsum(f * f))
    nq = f / jnp.maximum(norm, 1e-12)
    nf_c = lax.dot_general(pmat, nq, (((0,), (0,)), ((), ())),
                           precision=HIGHEST, preferred_element_type=jnp.float32)
    f_c = lax.dot_general(pmat, f, (((0,), (0,)), ((), ())),
                          precision=HIGHEST, preferred_element_type=jnp.float32)
    fc_ref[...] = f_c
    sim = lax.dot_general(nq, nf_c, (((1,), (1,)), ((), ())),
                          precision=DEFAULT, preferred_element_type=jnp.float32)
    sim_ref[...] = jnp.where(col_c < n_sel, sim, -jnp.inf)


def _tc_stage(features, predictions, targets):
    return pl.pallas_call(
        _tc_body,
        out_shape=(jax.ShapeDtypeStruct((B, C), jnp.float32),
                   jax.ShapeDtypeStruct((C, D), jnp.float32)),
    )(features, predictions, targets)


NW = 32
S = 256
RPW = S // NW
NV = 320 // 16


def _sc_body(sim_hbm, fc_hbm, out_hbm, rows_v, fc_v, out_v):
    cid = lax.axis_index("c")
    sid = lax.axis_index("s")
    wid = sid * 2 + cid
    base = wid * RPW
    pltpu.sync_copy(sim_hbm.at[pl.ds(base * C, RPW * C)], rows_v)
    pltpu.sync_copy(fc_hbm, fc_v)

    lane = lax.broadcasted_iota(jnp.int32, (16,), 0)

    def shuf(x, idx):
        return x[idx]

    def bfly(x, op):
        for s in (1, 2, 4, 8):
            x = op(x, shuf(x, jnp.bitwise_xor(lane, s)))
        return x

    def one_row(r):
        rbase = r * C
        vregs = [rows_v[pl.ds(rbase + 16 * v, 16)] for v in range(NV)]
        vvec = jnp.full((16,), -jnp.inf, jnp.float32)
        cols = []
        for t in range(K):
            m = vregs[0]
            a = jnp.zeros((16,), jnp.int32)
            for v in range(1, NV):
                gt = vregs[v] > m
                m = jnp.where(gt, vregs[v], m)
                a = jnp.where(gt, v, a)
            gmax = bfly(m, jnp.maximum)
            colv = a * 16 + lane
            cand = jnp.where(m == gmax, colv, C)
            c_t = bfly(cand, jnp.minimum)
            cols.append(c_t)
            vvec = jnp.where(lane == t, gmax, vvec)
            for v in range(NV):
                vregs[v] = jnp.where(lane + 16 * v == c_t, -jnp.inf, vregs[v])
        e = jnp.exp(vvec - bfly(vvec, jnp.maximum))
        wts = e / bfly(e, jnp.add)
        for c8 in range(D // 16):
            acc = jnp.zeros((16,), jnp.float32)
            for t in range(K):
                w_t = shuf(wts, jnp.full((16,), t, jnp.int32))
                c_sc = jnp.squeeze(lax.slice(cols[t], (0,), (1,)))
                part = fc_v[pl.ds(c_sc * D + 16 * c8, 16)]
                acc = acc + w_t * part
            out_v[pl.ds(r * D + 16 * c8, 16)] = acc

    def row_body(i, carry):
        one_row(i)
        return carry

    lax.fori_loop(0, RPW, row_body, 0)
    pltpu.sync_copy(out_v, out_hbm.at[pl.ds(base * D, RPW * D)])


def _sc_stage(sim, fc):
    mesh = plsc.VectorSubcoreMesh(core_axis_name="c", subcore_axis_name="s")
    kfn = functools.partial(
        pl.kernel,
        out_type=jax.ShapeDtypeStruct((S * D,), jnp.float32),
        mesh=mesh,
        scratch_types=[
            pltpu.VMEM((RPW * C,), jnp.float32),
            pltpu.VMEM((C * D,), jnp.float32),
            pltpu.VMEM((RPW * D,), jnp.float32),
        ],
    )(_sc_body)
    return kfn(sim, fc)


BT = B - S


def _tc2_body(sim_ref, fc_ref, out_ref):
    cur = sim_ref[...]
    f_c = fc_ref[...]
    col_c = lax.broadcasted_iota(jnp.int32, (BT, C), 1).astype(jnp.float32)
    vals = []
    idxs = []
    for _ in range(K):
        m = jnp.max(cur, axis=1, keepdims=True)
        pick = jnp.min(jnp.where(cur == m, col_c, jnp.float32(C)), axis=1, keepdims=True)
        vals.append(m)
        idxs.append(pick)
        cur = jnp.where(col_c == pick, -jnp.inf, cur)
    v = jnp.concatenate(vals, axis=1)
    e = jnp.exp(v - jnp.max(v, axis=1, keepdims=True))
    wts = e / jnp.sum(e, axis=1, keepdims=True)
    w_mat = jnp.zeros((BT, C), jnp.float32)
    for j in range(K):
        w_mat = w_mat + jnp.where(col_c == idxs[j], wts[:, j:j + 1], 0.0)
    out_ref[...] = lax.dot_general(w_mat, f_c, (((1,), (0,)), ((), ())),
                                   precision=HIGHEST, preferred_element_type=jnp.float32)


def _tc2_stage(sim_t, fc):
    return pl.pallas_call(
        _tc2_body,
        out_shape=jax.ShapeDtypeStruct((BT, D), jnp.float32),
    )(sim_t, fc)


def kernel(features, predictions, targets, k):
    del k
    sim, fc = _tc_stage(features, predictions, targets)
    out_sc = _sc_stage(sim[:S].reshape(S * C), fc.reshape(C * D))
    out_tc = _tc2_stage(sim[S:], fc)
    return jnp.concatenate([out_sc.reshape(S, D), out_tc], axis=0)

# --- scband reference (transcript-rebuilt; emitter-appended) ---
"""Pipeline reference for scband-loss-aware-memory-bank-14053132992610 (READ-ONLY COPY).

The authoritative reference and input builder live on the scoring server;
editing this copy changes nothing except your own understanding.
"""

import jax, jax.numpy as jnp
import numpy as np
from jax import lax

FEATURE_DIM = 128
BANK_SIZE = 16384
BATCH = 1024
NUM_CLASSES = 128
LOSS_WEIGHT = 0.6
UNCERTAINTY_WEIGHT = 0.4


def setup_inputs(seed: int = 0) -> dict:
    key = jax.random.key(seed)
    k1, k2, k3 = jax.random.split(key, 3)
    features = jax.random.normal(k1, (BATCH, FEATURE_DIM), dtype=jnp.float32)
    predictions = jax.random.normal(k2, (BATCH, NUM_CLASSES), dtype=jnp.float32)
    targets = (jax.random.uniform(k3, (BATCH, NUM_CLASSES)) < 0.5).astype(jnp.float32)
    return {"features": features, "predictions": predictions, "targets": targets, "k": 8}


def _bce_with_logits(x, t):
    # F.binary_cross_entropy_with_logits, reduction='none'
    return jnp.maximum(x, 0.0) - x * t + jnp.log1p(jnp.exp(-jnp.abs(x)))


def _forward(features, predictions, targets, k):
    # ---- compute_sample_difficulty ----
    sample_loss = _bce_with_logits(predictions, targets).mean(axis=1)
    max_loss = sample_loss.max()
    sample_loss = jnp.where(max_loss > 0, sample_loss / (max_loss + 1e-8), sample_loss)
    probs = jax.nn.sigmoid(predictions)
    confidence = jnp.abs(probs - 0.5).mean(axis=1)
    uncertainty = jnp.clip(1.0 - 2.0 * confidence, 0.0, 1.0)
    difficulty = LOSS_WEIGHT * sample_loss + UNCERTAINTY_WEIGHT * uncertainty
    # ---- _select_samples_to_store (update_mode='hard') ----
    threshold = jnp.quantile(difficulty, 0.7)
    mask = difficulty > threshold
    # ---- update: sequential priority insert into memory bank ----
    memory0 = jnp.zeros((BANK_SIZE, FEATURE_DIM), dtype=jnp.float32)
    scores0 = jnp.zeros((BANK_SIZE,), dtype=jnp.float32)

    def body(carry, i):
        memory, scores, idx = carry
        sel = mask[i]
        cur_s = difficulty[i]
        cur_f = features[i]
        has_space = idx < BANK_SIZE
        min_idx = jnp.argmin(scores)
        min_score = scores[min_idx]
        write_idx = jnp.where(has_space, idx, min_idx).astype(jnp.int32)
        do_write = sel & (has_space | (cur_s > min_score))
        old_row = memory[write_idx]
        old_sc = scores[write_idx]
        memory = memory.at[write_idx].set(jnp.where(do_write, cur_f, old_row))
        scores = scores.at[write_idx].set(jnp.where(do_write, cur_s, old_sc))
        idx = idx + jnp.where(sel & has_space, 1, 0).astype(jnp.int32)
        return (memory, scores, idx), None

    (memory, scores, idx), _ = lax.scan(
        body, (memory0, scores0, jnp.array(0, jnp.int32)), jnp.arange(BATCH)
    )
    # ---- retrieve(query=features, k) ----
    q_norm = jnp.linalg.norm(features, axis=1, keepdims=True)
    nq = features / jnp.maximum(q_norm, 1e-12)
    m_norm = jnp.linalg.norm(memory, axis=1, keepdims=True)
    nm = memory / jnp.maximum(m_norm, 1e-12)
    sim = nq @ nm.T  # [B, BANK_SIZE]
    valid = jnp.arange(BANK_SIZE) < idx
    sim = jnp.where(valid[None, :], sim, -jnp.inf)
    k_static = 8
    w, ind = lax.top_k(sim + 0.0 * k, k_static)  # [B, k]
    retrieved = memory[ind]  # [B, k, D]
    weights = jax.nn.softmax(w, axis=1)
    result = jnp.sum(retrieved * weights[..., None], axis=1)
    return result


def reference(features, predictions, targets, k):
    return _forward(features, predictions, targets, k)

if __name__ == "__main__":
    import jax
    _d = setup_inputs()
    print(jax.jit(kernel)(*tuple(_d.values())))

</pallas_src>

<mosaic_0001>
#map = affine_map<(d0, d1) -> (0)>
module attributes {stable_mosaic.version = 14 : i64} {
  func.func @_sc_body(%arg0: i32, %arg1: i32, %arg2: memref<98304xf32, #tpu.memory_space<hbm>>, %arg3: memref<49152xf32, #tpu.memory_space<hbm>>, %arg4: memref<32768xf32, #tpu.memory_space<hbm>>, %arg5: memref<3072xf32, #tpu.memory_space<vmem>>, %arg6: memref<49152xf32, #tpu.memory_space<vmem>>, %arg7: memref<1024xf32, #tpu.memory_space<vmem>>) attributes {dimension_semantics = [#tpu.dimension_semantics<core_parallel>, #tpu.dimension_semantics<subcore_parallel>], iteration_bounds = array<i64: 2, 16>, scalar_prefetch = 0 : i64, scratch_operands = 3 : i64, tpu.core_type = #tpu.core_type<sc_vector_subcore>, window_params = [{transform_indices = #map}, {transform_indices = #map}, {transform_indices = #map}]} {
    %mul3A = arith.constant 2 : i32
    %mul3A_0 = arith.muli %arg1, %mul3A : i32
    %add3A = arith.addi %mul3A_0, %arg0 : i32
    %mul3A_1 = arith.constant 8 : i32
    %mul3A_2 = arith.muli %add3A, %mul3A_1 : i32
    %mul3A_3 = arith.constant 384 : i32
    %mul3A_4 = arith.muli %mul3A_2, %mul3A_3 : i32
    "tpu.region"() ({
      %run_scoped3A = tpu.sem_alloc : memref<!tpu.dma_semaphore, #tpu.memory_space<semaphore_mem>>
      %dma_start3A = tpu.memref_slice %arg2[%mul3A_4] : memref<98304xf32, #tpu.memory_space<hbm>> -> memref<3072xf32, #tpu.memory_space<hbm>>
      %dma_start3A_12 = tpu.memref_slice %arg2[%mul3A_4] : memref<98304xf32, #tpu.memory_space<hbm>> -> memref<3072xf32, #tpu.memory_space<hbm>>
      tpu.enqueue_dma source(%dma_start3A_12 : memref<3072xf32, #tpu.memory_space<hbm>>) target(%arg5 : memref<3072xf32, #tpu.memory_space<vmem>>) target_semaphore(%run_scoped3A : memref<!tpu.dma_semaphore, #tpu.memory_space<semaphore_mem>>)
      %dma_wait3A = tpu.memref_slice %arg2[%mul3A_4] : memref<98304xf32, #tpu.memory_space<hbm>> -> memref<3072xf32, #tpu.memory_space<hbm>>
      %dma_wait3A_13 = tpu.memref_slice %arg2[%mul3A_4] : memref<98304xf32, #tpu.memory_space<hbm>> -> memref<3072xf32, #tpu.memory_space<hbm>>
      tpu.wait_dma2 semaphore(%run_scoped3A : memref<!tpu.dma_semaphore, #tpu.memory_space<semaphore_mem>>) src(%dma_wait3A_13 : memref<3072xf32, #tpu.memory_space<hbm>>) dst(%arg5 : memref<3072xf32, #tpu.memory_space<vmem>>)
      tpu.yield
    }) : () -> ()
    "tpu.region"() ({
      %run_scoped3A = tpu.sem_alloc : memref<!tpu.dma_semaphore, #tpu.memory_space<semaphore_mem>>
      tpu.enqueue_dma source(%arg3 : memref<49152xf32, #tpu.memory_space<hbm>>) target(%arg6 : memref<49152xf32, #tpu.memory_space<vmem>>) target_semaphore(%run_scoped3A : memref<!tpu.dma_semaphore, #tpu.memory_space<semaphore_mem>>)
      tpu.wait_dma2 semaphore(%run_scoped3A : memref<!tpu.dma_semaphore, #tpu.memory_space<semaphore_mem>>) src(%arg3 : memref<49152xf32, #tpu.memory_space<hbm>>) dst(%arg6 : memref<49152xf32, #tpu.memory_space<vmem>>)
      tpu.yield
    }) : () -> ()
    %iota3A = tpu.iota {dimensions = array<i32: 0>} : vector<16xi32>
    %scan3A = arith.constant 0 : i32
    %scan3A_5 = arith.constant 0 : i32
    %scan3A_6 = arith.constant 8 : i32
    %scan3A_7 = arith.addi %scan3A_5, %scan3A_6 : i32
    %scan3A_8 = arith.constant 1 : i32
    scf.for %scan3A_12 = %scan3A_5 to %scan3A_7 step %scan3A_8  : i32 {
      %mul3A_13 = arith.constant 384 : i32
      %mul3A_14 = arith.muli %scan3A_12, %mul3A_13 : i32
      %add3A_15 = arith.constant 0 : i32
      %add3A_16 = arith.addi %mul3A_14, %add3A_15 : i32
      %get3A = arith.index_cast %add3A_16 : i32 to index
      %get3A_17 = tpu.vector_load %arg5[%get3A] {strides = array<i32>} : memref<3072xf32, #tpu.memory_space<vmem>>, vector<16xf32>,
      %get3A_18 = vector.shape_cast %get3A_17 : vector<16xf32> to vector<16xf32>
      %add3A_19 = arith.constant 16 : i32
      %add3A_20 = arith.addi %mul3A_14, %add3A_19 : i32
      %get3A_21 = arith.index_cast %add3A_20 : i32 to index
      %get3A_22 = tpu.vector_load %arg5[%get3A_21] {strides = array<i32>} : memref<3072xf32, #tpu.memory_space<vmem>>, vector<16xf32>,
      %get3A_23 = vector.shape_cast %get3A_22 : vector<16xf32> to vector<16xf32>
      %add3A_24 = arith.constant 32 : i32
      %add3A_25 = arith.addi %mul3A_14, %add3A_24 : i32
      %get3A_26 = arith.index_cast %add3A_25 : i32 to index
      %get3A_27 = tpu.vector_load %arg5[%get3A_26] {strides = array<i32>} : memref<3072xf32, #tpu.memory_space<vmem>>, vector<16xf32>,
      %get3A_28 = vector.shape_cast %get3A_27 : vector<16xf32> to vector<16xf32>
      %add3A_29 = arith.constant 48 : i32
      %add3A_30 = arith.addi %mul3A_14, %add3A_29 : i32
      %get3A_31 = arith.index_cast %add3A_30 : i32 to index
      %get3A_32 = tpu.vector_load %arg5[%get3A_31] {strides = array<i32>} : memref<3072xf32, #tpu.memory_space<vmem>>, vector<16xf32>,
      %get3A_33 = vector.shape_cast %get3A_32 : vector<16xf32> to vector<16xf32>
      %add3A_34 = arith.constant 64 : i32
      %add3A_35 = arith.addi %mul3A_14, %add3A_34 : i32
      %get3A_36 = arith.index_cast %add3A_35 : i32 to index
      %get3A_37 = tpu.vector_load %arg5[%get3A_36] {strides = array<i32>} : memref<3072xf32, #tpu.memory_space<vmem>>, vector<16xf32>,
      %get3A_38 = vector.shape_cast %get3A_37 : vector<16xf32> to vector<16xf32>
      %add3A_39 = arith.constant 80 : i32
      %add3A_40 = arith.addi %mul3A_14, %add3A_39 : i32
      %get3A_41 = arith.index_cast %add3A_40 : i32 to index
      %get3A_42 = tpu.vector_load %arg5[%get3A_41] {strides = array<i32>} : memref<3072xf32, #tpu.memory_space<vmem>>, vector<16xf32>,
      %get3A_43 = vector.shape_cast %get3A_42 : vector<16xf32> to vector<16xf32>
      %add3A_44 = arith.constant 96 : i32
      %add3A_45 = arith.addi %mul3A_14, %add3A_44 : i32
      %get3A_46 = arith.index_cast %add3A_45 : i32 to index
      %get3A_47 = tpu.vector_load %arg5[%get3A_46] {strides = array<i32>} : memref<3072xf32, #tpu.memory_space<vmem>>, vector<16xf32>,
      %get3A_48 = vector.shape_cast %get3A_47 : vector<16xf32> to vector<16xf32>
      %add3A_49 = arith.constant 112 : i32
      %add3A_50 = arith.addi %mul3A_14, %add3A_49 : i32
      %get3A_51 = arith.index_cast %add3A_50 : i32 to index
      %get3A_52 = tpu.vector_load %arg5[%get3A_51] {strides = array<i32>} : memref<3072xf32, #tpu.memory_space<vmem>>, vector<16xf32>,
      %get3A_53 = vector.shape_cast %get3A_52 : vector<16xf32> to vector<16xf32>
      %add3A_54 = arith.constant 128 : i32
      %add3A_55 = arith.addi %mul3A_14, %add3A_54 : i32
      %get3A_56 = arith.index_cast %add3A_55 : i32 to index
      %get3A_57 = tpu.vector_load %arg5[%get3A_56] {strides = array<i32>} : memref<3072xf32, #tpu.memory_space<vmem>>, vector<16xf32>,
      %get3A_58 = vector.shape_cast %get3A_57 : vector<16xf32> to vector<16xf32>
      %add3A_59 = arith.constant 144 : i32
      %add3A_60 = arith.addi %mul3A_14, %add3A_59 : i32
      %get3A_61 = arith.index_cast %add3A_60 : i32 to index
      %get3A_62 = tpu.vector_load %arg5[%get3A_61] {strides = array<i32>} : memref<3072xf32, #tpu.memory_space<vmem>>, vector<16xf32>,
      %get3A_63 = vector.shape_cast %get3A_62 : vector<16xf32> to vector<16xf32>
      %add3A_64 = arith.constant 160 : i32
      %add3A_65 = arith.addi %mul3A_14, %add3A_64 : i32
      %get3A_66 = arith.index_cast %add3A_65 : i32 to index
      %get3A_67 = tpu.vector_load %arg5[%get3A_66] {strides = array<i32>} : memref<3072xf32, #tpu.memory_space<vmem>>, vector<16xf32>,
      %get3A_68 = vector.shape_cast %get3A_67 : vector<16xf32> to vector<16xf32>
      %add3A_69 = arith.constant 176 : i32
      %add3A_70 = arith.addi %mul3A_14, %add3A_69 : i32
      %get3A_71 = arith.index_cast %add3A_70 : i32 to index
      %get3A_72 = tpu.vector_load %arg5[%get3A_71] {strides = array<i32>} : memref<3072xf32, #tpu.memory_space<vmem>>, vector<16xf32>,
      %get3A_73 = vector.shape_cast %get3A_72 : vector<16xf32> to vector<16xf32>
      %add3A_74 = arith.constant 192 : i32
      %add3A_75 = arith.addi %mul3A_14, %add3A_74 : i32
      %get3A_76 = arith.index_cast %add3A_75 : i32 to index
      %get3A_77 = tpu.vector_load %arg5[%get3A_76] {strides = array<i32>} : memref<3072xf32, #tpu.memory_space<vmem>>, vector<16xf32>,
      %get3A_78 = vector.shape_cast %get3A_77 : vector<16xf32> to vector<16xf32>
      %add3A_79 = arith.constant 208 : i32
      %add3A_80 = arith.addi %mul3A_14, %add3A_79 : i32
      %get3A_81 = arith.index_cast %add3A_80 : i32 to index
      %get3A_82 = tpu.vector_load %arg5[%get3A_81] {strides = array<i32>} : memref<3072xf32, #tpu.memory_space<vmem>>, vector<16xf32>,
      %get3A_83 = vector.shape_cast %get3A_82 : vector<16xf32> to vector<16xf32>
      %add3A_84 = arith.constant 224 : i32
      %add3A_85 = arith.addi %mul3A_14, %add3A_84 : i32
      %get3A_86 = arith.index_cast %add3A_85 : i32 to index
      %get3A_87 = tpu.vector_load %arg5[%get3A_86] {strides = array<i32>} : memref<3072xf32, #tpu.memory_space<vmem>>, vector<16xf32>,
      %get3A_88 = vector.shape_cast %get3A_87 : vector<16xf32> to vector<16xf32>
      %add3A_89 = arith.constant 240 : i32
      %add3A_90 = arith.addi %mul3A_14, %add3A_89 : i32
      %get3A_91 = arith.index_cast %add3A_90 : i32 to index
      %get3A_92 = tpu.vector_load %arg5[%get3A_91] {strides = array<i32>} : memref<3072xf32, #tpu.memory_space<vmem>>, vector<16xf32>,
      %get3A_93 = vector.shape_cast %get3A_92 : vector<16xf32> to vector<16xf32>
      %add3A_94 = arith.constant 256 : i32
      %add3A_95 = arith.addi %mul3A_14, %add3A_94 : i32
      %get3A_96 = arith.index_cast %add3A_95 : i32 to index
      %get3A_97 = tpu.vector_load %arg5[%get3A_96] {strides = array<i32>} : memref<3072xf32, #tpu.memory_space<vmem>>, vector<16xf32>,
      %get3A_98 = vector.shape_cast %get3A_97 : vector<16xf32> to vector<16xf32>
      %add3A_99 = arith.constant 272 : i32
      %add3A_100 = arith.addi %mul3A_14, %add3A_99 : i32
      %get3A_101 = arith.index_cast %add3A_100 : i32 to index
      %get3A_102 = tpu.vector_load %arg5[%get3A_101] {strides = array<i32>} : memref<3072xf32, #tpu.memory_space<vmem>>, vector<16xf32>,
      %get3A_103 = vector.shape_cast %get3A_102 : vector<16xf32> to vector<16xf32>
      %add3A_104 = arith.constant 288 : i32
      %add3A_105 = arith.addi %mul3A_14, %add3A_104 : i32
      %get3A_106 = arith.index_cast %add3A_105 : i32 to index
      %get3A_107 = tpu.vector_load %arg5[%get3A_106] {strides = array<i32>} : memref<3072xf32, #tpu.memory_space<vmem>>, vector<16xf32>,
      %get3A_108 = vector.shape_cast %get3A_107 : vector<16xf32> to vector<16xf32>
      %add3A_109 = arith.constant 304 : i32
      %add3A_110 = arith.addi %mul3A_14, %add3A_109 : i32
      %get3A_111 = arith.index_cast %add3A_110 : i32 to index
      %get3A_112 = tpu.vector_load %arg5[%get3A_111] {strides = array<i32>} : memref<3072xf32, #tpu.memory_space<vmem>>, vector<16xf32>,
      %get3A_113 = vector.shape_cast %get3A_112 : vector<16xf32> to vector<16xf32>
      %broadcast_in_dim3A = arith.constant 0xFF800000 : f32
      %broadcast_in_dim3A_114 = vector.broadcast %broadcast_in_dim3A : f32 to vector<16xf32>
      %broadcast_in_dim3A_115 = arith.constant 0 : i32
      %broadcast_in_dim3A_116 = vector.broadcast %broadcast_in_dim3A_115 : i32 to vector<16xi32>
      %gt3A = arith.cmpf ogt, %get3A_23, %get3A_18 : vector<16xf32>
      %select_n3A = arith.select %gt3A, %get3A_23, %get3A_18 : vector<16xi1>, vector<16xf32>
      %jit3A = arith.constant 1 : i32
      %broadcast_in_dim3A_117 = vector.broadcast %jit3A : i32 to vector<16xi32>
      %select_n3A_118 = arith.select %gt3A, %broadcast_in_dim3A_117, %broadcast_in_dim3A_116 : vector<16xi1>, vector<16xi32>
      %gt3A_119 = arith.cmpf ogt, %get3A_28, %select_n3A : vector<16xf32>
      %select_n3A_120 = arith.select %gt3A_119, %get3A_28, %select_n3A : vector<16xi1>, vector<16xf32>
      %jit3A_121 = arith.constant 2 : i32
      %broadcast_in_dim3A_122 = vector.broadcast %jit3A_121 : i32 to vector<16xi32>
      %select_n3A_123 = arith.select %gt3A_119, %broadcast_in_dim3A_122, %select_n3A_118 : vector<16xi1>, vector<16xi32>
      %gt3A_124 = arith.cmpf ogt, %get3A_33, %select_n3A_120 : vector<16xf32>
      %select_n3A_125 = arith.select %gt3A_124, %get3A_33, %select_n3A_120 : vector<16xi1>, vector<16xf32>
      %jit3A_126 = arith.constant 3 : i32
      %broadcast_in_dim3A_127 = vector.broadcast %jit3A_126 : i32 to vector<16xi32>
      %select_n3A_128 = arith.select %gt3A_124, %broadcast_in_dim3A_127, %select_n3A_123 : vector<16xi1>, vector<16xi32>
      %gt3A_129 = arith.cmpf ogt, %get3A_38, %select_n3A_125 : vector<16xf32>
      %select_n3A_130 = arith.select %gt3A_129, %get3A_38, %select_n3A_125 : vector<16xi1>, vector<16xf32>
      %jit3A_131 = arith.constant 4 : i32
      %broadcast_in_dim3A_132 = vector.broadcast %jit3A_131 : i32 to vector<16xi32>
      %select_n3A_133 = arith.select %gt3A_129, %broadcast_in_dim3A_132, %select_n3A_128 : vector<16xi1>, vector<16xi32>
      %gt3A_134 = arith.cmpf ogt, %get3A_43, %select_n3A_130 : vector<16xf32>
      %select_n3A_135 = arith.select %gt3A_134, %get3A_43, %select_n3A_130 : vector<16xi1>, vector<16xf32>
      %jit3A_136 = arith.constant 5 : i32
      %broadcast_in_dim3A_137 = vector.broadcast %jit3A_136 : i32 to vector<16xi32>
      %select_n3A_138 = arith.select %gt3A_134, %broadcast_in_dim3A_137, %select_n3A_133 : vector<16xi1>, vector<16xi32>
      %gt3A_139 = arith.cmpf ogt, %get3A_48, %select_n3A_135 : vector<16xf32>
      %select_n3A_140 = arith.select %gt3A_139, %get3A_48, %select_n3A_135 : vector<16xi1>, vector<16xf32>
      %jit3A_141 = arith.constant 6 : i32
      %broadcast_in_dim3A_142 = vector.broadcast %jit3A_141 : i32 to vector<16xi32>
      %select_n3A_143 = arith.select %gt3A_139, %broadcast_in_dim3A_142, %select_n3A_138 : vector<16xi1>, vector<16xi32>
      %gt3A_144 = arith.cmpf ogt, %get3A_53, %select_n3A_140 : vector<16xf32>
      %select_n3A_145 = arith.select %gt3A_144, %get3A_53, %select_n3A_140 : vector<16xi1>, vector<16xf32>
      %jit3A_146 = arith.constant 7 : i32
      %broadcast_in_dim3A_147 = vector.broadcast %jit3A_146 : i32 to vector<16xi32>
      %select_n3A_148 = arith.select %gt3A_144, %broadcast_in_dim3A_147, %select_n3A_143 : vector<16xi1>, vector<16xi32>
      %gt3A_149 = arith.cmpf ogt, %get3A_58, %select_n3A_145 : vector<16xf32>
      %select_n3A_150 = arith.select %gt3A_149, %get3A_58, %select_n3A_145 : vector<16xi1>, vector<16xf32>
      %jit3A_151 = arith.constant 8 : i32
      %broadcast_in_dim3A_152 = vector.broadcast %jit3A_151 : i32 to vector<16xi32>
      %select_n3A_153 = arith.select %gt3A_149, %broadcast_in_dim3A_152, %select_n3A_148 : vector<16xi1>, vector<16xi32>
      %gt3A_154 = arith.cmpf ogt, %get3A_63, %select_n3A_150 : vector<16xf32>
      %select_n3A_155 = arith.select %gt3A_154, %get3A_63, %select_n3A_150 : vector<16xi1>, vector<16xf32>
      %jit3A_156 = arith.constant 9 : i32
      %broadcast_in_dim3A_157 = vector.broadcast %jit3A_156 : i32 to vector<16xi32>
      %select_n3A_158 = arith.select %gt3A_154, %broadcast_in_dim3A_157, %select_n3A_153 : vector<16xi1>, vector<16xi32>
      %gt3A_159 = arith.cmpf ogt, %get3A_68, %select_n3A_155 : vector<16xf32>
      %select_n3A_160 = arith.select %gt3A_159, %get3A_68, %select_n3A_155 : vector<16xi1>, vector<16xf32>
      %jit3A_161 = arith.constant 10 : i32
      %broadcast_in_dim3A_162 = vector.broadcast %jit3A_161 : i32 to vector<16xi32>
      %select_n3A_163 = arith.select %gt3A_159, %broadcast_in_dim3A_162, %select_n3A_158 : vector<16xi1>, vector<16xi32>
      %gt3A_164 = arith.cmpf ogt, %get3A_73, %select_n3A_160 : vector<16xf32>
      %select_n3A_165 = arith.select %gt3A_164, %get3A_73, %select_n3A_160 : vector<16xi1>, vector<16xf32>
      %jit3A_166 = arith.constant 11 : i32
      %broadcast_in_dim3A_167 = vector.broadcast %jit3A_166 : i32 to vector<16xi32>
      %select_n3A_168 = arith.select %gt3A_164, %broadcast_in_dim3A_167, %select_n3A_163 : vector<16xi1>, vector<16xi32>
      %gt3A_169 = arith.cmpf ogt, %get3A_78, %select_n3A_165 : vector<16xf32>
      %select_n3A_170 = arith.select %gt3A_169, %get3A_78, %select_n3A_165 : vector<16xi1>, vector<16xf32>
      %jit3A_171 = arith.constant 12 : i32
      %broadcast_in_dim3A_172 = vector.broadcast %jit3A_171 : i32 to vector<16xi32>
      %select_n3A_173 = arith.select %gt3A_169, %broadcast_in_dim3A_172, %select_n3A_168 : vector<16xi1>, vector<16xi32>
      %gt3A_174 = arith.cmpf ogt, %get3A_83, %select_n3A_170 : vector<16xf32>
      %select_n3A_175 = arith.select %gt3A_174, %get3A_83, %select_n3A_170 : vector<16xi1>, vector<16xf32>
      %jit3A_176 = arith.constant 13 : i32
      %broadcast_in_dim3A_177 = vector.broadcast %jit3A_176 : i32 to vector<16xi32>
      %select_n3A_178 = arith.select %gt3A_174, %broadcast_in_dim3A_177, %select_n3A_173 : vector<16xi1>, vector<16xi32>
      %gt3A_179 = arith.cmpf ogt, %get3A_88, %select_n3A_175 : vector<16xf32>
      %select_n3A_180 = arith.select %gt3A_179, %get3A_88, %select_n3A_175 : vector<16xi1>, vector<16xf32>
      %jit3A_181 = arith.constant 14 : i32
      %broadcast_in_dim3A_182 = vector.broadcast %jit3A_181 : i32 to vector<16xi32>
      %select_n3A_183 = arith.select %gt3A_179, %broadcast_in_dim3A_182, %select_n3A_178 : vector<16xi1>, vector<16xi32>
      %gt3A_184 = arith.cmpf ogt, %get3A_93, %select_n3A_180 : vector<16xf32>
      %select_n3A_185 = arith.select %gt3A_184, %get3A_93, %select_n3A_180 : vector<16xi1>, vector<16xf32>
      %jit3A_186 = arith.constant 15 : i32
      %broadcast_in_dim3A_187 = vector.broadcast %jit3A_186 : i32 to vector<16xi32>
      %select_n3A_188 = arith.select %gt3A_184, %broadcast_in_dim3A_187, %select_n3A_183 : vector<16xi1>, vector<16xi32>
      %gt3A_189 = arith.cmpf ogt, %get3A_98, %select_n3A_185 : vector<16xf32>
      %select_n3A_190 = arith.select %gt3A_189, %get3A_98, %select_n3A_185 : vector<16xi1>, vector<16xf32>
      %jit3A_191 = arith.constant 16 : i32
      %broadcast_in_dim3A_192 = vector.broadcast %jit3A_191 : i32 to vector<16xi32>
      %select_n3A_193 = arith.select %gt3A_189, %broadcast_in_dim3A_192, %select_n3A_188 : vector<16xi1>, vector<16xi32>
      %gt3A_194 = arith.cmpf ogt, %get3A_103, %select_n3A_190 : vector<16xf32>
      %select_n3A_195 = arith.select %gt3A_194, %get3A_103, %select_n3A_190 : vector<16xi1>, vector<16xf32>
      %jit3A_196 = arith.constant 17 : i32
      %broadcast_in_dim3A_197 = vector.broadcast %jit3A_196 : i32 to vector<16xi32>
      %select_n3A_198 = arith.select %gt3A_194, %broadcast_in_dim3A_197, %select_n3A_193 : vector<16xi1>, vector<16xi32>
      %gt3A_199 = arith.cmpf ogt, %get3A_108, %select_n3A_195 : vector<16xf32>
      %select_n3A_200 = arith.select %gt3A_199, %get3A_108, %select_n3A_195 : vector<16xi1>, vector<16xf32>
      %jit3A_201 = arith.constant 18 : i32
      %broadcast_in_dim3A_202 = vector.broadcast %jit3A_201 : i32 to vector<16xi32>
      %select_n3A_203 = arith.select %gt3A_199, %broadcast_in_dim3A_202, %select_n3A_198 : vector<16xi1>, vector<16xi32>
      %gt3A_204 = arith.cmpf ogt, %get3A_113, %select_n3A_200 : vector<16xf32>
      %select_n3A_205 = arith.select %gt3A_204, %get3A_113, %select_n3A_200 : vector<16xi1>, vector<16xf32>
      %jit3A_206 = arith.constant 19 : i32
      %broadcast_in_dim3A_207 = vector.broadcast %jit3A_206 : i32 to vector<16xi32>
      %select_n3A_208 = arith.select %gt3A_204, %broadcast_in_dim3A_207, %select_n3A_203 : vector<16xi1>, vector<16xi32>
      %xor3A = arith.constant 1 : i32
      %xor3A_209 = vector.broadcast %xor3A : i32 to vector<16xi32>
      %xor3A_210 = arith.xori %iota3A, %xor3A_209 : vector<16xi32>
      %lt3A = arith.constant 0 : i32
      %lt3A_211 = vector.broadcast %lt3A : i32 to vector<16xi32>
      %lt3A_212 = arith.cmpi slt, %xor3A_210, %lt3A_211 : vector<16xi32>
      %add3A_213 = arith.constant 16 : i32
      %add3A_214 = vector.broadcast %add3A_213 : i32 to vector<16xi32>
      %add3A_215 = arith.addi %xor3A_210, %add3A_214 : vector<16xi32>
      %select_n3A_216 = arith.select %lt3A_212, %add3A_215, %xor3A_210 : vector<16xi1>, vector<16xi32>
      %broadcast_in_dim3A_217 = vector.shape_cast %select_n3A_216 : vector<16xi32> to vector<16x1xi32>
      %gather3A = vector.shape_cast %broadcast_in_dim3A_217 : vector<16x1xi32> to vector<16xi32>
      %gather3A_218 = tpu.dynamic_gather %select_n3A_205[%gather3A] in [0] : vector<16xf32>, vector<16xi32> -> vector<16xf32>
      %max3A = arith.maximumf %select_n3A_205, %gather3A_218 : vector<16xf32>
      %xor3A_219 = arith.constant 2 : i32
      %xor3A_220 = vector.broadcast %xor3A_219 : i32 to vector<16xi32>
      %xor3A_221 = arith.xori %iota3A, %xor3A_220 : vector<16xi32>
      %lt3A_222 = arith.constant 0 : i32
      %lt3A_223 = vector.broadcast %lt3A_222 : i32 to vector<16xi32>
      %lt3A_224 = arith.cmpi slt, %xor3A_221, %lt3A_223 : vector<16xi32>
      %add3A_225 = arith.constant 16 : i32
      %add3A_226 = vector.broadcast %add3A_225 : i32 to vector<16xi32>
      %add3A_227 = arith.addi %xor3A_221, %add3A_226 : vector<16xi32>
      %select_n3A_228 = arith.select %lt3A_224, %add3A_227, %xor3A_221 : vector<16xi1>, vector<16xi32>
      %broadcast_in_dim3A_229 = vector.shape_cast %select_n3A_228 : vector<16xi32> to vector<16x1xi32>
      %gather3A_230 = vector.shape_cast %broadcast_in_dim3A_229 : vector<16x1xi32> to vector<16xi32>
      %gather3A_231 = tpu.dynamic_gather %max3A[%gather3A_230] in [0] : vector<16xf32>, vector<16xi32> -> vector<16xf32>
      %max3A_232 = arith.maximumf %max3A, %gather3A_231 : vector<16xf32>
      %xor3A_233 = arith.constant 4 : i32
      %xor3A_234 = vector.broadcast %xor3A_233 : i32 to vector<16xi32>
      %xor3A_235 = arith.xori %iota3A, %xor3A_234 : vector<16xi32>
      %lt3A_236 = arith.constant 0 : i32
      %lt3A_237 = vector.broadcast %lt3A_236 : i32 to vector<16xi32>
      %lt3A_238 = arith.cmpi slt, %xor3A_235, %lt3A_237 : vector<16xi32>
      %add3A_239 = arith.constant 16 : i32
      %add3A_240 = vector.broadcast %add3A_239 : i32 to vector<16xi32>
      %add3A_241 = arith.addi %xor3A_235, %add3A_240 : vector<16xi32>
      %select_n3A_242 = arith.select %lt3A_238, %add3A_241, %xor3A_235 : vector<16xi1>, vector<16xi32>
      %broadcast_in_dim3A_243 = vector.shape_cast %select_n3A_242 : vector<16xi32> to vector<16x1xi32>
      %gather3A_244 = vector.shape_cast %broadcast_in_dim3A_243 : vector<16x1xi32> to vector<16xi32>
      %gather3A_245 = tpu.dynamic_gather %max3A_232[%gather3A_244] in [0] : vector<16xf32>, vector<16xi32> -> vector<16xf32>
      %max3A_246 = arith.maximumf %max3A_232, %gather3A_245 : vector<16xf32>
      %xor3A_247 = arith.constant 8 : i32
      %xor3A_248 = vector.broadcast %xor3A_247 : i32 to vector<16xi32>
      %xor3A_249 = arith.xori %iota3A, %xor3A_248 : vector<16xi32>
      %lt3A_250 = arith.constant 0 : i32
      %lt3A_251 = vector.broadcast %lt3A_250 : i32 to vector<16xi32>
      %lt3A_252 = arith.cmpi slt, %xor3A_249, %lt3A_251 : vector<16xi32>
      %add3A_253 = arith.constant 16 : i32
      %add3A_254 = vector.broadcast %add3A_253 : i32 to vector<16xi32>
      %add3A_255 = arith.addi %xor3A_249, %add3A_254 : vector<16xi32>
      %select_n3A_256 = arith.select %lt3A_252, %add3A_255, %xor3A_249 : vector<16xi1>, vector<16xi32>
      %broadcast_in_dim3A_257 = vector.shape_cast %select_n3A_256 : vector<16xi32> to vector<16x1xi32>
      %gather3A_258 = vector.shape_cast %broadcast_in_dim3A_257 : vector<16x1xi32> to vector<16xi32>
      %gather3A_259 = tpu.dynamic_gather %max3A_246[%gather3A_258] in [0] : vector<16xf32>, vector<16xi32> -> vector<16xf32>
      %max3A_260 = arith.maximumf %max3A_246, %gather3A_259 : vector<16xf32>
      %mul3A_261 = arith.constant 16 : i32
      %mul3A_262 = vector.broadcast %mul3A_261 : i32 to vector<16xi32>
      %mul3A_263 = arith.muli %select_n3A_208, %mul3A_262 : vector<16xi32>
      %add3A_264 = arith.addi %mul3A_263, %iota3A : vector<16xi32>
      %eq3A = arith.cmpf oeq, %select_n3A_205, %max3A_260 : vector<16xf32>
      %jit3A_265 = arith.constant 384 : i32
      %broadcast_in_dim3A_266 = vector.broadcast %jit3A_265 : i32 to vector<16xi32>
      %select_n3A_267 = arith.select %eq3A, %add3A_264, %broadcast_in_dim3A_266 : vector<16xi1>, vector<16xi32>
      %xor3A_268 = arith.constant 1 : i32
      %xor3A_269 = vector.broadcast %xor3A_268 : i32 to vector<16xi32>
      %xor3A_270 = arith.xori %iota3A, %xor3A_269 : vector<16xi32>
      %lt3A_271 = arith.constant 0 : i32
      %lt3A_272 = vector.broadcast %lt3A_271 : i32 to vector<16xi32>
      %lt3A_273 = arith.cmpi slt, %xor3A_270, %lt3A_272 : vector<16xi32>
      %add3A_274 = arith.constant 16 : i32
      %add3A_275 = vector.broadcast %add3A_274 : i32 to vector<16xi32>
      %add3A_276 = arith.addi %xor3A_270, %add3A_275 : vector<16xi32>
      %select_n3A_277 = arith.select %lt3A_273, %add3A_276, %xor3A_270 : vector<16xi1>, vector<16xi32>
      %broadcast_in_dim3A_278 = vector.shape_cast %select_n3A_277 : vector<16xi32> to vector<16x1xi32>
      %gather3A_279 = vector.shape_cast %broadcast_in_dim3A_278 : vector<16x1xi32> to vector<16xi32>
      %gather3A_280 = tpu.dynamic_gather %select_n3A_267[%gather3A_279] in [0] : vector<16xi32>, vector<16xi32> -> vector<16xi32>
      %min3A = arith.minsi %select_n3A_267, %gather3A_280 : vector<16xi32>
      %xor3A_281 = arith.constant 2 : i32
      %xor3A_282 = vector.broadcast %xor3A_281 : i32 to vector<16xi32>
      %xor3A_283 = arith.xori %iota3A, %xor3A_282 : vector<16xi32>
      %lt3A_284 = arith.constant 0 : i32
      %lt3A_285 = vector.broadcast %lt3A_284 : i32 to vector<16xi32>
      %lt3A_286 = arith.cmpi slt, %xor3A_283, %lt3A_285 : vector<16xi32>
      %add3A_287 = arith.constant 16 : i32
      %add3A_288 = vector.broadcast %add3A_287 : i32 to vector<16xi32>
      %add3A_289 = arith.addi %xor3A_283, %add3A_288 : vector<16xi32>
      %select_n3A_290 = arith.select %lt3A_286, %add3A_289, %xor3A_283 : vector<16xi1>, vector<16xi32>
      %broadcast_in_dim3A_291 = vector.shape_cast %select_n3A_290 : vector<16xi32> to vector<16x1xi32>
      %gather3A_292 = vector.shape_cast %broadcast_in_dim3A_291 : vector<16x1xi32> to vector<16xi32>
      %gather3A_293 = tpu.dynamic_gather %min3A[%gather3A_292] in [0] : vector<16xi32>, vector<16xi32> -> vector<16xi32>
      %min3A_294 = arith.minsi %min3A, %gather3A_293 : vector<16xi32>
      %xor3A_295 = arith.constant 4 : i32
      %xor3A_296 = vector.broadcast %xor3A_295 : i32 to vector<16xi32>
      %xor3A_297 = arith.xori %iota3A, %xor3A_296 : vector<16xi32>
      %lt3A_298 = arith.constant 0 : i32
      %lt3A_299 = vector.broadcast %lt3A_298 : i32 to vector<16xi32>
      %lt3A_300 = arith.cmpi slt, %xor3A_297, %lt3A_299 : vector<16xi32>
      %add3A_301 = arith.constant 16 : i32
      %add3A_302 = vector.broadcast %add3A_301 : i32 to vector<16xi32>
      %add3A_303 = arith.addi %xor3A_297, %add3A_302 : vector<16xi32>
      %select_n3A_304 = arith.select %lt3A_300, %add3A_303, %xor3A_297 : vector<16xi1>, vector<16xi32>
      %broadcast_in_dim3A_305 = vector.shape_cast %select_n3A_304 : vector<16xi32> to vector<16x1xi32>
      %gather3A_306 = vector.shape_cast %broadcast_in_dim3A_305 : vector<16x1xi32> to vector<16xi32>
      %gather3A_307 = tpu.dynamic_gather %min3A_294[%gather3A_306] in [0] : vector<16xi32>, vector<16xi32> -> vector<16xi32>
      %min3A_308 = arith.minsi %min3A_294, %gather3A_307 : vector<16xi32>
      %xor3A_309 = arith.constant 8 : i32
      %xor3A_310 = vector.broadcast %xor3A_309 : i32 to vector<16xi32>
      %xor3A_311 = arith.xori %iota3A, %xor3A_310 : vector<16xi32>
      %lt3A_312 = arith.constant 0 : i32
      %lt3A_313 = vector.broadcast %lt3A_312 : i32 to vector<16xi32>
      %lt3A_314 = arith.cmpi slt, %xor3A_311, %lt3A_313 : vector<16xi32>
      %add3A_315 = arith.constant 16 : i32
      %add3A_316 = vector.broadcast %add3A_315 : i32 to vector<16xi32>
      %add3A_317 = arith.addi %xor3A_311, %add3A_316 : vector<16xi32>
      %select_n3A_318 = arith.select %lt3A_314, %add3A_317, %xor3A_311 : vector<16xi1>, vector<16xi32>
      %broadcast_in_dim3A_319 = vector.shape_cast %select_n3A_318 : vector<16xi32> to vector<16x1xi32>
      %gather3A_320 = vector.shape_cast %broadcast_in_dim3A_319 : vector<16x1xi32> to vector<16xi32>
      %gather3A_321 = tpu.dynamic_gather %min3A_308[%gather3A_320] in [0] : vector<16xi32>, vector<16xi32> -> vector<16xi32>
      %min3A_322 = arith.minsi %min3A_308, %gather3A_321 : vector<16xi32>
      %eq3A_323 = arith.constant 0 : i32
      %eq3A_324 = vector.broadcast %eq3A_323 : i32 to vector<16xi32>
      %eq3A_325 = arith.cmpi eq, %iota3A, %eq3A_324 : vector<16xi32>
      %select_n3A_326 = arith.select %eq3A_325, %max3A_260, %broadcast_in_dim3A_114 : vector<16xi1>, vector<16xf32>
      %add3A_327 = arith.constant 0 : i32
      %add3A_328 = vector.broadcast %add3A_327 : i32 to vector<16xi32>
      %add3A_329 = arith.addi %iota3A, %add3A_328 : vector<16xi32>
      %eq3A_330 = arith.cmpi eq, %add3A_329, %min3A_322 : vector<16xi32>
      %jit3A_331 = arith.constant 0xFF800000 : f32
      %broadcast_in_dim3A_332 = vector.broadcast %jit3A_331 : f32 to vector<16xf32>
      %select_n3A_333 = arith.select %eq3A_330, %broadcast_in_dim3A_332, %get3A_18 : vector<16xi1>, vector<16xf32>
      %add3A_334 = arith.constant 16 : i32
      %add3A_335 = vector.broadcast %add3A_334 : i32 to vector<16xi32>
      %add3A_336 = arith.addi %iota3A, %add3A_335 : vector<16xi32>
      %eq3A_337 = arith.cmpi eq, %add3A_336, %min3A_322 : vector<16xi32>
      %jit3A_338 = arith.constant 0xFF800000 : f32
      %broadcast_in_dim3A_339 = vector.broadcast %jit3A_338 : f32 to vector<16xf32>
      %select_n3A_340 = arith.select %eq3A_337, %broadcast_in_dim3A_339, %get3A_23 : vector<16xi1>, vector<16xf32>
      %add3A_341 = arith.constant 32 : i32
      %add3A_342 = vector.broadcast %add3A_341 : i32 to vector<16xi32>
      %add3A_343 = arith.addi %iota3A, %add3A_342 : vector<16xi32>
      %eq3A_344 = arith.cmpi eq, %add3A_343, %min3A_322 : vector<16xi32>
      %jit3A_345 = arith.constant 0xFF800000 : f32
      %broadcast_in_dim3A_346 = vector.broadcast %jit3A_345 : f32 to vector<16xf32>
      %select_n3A_347 = arith.select %eq3A_344, %broadcast_in_dim3A_346, %get3A_28 : vector<16xi1>, vector<16xf32>
      %add3A_348 = arith.constant 48 : i32
      %add3A_349 = vector.broadcast %add3A_348 : i32 to vector<16xi32>
      %add3A_350 = arith.addi %iota3A, %add3A_349 : vector<16xi32>
      %eq3A_351 = arith.cmpi eq, %add3A_350, %min3A_322 : vector<16xi32>
      %jit3A_352 = arith.constant 0xFF800000 : f32
      %broadcast_in_dim3A_353 = vector.broadcast %jit3A_352 : f32 to vector<16xf32>
      %select_n3A_354 = arith.select %eq3A_351, %broadcast_in_dim3A_353, %get3A_33 : vector<16xi1>, vector<16xf32>
      %add3A_355 = arith.constant 64 : i32
      %add3A_356 = vector.broadcast %add3A_355 : i32 to vector<16xi32>
      %add3A_357 = arith.addi %iota3A, %add3A_356 : vector<16xi32>
      %eq3A_358 = arith.cmpi eq, %add3A_357, %min3A_322 : vector<16xi32>
      %jit3A_359 = arith.constant 0xFF800000 : f32
      %broadcast_in_dim3A_360 = vector.broadcast %jit3A_359 : f32 to vector<16xf32>
      %select_n3A_361 = arith.select %eq3A_358, %broadcast_in_dim3A_360, %get3A_38 : vector<16xi1>, vector<16xf32>
      %add3A_362 = arith.constant 80 : i32
      %add3A_363 = vector.broadcast %add3A_362 : i32 to vector<16xi32>
      %add3A_364 = arith.addi %iota3A, %add3A_363 : vector<16xi32>
      %eq3A_365 = arith.cmpi eq, %add3A_364, %min3A_322 : vector<16xi32>
      %jit3A_366 = arith.constant 0xFF800000 : f32
      %broadcast_in_dim3A_367 = vector.broadcast %jit3A_366 : f32 to vector<16xf32>
      %select_n3A_368 = arith.select %eq3A_365, %broadcast_in_dim3A_367, %get3A_43 : vector<16xi1>, vector<16xf32>
      %add3A_369 = arith.constant 96 : i32
      %add3A_370 = vector.broadcast %add3A_369 : i32 to vector<16xi32>
      %add3A_371 = arith.addi %iota3A, %add3A_370 : vector<16xi32>
      %eq3A_372 = arith.cmpi eq, %add3A_371, %min3A_322 : vector<16xi32>
      %jit3A_373 = arith.constant 0xFF800000 : f32
      %broadcast_in_dim3A_374 = vector.broadcast %jit3A_373 : f32 to vector<16xf32>
      %select_n3A_375 = arith.select %eq3A_372, %broadcast_in_dim3A_374, %get3A_48 : vector<16xi1>, vector<16xf32>
      %add3A_376 = arith.constant 112 : i32
      %add3A_377 = vector.broadcast %add3A_376 : i32 to vector<16xi32>
      %add3A_378 = arith.addi %iota3A, %add3A_377 : vector<16xi32>
      %eq3A_379 = arith.cmpi eq, %add3A_378, %min3A_322 : vector<16xi32>
      %jit3A_380 = arith.constant 0xFF800000 : f32
      %broadcast_in_dim3A_381 = vector.broadcast %jit3A_380 : f32 to vector<16xf32>
      %select_n3A_382 = arith.select %eq3A_379, %broadcast_in_dim3A_381, %get3A_53 : vector<16xi1>, vector<16xf32>
      %add3A_383 = arith.constant 128 : i32
      %add3A_384 = vector.broadcast %add3A_383 : i32 to vector<16xi32>
      %add3A_385 = arith.addi %iota3A, %add3A_384 : vector<16xi32>
      %eq3A_386 = arith.cmpi eq, %add3A_385, %min3A_322 : vector<16xi32>
      %jit3A_387 = arith.constant 0xFF800000 : f32
      %broadcast_in_dim3A_388 = vector.broadcast %jit3A_387 : f32 to vector<16xf32>
      %select_n3A_389 = arith.select %eq3A_386, %broadcast_in_dim3A_388, %get3A_58 : vector<16xi1>, vector<16xf32>
      %add3A_390 = arith.constant 144 : i32
      %add3A_391 = vector.broadcast %add3A_390 : i32 to vector<16xi32>
      %add3A_392 = arith.addi %iota3A, %add3A_391 : vector<16xi32>
      %eq3A_393 = arith.cmpi eq, %add3A_392, %min3A_322 : vector<16xi32>
      %jit3A_394 = arith.constant 0xFF800000 : f32
      %broadcast_in_dim3A_395 = vector.broadcast %jit3A_394 : f32 to vector<16xf32>
      %select_n3A_396 = arith.select %eq3A_393, %broadcast_in_dim3A_395, %get3A_63 : vector<16xi1>, vector<16xf32>
      %add3A_397 = arith.constant 160 : i32
      %add3A_398 = vector.broadcast %add3A_397 : i32 to vector<16xi32>
      %add3A_399 = arith.addi %iota3A, %add3A_398 : vector<16xi32>
      %eq3A_400 = arith.cmpi eq, %add3A_399, %min3A_322 : vector<16xi32>
      %jit3A_401 = arith.constant 0xFF800000 : f32
      %broadcast_in_dim3A_402 = vector.broadcast %jit3A_401 : f32 to vector<16xf32>
      %select_n3A_403 = arith.select %eq3A_400, %broadcast_in_dim3A_402, %get3A_68 : vector<16xi1>, vector<16xf32>
      %add3A_404 = arith.constant 176 : i32
      %add3A_405 = vector.broadcast %add3A_404 : i32 to vector<16xi32>
      %add3A_406 = arith.addi %iota3A, %add3A_405 : vector<16xi32>
      %eq3A_407 = arith.cmpi eq, %add3A_406, %min3A_322 : vector<16xi32>
      %jit3A_408 = arith.constant 0xFF800000 : f32
      %broadcast_in_dim3A_409 = vector.broadcast %jit3A_408 : f32 to vector<16xf32>
      %select_n3A_410 = arith.select %eq3A_407, %broadcast_in_dim3A_409, %get3A_73 : vector<16xi1>, vector<16xf32>
      %add3A_411 = arith.constant 192 : i32
      %add3A_412 = vector.broadcast %add3A_411 : i32 to vector<16xi32>
      %add3A_413 = arith.addi %iota3A, %add3A_412 : vector<16xi32>
      %eq3A_414 = arith.cmpi eq, %add3A_413, %min3A_322 : vector<16xi32>
      %jit3A_415 = arith.constant 0xFF800000 : f32
      %broadcast_in_dim3A_416 = vector.broadcast %jit3A_415 : f32 to vector<16xf32>
      %select_n3A_417 = arith.select %eq3A_414, %broadcast_in_dim3A_416, %get3A_78 : vector<16xi1>, vector<16xf32>
      %add3A_418 = arith.constant 208 : i32
      %add3A_419 = vector.broadcast %add3A_418 : i32 to vector<16xi32>
      %add3A_420 = arith.addi %iota3A, %add3A_419 : vector<16xi32>
      %eq3A_421 = arith.cmpi eq, %add3A_420, %min3A_322 : vector<16xi32>
      %jit3A_422 = arith.constant 0xFF800000 : f32
      %broadcast_in_dim3A_423 = vector.broadcast %jit3A_422 : f32 to vector<16xf32>
      %select_n3A_424 = arith.select %eq3A_421, %broadcast_in_dim3A_423, %get3A_83 : vector<16xi1>, vector<16xf32>
      %add3A_425 = arith.constant 224 : i32
      %add3A_426 = vector.broadcast %add3A_425 : i32 to vector<16xi32>
      %add3A_427 = arith.addi %iota3A, %add3A_426 : vector<16xi32>
      %eq3A_428 = arith.cmpi eq, %add3A_427, %min3A_322 : vector<16xi32>
      %jit3A_429 = arith.constant 0xFF800000 : f32
      %broadcast_in_dim3A_430 = vector.broadcast %jit3A_429 : f32 to vector<16xf32>
      %select_n3A_431 = arith.select %eq3A_428, %broadcast_in_dim3A_430, %get3A_88 : vector<16xi1>, vector<16xf32>
      %add3A_432 = arith.constant 240 : i32
      %add3A_433 = vector.broadcast %add3A_432 : i32 to vector<16xi32>
      %add3A_434 = arith.addi %iota3A, %add3A_433 : vector<16xi32>
      %eq3A_435 = arith.cmpi eq, %add3A_434, %min3A_322 : vector<16xi32>
      %jit3A_436 = arith.constant 0xFF800000 : f32
      %broadcast_in_dim3A_437 = vector.broadcast %jit3A_436 : f32 to vector<16xf32>
      %select_n3A_438 = arith.select %eq3A_435, %broadcast_in_dim3A_437, %get3A_93 : vector<16xi1>, vector<16xf32>
      %add3A_439 = arith.constant 256 : i32
      %add3A_440 = vector.broadcast %add3A_439 : i32 to vector<16xi32>
      %add3A_441 = arith.addi %iota3A, %add3A_440 : vector<16xi32>
      %eq3A_442 = arith.cmpi eq, %add3A_441, %min3A_322 : vector<16xi32>
      %jit3A_443 = arith.constant 0xFF800000 : f32
      %broadcast_in_dim3A_444 = vector.broadcast %jit3A_443 : f32 to vector<16xf32>
      %select_n3A_445 = arith.select %eq3A_442, %broadcast_in_dim3A_444, %get3A_98 : vector<16xi1>, vector<16xf32>
      %add3A_446 = arith.constant 272 : i32
      %add3A_447 = vector.broadcast %add3A_446 : i32 to vector<16xi32>
      %add3A_448 = arith.addi %iota3A, %add3A_447 : vector<16xi32>
      %eq3A_449 = arith.cmpi eq, %add3A_448, %min3A_322 : vector<16xi32>
      %jit3A_450 = arith.constant 0xFF800000 : f32
      %broadcast_in_dim3A_451 = vector.broadcast %jit3A_450 : f32 to vector<16xf32>
      %select_n3A_452 = arith.select %eq3A_449, %broadcast_in_dim3A_451, %get3A_103 : vector<16xi1>, vector<16xf32>
      %add3A_453 = arith.constant 288 : i32
      %add3A_454 = vector.broadcast %add3A_453 : i32 to vector<16xi32>
      %add3A_455 = arith.addi %iota3A, %add3A_454 : vector<16xi32>
      %eq3A_456 = arith.cmpi eq, %add3A_455, %min3A_322 : vector<16xi32>
      %jit3A_457 = arith.constant 0xFF800000 : f32
      %broadcast_in_dim3A_458 = vector.broadcast %jit3A_457 : f32 to vector<16xf32>
      %select_n3A_459 = arith.select %eq3A_456, %broadcast_in_dim3A_458, %get3A_108 : vector<16xi1>, vector<16xf32>
      %add3A_460 = arith.constant 304 : i32
      %add3A_461 = vector.broadcast %add3A_460 : i32 to vector<16xi32>
      %add3A_462 = arith.addi %iota3A, %add3A_461 : vector<16xi32>
      %eq3A_463 = arith.cmpi eq, %add3A_462, %min3A_322 : vector<16xi32>
      %jit3A_464 = arith.constant 0xFF800000 : f32
      %broadcast_in_dim3A_465 = vector.broadcast %jit3A_464 : f32 to vector<16xf32>
      %select_n3A_466 = arith.select %eq3A_463, %broadcast_in_dim3A_465, %get3A_113 : vector<16xi1>, vector<16xf32>
      %broadcast_in_dim3A_467 = arith.constant 0 : i32
      %broadcast_in_dim3A_468 = vector.broadcast %broadcast_in_dim3A_467 : i32 to vector<16xi32>
      %gt3A_469 = arith.cmpf ogt, %select_n3A_340, %select_n3A_333 : vector<16xf32>
      %select_n3A_470 = arith.select %gt3A_469, %select_n3A_340, %select_n3A_333 : vector<16xi1>, vector<16xf32>
      %jit3A_471 = arith.constant 1 : i32
      %broadcast_in_dim3A_472 = vector.broadcast %jit3A_471 : i32 to vector<16xi32>
      %select_n3A_473 = arith.select %gt3A_469, %broadcast_in_dim3A_472, %broadcast_in_dim3A_468 : vector<16xi1>, vector<16xi32>
      %gt3A_474 = arith.cmpf ogt, %select_n3A_347, %select_n3A_470 : vector<16xf32>
      %select_n3A_475 = arith.select %gt3A_474, %select_n3A_347, %select_n3A_470 : vector<16xi1>, vector<16xf32>
      %jit3A_476 = arith.constant 2 : i32
      %broadcast_in_dim3A_477 = vector.broadcast %jit3A_476 : i32 to vector<16xi32>
      %select_n3A_478 = arith.select %gt3A_474, %broadcast_in_dim3A_477, %select_n3A_473 : vector<16xi1>, vector<16xi32>
      %gt3A_479 = arith.cmpf ogt, %select_n3A_354, %select_n3A_475 : vector<16xf32>
      %select_n3A_480 = arith.select %gt3A_479, %select_n3A_354, %select_n3A_475 : vector<16xi1>, vector<16xf32>
      %jit3A_481 = arith.constant 3 : i32
      %broadcast_in_dim3A_482 = vector.broadcast %jit3A_481 : i32 to vector<16xi32>
      %select_n3A_483 = arith.select %gt3A_479, %broadcast_in_dim3A_482, %select_n3A_478 : vector<16xi1>, vector<16xi32>
      %gt3A_484 = arith.cmpf ogt, %select_n3A_361, %select_n3A_480 : vector<16xf32>
      %select_n3A_485 = arith.select %gt3A_484, %select_n3A_361, %select_n3A_480 : vector<16xi1>, vector<16xf32>
      %jit3A_486 = arith.constant 4 : i32
      %broadcast_in_dim3A_487 = vector.broadcast %jit3A_486 : i32 to vector<16xi32>
      %select_n3A_488 = arith.select %gt3A_484, %broadcast_in_dim3A_487, %select_n3A_483 : vector<16xi1>, vector<16xi32>
      %gt3A_489 = arith.cmpf ogt, %select_n3A_368, %select_n3A_485 : vector<16xf32>
      %select_n3A_490 = arith.select %gt3A_489, %select_n3A_368, %select_n3A_485 : vector<16xi1>, vector<16xf32>
      %jit3A_491 = arith.constant 5 : i32
      %broadcast_in_dim3A_492 = vector.broadcast %jit3A_491 : i32 to vector<16xi32>
      %select_n3A_493 = arith.select %gt3A_489, %broadcast_in_dim3A_492, %select_n3A_488 : vector<16xi1>, vector<16xi32>
      %gt3A_494 = arith.cmpf ogt, %select_n3A_375, %select_n3A_490 : vector<16xf32>
      %select_n3A_495 = arith.select %gt3A_494, %select_n3A_375, %select_n3A_490 : vector<16xi1>, vector<16xf32>
      %jit3A_496 = arith.constant 6 : i32
      %broadcast_in_dim3A_497 = vector.broadcast %jit3A_496 : i32 to vector<16xi32>
      %select_n3A_498 = arith.select %gt3A_494, %broadcast_in_dim3A_497, %select_n3A_493 : vector<16xi1>, vector<16xi32>
      %gt3A_499 = arith.cmpf ogt, %select_n3A_382, %select_n3A_495 : vector<16xf32>
      %select_n3A_500 = arith.select %gt3A_499, %select_n3A_382, %select_n3A_495 : vector<16xi1>, vector<16xf32>
      %jit3A_501 = arith.constant 7 : i32
      %broadcast_in_dim3A_502 = vector.broadcast %jit3A_501 : i32 to vector<16xi32>
      %select_n3A_503 = arith.select %gt3A_499, %broadcast_in_dim3A_502, %select_n3A_498 : vector<16xi1>, vector<16xi32>
      %gt3A_504 = arith.cmpf ogt, %select_n3A_389, %select_n3A_500 : vector<16xf32>
      %select_n3A_505 = arith.select %gt3A_504, %select_n3A_389, %select_n3A_500 : vector<16xi1>, vector<16xf32>
      %jit3A_506 = arith.constant 8 : i32
      %broadcast_in_dim3A_507 = vector.broadcast %jit3A_506 : i32 to vector<16xi32>
      %select_n3A_508 = arith.select %gt3A_504, %broadcast_in_dim3A_507, %select_n3A_503 : vector<16xi1>, vector<16xi32>
      %gt3A_509 = arith.cmpf ogt, %select_n3A_396, %select_n3A_505 : vector<16xf32>
      %select_n3A_510 = arith.select %gt3A_509, %select_n3A_396, %select_n3A_505 : vector<16xi1>, vector<16xf32>
      %jit3A_511 = arith.constant 9 : i32
      %broadcast_in_dim3A_512 = vector.broadcast %jit3A_511 : i32 to vector<16xi32>
      %select_n3A_513 = arith.select %gt3A_509, %broadcast_in_dim3A_512, %select_n3A_508 : vector<16xi1>, vector<16xi32>
      %gt3A_514 = arith.cmpf ogt, %select_n3A_403, %select_n3A_510 : vector<16xf32>
      %select_n3A_515 = arith.select %gt3A_514, %select_n3A_403, %select_n3A_510 : vector<16xi1>, vector<16xf32>
      %jit3A_516 = arith.constant 10 : i32
      %broadcast_in_dim3A_517 = vector.broadcast %jit3A_516 : i32 to vector<16xi32>
      %select_n3A_518 = arith.select %gt3A_514, %broadcast_in_dim3A_517, %select_n3A_513 : vector<16xi1>, vector<16xi32>
      %gt3A_519 = arith.cmpf ogt, %select_n3A_410, %select_n3A_515 : vector<16xf32>
      %select_n3A_520 = arith.select %gt3A_519, %select_n3A_410, %select_n3A_515 : vector<16xi1>, vector<16xf32>
      %jit3A_521 = arith.constant 11 : i32
      %broadcast_in_dim3A_522 = vector.broadcast %jit3A_521 : i32 to vector<16xi32>
      %select_n3A_523 = arith.select %gt3A_519, %broadcast_in_dim3A_522, %select_n3A_518 : vector<16xi1>, vector<16xi32>
      %gt3A_524 = arith.cmpf ogt, %select_n3A_417, %select_n3A_520 : vector<16xf32>
      %select_n3A_525 = arith.select %gt3A_524, %select_n3A_417, %select_n3A_520 : vector<16xi1>, vector<16xf32>
      %jit3A_526 = arith.constant 12 : i32
      %broadcast_in_dim3A_527 = vector.broadcast %jit3A_526 : i32 to vector<16xi32>
      %select_n3A_528 = arith.select %gt3A_524, %broadcast_in_dim3A_527, %select_n3A_523 : vector<16xi1>, vector<16xi32>
      %gt3A_529 = arith.cmpf ogt, %select_n3A_424, %select_n3A_525 : vector<16xf32>
      %select_n3A_530 = arith.select %gt3A_529, %select_n3A_424, %select_n3A_525 : vector<16xi1>, vector<16xf32>
      %jit3A_531 = arith.constant 13 : i32
      %broadcast_in_dim3A_532 = vector.broadcast %jit3A_531 : i32 to vector<16xi32>
      %select_n3A_533 = arith.select %gt3A_529, %broadcast_in_dim3A_532, %select_n3A_528 : vector<16xi1>, vector<16xi32>
      %gt3A_534 = arith.cmpf ogt, %select_n3A_431, %select_n3A_530 : vector<16xf32>
      %select_n3A_535 = arith.select %gt3A_534, %select_n3A_431, %select_n3A_530 : vector<16xi1>, vector<16xf32>
      %jit3A_536 = arith.constant 14 : i32
      %broadcast_in_dim3A_537 = vector.broadcast %jit3A_536 : i32 to vector<16xi32>
      %select_n3A_538 = arith.select %gt3A_534, %broadcast_in_dim3A_537, %select_n3A_533 : vector<16xi1>, vector<16xi32>
      %gt3A_539 = arith.cmpf ogt, %select_n3A_438, %select_n3A_535 : vector<16xf32>
      %select_n3A_540 = arith.select %gt3A_539, %select_n3A_438, %select_n3A_535 : vector<16xi1>, vector<16xf32>
      %jit3A_541 = arith.constant 15 : i32
      %broadcast_in_dim3A_542 = vector.broadcast %jit3A_541 : i32 to vector<16xi32>
      %select_n3A_543 = arith.select %gt3A_539, %broadcast_in_dim3A_542, %select_n3A_538 : vector<16xi1>, vector<16xi32>
      %gt3A_544 = arith.cmpf ogt, %select_n3A_445, %select_n3A_540 : vector<16xf32>
      %select_n3A_545 = arith.select %gt3A_544, %select_n3A_445, %select_n3A_540 : vector<16xi1>, vector<16xf32>
      %jit3A_546 = arith.constant 16 : i32
      %broadcast_in_dim3A_547 = vector.broadcast %jit3A_546 : i32 to vector<16xi32>
      %select_n3A_548 = arith.select %gt3A_544, %broadcast_in_dim3A_547, %select_n3A_543 : vector<16xi1>, vector<16xi32>
      %gt3A_549 = arith.cmpf ogt, %select_n3A_452, %select_n3A_545 : vector<16xf32>
      %select_n3A_550 = arith.select %gt3A_549, %select_n3A_452, %select_n3A_545 : vector<16xi1>, vector<16xf32>
      %jit3A_551 = arith.constant 17 : i32
      %broadcast_in_dim3A_552 = vector.broadcast %jit3A_551 : i32 to vector<16xi32>
      %select_n3A_553 = arith.select %gt3A_549, %broadcast_in_dim3A_552, %select_n3A_548 : vector<16xi1>, vector<16xi32>
      %gt3A_554 = arith.cmpf ogt, %select_n3A_459, %select_n3A_550 : vector<16xf32>
      %select_n3A_555 = arith.select %gt3A_554, %select_n3A_459, %select_n3A_550 : vector<16xi1>, vector<16xf32>
      %jit3A_556 = arith.constant 18 : i32
      %broadcast_in_dim3A_557 = vector.broadcast %jit3A_556 : i32 to vector<16xi32>
      %select_n3A_558 = arith.select %gt3A_554, %broadcast_in_dim3A_557, %select_n3A_553 : vector<16xi1>, vector<16xi32>
      %gt3A_559 = arith.cmpf ogt, %select_n3A_466, %select_n3A_555 : vector<16xf32>
      %select_n3A_560 = arith.select %gt3A_559, %select_n3A_466, %select_n3A_555 : vector<16xi1>, vector<16xf32>
      %jit3A_561 = arith.constant 19 : i32
      %broadcast_in_dim3A_562 = vector.broadcast %jit3A_561 : i32 to vector<16xi32>
      %select_n3A_563 = arith.select %gt3A_559, %broadcast_in_dim3A_562, %select_n3A_558 : vector<16xi1>, vector<16xi32>
      %xor3A_564 = arith.constant 1 : i32
      %xor3A_565 = vector.broadcast %xor3A_564 : i32 to vector<16xi32>
      %xor3A_566 = arith.xori %iota3A, %xor3A_565 : vector<16xi32>
      %lt3A_567 = arith.constant 0 : i32
      %lt3A_568 = vector.broadcast %lt3A_567 : i32 to vector<16xi32>
      %lt3A_569 = arith.cmpi slt, %xor3A_566, %lt3A_568 : vector<16xi32>
      %add3A_570 = arith.constant 16 : i32
      %add3A_571 = vector.broadcast %add3A_570 : i32 to vector<16xi32>
      %add3A_572 = arith.addi %xor3A_566, %add3A_571 : vector<16xi32>
      %select_n3A_573 = arith.select %lt3A_569, %add3A_572, %xor3A_566 : vector<16xi1>, vector<16xi32>
      %broadcast_in_dim3A_574 = vector.shape_cast %select_n3A_573 : vector<16xi32> to vector<16x1xi32>
      %gather3A_575 = vector.shape_cast %broadcast_in_dim3A_574 : vector<16x1xi32> to vector<16xi32>
      %gather3A_576 = tpu.dynamic_gather %select_n3A_560[%gather3A_575] in [0] : vector<16xf32>, vector<16xi32> -> vector<16xf32>
      %max3A_577 = arith.maximumf %select_n3A_560, %gather3A_576 : vector<16xf32>
      %xor3A_578 = arith.constant 2 : i32
      %xor3A_579 = vector.broadcast %xor3A_578 : i32 to vector<16xi32>
      %xor3A_580 = arith.xori %iota3A, %xor3A_579 : vector<16xi32>
      %lt3A_581 = arith.constant 0 : i32
      %lt3A_582 = vector.broadcast %lt3A_581 : i32 to vector<16xi32>
      %lt3A_583 = arith.cmpi slt, %xor3A_580, %lt3A_582 : vector<16xi32>
      %add3A_584 = arith.constant 16 : i32
      %add3A_585 = vector.broadcast %add3A_584 : i32 to vector<16xi32>
      %add3A_586 = arith.addi %xor3A_580, %add3A_585 : vector<16xi32>
      %select_n3A_587 = arith.select %lt3A_583, %add3A_586, %xor3A_580 : vector<16xi1>, vector<16xi32>
      %broadcast_in_dim3A_588 = vector.shape_cast %select_n3A_587 : vector<16xi32> to vector<16x1xi32>
      %gather3A_589 = vector.shape_cast %broadcast_in_dim3A_588 : vector<16x1xi32> to vector<16xi32>
      %gather3A_590 = tpu.dynamic_gather %max3A_577[%gather3A_589] in [0] : vector<16xf32>, vector<16xi32> -> vector<16xf32>
      %max3A_591 = arith.maximumf %max3A_577, %gather3A_590 : vector<16xf32>
      %xor3A_592 = arith.constant 4 : i32
      %xor3A_593 = vector.broadcast %xor3A_592 : i32 to vector<16xi32>
      %xor3A_594 = arith.xori %iota3A, %xor3A_593 : vector<16xi32>
      %lt3A_595 = arith.constant 0 : i32
      %lt3A_596 = vector.broadcast %lt3A_595 : i32 to vector<16xi32>
      %lt3A_597 = arith.cmpi slt, %xor3A_594, %lt3A_596 : vector<16xi32>
      %add3A_598 = arith.constant 16 : i32
      %add3A_599 = vector.broadcast %add3A_598 : i32 to vector<16xi32>
      %add3A_600 = arith.addi %xor3A_594, %add3A_599 : vector<16xi32>
      %select_n3A_601 = arith.select %lt3A_597, %add3A_600, %xor3A_594 : vector<16xi1>, vector<16xi32>
      %broadcast_in_dim3A_602 = vector.shape_cast %select_n3A_601 : vector<16xi32> to vector<16x1xi32>
      %gather3A_603 = vector.shape_cast %broadcast_in_dim3A_602 : vector<16x1xi32> to vector<16xi32>
      %gather3A_604 = tpu.dynamic_gather %max3A_591[%gather3A_603] in [0] : vector<16xf32>, vector<16xi32> -> vector<16xf32>
      %max3A_605 = arith.maximumf %max3A_591, %gather3A_604 : vector<16xf32>
      %xor3A_606 = arith.constant 8 : i32
      %xor3A_607 = vector.broadcast %xor3A_606 : i32 to vector<16xi32>
      %xor3A_608 = arith.xori %iota3A, %xor3A_607 : vector<16xi32>
      %lt3A_609 = arith.constant 0 : i32
      %lt3A_610 = vector.broadcast %lt3A_609 : i32 to vector<16xi32>
      %lt3A_611 = arith.cmpi slt, %xor3A_608, %lt3A_610 : vector<16xi32>
      %add3A_612 = arith.constant 16 : i32
      %add3A_613 = vector.broadcast %add3A_612 : i32 to vector<16xi32>
      %add3A_614 = arith.addi %xor3A_608, %add3A_613 : vector<16xi32>
      %select_n3A_615 = arith.select %lt3A_611, %add3A_614, %xor3A_608 : vector<16xi1>, vector<16xi32>
      %broadcast_in_dim3A_616 = vector.shape_cast %select_n3A_615 : vector<16xi32> to vector<16x1xi32>
      %gather3A_617 = vector.shape_cast %broadcast_in_dim3A_616 : vector<16x1xi32> to vector<16xi32>
      %gather3A_618 = tpu.dynamic_gather %max3A_605[%gather3A_617] in [0] : vector<16xf32>, vector<16xi32> -> vector<16xf32>
      %max3A_619 = arith.maximumf %max3A_605, %gather3A_618 : vector<16xf32>
      %mul3A_620 = arith.constant 16 : i32
      %mul3A_621 = vector.broadcast %mul3A_620 : i32 to vector<16xi32>
      %mul3A_622 = arith.muli %select_n3A_563, %mul3A_621 : vector<16xi32>
      %add3A_623 = arith.addi %mul3A_622, %iota3A : vector<16xi32>
      %eq3A_624 = arith.cmpf oeq, %select_n3A_560, %max3A_619 : vector<16xf32>
      %jit3A_625 = arith.constant 384 : i32
      %broadcast_in_dim3A_626 = vector.broadcast %jit3A_625 : i32 to vector<16xi32>
      %select_n3A_627 = arith.select %eq3A_624, %add3A_623, %broadcast_in_dim3A_626 : vector<16xi1>, vector<16xi32>
      %xor3A_628 = arith.constant 1 : i32
      %xor3A_629 = vector.broadcast %xor3A_628 : i32 to vector<16xi32>
      %xor3A_630 = arith.xori %iota3A, %xor3A_629 : vector<16xi32>
      %lt3A_631 = arith.constant 0 : i32
      %lt3A_632 = vector.broadcast %lt3A_631 : i32 to vector<16xi32>
      %lt3A_633 = arith.cmpi slt, %xor3A_630, %lt3A_632 : vector<16xi32>
      %add3A_634 = arith.constant 16 : i32
      %add3A_635 = vector.broadcast %add3A_634 : i32 to vector<16xi32>
      %add3A_636 = arith.addi %xor3A_630, %add3A_635 : vector<16xi32>
      %select_n3A_637 = arith.select %lt3A_633, %add3A_636, %xor3A_630 : vector<16xi1>, vector<16xi32>
      %broadcast_in_dim3A_638 = vector.shape_cast %select_n3A_637 : vector<16xi32> to vector<16x1xi32>
      %gather3A_639 = vector.shape_cast %broadcast_in_dim3A_638 : vector<16x1xi32> to vector<16xi32>
      %gather3A_640 = tpu.dynamic_gather %select_n3A_627[%gather3A_639] in [0] : vector<16xi32>, vector<16xi32> -> vector<16xi32>
      %min3A_641 = arith.minsi %select_n3A_627, %gather3A_640 : vector<16xi32>
      %xor3A_642 = arith.constant 2 : i32
      %xor3A_643 = vector.broadcast %xor3A_642 : i32 to vector<16xi32>
      %xor3A_644 = arith.xori %iota3A, %xor3A_643 : vector<16xi32>
      %lt3A_645 = arith.constant 0 : i32
      %lt3A_646 = vector.broadcast %lt3A_645 : i32 to vector<16xi32>
      %lt3A_647 = arith.cmpi slt, %xor3A_644, %lt3A_646 : vector<16xi32>
      %add3A_648 = arith.constant 16 : i32
      %add3A_649 = vector.broadcast %add3A_648 : i32 to vector<16xi32>
      %add3A_650 = arith.addi %xor3A_644, %add3A_649 : vector<16xi32>
      %select_n3A_651 = arith.select %lt3A_647, %add3A_650, %xor3A_644 : vector<16xi1>, vector<16xi32>
      %broadcast_in_dim3A_652 = vector.shape_cast %select_n3A_651 : vector<16xi32> to vector<16x1xi32>
      %gather3A_653 = vector.shape_cast %broadcast_in_dim3A_652 : vector<16x1xi32> to vector<16xi32>
      %gather3A_654 = tpu.dynamic_gather %min3A_641[%gather3A_653] in [0] : vector<16xi32>, vector<16xi32> -> vector<16xi32>
      %min3A_655 = arith.minsi %min3A_641, %gather3A_654 : vector<16xi32>
      %xor3A_656 = arith.constant 4 : i32
      %xor3A_657 = vector.broadcast %xor3A_656 : i32 to vector<16xi32>
      %xor3A_658 = arith.xori %iota3A, %xor3A_657 : vector<16xi32>
      %lt3A_659 = arith.constant 0 : i32
      %lt3A_660 = vector.broadcast %lt3A_659 : i32 to vector<16xi32>
      %lt3A_661 = arith.cmpi slt, %xor3A_658, %lt3A_660 : vector<16xi32>
      %add3A_662 = arith.constant 16 : i32
      %add3A_663 = vector.broadcast %add3A_662 : i32 to vector<16xi32>
      %add3A_664 = arith.addi %xor3A_658, %add3A_663 : vector<16xi32>
      %select_n3A_665 = arith.select %lt3A_661, %add3A_664, %xor3A_658 : vector<16xi1>, vector<16xi32>
      %broadcast_in_dim3A_666 = vector.shape_cast %select_n3A_665 : vector<16xi32> to vector<16x1xi32>
      %gather3A_667 = vector.shape_cast %broadcast_in_dim3A_666 : vector<16x1xi32> to vector<16xi32>
      %gather3A_668 = tpu.dynamic_gather %min3A_655[%gather3A_667] in [0] : vector<16xi32>, vector<16xi32> -> vector<16xi32>
      %min3A_669 = arith.minsi %min3A_655, %gather3A_668 : vector<16xi32>
      %xor3A_670 = arith.constant 8 : i32
      %xor3A_671 = vector.broadcast %xor3A_670 : i32 to vector<16xi32>
      %xor3A_672 = arith.xori %iota3A, %xor3A_671 : vector<16xi32>
      %lt3A_673 = arith.constant 0 : i32
      %lt3A_674 = vector.broadcast %lt3A_673 : i32 to vector<16xi32>
      %lt3A_675 = arith.cmpi slt, %xor3A_672, %lt3A_674 : vector<16xi32>
      %add3A_676 = arith.constant 16 : i32
      %add3A_677 = vector.broadcast %add3A_676 : i32 to vector<16xi32>
      %add3A_678 = arith.addi %xor3A_672, %add3A_677 : vector<16xi32>
      %select_n3A_679 = arith.select %lt3A_675, %add3A_678, %xor3A_672 : vector<16xi1>, vector<16xi32>
      %broadcast_in_dim3A_680 = vector.shape_cast %select_n3A_679 : vector<16xi32> to vector<16x1xi32>
      %gather3A_681 = vector.shape_cast %broadcast_in_dim3A_680 : vector<16x1xi32> to vector<16xi32>
      %gather3A_682 = tpu.dynamic_gather %min3A_669[%gather3A_681] in [0] : vector<16xi32>, vector<16xi32> -> vector<16xi32>
      %min3A_683 = arith.minsi %min3A_669, %gather3A_682 : vector<16xi32>
      %eq3A_684 = arith.constant 1 : i32
      %eq3A_685 = vector.broadcast %eq3A_684 : i32 to vector<16xi32>
      %eq3A_686 = arith.cmpi eq, %iota3A, %eq3A_685 : vector<16xi32>
      %select_n3A_687 = arith.select %eq3A_686, %max3A_619, %select_n3A_326 : vector<16xi1>, vector<16xf32>
      %add3A_688 = arith.constant 0 : i32
      %add3A_689 = vector.broadcast %add3A_688 : i32 to vector<16xi32>
      %add3A_690 = arith.addi %iota3A, %add3A_689 : vector<16xi32>
      %eq3A_691 = arith.cmpi eq, %add3A_690, %min3A_683 : vector<16xi32>
      %jit3A_692 = arith.constant 0xFF800000 : f32
      %broadcast_in_dim3A_693 = vector.broadcast %jit3A_692 : f32 to vector<16xf32>
      %select_n3A_694 = arith.select %eq3A_691, %broadcast_in_dim3A_693, %select_n3A_333 : vector<16xi1>, vector<16xf32>
      %add3A_695 = arith.constant 16 : i32
      %add3A_696 = vector.broadcast %add3A_695 : i32 to vector<16xi32>
      %add3A_697 = arith.addi %iota3A, %add3A_696 : vector<16xi32>
      %eq3A_698 = arith.cmpi eq, %add3A_697, %min3A_683 : vector<16xi32>
      %jit3A_699 = arith.constant 0xFF800000 : f32
      %broadcast_in_dim3A_700 = vector.broadcast %jit3A_699 : f32 to vector<16xf32>
      %select_n3A_701 = arith.select %eq3A_698, %broadcast_in_dim3A_700, %select_n3A_340 : vector<16xi1>, vector<16xf32>
      %add3A_702 = arith.constant 32 : i32
      %add3A_703 = vector.broadcast %add3A_702 : i32 to vector<16xi32>
      %add3A_704 = arith.addi %iota3A, %add3A_703 : vector<16xi32>
      %eq3A_705 = arith.cmpi eq, %add3A_704, %min3A_683 : vector<16xi32>
      %jit3A_706 = arith.constant 0xFF800000 : f32
      %broadcast_in_dim3A_707 = vector.broadcast %jit3A_706 : f32 to vector<16xf32>
      %select_n3A_708 = arith.select %eq3A_705, %broadcast_in_dim3A_707, %select_n3A_347 : vector<16xi1>, vector<16xf32>
      %add3A_709 = arith.constant 48 : i32
      %add3A_710 = vector.broadcast %add3A_709 : i32 to vector<16xi32>
      %add3A_711 = arith.addi %iota3A, %add3A_710 : vector<16xi32>
      %eq3A_712 = arith.cmpi eq, %add3A_711, %min3A_683 : vector<16xi32>
      %jit3A_713 = arith.constant 0xFF800000 : f32
      %broadcast_in_dim3A_714 = vector.broadcast %jit3A_713 : f32 to vector<16xf32>
      %select_n3A_715 = arith.select %eq3A_712, %broadcast_in_dim3A_714, %select_n3A_354 : vector<16xi1>, vector<16xf32>
      %add3A_716 = arith.constant 64 : i32
      %add3A_717 = vector.broadcast %add3A_716 : i32 to vector<16xi32>
      %add3A_718 = arith.addi %iota3A, %add3A_717 : vector<16xi32>
      %eq3A_719 = arith.cmpi eq, %add3A_718, %min3A_683 : vector<16xi32>
      %jit3A_720 = arith.constant 0xFF800000 : f32
      %broadcast_in_dim3A_721 = vector.broadcast %jit3A_720 : f32 to vector<16xf32>
      %select_n3A_722 = arith.select %eq3A_719, %broadcast_in_dim3A_721, %select_n3A_361 : vector<16xi1>, vector<16xf32>
      %add3A_723 = arith.constant 80 : i32
      %add3A_724 = vector.broadcast %add3A_723 : i32 to vector<16xi32>
      %add3A_725 = arith.addi %iota3A, %add3A_724 : vector<16xi32>
      %eq3A_726 = arith.cmpi eq, %add3A_725, %min3A_683 : vector<16xi32>
      %jit3A_727 = arith.constant 0xFF800000 : f32
      %broadcast_in_dim3A_728 = vector.broadcast %jit3A_727 : f32 to vector<16xf32>
      %select_n3A_729 = arith.select %eq3A_726, %broadcast_in_dim3A_728, %select_n3A_368 : vector<16xi1>, vector<16xf32>
      %add3A_730 = arith.constant 96 : i32
      %add3A_731 = vector.broadcast %add3A_730 : i32 to vector<16xi32>
      %add3A_732 = arith.addi %iota3A, %add3A_731 : vector<16xi32>
      %eq3A_733 = arith.cmpi eq, %add3A_732, %min3A_683 : vector<16xi32>
      %jit3A_734 = arith.constant 0xFF800000 : f32
      %broadcast_in_dim3A_735 = vector.broadcast %jit3A_734 : f32 to vector<16xf32>
      %select_n3A_736 = arith.select %eq3A_733, %broadcast_in_dim3A_735, %select_n3A_375 : vector<16xi1>, vector<16xf32>
      %add3A_737 = arith.constant 112 : i32
      %add3A_738 = vector.broadcast %add3A_737 : i32 to vector<16xi32>
      %add3A_739 = arith.addi %iota3A, %add3A_738 : vector<16xi32>
      %eq3A_740 = arith.cmpi eq, %add3A_739, %min3A_683 : vector<16xi32>
      %jit3A_741 = arith.constant 0xFF800000 : f32
      %broadcast_in_dim3A_742 = vector.broadcast %jit3A_741 : f32 to vector<16xf32>
      %select_n3A_743 = arith.select %eq3A_740, %broadcast_in_dim3A_742, %select_n3A_382 : vector<16xi1>, vector<16xf32>
      %add3A_744 = arith.constant 128 : i32
      %add3A_745 = vector.broadcast %add3A_744 : i32 to vector<16xi32>
      %add3A_746 = arith.addi %iota3A, %add3A_745 : vector<16xi32>
      %eq3A_747 = arith.cmpi eq, %add3A_746, %min3A_683 : vector<16xi32>
      %jit3A_748 = arith.constant 0xFF800000 : f32
      %broadcast_in_dim3A_749 = vector.broadcast %jit3A_748 : f32 to vector<16xf32>
      %select_n3A_750 = arith.select %eq3A_747, %broadcast_in_dim3A_749, %select_n3A_389 : vector<16xi1>, vector<16xf32>
      %add3A_751 = arith.constant 144 : i32
      %add3A_752 = vector.broadcast %add3A_751 : i32 to vector<16xi32>
      %add3A_753 = arith.addi %iota3A, %add3A_752 : vector<16xi32>
      %eq3A_754 = arith.cmpi eq, %add3A_753, %min3A_683 : vector<16xi32>
      %jit3A_755 = arith.constant 0xFF800000 : f32
      %broadcast_in_dim3A_756 = vector.broadcast %jit3A_755 : f32 to vector<16xf32>
      %select_n3A_757 = arith.select %eq3A_754, %broadcast_in_dim3A_756, %select_n3A_396 : vector<16xi1>, vector<16xf32>
      %add3A_758 = arith.constant 160 : i32
      %add3A_759 = vector.broadcast %add3A_758 : i32 to vector<16xi32>
      %add3A_760 = arith.addi %iota3A, %add3A_759 : vector<16xi32>
      %eq3A_761 = arith.cmpi eq, %add3A_760, %min3A_683 : vector<16xi32>
      %jit3A_762 = arith.constant 0xFF800000 : f32
      %broadcast_in_dim3A_763 = vector.broadcast %jit3A_762 : f32 to vector<16xf32>
      %select_n3A_764 = arith.select %eq3A_761, %broadcast_in_dim3A_763, %select_n3A_403 : vector<16xi1>, vector<16xf32>
      %add3A_765 = arith.constant 176 : i32
      %add3A_766 = vector.broadcast %add3A_765 : i32 to vector<16xi32>
      %add3A_767 = arith.addi %iota3A, %add3A_766 : vector<16xi32>
      %eq3A_768 = arith.cmpi eq, %add3A_767, %min3A_683 : vector<16xi32>
      %jit3A_769 = arith.constant 0xFF800000 : f32
      %broadcast_in_dim3A_770 = vector.broadcast %jit3A_769 : f32 to vector<16xf32>
      %select_n3A_771 = arith.select %eq3A_768, %broadcast_in_dim3A_770, %select_n3A_410 : vector<16xi1>, vector<16xf32>
      %add3A_772 = arith.constant 192 : i32
      %add3A_773 = vector.broadcast %add3A_772 : i32 to vector<16xi32>
      %add3A_774 = arith.addi %iota3A, %add3A_773 : vector<16xi32>
      %eq3A_775 = arith.cmpi eq, %add3A_774, %min3A_683 : vector<16xi32>
      %jit3A_776 = arith.constant 0xFF800000 : f32
      %broadcast_in_dim3A_777 = vector.broadcast %jit3A_776 : f32 to vector<16xf32>
      %select_n3A_778 = arith.select %eq3A_775, %broadcast_in_dim3A_777, %select_n3A_417 : vector<16xi1>, vector<16xf32>
      %add3A_779 = arith.constant 208 : i32
      %add3A_780 = vector.broadcast %add3A_779 : i32 to vector<16xi32>
      %add3A_781 = arith.addi %iota3A, %add3A_780 : vector<16xi32>
      %eq3A_782 = arith.cmpi eq, %add3A_781, %min3A_683 : vector<16xi32>
      %jit3A_783 = arith.constant 0xFF800000 : f32
      %broadcast_in_dim3A_784 = vector.broadcast %jit3A_783 : f32 to vector<16xf32>
      %select_n3A_785 = arith.select %eq3A_782, %broadcast_in_dim3A_784, %select_n3A_424 : vector<16xi1>, vector<16xf32>
      %add3A_786 = arith.constant 224 : i32
      %add3A_787 = vector.broadcast %add3A_786 : i32 to vector<16xi32>
      %add3A_788 = arith.addi %iota3A, %add3A_787 : vector<16xi32>
      %eq3A_789 = arith.cmpi eq, %add3A_788, %min3A_683 : vector<16xi32>
      %jit3A_790 = arith.constant 0xFF800000 : f32
      %broadcast_in_dim3A_791 = vector.broadcast %jit3A_790 : f32 to vector<16xf32>
      %select_n3A_792 = arith.select %eq3A_789, %broadcast_in_dim3A_791, %select_n3A_431 : vector<16xi1>, vector<16xf32>
      %add3A_793 = arith.constant 240 : i32
      %add3A_794 = vector.broadcast %add3A_793 : i32 to vector<16xi32>
      %add3A_795 = arith.addi %iota3A, %add3A_794 : vector<16xi32>
      %eq3A_796 = arith.cmpi eq, %add3A_795, %min3A_683 : vector<16xi32>
      %jit3A_797 = arith.constant 0xFF800000 : f32
      %broadcast_in_dim3A_798 = vector.broadcast %jit3A_797 : f32 to vector<16xf32>
      %select_n3A_799 = arith.select %eq3A_796, %broadcast_in_dim3A_798, %select_n3A_438 : vector<16xi1>, vector<16xf32>
      %add3A_800 = arith.constant 256 : i32
      %add3A_801 = vector.broadcast %add3A_800 : i32 to vector<16xi32>
      %add3A_802 = arith.addi %iota3A, %add3A_801 : vector<16xi32>
      %eq3A_803 = arith.cmpi eq, %add3A_802, %min3A_683 : vector<16xi32>
      %jit3A_804 = arith.constant 0xFF800000 : f32
      %broadcast_in_dim3A_805 = vector.broadcast %jit3A_804 : f32 to vector<16xf32>
      %select_n3A_806 = arith.select %eq3A_803, %broadcast_in_dim3A_805, %select_n3A_445 : vector<16xi1>, vector<16xf32>
      %add3A_807 = arith.constant 272 : i32
      %add3A_808 = vector.broadcast %add3A_807 : i32 to vector<16xi32>
      %add3A_809 = arith.addi %iota3A, %add3A_808 : vector<16xi32>
      %eq3A_810 = arith.cmpi eq, %add3A_809, %min3A_683 : vector<16xi32>
      %jit3A_811 = arith.constant 0xFF800000 : f32
      %broadcast_in_dim3A_812 = vector.broadcast %jit3A_811 : f32 to vector<16xf32>
      %select_n3A_813 = arith.select %eq3A_810, %broadcast_in_dim3A_812, %select_n3A_452 : vector<16xi1>, vector<16xf32>
      %add3A_814 = arith.constant 288 : i32
      %add3A_815 = vector.broadcast %add3A_814 : i32 to vector<16xi32>
      %add3A_816 = arith.addi %iota3A, %add3A_815 : vector<16xi32>
      %eq3A_817 = arith.cmpi eq, %add3A_816, %min3A_683 : vector<16xi32>
      %jit3A_818 = arith.constant 0xFF800000 : f32
      %broadcast_in_dim3A_819 = vector.broadcast %jit3A_818 : f32 to vector<16xf32>
      %select_n3A_820 = arith.select %eq3A_817, %broadcast_in_dim3A_819, %select_n3A_459 : vector<16xi1>, vector<16xf32>
      %add3A_821 = arith.constant 304 : i32
      %add3A_822 = vector.broadcast %add3A_821 : i32 to vector<16xi32>
      %add3A_823 = arith.addi %iota3A, %add3A_822 : vector<16xi32>
      %eq3A_824 = arith.cmpi eq, %add3A_823, %min3A_683 : vector<16xi32>
      %jit3A_825 = arith.constant 0xFF800000 : f32
      %broadcast_in_dim3A_826 = vector.broadcast %jit3A_825 : f32 to vector<16xf32>
      %select_n3A_827 = arith.select %eq3A_824, %broadcast_in_dim3A_826, %select_n3A_466 : vector<16xi1>, vector<16xf32>
      %broadcast_in_dim3A_828 = arith.constant 0 : i32
      %broadcast_in_dim3A_829 = vector.broadcast %broadcast_in_dim3A_828 : i32 to vector<16xi32>
      %gt3A_830 = arith.cmpf ogt, %select_n3A_701, %select_n3A_694 : vector<16xf32>
      %select_n3A_831 = arith.select %gt3A_830, %select_n3A_701, %select_n3A_694 : vector<16xi1>, vector<16xf32>
      %jit3A_832 = arith.constant 1 : i32
      %broadcast_in_dim3A_833 = vector.broadcast %jit3A_832 : i32 to vector<16xi32>
      %select_n3A_834 = arith.select %gt3A_830, %broadcast_in_dim3A_833, %broadcast_in_dim3A_829 : vector<16xi1>, vector<16xi32>
      %gt3A_835 = arith.cmpf ogt, %select_n3A_708, %select_n3A_831 : vector<16xf32>
      %select_n3A_836 = arith.select %gt3A_835, %select_n3A_708, %select_n3A_831 : vector<16xi1>, vector<16xf32>
      %jit3A_837 = arith.constant 2 : i32
      %broadcast_in_dim3A_838 = vector.broadcast %jit3A_837 : i32 to vector<16xi32>
      %select_n3A_839 = arith.select %gt3A_835, %broadcast_in_dim3A_838, %select_n3A_834 : vector<16xi1>, vector<16xi32>
      %gt3A_840 = arith.cmpf ogt, %select_n3A_715, %select_n3A_836 : vector<16xf32>
      %select_n3A_841 = arith.select %gt3A_840, %select_n3A_715, %select_n3A_836 : vector<16xi1>, vector<16xf32>
      %jit3A_842 = arith.constant 3 : i32
      %broadcast_in_dim3A_843 = vector.broadcast %jit3A_842 : i32 to vector<16xi32>
      %select_n3A_844 = arith.select %gt3A_840, %broadcast_in_dim3A_843, %select_n3A_839 : vector<16xi1>, vector<16xi32>
      %gt3A_845 = arith.cmpf ogt, %select_n3A_722, %select_n3A_841 : vector<16xf32>
      %select_n3A_846 = arith.select %gt3A_845, %select_n3A_722, %select_n3A_841 : vector<16xi1>, vector<16xf32>
      %jit3A_847 = arith.constant 4 : i32
      %broadcast_in_dim3A_848 = vector.broadcast %jit3A_847 : i32 to vector<16xi32>
      %select_n3A_849 = arith.select %gt3A_845, %broadcast_in_dim3A_848, %select_n3A_844 : vector<16xi1>, vector<16xi32>
      %gt3A_850 = arith.cmpf ogt, %select_n3A_729, %select_n3A_846 : vector<16xf32>
      %select_n3A_851 = arith.select %gt3A_850, %select_n3A_729, %select_n3A_846 : vector<16xi1>, vector<16xf32>
      %jit3A_852 = arith.constant 5 : i32
      %broadcast_in_dim3A_853 = vector.broadcast %jit3A_852 : i32 to vector<16xi32>
      %select_n3A_854 = arith.select %gt3A_850, %broadcast_in_dim3A_853, %select_n3A_849 : vector<16xi1>, vector<16xi32>
      %gt3A_855 = arith.cmpf ogt, %select_n3A_736, %select_n3A_851 : vector<16xf32>
      %select_n3A_856 = arith.select %gt3A_855, %select_n3A_736, %select_n3A_851 : vector<16xi1>, vector<16xf32>
      %jit3A_857 = arith.constant 6 : i32
      %broadcast_in_dim3A_858 = vector.broadcast %jit3A_857 : i32 to vector<16xi32>
      %select_n3A_859 = arith.select %gt3A_855, %broadcast_in_dim3A_858, %select_n3A_854 : vector<16xi1>, vector<16xi32>
      %gt3A_860 = arith.cmpf ogt, %select_n3A_743, %select_n3A_856 : vector<16xf32>
      %select_n3A_861 = arith.select %gt3A_860, %select_n3A_743, %select_n3A_856 : vector<16xi1>, vector<16xf32>
      %jit3A_862 = arith.constant 7 : i32
      %broadcast_in_dim3A_863 = vector.broadcast %jit3A_862 : i32 to vector<16xi32>
      %select_n3A_864 = arith.select %gt3A_860, %broadcast_in_dim3A_863, %select_n3A_859 : vector<16xi1>, vector<16xi32>
      %gt3A_865 = arith.cmpf ogt, %select_n3A_750, %select_n3A_861 : vector<16xf32>
      %select_n3A_866 = arith.select %gt3A_865, %select_n3A_750, %select_n3A_861 : vector<16xi1>, vector<16xf32>
      %jit3A_867 = arith.constant 8 : i32
      %broadcast_in_dim3A_868 = vector.broadcast %jit3A_867 : i32 to vector<16xi32>
      %select_n3A_869 = arith.select %gt3A_865, %broadcast_in_dim3A_868, %select_n3A_864 : vector<16xi1>, vector<16xi32>
      %gt3A_870 = arith.cmpf ogt, %select_n3A_757, %select_n3A_866 : vector<16xf32>
      %select_n3A_871 = arith.select %gt3A_870, %select_n3A_757, %select_n3A_866 : vector<16xi1>, vector<16xf32>
      %jit3A_872 = arith.constant 9 : i32
      %broadcast_in_dim3A_873 = vector.broadcast %jit3A_872 : i32 to vector<16xi32>
      %select_n3A_874 = arith.select %gt3A_870, %broadcast_in_dim3A_873, %select_n3A_869 : vector<16xi1>, vector<16xi32>
      %gt3A_875 = arith.cmpf ogt, %select_n3A_764, %select_n3A_871 : vector<16xf32>
      %select_n3A_876 = arith.select %gt3A_875, %select_n3A_764, %select_n3A_871 : vector<16xi1>, vector<16xf32>
      %jit3A_877 = arith.constant 10 : i32
      %broadcast_in_dim3A_878 = vector.broadcast %jit3A_877 : i32 to vector<16xi32>
      %select_n3A_879 = arith.select %gt3A_875, %broadcast_in_dim3A_878, %select_n3A_874 : vector<16xi1>, vector<16xi32>
      %gt3A_880 = arith.cmpf ogt, %select_n3A_771, %select_n3A_876 : vector<16xf32>
      %select_n3A_881 = arith.select %gt3A_880, %select_n3A_771, %select_n3A_876 : vector<16xi1>, vector<16xf32>
      %jit3A_882 = arith.constant 11 : i32
      %broadcast_in_dim3A_883 = vector.broadcast %jit3A_882 : i32 to vector<16xi32>
      %select_n3A_884 = arith.select %gt3A_880, %broadcast_in_dim3A_883, %select_n3A_879 : vector<16xi1>, vector<16xi32>
      %gt3A_885 = arith.cmpf ogt, %select_n3A_778, %select_n3A_881 : vector<16xf32>
      %select_n3A_886 = arith.select %gt3A_885, %select_n3A_778, %select_n3A_881 : vector<16xi1>, vector<16xf32>
      %jit3A_887 = arith.constant 12 : i32
      %broadcast_in_dim3A_888 = vector.broadcast %jit3A_887 : i32 to vector<16xi32>
      %select_n3A_889 = arith.select %gt3A_885, %broadcast_in_dim3A_888, %select_n3A_884 : vector<16xi1>, vector<16xi32>
      %gt3A_890 = arith.cmpf ogt, %select_n3A_785, %select_n3A_886 : vector<16xf32>
      %select_n3A_891 = arith.select %gt3A_890, %select_n3A_785, %select_n3A_886 : vector<16xi1>, vector<16xf32>
      %jit3A_892 = arith.constant 13 : i32
      %broadcast_in_dim3A_893 = vector.broadcast %jit3A_892 : i32 to vector<16xi32>
      %select_n3A_894 = arith.select %gt3A_890, %broadcast_in_dim3A_893, %select_n3A_889 : vector<16xi1>, vector<16xi32>
      %gt3A_895 = arith.cmpf ogt, %select_n3A_792, %select_n3A_891 : vector<16xf32>
      %select_n3A_896 = arith.select %gt3A_895, %select_n3A_792, %select_n3A_891 : vector<16xi1>, vector<16xf32>
      %jit3A_897 = arith.constant 14 : i32
      %broadcast_in_dim3A_898 = vector.broadcast %jit3A_897 : i32 to vector<16xi32>
      %select_n3A_899 = arith.select %gt3A_895, %broadcast_in_dim3A_898, %select_n3A_894 : vector<16xi1>, vector<16xi32>
      %gt3A_900 = arith.cmpf ogt, %select_n3A_799, %select_n3A_896 : vector<16xf32>
      %select_n3A_901 = arith.select %gt3A_900, %select_n3A_799, %select_n3A_896 : vector<16xi1>, vector<16xf32>
      %jit3A_902 = arith.constant 15 : i32
      %broadcast_in_dim3A_903 = vector.broadcast %jit3A_902 : i32 to vector<16xi32>
      %select_n3A_904 = arith.select %gt3A_900, %broadcast_in_dim3A_903, %select_n3A_899 : vector<16xi1>, vector<16xi32>
      %gt3A_905 = arith.cmpf ogt, %select_n3A_806, %select_n3A_901 : vector<16xf32>
      %select_n3A_906 = arith.select %gt3A_905, %select_n3A_806, %select_n3A_901 : vector<16xi1>, vector<16xf32>
      %jit3A_907 = arith.constant 16 : i32
      %broadcast_in_dim3A_908 = vector.broadcast %jit3A_907 : i32 to vector<16xi32>
      %select_n3A_909 = arith.select %gt3A_905, %broadcast_in_dim3A_908, %select_n3A_904 : vector<16xi1>, vector<16xi32>
      %gt3A_910 = arith.cmpf ogt, %select_n3A_813, %select_n3A_906 : vector<16xf32>
      %select_n3A_911 = arith.select %gt3A_910, %select_n3A_813, %select_n3A_906 : vector<16xi1>, vector<16xf32>
      %jit3A_912 = arith.constant 17 : i32
      %broadcast_in_dim3A_913 = vector.broadcast %jit3A_912 : i32 to vector<16xi32>
      %select_n3A_914 = arith.select %gt3A_910, %broadcast_in_dim3A_913, %select_n3A_909 : vector<16xi1>, vector<16xi32>
      %gt3A_915 = arith.cmpf ogt, %select_n3A_820, %select_n3A_911 : vector<16xf32>
      %select_n3A_916 = arith.select %gt3A_915, %select_n3A_820, %select_n3A_911 : vector<16xi1>, vector<16xf32>
      %jit3A_917 = arith.constant 18 : i32
      %broadcast_in_dim3A_918 = vector.broadcast %jit3A_917 : i32 to vector<16xi32>
      %select_n3A_919 = arith.select %gt3A_915, %broadcast_in_dim3A_918, %select_n3A_914 : vector<16xi1>, vector<16xi32>
      %gt3A_920 = arith.cmpf ogt, %select_n3A_827, %select_n3A_916 : vector<16xf32>
      %select_n3A_921 = arith.select %gt3A_920, %select_n3A_827, %select_n3A_916 : vector<16xi1>, vector<16xf32>
      %jit3A_922 = arith.constant 19 : i32
      %broadcast_in_dim3A_923 = vector.broadcast %jit3A_922 : i32 to vector<16xi32>
      %select_n3A_924 = arith.select %gt3A_920, %broadcast_in_dim3A_923, %select_n3A_919 : vector<16xi1>, vector<16xi32>
      %xor3A_925 = arith.constant 1 : i32
      %xor3A_926 = vector.broadcast %xor3A_925 : i32 to vector<16xi32>
      %xor3A_927 = arith.xori %iota3A, %xor3A_926 : vector<16xi32>
      %lt3A_928 = arith.constant 0 : i32
      %lt3A_929 = vector.broadcast %lt3A_928 : i32 to vector<16xi32>
      %lt3A_930 = arith.cmpi slt, %xor3A_927, %lt3A_929 : vector<16xi32>
      %add3A_931 = arith.constant 16 : i32
      %add3A_932 = vector.broadcast %add3A_931 : i32 to vector<16xi32>
      %add3A_933 = arith.addi %xor3A_927, %add3A_932 : vector<16xi32>
      %select_n3A_934 = arith.select %lt3A_930, %add3A_933, %xor3A_927 : vector<16xi1>, vector<16xi32>
      %broadcast_in_dim3A_935 = vector.shape_cast %select_n3A_934 : vector<16xi32> to vector<16x1xi32>
      %gather3A_936 = vector.shape_cast %broadcast_in_dim3A_935 : vector<16x1xi32> to vector<16xi32>
      %gather3A_937 = tpu.dynamic_gather %select_n3A_921[%gather3A_936] in [0] : vector<16xf32>, vector<16xi32> -> vector<16xf32>
      %max3A_938 = arith.maximumf %select_n3A_921, %gather3A_937 : vector<16xf32>
      %xor3A_939 = arith.constant 2 : i32
      %xor3A_940 = vector.broadcast %xor3A_939 : i32 to vector<16xi32>
      %xor3A_941 = arith.xori %iota3A, %xor3A_940 : vector<16xi32>
      %lt3A_942 = arith.constant 0 : i32
      %lt3A_943 = vector.broadcast %lt3A_942 : i32 to vector<16xi32>
      %lt3A_944 = arith.cmpi slt, %xor3A_941, %lt3A_943 : vector<16xi32>
      %add3A_945 = arith.constant 16 : i32
      %add3A_946 = vector.broadcast %add3A_945 : i32 to vector<16xi32>
      %add3A_947 = arith.addi %xor3A_941, %add3A_946 : vector<16xi32>
      %select_n3A_948 = arith.select %lt3A_944, %add3A_947, %xor3A_941 : vector<16xi1>, vector<16xi32>
      %broadcast_in_dim3A_949 = vector.shape_cast %select_n3A_948 : vector<16xi32> to vector<16x1xi32>
      %gather3A_950 = vector.shape_cast %broadcast_in_dim3A_949 : vector<16x1xi32> to vector<16xi32>
      %gather3A_951 = tpu.dynamic_gather %max3A_938[%gather3A_950] in [0] : vector<16xf32>, vector<16xi32> -> vector<16xf32>
      %max3A_952 = arith.maximumf %max3A_938, %gather3A_951 : vector<16xf32>
      %xor3A_953 = arith.constant 4 : i32
      %xor3A_954 = vector.broadcast %xor3A_953 : i32 to vector<16xi32>
      %xor3A_955 = arith.xori %iota3A, %xor3A_954 : vector<16xi32>
      %lt3A_956 = arith.constant 0 : i32
      %lt3A_957 = vector.broadcast %lt3A_956 : i32 to vector<16xi32>
      %lt3A_958 = arith.cmpi slt, %xor3A_955, %lt3A_957 : vector<16xi32>
      %add3A_959 = arith.constant 16 : i32
      %add3A_960 = vector.broadcast %add3A_959 : i32 to vector<16xi32>
      %add3A_961 = arith.addi %xor3A_955, %add3A_960 : vector<16xi32>
      %select_n3A_962 = arith.select %lt3A_958, %add3A_961, %xor3A_955 : vector<16xi1>, vector<16xi32>
      %broadcast_in_dim3A_963 = vector.shape_cast %select_n3A_962 : vector<16xi32> to vector<16x1xi32>
      %gather3A_964 = vector.shape_cast %broadcast_in_dim3A_963 : vector<16x1xi32> to vector<16xi32>
      %gather3A_965 = tpu.dynamic_gather %max3A_952[%gather3A_964] in [0] : vector<16xf32>, vector<16xi32> -> vector<16xf32>
      %max3A_966 = arith.maximumf %max3A_952, %gather3A_965 : vector<16xf32>
      %xor3A_967 = arith.constant 8 : i32
      %xor3A_968 = vector.broadcast %xor3A_967 : i32 to vector<16xi32>
      %xor3A_969 = arith.xori %iota3A, %xor3A_968 : vector<16xi32>
      %lt3A_970 = arith.constant 0 : i32
      %lt3A_971 = vector.broadcast %lt3A_970 : i32 to vector<16xi32>
      %lt3A_972 = arith.cmpi slt, %xor3A_969, %lt3A_971 : vector<16xi32>
      %add3A_973 = arith.constant 16 : i32
      %add3A_974 = vector.broadcast %add3A_973 : i32 to vector<16xi32>
      %add3A_975 = arith.addi %xor3A_969, %add3A_974 : vector<16xi32>
      %select_n3A_976 = arith.select %lt3A_972, %add3A_975, %xor3A_969 : vector<16xi1>, vector<16xi32>
      %broadcast_in_dim3A_977 = vector.shape_cast %select_n3A_976 : vector<16xi32> to vector<16x1xi32>
      %gather3A_978 = vector.shape_cast %broadcast_in_dim3A_977 : vector<16x1xi32> to vector<16xi32>
      %gather3A_979 = tpu.dynamic_gather %max3A_966[%gather3A_978] in [0] : vector<16xf32>, vector<16xi32> -> vector<16xf32>
      %max3A_980 = arith.maximumf %max3A_966, %gather3A_979 : vector<16xf32>
      %mul3A_981 = arith.constant 16 : i32
      %mul3A_982 = vector.broadcast %mul3A_981 : i32 to vector<16xi32>
      %mul3A_983 = arith.muli %select_n3A_924, %mul3A_982 : vector<16xi32>
      %add3A_984 = arith.addi %mul3A_983, %iota3A : vector<16xi32>
      %eq3A_985 = arith.cmpf oeq, %select_n3A_921, %max3A_980 : vector<16xf32>
      %jit3A_986 = arith.constant 384 : i32
      %broadcast_in_dim3A_987 = vector.broadcast %jit3A_986 : i32 to vector<16xi32>
      %select_n3A_988 = arith.select %eq3A_985, %add3A_984, %broadcast_in_dim3A_987 : vector<16xi1>, vector<16xi32>
      %xor3A_989 = arith.constant 1 : i32
      %xor3A_990 = vector.broadcast %xor3A_989 : i32 to vector<16xi32>
      %xor3A_991 = arith.xori %iota3A, %xor3A_990 : vector<16xi32>
      %lt3A_992 = arith.constant 0 : i32
      %lt3A_993 = vector.broadcast %lt3A_992 : i32 to vector<16xi32>
      %lt3A_994 = arith.cmpi slt, %xor3A_991, %lt3A_993 : vector<16xi32>
      %add3A_995 = arith.constant 16 : i32
      %add3A_996 = vector.broadcast %add3A_995 : i32 to vector<16xi32>
      %add3A_997 = arith.addi %xor3A_991, %add3A_996 : vector<16xi32>
      %select_n3A_998 = arith.select %lt3A_994, %add3A_997, %xor3A_991 : vector<16xi1>, vector<16xi32>
      %broadcast_in_dim3A_999 = vector.shape_cast %select_n3A_998 : vector<16xi32> to vector<16x1xi32>
      %gather3A_1000 = vector.shape_cast %broadcast_in_dim3A_999 : vector<16x1xi32> to vector<16xi32>
      %gather3A_1001 = tpu.dynamic_gather %select_n3A_988[%gather3A_1000] in [0] : vector<16xi32>, vector<16xi32> -> vector<16xi32>
      %min3A_1002 = arith.minsi %select_n3A_988, %gather3A_1001 : vector<16xi32>
      %xor3A_1003 = arith.constant 2 : i32
      %xor3A_1004 = vector.broadcast %xor3A_1003 : i32 to vector<16xi32>
      %xor3A_1005 = arith.xori %iota3A, %xor3A_1004 : vector<16xi32>
      %lt3A_1006 = arith.constant 0 : i32
      %lt3A_1007 = vector.broadcast %lt3A_1006 : i32 to vector<16xi32>
      %lt3A_1008 = arith.cmpi slt, %xor3A_1005, %lt3A_1007 : vector<16xi32>
      %add3A_1009 = arith.constant 16 : i32
      %add3A_1010 = vector.broadcast %add3A_1009 : i32 to vector<16xi32>
      %add3A_1011 = arith.addi %xor3A_1005, %add3A_1010 : vector<16xi32>
      %select_n3A_1012 = arith.select %lt3A_1008, %add3A_1011, %xor3A_1005 : vector<16xi1>, vector<16xi32>
      %broadcast_in_dim3A_1013 = vector.shape_cast %select_n3A_1012 : vector<16xi32> to vector<16x1xi32>
      %gather3A_1014 = vector.shape_cast %broadcast_in_dim3A_1013 : vector<16x1xi32> to vector<16xi32>
      %gather3A_1015 = tpu.dynamic_gather %min3A_1002[%gather3A_1014] in [0] : vector<16xi32>, vector<16xi32> -> vector<16xi32>
      %min3A_1016 = arith.minsi %min3A_1002, %gather3A_1015 : vector<16xi32>
      %xor3A_1017 = arith.constant 4 : i32
      %xor3A_1018 = vector.broadcast %xor3A_1017 : i32 to vector<16xi32>
      %xor3A_1019 = arith.xori %iota3A, %xor3A_1018 : vector<16xi32>
      %lt3A_1020 = arith.constant 0 : i32
      %lt3A_1021 = vector.broadcast %lt3A_1020 : i32 to vector<16xi32>
      %lt3A_1022 = arith.cmpi slt, %xor3A_1019, %lt3A_1021 : vector<16xi32>
      %add3A_1023 = arith.constant 16 : i32
      %add3A_1024 = vector.broadcast %add3A_1023 : i32 to vector<16xi32>
      %add3A_1025 = arith.addi %xor3A_1019, %add3A_1024 : vector<16xi32>
      %select_n3A_1026 = arith.select %lt3A_1022, %add3A_1025, %xor3A_1019 : vector<16xi1>, vector<16xi32>
      %broadcast_in_dim3A_1027 = vector.shape_cast %select_n3A_1026 : vector<16xi32> to vector<16x1xi32>
      %gather3A_1028 = vector.shape_cast %broadcast_in_dim3A_1027 : vector<16x1xi32> to vector<16xi32>
      %gather3A_1029 = tpu.dynamic_gather %min3A_1016[%gather3A_1028] in [0] : vector<16xi32>, vector<16xi32> -> vector<16xi32>
      %min3A_1030 = arith.minsi %min3A_1016, %gather3A_1029 : vector<16xi32>
      %xor3A_1031 = arith.constant 8 : i32
      %xor3A_1032 = vector.broadcast %xor3A_1031 : i32 to vector<16xi32>
      %xor3A_1033 = arith.xori %iota3A, %xor3A_1032 : vector<16xi32>
      %lt3A_1034 = arith.constant 0 : i32
      %lt3A_1035 = vector.broadcast %lt3A_1034 : i32 to vector<16xi32>
      %lt3A_1036 = arith.cmpi slt, %xor3A_1033, %lt3A_1035 : vector<16xi32>
      %add3A_1037 = arith.constant 16 : i32
      %add3A_1038 = vector.broadcast %add3A_1037 : i32 to vector<16xi32>
      %add3A_1039 = arith.addi %xor3A_1033, %add3A_1038 : vector<16xi32>
      %select_n3A_1040 = arith.select %lt3A_1036, %add3A_1039, %xor3A_1033 : vector<16xi1>, vector<16xi32>
      %broadcast_in_dim3A_1041 = vector.shape_cast %select_n3A_1040 : vector<16xi32> to vector<16x1xi32>
      %gather3A_1042 = vector.shape_cast %broadcast_in_dim3A_1041 : vector<16x1xi32> to vector<16xi32>
      %gather3A_1043 = tpu.dynamic_gather %min3A_1030[%gather3A_1042] in [0] : vector<16xi32>, vector<16xi32> -> vector<16xi32>
      %min3A_1044 = arith.minsi %min3A_1030, %gather3A_1043 : vector<16xi32>
      %eq3A_1045 = arith.constant 2 : i32
      %eq3A_1046 = vector.broadcast %eq3A_1045 : i32 to vector<16xi32>
      %eq3A_1047 = arith.cmpi eq, %iota3A, %eq3A_1046 : vector<16xi32>
      %select_n3A_1048 = arith.select %eq3A_1047, %max3A_980, %select_n3A_687 : vector<16xi1>, vector<16xf32>
      %add3A_1049 = arith.constant 0 : i32
      %add3A_1050 = vector.broadcast %add3A_1049 : i32 to vector<16xi32>
      %add3A_1051 = arith.addi %iota3A, %add3A_1050 : vector<16xi32>
      %eq3A_1052 = arith.cmpi eq, %add3A_1051, %min3A_1044 : vector<16xi32>
      %jit3A_1053 = arith.constant 0xFF800000 : f32
      %broadcast_in_dim3A_1054 = vector.broadcast %jit3A_1053 : f32 to vector<16xf32>
      %select_n3A_1055 = arith.select %eq3A_1052, %broadcast_in_dim3A_1054, %select_n3A_694 : vector<16xi1>, vector<16xf32>
      %add3A_1056 = arith.constant 16 : i32
      %add3A_1057 = vector.broadcast %add3A_1056 : i32 to vector<16xi32>
      %add3A_1058 = arith.addi %iota3A, %add3A_1057 : vector<16xi32>
      %eq3A_1059 = arith.cmpi eq, %add3A_1058, %min3A_1044 : vector<16xi32>
      %jit3A_1060 = arith.constant 0xFF800000 : f32
      %broadcast_in_dim3A_1061 = vector.broadcast %jit3A_1060 : f32 to vector<16xf32>
      %select_n3A_1062 = arith.select %eq3A_1059, %broadcast_in_dim3A_1061, %select_n3A_701 : vector<16xi1>, vector<16xf32>
      %add3A_1063 = arith.constant 32 : i32
      %add3A_1064 = vector.broadcast %add3A_1063 : i32 to vector<16xi32>
      %add3A_1065 = arith.addi %iota3A, %add3A_1064 : vector<16xi32>
      %eq3A_1066 = arith.cmpi eq, %add3A_1065, %min3A_1044 : vector<16xi32>
      %jit3A_1067 = arith.constant 0xFF800000 : f32
      %broadcast_in_dim3A_1068 = vector.broadcast %jit3A_1067 : f32 to vector<16xf32>
      %select_n3A_1069 = arith.select %eq3A_1066, %broadcast_in_dim3A_1068, %select_n3A_708 : vector<16xi1>, vector<16xf32>
      %add3A_1070 = arith.constant 48 : i32
      %add3A_1071 = vector.broadcast %add3A_1070 : i32 to vector<16xi32>
      %add3A_1072 = arith.addi %iota3A, %add3A_1071 : vector<16xi32>
      %eq3A_1073 = arith.cmpi eq, %add3A_1072, %min3A_1044 : vector<16xi32>
      %jit3A_1074 = arith.constant 0xFF800000 : f32
      %broadcast_in_dim3A_1075 = vector.broadcast %jit3A_1074 : f32 to vector<16xf32>
      %select_n3A_1076 = arith.select %eq3A_1073, %broadcast_in_dim3A_1075, %select_n3A_715 : vector<16xi1>, vector<16xf32>
      %add3A_1077 = arith.constant 64 : i32
      %add3A_1078 = vector.broadcast %add3A_1077 : i32 to vector<16xi32>
      %add3A_1079 = arith.addi %iota3A, %add3A_1078 : vector<16xi32>
      %eq3A_1080 = arith.cmpi eq, %add3A_1079, %min3A_1044 : vector<16xi32>
      %jit3A_1081 = arith.constant 0xFF800000 : f32
      %broadcast_in_dim3A_1082 = vector.broadcast %jit3A_1081 : f32 to vector<16xf32>
      %select_n3A_1083 = arith.select %eq3A_1080, %broadcast_in_dim3A_1082, %select_n3A_722 : vector<16xi1>, vector<16xf32>
      %add3A_1084 = arith.constant 80 : i32
      %add3A_1085 = vector.broadcast %add3A_1084 : i32 to vector<16xi32>
      %add3A_1086 = arith.addi %iota3A, %add3A_1085 : vector<16xi32>
      %eq3A_1087 = arith.cmpi eq, %add3A_1086, %min3A_1044 : vector<16xi32>
      %jit3A_1088 = arith.constant 0xFF800000 : f32
      %broadcast_in_dim3A_1089 = vector.broadcast %jit3A_1088 : f32 to vector<16xf32>
      %select_n3A_1090 = arith.select %eq3A_1087, %broadcast_in_dim3A_1089, %select_n3A_729 : vector<16xi1>, vector<16xf32>
      %add3A_1091 = arith.constant 96 : i32
      %add3A_1092 = vector.broadcast %add3A_1091 : i32 to vector<16xi32>
      %add3A_1093 = arith.addi %iota3A, %add3A_1092 : vector<16xi32>
      %eq3A_1094 = arith.cmpi eq, %add3A_1093, %min3A_1044 : vector<16xi32>
      %jit3A_1095 = arith.constant 0xFF800000 : f32
      %broadcast_in_dim3A_1096 = vector.broadcast %jit3A_1095 : f32 to vector<16xf32>
      %select_n3A_1097 = arith.select %eq3A_1094, %broadcast_in_dim3A_1096, %select_n3A_736 : vector<16xi1>, vector<16xf32>
      %add3A_1098 = arith.constant 112 : i32
      %add3A_1099 = vector.broadcast %add3A_1098 : i32 to vector<16xi32>
      %add3A_1100 = arith.addi %iota3A, %add3A_1099 : vector<16xi32>
      %eq3A_1101 = arith.cmpi eq, %add3A_1100, %min3A_1044 : vector<16xi32>
      %jit3A_1102 = arith.constant 0xFF800000 : f32
      %broadcast_in_dim3A_1103 = vector.broadcast %jit3A_1102 : f32 to vector<16xf32>
      %select_n3A_1104 = arith.select %eq3A_1101, %broadcast_in_dim3A_1103, %select_n3A_743 : vector<16xi1>, vector<16xf32>
      %add3A_1105 = arith.constant 128 : i32
      %add3A_1106 = vector.broadcast %add3A_1105 : i32 to vector<16xi32>
      %add3A_1107 = arith.addi %iota3A, %add3A_1106 : vector<16xi32>
      %eq3A_1108 = arith.cmpi eq, %add3A_1107, %min3A_1044 : vector<16xi32>
      %jit3A_1109 = arith.constant 0xFF800000 : f32
      %broadcast_in_dim3A_1110 = vector.broadcast %jit3A_1109 : f32 to vector<16xf32>
      %select_n3A_1111 = arith.select %eq3A_1108, %broadcast_in_dim3A_1110, %select_n3A_750 : vector<16xi1>, vector<16xf32>
      %add3A_1112 = arith.constant 144 : i32
      %add3A_1113 = vector.broadcast %add3A_1112 : i32 to vector<16xi32>
      %add3A_1114 = arith.addi %iota3A, %add3A_1113 : vector<16xi32>
      %eq3A_1115 = arith.cmpi eq, %add3A_1114, %min3A_1044 : vector<16xi32>
      %jit3A_1116 = arith.constant 0xFF800000 : f32
      %broadcast_in_dim3A_1117 = vector.broadcast %jit3A_1116 : f32 to vector<16xf32>
      %select_n3A_1118 = arith.select %eq3A_1115, %broadcast_in_dim3A_1117, %select_n3A_757 : vector<16xi1>, vector<16xf32>
      %add3A_1119 = arith.constant 160 : i32
      %add3A_1120 = vector.broadcast %add3A_1119 : i32 to vector<16xi32>
      %add3A_1121 = arith.addi %iota3A, %add3A_1120 : vector<16xi32>
      %eq3A_1122 = arith.cmpi eq, %add3A_1121, %min3A_1044 : vector<16xi32>
      %jit3A_1123 = arith.constant 0xFF800000 : f32
      %broadcast_in_dim3A_1124 = vector.broadcast %jit3A_1123 : f32 to vector<16xf32>
      %select_n3A_1125 = arith.select %eq3A_1122, %broadcast_in_dim3A_1124, %select_n3A_764 : vector<16xi1>, vector<16xf32>
      %add3A_1126 = arith.constant 176 : i32
      %add3A_1127 = vector.broadcast %add3A_1126 : i32 to vector<16xi32>
      %add3A_1128 = arith.addi %iota3A, %add3A_1127 : vector<16xi32>
      %eq3A_1129 = arith.cmpi eq, %add3A_1128, %min3A_1044 : vector<16xi32>
      %jit3A_1130 = arith.constant 0xFF800000 : f32
      %broadcast_in_dim3A_1131 = vector.broadcast %jit3A_1130 : f32 to vector<16xf32>
      %select_n3A_1132 = arith.select %eq3A_1129, %broadcast_in_dim3A_1131, %select_n3A_771 : vector<16xi1>, vector<16xf32>
      %add3A_1133 = arith.constant 192 : i32
      %add3A_1134 = vector.broadcast %add3A_1133 : i32 to vector<16xi32>
      %add3A_1135 = arith.addi %iota3A, %add3A_1134 : vector<16xi32>
      %eq3A_1136 = arith.cmpi eq, %add3A_1135, %min3A_1044 : vector<16xi32>
      %jit3A_1137 = arith.constant 0xFF800000 : f32
      %broadcast_in_dim3A_1138 = vector.broadcast %jit3A_1137 : f32 to vector<16xf32>
      %select_n3A_1139 = arith.select %eq3A_1136, %broadcast_in_dim3A_1138, %select_n3A_778 : vector<16xi1>, vector<16xf32>
      %add3A_1140 = arith.constant 208 : i32
      %add3A_1141 = vector.broadcast %add3A_1140 : i32 to vector<16xi32>
      %add3A_1142 = arith.addi %iota3A, %add3A_1141 : vector<16xi32>
      %eq3A_1143 = arith.cmpi eq, %add3A_1142, %min3A_1044 : vector<16xi32>
      %jit3A_1144 = arith.constant 0xFF800000 : f32
      %broadcast_in_dim3A_1145 = vector.broadcast %jit3A_1144 : f32 to vector<16xf32>
      %select_n3A_1146 = arith.select %eq3A_1143, %broadcast_in_dim3A_1145, %select_n3A_785 : vector<16xi1>, vector<16xf32>
      %add3A_1147 = arith.constant 224 : i32
      %add3A_1148 = vector.broadcast %add3A_1147 : i32 to vector<16xi32>
      %add3A_1149 = arith.addi %iota3A, %add3A_1148 : vector<16xi32>
      %eq3A_1150 = arith.cmpi eq, %add3A_1149, %min3A_1044 : vector<16xi32>
      %jit3A_1151 = arith.constant 0xFF800000 : f32
      %broadcast_in_dim3A_1152 = vector.broadcast %jit3A_1151 : f32 to vector<16xf32>
      %select_n3A_1153 = arith.select %eq3A_1150, %broadcast_in_dim3A_1152, %select_n3A_792 : vector<16xi1>, vector<16xf32>
      %add3A_1154 = arith.constant 240 : i32
      %add3A_1155 = vector.broadcast %add3A_1154 : i32 to vector<16xi32>
      %add3A_1156 = arith.addi %iota3A, %add3A_1155 : vector<16xi32>
      %eq3A_1157 = arith.cmpi eq, %add3A_1156, %min3A_1044 : vector<16xi32>
      %jit3A_1158 = arith.constant 0xFF800000 : f32
      %broadcast_in_dim3A_1159 = vector.broadcast %jit3A_1158 : f32 to vector<16xf32>
      %select_n3A_1160 = arith.select %eq3A_1157, %broadcast_in_dim3A_1159, %select_n3A_799 : vector<16xi1>, vector<16xf32>
      %add3A_1161 = arith.constant 256 : i32
      %add3A_1162 = vector.broadcast %add3A_1161 : i32 to vector<16xi32>
      %add3A_1163 = arith.addi %iota3A, %add3A_1162 : vector<16xi32>
      %eq3A_1164 = arith.cmpi eq, %add3A_1163, %min3A_1044 : vector<16xi32>
      %jit3A_1165 = arith.constant 0xFF800000 : f32
      %broadcast_in_dim3A_1166 = vector.broadcast %jit3A_1165 : f32 to vector<16xf32>
      %select_n3A_1167 = arith.select %eq3A_1164, %broadcast_in_dim3A_1166, %select_n3A_806 : vector<16xi1>, vector<16xf32>
      %add3A_1168 = arith.constant 272 : i32
      %add3A_1169 = vector.broadcast %add3A_1168 : i32 to vector<16xi32>
      %add3A_1170 = arith.addi %iota3A, %add3A_1169 : vector<16xi32>
      %eq3A_1171 = arith.cmpi eq, %add3A_1170, %min3A_1044 : vector<16xi32>
      %jit3A_1172 = arith.constant 0xFF800000 : f32
      %broadcast_in_dim3A_1173 = vector.broadcast %jit3A_1172 : f32 to vector<16xf32>
      %select_n3A_1174 = arith.select %eq3A_1171, %broadcast_in_dim3A_1173, %select_n3A_813 : vector<16xi1>, vector<16xf32>
      %add3A_1175 = arith.constant 288 : i32
      %add3A_1176 = vector.broadcast %add3A_1175 : i32 to vector<16xi32>
      %add3A_1177 = arith.addi %iota3A, %add3A_1176 : vector<16xi32>
      %eq3A_1178 = arith.cmpi eq, %add3A_1177, %min3A_1044 : vector<16xi32>
      %jit3A_1179 = arith.constant 0xFF800000 : f32
      %broadcast_in_dim3A_1180 = vector.broadcast %jit3A_1179 : f32 to vector<16xf32>
      %select_n3A_1181 = arith.select %eq3A_1178, %broadcast_in_dim3A_1180, %select_n3A_820 : vector<16xi1>, vector<16xf32>
      %add3A_1182 = arith.constant 304 : i32
      %add3A_1183 = vector.broadcast %add3A_1182 : i32 to vector<16xi32>
      %add3A_1184 = arith.addi %iota3A, %add3A_1183 : vector<16xi32>
      %eq3A_1185 = arith.cmpi eq, %add3A_1184, %min3A_1044 : vector<16xi32>
      %jit3A_1186 = arith.constant 0xFF800000 : f32
      %broadcast_in_dim3A_1187 = vector.broadcast %jit3A_1186 : f32 to vector<16xf32>
      %select_n3A_1188 = arith.select %eq3A_1185, %broadcast_in_dim3A_1187, %select_n3A_827 : vector<16xi1>, vector<16xf32>
      %broadcast_in_dim3A_1189 = arith.constant 0 : i32
      %broadcast_in_dim3A_1190 = vector.broadcast %broadcast_in_dim3A_1189 : i32 to vector<16xi32>
      %gt3A_1191 = arith.cmpf ogt, %select_n3A_1062, %select_n3A_1055 : vector<16xf32>
      %select_n3A_1192 = arith.select %gt3A_1191, %select_n3A_1062, %select_n3A_1055 : vector<16xi1>, vector<16xf32>
      %jit3A_1193 = arith.constant 1 : i32
      %broadcast_in_dim3A_1194 = vector.broadcast %jit3A_1193 : i32 to vector<16xi32>
      %select_n3A_1195 = arith.select %gt3A_1191, %broadcast_in_dim3A_1194, %broadcast_in_dim3A_1190 : vector<16xi1>, vector<16xi32>
      %gt3A_1196 = arith.cmpf ogt, %select_n3A_1069, %select_n3A_1192 : vector<16xf32>
      %select_n3A_1197 = arith.select %gt3A_1196, %select_n3A_1069, %select_n3A_1192 : vector<16xi1>, vector<16xf32>
      %jit3A_1198 = arith.constant 2 : i32
      %broadcast_in_dim3A_1199 = vector.broadcast %jit3A_1198 : i32 to vector<16xi32>
      %select_n3A_1200 = arith.select %gt3A_1196, %broadcast_in_dim3A_1199, %select_n3A_1195 : vector<16xi1>, vector<16xi32>
      %gt3A_1201 = arith.cmpf ogt, %select_n3A_1076, %select_n3A_1197 : vector<16xf32>
      %select_n3A_1202 = arith.select %gt3A_1201, %select_n3A_1076, %select_n3A_1197 : vector<16xi1>, vector<16xf32>
      %jit3A_1203 = arith.constant 3 : i32
      %broadcast_in_dim3A_1204 = vector.broadcast %jit3A_1203 : i32 to vector<16xi32>
      %select_n3A_1205 = arith.select %gt3A_1201, %broadcast_in_dim3A_1204, %select_n3A_1200 : vector<16xi1>, vector<16xi32>
      %gt3A_1206 = arith.cmpf ogt, %select_n3A_1083, %select_n3A_1202 : vector<16xf32>
      %select_n3A_1207 = arith.select %gt3A_1206, %select_n3A_1083, %select_n3A_1202 : vector<16xi1>, vector<16xf32>
      %jit3A_1208 = arith.constant 4 : i32
      %broadcast_in_dim3A_1209 = vector.broadcast %jit3A_1208 : i32 to vector<16xi32>
      %select_n3A_1210 = arith.select %gt3A_1206, %broadcast_in_dim3A_1209, %select_n3A_1205 : vector<16xi1>, vector<16xi32>
      %gt3A_1211 = arith.cmpf ogt, %select_n3A_1090, %select_n3A_1207 : vector<16xf32>
      %select_n3A_1212 = arith.select %gt3A_1211, %select_n3A_1090, %select_n3A_1207 : vector<16xi1>, vector<16xf32>
      %jit3A_1213 = arith.constant 5 : i32
      %broadcast_in_dim3A_1214 = vector.broadcast %jit3A_1213 : i32 to vector<16xi32>
      %select_n3A_1215 = arith.select %gt3A_1211, %broadcast_in_dim3A_1214, %select_n3A_1210 : vector<16xi1>, vector<16xi32>
      %gt3A_1216 = arith.cmpf ogt, %select_n3A_1097, %select_n3A_1212 : vector<16xf32>
      %select_n3A_1217 = arith.select %gt3A_1216, %select_n3A_1097, %select_n3A_1212 : vector<16xi1>, vector<16xf32>
      %jit3A_1218 = arith.constant 6 : i32
      %broadcast_in_dim3A_1219 = vector.broadcast %jit3A_1218 : i32 to vector<16xi32>
      %select_n3A_1220 = arith.select %gt3A_1216, %broadcast_in_dim3A_1219, %select_n3A_1215 : vector<16xi1>, vector<16xi32>
      %gt3A_1221 = arith.cmpf ogt, %select_n3A_1104, %select_n3A_1217 : vector<16xf32>
      %select_n3A_1222 = arith.select %gt3A_1221, %select_n3A_1104, %select_n3A_1217 : vector<16xi1>, vector<16xf32>
      %jit3A_1223 = arith.constant 7 : i32
      %broadcast_in_dim3A_1224 = vector.broadcast %jit3A_1223 : i32 to vector<16xi32>
      %select_n3A_1225 = arith.select %gt3A_1221, %broadcast_in_dim3A_1224, %select_n3A_1220 : vector<16xi1>, vector<16xi32>
      %gt3A_1226 = arith.cmpf ogt, %select_n3A_1111, %select_n3A_1222 : vector<16xf32>
      %select_n3A_1227 = arith.select %gt3A_1226, %select_n3A_1111, %select_n3A_1222 : vector<16xi1>, vector<16xf32>
      %jit3A_1228 = arith.constant 8 : i32
      %broadcast_in_dim3A_1229 = vector.broadcast %jit3A_1228 : i32 to vector<16xi32>
      %select_n3A_1230 = arith.select %gt3A_1226, %broadcast_in_dim3A_1229, %select_n3A_1225 : vector<16xi1>, vector<16xi32>
      %gt3A_1231 = arith.cmpf ogt, %select_n3A_1118, %select_n3A_1227 : vector<16xf32>
      %select_n3A_1232 = arith.select %gt3A_1231, %select_n3A_1118, %select_n3A_1227 : vector<16xi1>, vector<16xf32>
      %jit3A_1233 = arith.constant 9 : i32
      %broadcast_in_dim3A_1234 = vector.broadcast %jit3A_1233 : i32 to vector<16xi32>
      %select_n3A_1235 = arith.select %gt3A_1231, %broadcast_in_dim3A_1234, %select_n3A_1230 : vector<16xi1>, vector<16xi32>
      %gt3A_1236 = arith.cmpf ogt, %select_n3A_1125, %select_n3A_1232 : vector<16xf32>
      %select_n3A_1237 = arith.select %gt3A_1236, %select_n3A_1125, %select_n3A_1232 : vector<16xi1>, vector<16xf32>
      %jit3A_1238 = arith.constant 10 : i32
      %broadcast_in_dim3A_1239 = vector.broadcast %jit3A_1238 : i32 to vector<16xi32>
      %select_n3A_1240 = arith.select %gt3A_1236, %broadcast_in_dim3A_1239, %select_n3A_1235 : vector<16xi1>, vector<16xi32>
      %gt3A_1241 = arith.cmpf ogt, %select_n3A_1132, %select_n3A_1237 : vector<16xf32>
      %select_n3A_1242 = arith.select %gt3A_1241, %select_n3A_1132, %select_n3A_1237 : vector<16xi1>, vector<16xf32>
      %jit3A_1243 = arith.constant 11 : i32
      %broadcast_in_dim3A_1244 = vector.broadcast %jit3A_1243 : i32 to vector<16xi32>
      %select_n3A_1245 = arith.select %gt3A_1241, %broadcast_in_dim3A_1244, %select_n3A_1240 : vector<16xi1>, vector<16xi32>
      %gt3A_1246 = arith.cmpf ogt, %select_n3A_1139, %select_n3A_1242 : vector<16xf32>
      %select_n3A_1247 = arith.select %gt3A_1246, %select_n3A_1139, %select_n3A_1242 : vector<16xi1>, vector<16xf32>
      %jit3A_1248 = arith.constant 12 : i32
      %broadcast_in_dim3A_1249 = vector.broadcast %jit3A_1248 : i32 to vector<16xi32>
      %select_n3A_1250 = arith.select %gt3A_1246, %broadcast_in_dim3A_1249, %select_n3A_1245 : vector<16xi1>, vector<16xi32>
      %gt3A_1251 = arith.cmpf ogt, %select_n3A_1146, %select_n3A_1247 : vector<16xf32>
      %select_n3A_1252 = arith.select %gt3A_1251, %select_n3A_1146, %select_n3A_1247 : vector<16xi1>, vector<16xf32>
      %jit3A_1253 = arith.constant 13 : i32
      %broadcast_in_dim3A_1254 = vector.broadcast %jit3A_1253 : i32 to vector<16xi32>
      %select_n3A_1255 = arith.select %gt3A_1251, %broadcast_in_dim3A_1254, %select_n3A_1250 : vector<16xi1>, vector<16xi32>
      %gt3A_1256 = arith.cmpf ogt, %select_n3A_1153, %select_n3A_1252 : vector<16xf32>
      %select_n3A_1257 = arith.select %gt3A_1256, %select_n3A_1153, %select_n3A_1252 : vector<16xi1>, vector<16xf32>
      %jit3A_1258 = arith.constant 14 : i32
      %broadcast_in_dim3A_1259 = vector.broadcast %jit3A_1258 : i32 to vector<16xi32>
      %select_n3A_1260 = arith.select %gt3A_1256, %broadcast_in_dim3A_1259, %select_n3A_1255 : vector<16xi1>, vector<16xi32>
      %gt3A_1261 = arith.cmpf ogt, %select_n3A_1160, %select_n3A_1257 : vector<16xf32>
      %select_n3A_1262 = arith.select %gt3A_1261, %select_n3A_1160, %select_n3A_1257 : vector<16xi1>, vector<16xf32>
      %jit3A_1263 = arith.constant 15 : i32
      %broadcast_in_dim3A_1264 = vector.broadcast %jit3A_1263 : i32 to vector<16xi32>
      %select_n3A_1265 = arith.select %gt3A_1261, %broadcast_in_dim3A_1264, %select_n3A_1260 : vector<16xi1>, vector<16xi32>
      %gt3A_1266 = arith.cmpf ogt, %select_n3A_1167, %select_n3A_1262 : vector<16xf32>
      %select_n3A_1267 = arith.select %gt3A_1266, %select_n3A_1167, %select_n3A_1262 : vector<16xi1>, vector<16xf32>
      %jit3A_1268 = arith.constant 16 : i32
      %broadcast_in_dim3A_1269 = vector.broadcast %jit3A_1268 : i32 to vector<16xi32>
      %select_n3A_1270 = arith.select %gt3A_1266, %broadcast_in_dim3A_1269, %select_n3A_1265 : vector<16xi1>, vector<16xi32>
      %gt3A_1271 = arith.cmpf ogt, %select_n3A_1174, %select_n3A_1267 : vector<16xf32>
      %select_n3A_1272 = arith.select %gt3A_1271, %select_n3A_1174, %select_n3A_1267 : vector<16xi1>, vector<16xf32>
      %jit3A_1273 = arith.constant 17 : i32
      %broadcast_in_dim3A_1274 = vector.broadcast %jit3A_1273 : i32 to vector<16xi32>
      %select_n3A_1275 = arith.select %gt3A_1271, %broadcast_in_dim3A_1274, %select_n3A_1270 : vector<16xi1>, vector<16xi32>
      %gt3A_1276 = arith.cmpf ogt, %select_n3A_1181, %select_n3A_1272 : vector<16xf32>
      %select_n3A_1277 = arith.select %gt3A_1276, %select_n3A_1181, %select_n3A_1272 : vector<16xi1>, vector<16xf32>
      %jit3A_1278 = arith.constant 18 : i32
      %broadcast_in_dim3A_1279 = vector.broadcast %jit3A_1278 : i32 to vector<16xi32>
      %select_n3A_1280 = arith.select %gt3A_1276, %broadcast_in_dim3A_1279, %select_n3A_1275 : vector<16xi1>, vector<16xi32>
      %gt3A_1281 = arith.cmpf ogt, %select_n3A_1188, %select_n3A_1277 : vector<16xf32>
      %select_n3A_1282 = arith.select %gt3A_1281, %select_n3A_1188, %select_n3A_1277 : vector<16xi1>, vector<16xf32>
      %jit3A_1283 = arith.constant 19 : i32
      %broadcast_in_dim3A_1284 = vector.broadcast %jit3A_1283 : i32 to vector<16xi32>
      %select_n3A_1285 = arith.select %gt3A_1281, %broadcast_in_dim3A_1284, %select_n3A_1280 : vector<16xi1>, vector<16xi32>
      %xor3A_1286 = arith.constant 1 : i32
      %xor3A_1287 = vector.broadcast %xor3A_1286 : i32 to vector<16xi32>
      %xor3A_1288 = arith.xori %iota3A, %xor3A_1287 : vector<16xi32>
      %lt3A_1289 = arith.constant 0 : i32
      %lt3A_1290 = vector.broadcast %lt3A_1289 : i32 to vector<16xi32>
      %lt3A_1291 = arith.cmpi slt, %xor3A_1288, %lt3A_1290 : vector<16xi32>
      %add3A_1292 = arith.constant 16 : i32
      %add3A_1293 = vector.broadcast %add3A_1292 : i32 to vector<16xi32>
      %add3A_1294 = arith.addi %xor3A_1288, %add3A_1293 : vector<16xi32>
      %select_n3A_1295 = arith.select %lt3A_1291, %add3A_1294, %xor3A_1288 : vector<16xi1>, vector<16xi32>
      %broadcast_in_dim3A_1296 = vector.shape_cast %select_n3A_1295 : vector<16xi32> to vector<16x1xi32>
      %gather3A_1297 = vector.shape_cast %broadcast_in_dim3A_1296 : vector<16x1xi32> to vector<16xi32>
      %gather3A_1298 = tpu.dynamic_gather %select_n3A_1282[%gather3A_1297] in [0] : vector<16xf32>, vector<16xi32> -> vector<16xf32>
      %max3A_1299 = arith.maximumf %select_n3A_1282, %gather3A_1298 : vector<16xf32>
      %xor3A_1300 = arith.constant 2 : i32
      %xor3A_1301 = vector.broadcast %xor3A_1300 : i32 to vector<16xi32>
      %xor3A_1302 = arith.xori %iota3A, %xor3A_1301 : vector<16xi32>
      %lt3A_1303 = arith.constant 0 : i32
      %lt3A_1304 = vector.broadcast %lt3A_1303 : i32 to vector<16xi32>
      %lt3A_1305 = arith.cmpi slt, %xor3A_1302, %lt3A_1304 : vector<16xi32>
      %add3A_1306 = arith.constant 16 : i32
      %add3A_1307 = vector.broadcast %add3A_1306 : i32 to vector<16xi32>
      %add3A_1308 = arith.addi %xor3A_1302, %add3A_1307 : vector<16xi32>
      %select_n3A_1309 = arith.select %lt3A_1305, %add3A_1308, %xor3A_1302 : vector<16xi1>, vector<16xi32>
      %broadcast_in_dim3A_1310 = vector.shape_cast %select_n3A_1309 : vector<16xi32> to vector<16x1xi32>
      %gather3A_1311 = vector.shape_cast %broadcast_in_dim3A_1310 : vector<16x1xi32> to vector<16xi32>
      %gather3A_1312 = tpu.dynamic_gather %max3A_1299[%gather3A_1311] in [0] : vector<16xf32>, vector<16xi32> -> vector<16xf32>
      %max3A_1313 = arith.maximumf %max3A_1299, %gather3A_1312 : vector<16xf32>
      %xor3A_1314 = arith.constant 4 : i32
      %xor3A_1315 = vector.broadcast %xor3A_1314 : i32 to vector<16xi32>
      %xor3A_1316 = arith.xori %iota3A, %xor3A_1315 : vector<16xi32>
      %lt3A_1317 = arith.constant 0 : i32
      %lt3A_1318 = vector.broadcast %lt3A_1317 : i32 to vector<16xi32>
      %lt3A_1319 = arith.cmpi slt, %xor3A_1316, %lt3A_1318 : vector<16xi32>
      %add3A_1320 = arith.constant 16 : i32
      %add3A_1321 = vector.broadcast %add3A_1320 : i32 to vector<16xi32>
      %add3A_1322 = arith.addi %xor3A_1316, %add3A_1321 : vector<16xi32>
      %select_n3A_1323 = arith.select %lt3A_1319, %add3A_1322, %xor3A_1316 : vector<16xi1>, vector<16xi32>
      %broadcast_in_dim3A_1324 = vector.shape_cast %select_n3A_1323 : vector<16xi32> to vector<16x1xi32>
      %gather3A_1325 = vector.shape_cast %broadcast_in_dim3A_1324 : vector<16x1xi32> to vector<16xi32>
      %gather3A_1326 = tpu.dynamic_gather %max3A_1313[%gather3A_1325] in [0] : vector<16xf32>, vector<16xi32> -> vector<16xf32>
      %max3A_1327 = arith.maximumf %max3A_1313, %gather3A_1326 : vector<16xf32>
      %xor3A_1328 = arith.constant 8 : i32
      %xor3A_1329 = vector.broadcast %xor3A_1328 : i32 to vector<16xi32>
      %xor3A_1330 = arith.xori %iota3A, %xor3A_1329 : vector<16xi32>
      %lt3A_1331 = arith.constant 0 : i32
      %lt3A_1332 = vector.broadcast %lt3A_1331 : i32 to vector<16xi32>
      %lt3A_1333 = arith.cmpi slt, %xor3A_1330, %lt3A_1332 : vector<16xi32>
      %add3A_1334 = arith.constant 16 : i32
      %add3A_1335 = vector.broadcast %add3A_1334 : i32 to vector<16xi32>
      %add3A_1336 = arith.addi %xor3A_1330, %add3A_1335 : vector<16xi32>
      %select_n3A_1337 = arith.select %lt3A_1333, %add3A_1336, %xor3A_1330 : vector<16xi1>, vector<16xi32>
      %broadcast_in_dim3A_1338 = vector.shape_cast %select_n3A_1337 : vector<16xi32> to vector<16x1xi32>
      %gather3A_1339 = vector.shape_cast %broadcast_in_dim3A_1338 : vector<16x1xi32> to vector<16xi32>
      %gather3A_1340 = tpu.dynamic_gather %max3A_1327[%gather3A_1339] in [0] : vector<16xf32>, vector<16xi32> -> vector<16xf32>
      %max3A_1341 = arith.maximumf %max3A_1327, %gather3A_1340 : vector<16xf32>
      %mul3A_1342 = arith.constant 16 : i32
      %mul3A_1343 = vector.broadcast %mul3A_1342 : i32 to vector<16xi32>
      %mul3A_1344 = arith.muli %select_n3A_1285, %mul3A_1343 : vector<16xi32>
      %add3A_1345 = arith.addi %mul3A_1344, %iota3A : vector<16xi32>
      %eq3A_1346 = arith.cmpf oeq, %select_n3A_1282, %max3A_1341 : vector<16xf32>
      %jit3A_1347 = arith.constant 384 : i32
      %broadcast_in_dim3A_1348 = vector.broadcast %jit3A_1347 : i32 to vector<16xi32>
      %select_n3A_1349 = arith.select %eq3A_1346, %add3A_1345, %broadcast_in_dim3A_1348 : vector<16xi1>, vector<16xi32>
      %xor3A_1350 = arith.constant 1 : i32
      %xor3A_1351 = vector.broadcast %xor3A_1350 : i32 to vector<16xi32>
      %xor3A_1352 = arith.xori %iota3A, %xor3A_1351 : vector<16xi32>
      %lt3A_1353 = arith.constant 0 : i32
      %lt3A_1354 = vector.broadcast %lt3A_1353 : i32 to vector<16xi32>
      %lt3A_1355 = arith.cmpi slt, %xor3A_1352, %lt3A_1354 : vector<16xi32>
      %add3A_1356 = arith.constant 16 : i32
      %add3A_1357 = vector.broadcast %add3A_1356 : i32 to vector<16xi32>
      %add3A_1358 = arith.addi %xor3A_1352, %add3A_1357 : vector<16xi32>
      %select_n3A_1359 = arith.select %lt3A_1355, %add3A_1358, %xor3A_1352 : vector<16xi1>, vector<16xi32>
      %broadcast_in_dim3A_1360 = vector.shape_cast %select_n3A_1359 : vector<16xi32> to vector<16x1xi32>
      %gather3A_1361 = vector.shape_cast %broadcast_in_dim3A_1360 : vector<16x1xi32> to vector<16xi32>
      %gather3A_1362 = tpu.dynamic_gather %select_n3A_1349[%gather3A_1361] in [0] : vector<16xi32>, vector<16xi32> -> vector<16xi32>
      %min3A_1363 = arith.minsi %select_n3A_1349, %gather3A_1362 : vector<16xi32>
      %xor3A_1364 = arith.constant 2 : i32
      %xor3A_1365 = vector.broadcast %xor3A_1364 : i32 to vector<16xi32>
      %xor3A_1366 = arith.xori %iota3A, %xor3A_1365 : vector<16xi32>
      %lt3A_1367 = arith.constant 0 : i32
      %lt3A_1368 = vector.broadcast %lt3A_1367 : i32 to vector<16xi32>
      %lt3A_1369 = arith.cmpi slt, %xor3A_1366, %lt3A_1368 : vector<16xi32>
      %add3A_1370 = arith.constant 16 : i32
      %add3A_1371 = vector.broadcast %add3A_1370 : i32 to vector<16xi32>
      %add3A_1372 = arith.addi %xor3A_1366, %add3A_1371 : vector<16xi32>
      %select_n3A_1373 = arith.select %lt3A_1369, %add3A_1372, %xor3A_1366 : vector<16xi1>, vector<16xi32>
      %broadcast_in_dim3A_1374 = vector.shape_cast %select_n3A_1373 : vector<16xi32> to vector<16x1xi32>
      %gather3A_1375 = vector.shape_cast %broadcast_in_dim3A_1374 : vector<16x1xi32> to vector<16xi32>
      %gather3A_1376 = tpu.dynamic_gather %min3A_1363[%gather3A_1375] in [0] : vector<16xi32>, vector<16xi32> -> vector<16xi32>
      %min3A_1377 = arith.minsi %min3A_1363, %gather3A_1376 : vector<16xi32>
      %xor3A_1378 = arith.constant 4 : i32
      %xor3A_1379 = vector.broadcast %xor3A_1378 : i32 to vector<16xi32>
      %xor3A_1380 = arith.xori %iota3A, %xor3A_1379 : vector<16xi32>
      %lt3A_1381 = arith.constant 0 : i32
      %lt3A_1382 = vector.broadcast %lt3A_1381 : i32 to vector<16xi32>
      %lt3A_1383 = arith.cmpi slt, %xor3A_1380, %lt3A_1382 : vector<16xi32>
      %add3A_1384 = arith.constant 16 : i32
      %add3A_1385 = vector.broadcast %add3A_1384 : i32 to vector<16xi32>
      %add3A_1386 = arith.addi %xor3A_1380, %add3A_1385 : vector<16xi32>
      %select_n3A_1387 = arith.select %lt3A_1383, %add3A_1386, %xor3A_1380 : vector<16xi1>, vector<16xi32>
      %broadcast_in_dim3A_1388 = vector.shape_cast %select_n3A_1387 : vector<16xi32> to vector<16x1xi32>
      %gather3A_1389 = vector.shape_cast %broadcast_in_dim3A_1388 : vector<16x1xi32> to vector<16xi32>
      %gather3A_1390 = tpu.dynamic_gather %min3A_1377[%gather3A_1389] in [0] : vector<16xi32>, vector<16xi32> -> vector<16xi32>
      %min3A_1391 = arith.minsi %min3A_1377, %gather3A_1390 : vector<16xi32>
      %xor3A_1392 = arith.constant 8 : i32
      %xor3A_1393 = vector.broadcast %xor3A_1392 : i32 to vector<16xi32>
      %xor3A_1394 = arith.xori %iota3A, %xor3A_1393 : vector<16xi32>
      %lt3A_1395 = arith.constant 0 : i32
      %lt3A_1396 = vector.broadcast %lt3A_1395 : i32 to vector<16xi32>
      %lt3A_1397 = arith.cmpi slt, %xor3A_1394, %lt3A_1396 : vector<16xi32>
      %add3A_1398 = arith.constant 16 : i32
      %add3A_1399 = vector.broadcast %add3A_1398 : i32 to vector<16xi32>
      %add3A_1400 = arith.addi %xor3A_1394, %add3A_1399 : vector<16xi32>
      %select_n3A_1401 = arith.select %lt3A_1397, %add3A_1400, %xor3A_1394 : vector<16xi1>, vector<16xi32>
      %broadcast_in_dim3A_1402 = vector.shape_cast %select_n3A_1401 : vector<16xi32> to vector<16x1xi32>
      %gather3A_1403 = vector.shape_cast %broadcast_in_dim3A_1402 : vector<16x1xi32> to vector<16xi32>
      %gather3A_1404 = tpu.dynamic_gather %min3A_1391[%gather3A_1403] in [0] : vector<16xi32>, vector<16xi32> -> vector<16xi32>
      %min3A_1405 = arith.minsi %min3A_1391, %gather3A_1404 : vector<16xi32>
      %eq3A_1406 = arith.constant 3 : i32
      %eq3A_1407 = vector.broadcast %eq3A_1406 : i32 to vector<16xi32>
      %eq3A_1408 = arith.cmpi eq, %iota3A, %eq3A_1407 : vector<16xi32>
      %select_n3A_1409 = arith.select %eq3A_1408, %max3A_1341, %select_n3A_1048 : vector<16xi1>, vector<16xf32>
      %add3A_1410 = arith.constant 0 : i32
      %add3A_1411 = vector.broadcast %add3A_1410 : i32 to vector<16xi32>
      %add3A_1412 = arith.addi %iota3A, %add3A_1411 : vector<16xi32>
      %eq3A_1413 = arith.cmpi eq, %add3A_1412, %min3A_1405 : vector<16xi32>
      %jit3A_1414 = arith.constant 0xFF800000 : f32
      %broadcast_in_dim3A_1415 = vector.broadcast %jit3A_1414 : f32 to vector<16xf32>
      %select_n3A_1416 = arith.select %eq3A_1413, %broadcast_in_dim3A_1415, %select_n3A_1055 : vector<16xi1>, vector<16xf32>
      %add3A_1417 = arith.constant 16 : i32
      %add3A_1418 = vector.broadcast %add3A_1417 : i32 to vector<16xi32>
      %add3A_1419 = arith.addi %iota3A, %add3A_1418 : vector<16xi32>
      %eq3A_1420 = arith.cmpi eq, %add3A_1419, %min3A_1405 : vector<16xi32>
      %jit3A_1421 = arith.constant 0xFF800000 : f32
      %broadcast_in_dim3A_1422 = vector.broadcast %jit3A_1421 : f32 to vector<16xf32>
      %select_n3A_1423 = arith.select %eq3A_1420, %broadcast_in_dim3A_1422, %select_n3A_1062 : vector<16xi1>, vector<16xf32>
      %add3A_1424 = arith.constant 32 : i32
      %add3A_1425 = vector.broadcast %add3A_1424 : i32 to vector<16xi32>
      %add3A_1426 = arith.addi %iota3A, %add3A_1425 : vector<16xi32>
      %eq3A_1427 = arith.cmpi eq, %add3A_1426, %min3A_1405 : vector<16xi32>
      %jit3A_1428 = arith.constant 0xFF800000 : f32
      %broadcast_in_dim3A_1429 = vector.broadcast %jit3A_1428 : f32 to vector<16xf32>
      %select_n3A_1430 = arith.select %eq3A_1427, %broadcast_in_dim3A_1429, %select_n3A_1069 : vector<16xi1>, vector<16xf32>
      %add3A_1431 = arith.constant 48 : i32
      %add3A_1432 = vector.broadcast %add3A_1431 : i32 to vector<16xi32>
      %add3A_1433 = arith.addi %iota3A, %add3A_1432 : vector<16xi32>
      %eq3A_1434 = arith.cmpi eq, %add3A_1433, %min3A_1405 : vector<16xi32>
      %jit3A_1435 = arith.constant 0xFF800000 : f32
      %broadcast_in_dim3A_1436 = vector.broadcast %jit3A_1435 : f32 to vector<16xf32>
      %select_n3A_1437 = arith.select %eq3A_1434, %broadcast_in_dim3A_1436, %select_n3A_1076 : vector<16xi1>, vector<16xf32>
      %add3A_1438 = arith.constant 64 : i32
      %add3A_1439 = vector.broadcast %add3A_1438 : i32 to vector<16xi32>
      %add3A_1440 = arith.addi %iota3A, %add3A_1439 : vector<16xi32>
      %eq3A_1441 = arith.cmpi eq, %add3A_1440, %min3A_1405 : vector<16xi32>
      %jit3A_1442 = arith.constant 0xFF800000 : f32
      %broadcast_in_dim3A_1443 = vector.broadcast %jit3A_1442 : f32 to vector<16xf32>
      %select_n3A_1444 = arith.select %eq3A_1441, %broadcast_in_dim3A_1443, %select_n3A_1083 : vector<16xi1>, vector<16xf32>
      %add3A_1445 = arith.constant 80 : i32
      %add3A_1446 = vector.broadcast %add3A_1445 : i32 to vector<16xi32>
      %add3A_1447 = arith.addi %iota3A, %add3A_1446 : vector<16xi32>
      %eq3A_1448 = arith.cmpi eq, %add3A_1447, %min3A_1405 : vector<16xi32>
      %jit3A_1449 = arith.constant 0xFF800000 : f32
      %broadcast_in_dim3A_1450 = vector.broadcast %jit3A_1449 : f32 to vector<16xf32>
      %select_n3A_1451 = arith.select %eq3A_1448, %broadcast_in_dim3A_1450, %select_n3A_1090 : vector<16xi1>, vector<16xf32>
      %add3A_1452 = arith.constant 96 : i32
      %add3A_1453 = vector.broadcast %add3A_1452 : i32 to vector<16xi32>
      %add3A_1454 = arith.addi %iota3A, %add3A_1453 : vector<16xi32>
      %eq3A_1455 = arith.cmpi eq, %add3A_1454, %min3A_1405 : vector<16xi32>
      %jit3A_1456 = arith.constant 0xFF800000 : f32
      %broadcast_in_dim3A_1457 = vector.broadcast %jit3A_1456 : f32 to vector<16xf32>
      %select_n3A_1458 = arith.select %eq3A_1455, %broadcast_in_dim3A_1457, %select_n3A_1097 : vector<16xi1>, vector<16xf32>
      %add3A_1459 = arith.constant 112 : i32
      %add3A_1460 = vector.broadcast %add3A_1459 : i32 to vector<16xi32>
      %add3A_1461 = arith.addi %iota3A, %add3A_1460 : vector<16xi32>
      %eq3A_1462 = arith.cmpi eq, %add3A_1461, %min3A_1405 : vector<16xi32>
      %jit3A_1463 = arith.constant 0xFF800000 : f32
      %broadcast_in_dim3A_1464 = vector.broadcast %jit3A_1463 : f32 to vector<16xf32>
      %select_n3A_1465 = arith.select %eq3A_1462, %broadcast_in_dim3A_1464, %select_n3A_1104 : vector<16xi1>, vector<16xf32>
      %add3A_1466 = arith.constant 128 : i32
      %add3A_1467 = vector.broadcast %add3A_1466 : i32 to vector<16xi32>
      %add3A_1468 = arith.addi %iota3A, %add3A_1467 : vector<16xi32>
      %eq3A_1469 = arith.cmpi eq, %add3A_1468, %min3A_1405 : vector<16xi32>
      %jit3A_1470 = arith.constant 0xFF800000 : f32
      %broadcast_in_dim3A_1471 = vector.broadcast %jit3A_1470 : f32 to vector<16xf32>
      %select_n3A_1472 = arith.select %eq3A_1469, %broadcast_in_dim3A_1471, %select_n3A_1111 : vector<16xi1>, vector<16xf32>
      %add3A_1473 = arith.constant 144 : i32
      %add3A_1474 = vector.broadcast %add3A_1473 : i32 to vector<16xi32>
      %add3A_1475 = arith.addi %iota3A, %add3A_1474 : vector<16xi32>
      %eq3A_1476 = arith.cmpi eq, %add3A_1475, %min3A_1405 : vector<16xi32>
      %jit3A_1477 = arith.constant 0xFF800000 : f32
      %broadcast_in_dim3A_1478 = vector.broadcast %jit3A_1477 : f32 to vector<16xf32>
      %select_n3A_1479 = arith.select %eq3A_1476, %broadcast_in_dim3A_1478, %select_n3A_1118 : vector<16xi1>, vector<16xf32>
      %add3A_1480 = arith.constant 160 : i32
      %add3A_1481 = vector.broadcast %add3A_1480 : i32 to vector<16xi32>
      %add3A_1482 = arith.addi %iota3A, %add3A_1481 : vector<16xi32>
      %eq3A_1483 = arith.cmpi eq, %add3A_1482, %min3A_1405 : vector<16xi32>
      %jit3A_1484 = arith.constant 0xFF800000 : f32
      %broadcast_in_dim3A_1485 = vector.broadcast %jit3A_1484 : f32 to vector<16xf32>
      %select_n3A_1486 = arith.select %eq3A_1483, %broadcast_in_dim3A_1485, %select_n3A_1125 : vector<16xi1>, vector<16xf32>
      %add3A_1487 = arith.constant 176 : i32
      %add3A_1488 = vector.broadcast %add3A_1487 : i32 to vector<16xi32>
      %add3A_1489 = arith.addi %iota3A, %add3A_1488 : vector<16xi32>
      %eq3A_1490 = arith.cmpi eq, %add3A_1489, %min3A_1405 : vector<16xi32>
      %jit3A_1491 = arith.constant 0xFF800000 : f32
      %broadcast_in_dim3A_1492 = vector.broadcast %jit3A_1491 : f32 to vector<16xf32>
      %select_n3A_1493 = arith.select %eq3A_1490, %broadcast_in_dim3A_1492, %select_n3A_1132 : vector<16xi1>, vector<16xf32>
      %add3A_1494 = arith.constant 192 : i32
      %add3A_1495 = vector.broadcast %add3A_1494 : i32 to vector<16xi32>
      %add3A_1496 = arith.addi %iota3A, %add3A_1495 : vector<16xi32>
      %eq3A_1497 = arith.cmpi eq, %add3A_1496, %min3A_1405 : vector<16xi32>
      %jit3A_1498 = arith.constant 0xFF800000 : f32
      %broadcast_in_dim3A_1499 = vector.broadcast %jit3A_1498 : f32 to vector<16xf32>
      %select_n3A_1500 = arith.select %eq3A_1497, %broadcast_in_dim3A_1499, %select_n3A_1139 : vector<16xi1>, vector<16xf32>
      %add3A_1501 = arith.constant 208 : i32
      %add3A_1502 = vector.broadcast %add3A_1501 : i32 to vector<16xi32>
      %add3A_1503 = arith.addi %iota3A, %add3A_1502 : vector<16xi32>
      %eq3A_1504 = arith.cmpi eq, %add3A_1503, %min3A_1405 : vector<16xi32>
      %jit3A_1505 = arith.constant 0xFF800000 : f32
      %broadcast_in_dim3A_1506 = vector.broadcast %jit3A_1505 : f32 to vector<16xf32>
      %select_n3A_1507 = arith.select %eq3A_1504, %broadcast_in_dim3A_1506, %select_n3A_1146 : vector<16xi1>, vector<16xf32>
      %add3A_1508 = arith.constant 224 : i32
      %add3A_1509 = vector.broadcast %add3A_1508 : i32 to vector<16xi32>
      %add3A_1510 = arith.addi %iota3A, %add3A_1509 : vector<16xi32>
      %eq3A_1511 = arith.cmpi eq, %add3A_1510, %min3A_1405 : vector<16xi32>
      %jit3A_1512 = arith.constant 0xFF800000 : f32
      %broadcast_in_dim3A_1513 = vector.broadcast %jit3A_1512 : f32 to vector<16xf32>
      %select_n3A_1514 = arith.select %eq3A_1511, %broadcast_in_dim3A_1513, %select_n3A_1153 : vector<16xi1>, vector<16xf32>
      %add3A_1515 = arith.constant 240 : i32
      %add3A_1516 = vector.broadcast %add3A_1515 : i32 to vector<16xi32>
      %add3A_1517 = arith.addi %iota3A, %add3A_1516 : vector<16xi32>
      %eq3A_1518 = arith.cmpi eq, %add3A_1517, %min3A_1405 : vector<16xi32>
      %jit3A_1519 = arith.constant 0xFF800000 : f32
      %broadcast_in_dim3A_1520 = vector.broadcast %jit3A_1519 : f32 to vector<16xf32>
      %select_n3A_1521 = arith.select %eq3A_1518, %broadcast_in_dim3A_1520, %select_n3A_1160 : vector<16xi1>, vector<16xf32>
      %add3A_1522 = arith.constant 256 : i32
      %add3A_1523 = vector.broadcast %add3A_1522 : i32 to vector<16xi32>
      %add3A_1524 = arith.addi %iota3A, %add3A_1523 : vector<16xi32>
      %eq3A_1525 = arith.cmpi eq, %add3A_1524, %min3A_1405 : vector<16xi32>
      %jit3A_1526 = arith.constant 0xFF800000 : f32
      %broadcast_in_dim3A_1527 = vector.broadcast %jit3A_1526 : f32 to vector<16xf32>
      %select_n3A_1528 = arith.select %eq3A_1525, %broadcast_in_dim3A_1527, %select_n3A_1167 : vector<16xi1>, vector<16xf32>
      %add3A_1529 = arith.constant 272 : i32
      %add3A_1530 = vector.broadcast %add3A_1529 : i32 to vector<16xi32>
      %add3A_1531 = arith.addi %iota3A, %add3A_1530 : vector<16xi32>
      %eq3A_1532 = arith.cmpi eq, %add3A_1531, %min3A_1405 : vector<16xi32>
      %jit3A_1533 = arith.constant 0xFF800000 : f32
      %broadcast_in_dim3A_1534 = vector.broadcast %jit3A_1533 : f32 to vector<16xf32>
      %select_n3A_1535 = arith.select %eq3A_1532, %broadcast_in_dim3A_1534, %select_n3A_1174 : vector<16xi1>, vector<16xf32>
      %add3A_1536 = arith.constant 288 : i32
      %add3A_1537 = vector.broadcast %add3A_1536 : i32 to vector<16xi32>
      %add3A_1538 = arith.addi %iota3A, %add3A_1537 : vector<16xi32>
      %eq3A_1539 = arith.cmpi eq, %add3A_1538, %min3A_1405 : vector<16xi32>
      %jit3A_1540 = arith.constant 0xFF800000 : f32
      %broadcast_in_dim3A_1541 = vector.broadcast %jit3A_1540 : f32 to vector<16xf32>
      %select_n3A_1542 = arith.select %eq3A_1539, %broadcast_in_dim3A_1541, %select_n3A_1181 : vector<16xi1>, vector<16xf32>
      %add3A_1543 = arith.constant 304 : i32
      %add3A_1544 = vector.broadcast %add3A_1543 : i32 to vector<16xi32>
      %add3A_1545 = arith.addi %iota3A, %add3A_1544 : vector<16xi32>
      %eq3A_1546 = arith.cmpi eq, %add3A_1545, %min3A_1405 : vector<16xi32>
      %jit3A_1547 = arith.constant 0xFF800000 : f32
      %broadcast_in_dim3A_1548 = vector.broadcast %jit3A_1547 : f32 to vector<16xf32>
      %select_n3A_1549 = arith.select %eq3A_1546, %broadcast_in_dim3A_1548, %select_n3A_1188 : vector<16xi1>, vector<16xf32>
      %broadcast_in_dim3A_1550 = arith.constant 0 : i32
      %broadcast_in_dim3A_1551 = vector.broadcast %broadcast_in_dim3A_1550 : i32 to vector<16xi32>
      %gt3A_1552 = arith.cmpf ogt, %select_n3A_1423, %select_n3A_1416 : vector<16xf32>
      %select_n3A_1553 = arith.select %gt3A_1552, %select_n3A_1423, %select_n3A_1416 : vector<16xi1>, vector<16xf32>
      %jit3A_1554 = arith.constant 1 : i32
      %broadcast_in_dim3A_1555 = vector.broadcast %jit3A_1554 : i32 to vector<16xi32>
      %select_n3A_1556 = arith.select %gt3A_1552, %broadcast_in_dim3A_1555, %broadcast_in_dim3A_1551 : vector<16xi1>, vector<16xi32>
      %gt3A_1557 = arith.cmpf ogt, %select_n3A_1430, %select_n3A_1553 : vector<16xf32>
      %select_n3A_1558 = arith.select %gt3A_1557, %select_n3A_1430, %select_n3A_1553 : vector<16xi1>, vector<16xf32>
      %jit3A_1559 = arith.constant 2 : i32
      %broadcast_in_dim3A_1560 = vector.broadcast %jit3A_1559 : i32 to vector<16xi32>
      %select_n3A_1561 = arith.select %gt3A_1557, %broadcast_in_dim3A_1560, %select_n3A_1556 : vector<16xi1>, vector<16xi32>
      %gt3A_1562 = arith.cmpf ogt, %select_n3A_1437, %select_n3A_1558 : vector<16xf32>
      %select_n3A_1563 = arith.select %gt3A_1562, %select_n3A_1437, %select_n3A_1558 : vector<16xi1>, vector<16xf32>
      %jit3A_1564 = arith.constant 3 : i32
      %broadcast_in_dim3A_1565 = vector.broadcast %jit3A_1564 : i32 to vector<16xi32>
      %select_n3A_1566 = arith.select %gt3A_1562, %broadcast_in_dim3A_1565, %select_n3A_1561 : vector<16xi1>, vector<16xi32>
      %gt3A_1567 = arith.cmpf ogt, %select_n3A_1444, %select_n3A_1563 : vector<16xf32>
      %select_n3A_1568 = arith.select %gt3A_1567, %select_n3A_1444, %select_n3A_1563 : vector<16xi1>, vector<16xf32>
      %jit3A_1569 = arith.constant 4 : i32
      %broadcast_in_dim3A_1570 = vector.broadcast %jit3A_1569 : i32 to vector<16xi32>
      %select_n3A_1571 = arith.select %gt3A_1567, %broadcast_in_dim3A_1570, %select_n3A_1566 : vector<16xi1>, vector<16xi32>
      %gt3A_1572 = arith.cmpf ogt, %select_n3A_1451, %select_n3A_1568 : vector<16xf32>
      %select_n3A_1573 = arith.select %gt3A_1572, %select_n3A_1451, %select_n3A_1568 : vector<16xi1>, vector<16xf32>
      %jit3A_1574 = arith.constant 5 : i32
      %broadcast_in_dim3A_1575 = vector.broadcast %jit3A_1574 : i32 to vector<16xi32>
      %select_n3A_1576 = arith.select %gt3A_1572, %broadcast_in_dim3A_1575, %select_n3A_1571 : vector<16xi1>, vector<16xi32>
      %gt3A_1577 = arith.cmpf ogt, %select_n3A_1458, %select_n3A_1573 : vector<16xf32>
      %select_n3A_1578 = arith.select %gt3A_1577, %select_n3A_1458, %select_n3A_1573 : vector<16xi1>, vector<16xf32>
      %jit3A_1579 = arith.constant 6 : i32
      %broadcast_in_dim3A_1580 = vector.broadcast %jit3A_1579 : i32 to vector<16xi32>
      %select_n3A_1581 = arith.select %gt3A_1577, %broadcast_in_dim3A_1580, %select_n3A_1576 : vector<16xi1>, vector<16xi32>
      %gt3A_1582 = arith.cmpf ogt, %select_n3A_1465, %select_n3A_1578 : vector<16xf32>
      %select_n3A_1583 = arith.select %gt3A_1582, %select_n3A_1465, %select_n3A_1578 : vector<16xi1>, vector<16xf32>
      %jit3A_1584 = arith.constant 7 : i32
      %broadcast_in_dim3A_1585 = vector.broadcast %jit3A_1584 : i32 to vector<16xi32>
      %select_n3A_1586 = arith.select %gt3A_1582, %broadcast_in_dim3A_1585, %select_n3A_1581 : vector<16xi1>, vector<16xi32>
      %gt3A_1587 = arith.cmpf ogt, %select_n3A_1472, %select_n3A_1583 : vector<16xf32>
      %select_n3A_1588 = arith.select %gt3A_1587, %select_n3A_1472, %select_n3A_1583 : vector<16xi1>, vector<16xf32>
      %jit3A_1589 = arith.constant 8 : i32
      %broadcast_in_dim3A_1590 = vector.broadcast %jit3A_1589 : i32 to vector<16xi32>
      %select_n3A_1591 = arith.select %gt3A_1587, %broadcast_in_dim3A_1590, %select_n3A_1586 : vector<16xi1>, vector<16xi32>
      %gt3A_1592 = arith.cmpf ogt, %select_n3A_1479, %select_n3A_1588 : vector<16xf32>
      %select_n3A_1593 = arith.select %gt3A_1592, %select_n3A_1479, %select_n3A_1588 : vector<16xi1>, vector<16xf32>
      %jit3A_1594 = arith.constant 9 : i32
      %broadcast_in_dim3A_1595 = vector.broadcast %jit3A_1594 : i32 to vector<16xi32>
      %select_n3A_1596 = arith.select %gt3A_1592, %broadcast_in_dim3A_1595, %select_n3A_1591 : vector<16xi1>, vector<16xi32>
      %gt3A_1597 = arith.cmpf ogt, %select_n3A_1486, %select_n3A_1593 : vector<16xf32>
      %select_n3A_1598 = arith.select %gt3A_1597, %select_n3A_1486, %select_n3A_1593 : vector<16xi1>, vector<16xf32>
      %jit3A_1599 = arith.constant 10 : i32
      %broadcast_in_dim3A_1600 = vector.broadcast %jit3A_1599 : i32 to vector<16xi32>
      %select_n3A_1601 = arith.select %gt3A_1597, %broadcast_in_dim3A_1600, %select_n3A_1596 : vector<16xi1>, vector<16xi32>
      %gt3A_1602 = arith.cmpf ogt, %select_n3A_1493, %select_n3A_1598 : vector<16xf32>
      %select_n3A_1603 = arith.select %gt3A_1602, %select_n3A_1493, %select_n3A_1598 : vector<16xi1>, vector<16xf32>
      %jit3A_1604 = arith.constant 11 : i32
      %broadcast_in_dim3A_1605 = vector.broadcast %jit3A_1604 : i32 to vector<16xi32>
      %select_n3A_1606 = arith.select %gt3A_1602, %broadcast_in_dim3A_1605, %select_n3A_1601 : vector<16xi1>, vector<16xi32>
      %gt3A_1607 = arith.cmpf ogt, %select_n3A_1500, %select_n3A_1603 : vector<16xf32>
      %select_n3A_1608 = arith.select %gt3A_1607, %select_n3A_1500, %select_n3A_1603 : vector<16xi1>, vector<16xf32>
      %jit3A_1609 = arith.constant 12 : i32
      %broadcast_in_dim3A_1610 = vector.broadcast %jit3A_1609 : i32 to vector<16xi32>
      %select_n3A_1611 = arith.select %gt3A_1607, %broadcast_in_dim3A_1610, %select_n3A_1606 : vector<16xi1>, vector<16xi32>
      %gt3A_1612 = arith.cmpf ogt, %select_n3A_1507, %select_n3A_1608 : vector<16xf32>
      %select_n3A_1613 = arith.select %gt3A_1612, %select_n3A_1507, %select_n3A_1608 : vector<16xi1>, vector<16xf32>
      %jit3A_1614 = arith.constant 13 : i32
      %broadcast_in_dim3A_1615 = vector.broadcast %jit3A_1614 : i32 to vector<16xi32>
      %select_n3A_1616 = arith.select %gt3A_1612, %broadcast_in_dim3A_1615, %select_n3A_1611 : vector<16xi1>, vector<16xi32>
      %gt3A_1617 = arith.cmpf ogt, %select_n3A_1514, %select_n3A_1613 : vector<16xf32>
      %select_n3A_1618 = arith.select %gt3A_1617, %select_n3A_1514, %select_n3A_1613 : vector<16xi1>, vector<16xf32>
      %jit3A_1619 = arith.constant 14 : i32
      %broadcast_in_dim3A_1620 = vector.broadcast %jit3A_1619 : i32 to vector<16xi32>
      %select_n3A_1621 = arith.select %gt3A_1617, %broadcast_in_dim3A_1620, %select_n3A_1616 : vector<16xi1>, vector<16xi32>
      %gt3A_1622 = arith.cmpf ogt, %select_n3A_1521, %select_n3A_1618 : vector<16xf32>
      %select_n3A_1623 = arith.select %gt3A_1622, %select_n3A_1521, %select_n3A_1618 : vector<16xi1>, vector<16xf32>
      %jit3A_1624 = arith.constant 15 : i32
      %broadcast_in_dim3A_1625 = vector.broadcast %jit3A_1624 : i32 to vector<16xi32>
      %select_n3A_1626 = arith.select %gt3A_1622, %broadcast_in_dim3A_1625, %select_n3A_1621 : vector<16xi1>, vector<16xi32>
      %gt3A_1627 = arith.cmpf ogt, %select_n3A_1528, %select_n3A_1623 : vector<16xf32>
      %select_n3A_1628 = arith.select %gt3A_1627, %select_n3A_1528, %select_n3A_1623 : vector<16xi1>, vector<16xf32>
      %jit3A_1629 = arith.constant 16 : i32
      %broadcast_in_dim3A_1630 = vector.broadcast %jit3A_1629 : i32 to vector<16xi32>
      %select_n3A_1631 = arith.select %gt3A_1627, %broadcast_in_dim3A_1630, %select_n3A_1626 : vector<16xi1>, vector<16xi32>
      %gt3A_1632 = arith.cmpf ogt, %select_n3A_1535, %select_n3A_1628 : vector<16xf32>
      %select_n3A_1633 = arith.select %gt3A_1632, %select_n3A_1535, %select_n3A_1628 : vector<16xi1>, vector<16xf32>
      %jit3A_1634 = arith.constant 17 : i32
      %broadcast_in_dim3A_1635 = vector.broadcast %jit3A_1634 : i32 to vector<16xi32>
      %select_n3A_1636 = arith.select %gt3A_1632, %broadcast_in_dim3A_1635, %select_n3A_1631 : vector<16xi1>, vector<16xi32>
      %gt3A_1637 = arith.cmpf ogt, %select_n3A_1542, %select_n3A_1633 : vector<16xf32>
      %select_n3A_1638 = arith.select %gt3A_1637, %select_n3A_1542, %select_n3A_1633 : vector<16xi1>, vector<16xf32>
      %jit3A_1639 = arith.constant 18 : i32
      %broadcast_in_dim3A_1640 = vector.broadcast %jit3A_1639 : i32 to vector<16xi32>
      %select_n3A_1641 = arith.select %gt3A_1637, %broadcast_in_dim3A_1640, %select_n3A_1636 : vector<16xi1>, vector<16xi32>
      %gt3A_1642 = arith.cmpf ogt, %select_n3A_1549, %select_n3A_1638 : vector<16xf32>
      %select_n3A_1643 = arith.select %gt3A_1642, %select_n3A_1549, %select_n3A_1638 : vector<16xi1>, vector<16xf32>
      %jit3A_1644 = arith.constant 19 : i32
      %broadcast_in_dim3A_1645 = vector.broadcast %jit3A_1644 : i32 to vector<16xi32>
      %select_n3A_1646 = arith.select %gt3A_1642, %broadcast_in_dim3A_1645, %select_n3A_1641 : vector<16xi1>, vector<16xi32>
      %xor3A_1647 = arith.constant 1 : i32
      %xor3A_1648 = vector.broadcast %xor3A_1647 : i32 to vector<16xi32>
      %xor3A_1649 = arith.xori %iota3A, %xor3A_1648 : vector<16xi32>
      %lt3A_1650 = arith.constant 0 : i32
      %lt3A_1651 = vector.broadcast %lt3A_1650 : i32 to vector<16xi32>
      %lt3A_1652 = arith.cmpi slt, %xor3A_1649, %lt3A_1651 : vector<16xi32>
      %add3A_1653 = arith.constant 16 : i32
      %add3A_1654 = vector.broadcast %add3A_1653 : i32 to vector<16xi32>
      %add3A_1655 = arith.addi %xor3A_1649, %add3A_1654 : vector<16xi32>
      %select_n3A_1656 = arith.select %lt3A_1652, %add3A_1655, %xor3A_1649 : vector<16xi1>, vector<16xi32>
      %broadcast_in_dim3A_1657 = vector.shape_cast %select_n3A_1656 : vector<16xi32> to vector<16x1xi32>
      %gather3A_1658 = vector.shape_cast %broadcast_in_dim3A_1657 : vector<16x1xi32> to vector<16xi32>
      %gather3A_1659 = tpu.dynamic_gather %select_n3A_1643[%gather3A_1658] in [0] : vector<16xf32>, vector<16xi32> -> vector<16xf32>
      %max3A_1660 = arith.maximumf %select_n3A_1643, %gather3A_1659 : vector<16xf32>
      %xor3A_1661 = arith.constant 2 : i32
      %xor3A_1662 = vector.broadcast %xor3A_1661 : i32 to vector<16xi32>
      %xor3A_1663 = arith.xori %iota3A, %xor3A_1662 : vector<16xi32>
      %lt3A_1664 = arith.constant 0 : i32
      %lt3A_1665 = vector.broadcast %lt3A_1664 : i32 to vector<16xi32>
      %lt3A_1666 = arith.cmpi slt, %xor3A_1663, %lt3A_1665 : vector<16xi32>
      %add3A_1667 = arith.constant 16 : i32
      %add3A_1668 = vector.broadcast %add3A_1667 : i32 to vector<16xi32>
      %add3A_1669 = arith.addi %xor3A_1663, %add3A_1668 : vector<16xi32>
      %select_n3A_1670 = arith.select %lt3A_1666, %add3A_1669, %xor3A_1663 : vector<16xi1>, vector<16xi32>
      %broadcast_in_dim3A_1671 = vector.shape_cast %select_n3A_1670 : vector<16xi32> to vector<16x1xi32>
      %gather3A_1672 = vector.shape_cast %broadcast_in_dim3A_1671 : vector<16x1xi32> to vector<16xi32>
      %gather3A_1673 = tpu.dynamic_gather %max3A_1660[%gather3A_1672] in [0] : vector<16xf32>, vector<16xi32> -> vector<16xf32>
      %max3A_1674 = arith.maximumf %max3A_1660, %gather3A_1673 : vector<16xf32>
      %xor3A_1675 = arith.constant 4 : i32
      %xor3A_1676 = vector.broadcast %xor3A_1675 : i32 to vector<16xi32>
      %xor3A_1677 = arith.xori %iota3A, %xor3A_1676 : vector<16xi32>
      %lt3A_1678 = arith.constant 0 : i32
      %lt3A_1679 = vector.broadcast %lt3A_1678 : i32 to vector<16xi32>
      %lt3A_1680 = arith.cmpi slt, %xor3A_1677, %lt3A_1679 : vector<16xi32>
      %add3A_1681 = arith.constant 16 : i32
      %add3A_1682 = vector.broadcast %add3A_1681 : i32 to vector<16xi32>
      %add3A_1683 = arith.addi %xor3A_1677, %add3A_1682 : vector<16xi32>
      %select_n3A_1684 = arith.select %lt3A_1680, %add3A_1683, %xor3A_1677 : vector<16xi1>, vector<16xi32>
      %broadcast_in_dim3A_1685 = vector.shape_cast %select_n3A_1684 : vector<16xi32> to vector<16x1xi32>
      %gather3A_1686 = vector.shape_cast %broadcast_in_dim3A_1685 : vector<16x1xi32> to vector<16xi32>
      %gather3A_1687 = tpu.dynamic_gather %max3A_1674[%gather3A_1686] in [0] : vector<16xf32>, vector<16xi32> -> vector<16xf32>
      %max3A_1688 = arith.maximumf %max3A_1674, %gather3A_1687 : vector<16xf32>
      %xor3A_1689 = arith.constant 8 : i32
      %xor3A_1690 = vector.broadcast %xor3A_1689 : i32 to vector<16xi32>
      %xor3A_1691 = arith.xori %iota3A, %xor3A_1690 : vector<16xi32>
      %lt3A_1692 = arith.constant 0 : i32
      %lt3A_1693 = vector.broadcast %lt3A_1692 : i32 to vector<16xi32>
      %lt3A_1694 = arith.cmpi slt, %xor3A_1691, %lt3A_1693 : vector<16xi32>
      %add3A_1695 = arith.constant 16 : i32
      %add3A_1696 = vector.broadcast %add3A_1695 : i32 to vector<16xi32>
      %add3A_1697 = arith.addi %xor3A_1691, %add3A_1696 : vector<16xi32>
      %select_n3A_1698 = arith.select %lt3A_1694, %add3A_1697, %xor3A_1691 : vector<16xi1>, vector<16xi32>
      %broadcast_in_dim3A_1699 = vector.shape_cast %select_n3A_1698 : vector<16xi32> to vector<16x1xi32>
      %gather3A_1700 = vector.shape_cast %broadcast_in_dim3A_1699 : vector<16x1xi32> to vector<16xi32>
      %gather3A_1701 = tpu.dynamic_gather %max3A_1688[%gather3A_1700] in [0] : vector<16xf32>, vector<16xi32> -> vector<16xf32>
      %max3A_1702 = arith.maximumf %max3A_1688, %gather3A_1701 : vector<16xf32>
      %mul3A_1703 = arith.constant 16 : i32
      %mul3A_1704 = vector.broadcast %mul3A_1703 : i32 to vector<16xi32>
      %mul3A_1705 = arith.muli %select_n3A_1646, %mul3A_1704 : vector<16xi32>
      %add3A_1706 = arith.addi %mul3A_1705, %iota3A : vector<16xi32>
      %eq3A_1707 = arith.cmpf oeq, %select_n3A_1643, %max3A_1702 : vector<16xf32>
      %jit3A_1708 = arith.constant 384 : i32
      %broadcast_in_dim3A_1709 = vector.broadcast %jit3A_1708 : i32 to vector<16xi32>
      %select_n3A_1710 = arith.select %eq3A_1707, %add3A_1706, %broadcast_in_dim3A_1709 : vector<16xi1>, vector<16xi32>
      %xor3A_1711 = arith.constant 1 : i32
      %xor3A_1712 = vector.broadcast %xor3A_1711 : i32 to vector<16xi32>
      %xor3A_1713 = arith.xori %iota3A, %xor3A_1712 : vector<16xi32>
      %lt3A_1714 = arith.constant 0 : i32
      %lt3A_1715 = vector.broadcast %lt3A_1714 : i32 to vector<16xi32>
      %lt3A_1716 = arith.cmpi slt, %xor3A_1713, %lt3A_1715 : vector<16xi32>
      %add3A_1717 = arith.constant 16 : i32
      %add3A_1718 = vector.broadcast %add3A_1717 : i32 to vector<16xi32>
      %add3A_1719 = arith.addi %xor3A_1713, %add3A_1718 : vector<16xi32>
      %select_n3A_1720 = arith.select %lt3A_1716, %add3A_1719, %xor3A_1713 : vector<16xi1>, vector<16xi32>
      %broadcast_in_dim3A_1721 = vector.shape_cast %select_n3A_1720 : vector<16xi32> to vector<16x1xi32>
      %gather3A_1722 = vector.shape_cast %broadcast_in_dim3A_1721 : vector<16x1xi32> to vector<16xi32>
      %gather3A_1723 = tpu.dynamic_gather %select_n3A_1710[%gather3A_1722] in [0] : vector<16xi32>, vector<16xi32> -> vector<16xi32>
      %min3A_1724 = arith.minsi %select_n3A_1710, %gather3A_1723 : vector<16xi32>
      %xor3A_1725 = arith.constant 2 : i32
      %xor3A_1726 = vector.broadcast %xor3A_1725 : i32 to vector<16xi32>
      %xor3A_1727 = arith.xori %iota3A, %xor3A_1726 : vector<16xi32>
      %lt3A_1728 = arith.constant 0 : i32
      %lt3A_1729 = vector.broadcast %lt3A_1728 : i32 to vector<16xi32>
      %lt3A_1730 = arith.cmpi slt, %xor3A_1727, %lt3A_1729 : vector<16xi32>
      %add3A_1731 = arith.constant 16 : i32
      %add3A_1732 = vector.broadcast %add3A_1731 : i32 to vector<16xi32>
      %add3A_1733 = arith.addi %xor3A_1727, %add3A_1732 : vector<16xi32>
      %select_n3A_1734 = arith.select %lt3A_1730, %add3A_1733, %xor3A_1727 : vector<16xi1>, vector<16xi32>
      %broadcast_in_dim3A_1735 = vector.shape_cast %select_n3A_1734 : vector<16xi32> to vector<16x1xi32>
      %gather3A_1736 = vector.shape_cast %broadcast_in_dim3A_1735 : vector<16x1xi32> to vector<16xi32>
      %gather3A_1737 = tpu.dynamic_gather %min3A_1724[%gather3A_1736] in [0] : vector<16xi32>, vector<16xi32> -> vector<16xi32>
      %min3A_1738 = arith.minsi %min3A_1724, %gather3A_1737 : vector<16xi32>
      %xor3A_1739 = arith.constant 4 : i32
      %xor3A_1740 = vector.broadcast %xor3A_1739 : i32 to vector<16xi32>
      %xor3A_1741 = arith.xori %iota3A, %xor3A_1740 : vector<16xi32>
      %lt3A_1742 = arith.constant 0 : i32
      %lt3A_1743 = vector.broadcast %lt3A_1742 : i32 to vector<16xi32>
      %lt3A_1744 = arith.cmpi slt, %xor3A_1741, %lt3A_1743 : vector<16xi32>
      %add3A_1745 = arith.constant 16 : i32
      %add3A_1746 = vector.broadcast %add3A_1745 : i32 to vector<16xi32>
      %add3A_1747 = arith.addi %xor3A_1741, %add3A_1746 : vector<16xi32>
      %select_n3A_1748 = arith.select %lt3A_1744, %add3A_1747, %xor3A_1741 : vector<16xi1>, vector<16xi32>
      %broadcast_in_dim3A_1749 = vector.shape_cast %select_n3A_1748 : vector<16xi32> to vector<16x1xi32>
      %gather3A_1750 = vector.shape_cast %broadcast_in_dim3A_1749 : vector<16x1xi32> to vector<16xi32>
      %gather3A_1751 = tpu.dynamic_gather %min3A_1738[%gather3A_1750] in [0] : vector<16xi32>, vector<16xi32> -> vector<16xi32>
      %min3A_1752 = arith.minsi %min3A_1738, %gather3A_1751 : vector<16xi32>
      %xor3A_1753 = arith.constant 8 : i32
      %xor3A_1754 = vector.broadcast %xor3A_1753 : i32 to vector<16xi32>
      %xor3A_1755 = arith.xori %iota3A, %xor3A_1754 : vector<16xi32>
      %lt3A_1756 = arith.constant 0 : i32
      %lt3A_1757 = vector.broadcast %lt3A_1756 : i32 to vector<16xi32>
      %lt3A_1758 = arith.cmpi slt, %xor3A_1755, %lt3A_1757 : vector<16xi32>
      %add3A_1759 = arith.constant 16 : i32
      %add3A_1760 = vector.broadcast %add3A_1759 : i32 to vector<16xi32>
      %add3A_1761 = arith.addi %xor3A_1755, %add3A_1760 : vector<16xi32>
      %select_n3A_1762 = arith.select %lt3A_1758, %add3A_1761, %xor3A_1755 : vector<16xi1>, vector<16xi32>
      %broadcast_in_dim3A_1763 = vector.shape_cast %select_n3A_1762 : vector<16xi32> to vector<16x1xi32>
      %gather3A_1764 = vector.shape_cast %broadcast_in_dim3A_1763 : vector<16x1xi32> to vector<16xi32>
      %gather3A_1765 = tpu.dynamic_gather %min3A_1752[%gather3A_1764] in [0] : vector<16xi32>, vector<16xi32> -> vector<16xi32>
      %min3A_1766 = arith.minsi %min3A_1752, %gather3A_1765 : vector<16xi32>
      %eq3A_1767 = arith.constant 4 : i32
      %eq3A_1768 = vector.broadcast %eq3A_1767 : i32 to vector<16xi32>
      %eq3A_1769 = arith.cmpi eq, %iota3A, %eq3A_1768 : vector<16xi32>
      %select_n3A_1770 = arith.select %eq3A_1769, %max3A_1702, %select_n3A_1409 : vector<16xi1>, vector<16xf32>
      %add3A_1771 = arith.constant 0 : i32
      %add3A_1772 = vector.broadcast %add3A_1771 : i32 to vector<16xi32>
      %add3A_1773 = arith.addi %iota3A, %add3A_1772 : vector<16xi32>
      %eq3A_1774 = arith.cmpi eq, %add3A_1773, %min3A_1766 : vector<16xi32>
      %jit3A_1775 = arith.constant 0xFF800000 : f32
      %broadcast_in_dim3A_1776 = vector.broadcast %jit3A_1775 : f32 to vector<16xf32>
      %select_n3A_1777 = arith.select %eq3A_1774, %broadcast_in_dim3A_1776, %select_n3A_1416 : vector<16xi1>, vector<16xf32>
      %add3A_1778 = arith.constant 16 : i32
      %add3A_1779 = vector.broadcast %add3A_1778 : i32 to vector<16xi32>
      %add3A_1780 = arith.addi %iota3A, %add3A_1779 : vector<16xi32>
      %eq3A_1781 = arith.cmpi eq, %add3A_1780, %min3A_1766 : vector<16xi32>
      %jit3A_1782 = arith.constant 0xFF800000 : f32
      %broadcast_in_dim3A_1783 = vector.broadcast %jit3A_1782 : f32 to vector<16xf32>
      %select_n3A_1784 = arith.select %eq3A_1781, %broadcast_in_dim3A_1783, %select_n3A_1423 : vector<16xi1>, vector<16xf32>
      %add3A_1785 = arith.constant 32 : i32
      %add3A_1786 = vector.broadcast %add3A_1785 : i32 to vector<16xi32>
      %add3A_1787 = arith.addi %iota3A, %add3A_1786 : vector<16xi32>
      %eq3A_1788 = arith.cmpi eq, %add3A_1787, %min3A_1766 : vector<16xi32>
      %jit3A_1789 = arith.constant 0xFF800000 : f32
      %broadcast_in_dim3A_1790 = vector.broadcast %jit3A_1789 : f32 to vector<16xf32>
      %select_n3A_1791 = arith.select %eq3A_1788, %broadcast_in_dim3A_1790, %select_n3A_1430 : vector<16xi1>, vector<16xf32>
      %add3A_1792 = arith.constant 48 : i32
      %add3A_1793 = vector.broadcast %add3A_1792 : i32 to vector<16xi32>
      %add3A_1794 = arith.addi %iota3A, %add3A_1793 : vector<16xi32>
      %eq3A_1795 = arith.cmpi eq, %add3A_1794, %min3A_1766 : vector<16xi32>
      %jit3A_1796 = arith.constant 0xFF800000 : f32
      %broadcast_in_dim3A_1797 = vector.broadcast %jit3A_1796 : f32 to vector<16xf32>
      %select_n3A_1798 = arith.select %eq3A_1795, %broadcast_in_dim3A_1797, %select_n3A_1437 : vector<16xi1>, vector<16xf32>
      %add3A_1799 = arith.constant 64 : i32
      %add3A_1800 = vector.broadcast %add3A_1799 : i32 to vector<16xi32>
      %add3A_1801 = arith.addi %iota3A, %add3A_1800 : vector<16xi32>
      %eq3A_1802 = arith.cmpi eq, %add3A_1801, %min3A_1766 : vector<16xi32>
      %jit3A_1803 = arith.constant 0xFF800000 : f32
      %broadcast_in_dim3A_1804 = vector.broadcast %jit3A_1803 : f32 to vector<16xf32>
      %select_n3A_1805 = arith.select %eq3A_1802, %broadcast_in_dim3A_1804, %select_n3A_1444 : vector<16xi1>, vector<16xf32>
      %add3A_1806 = arith.constant 80 : i32
      %add3A_1807 = vector.broadcast %add3A_1806 : i32 to vector<16xi32>
      %add3A_1808 = arith.addi %iota3A, %add3A_1807 : vector<16xi32>
      %eq3A_1809 = arith.cmpi eq, %add3A_1808, %min3A_1766 : vector<16xi32>
      %jit3A_1810 = arith.constant 0xFF800000 : f32
      %broadcast_in_dim3A_1811 = vector.broadcast %jit3A_1810 : f32 to vector<16xf32>
      %select_n3A_1812 = arith.select %eq3A_1809, %broadcast_in_dim3A_1811, %select_n3A_1451 : vector<16xi1>, vector<16xf32>
      %add3A_1813 = arith.constant 96 : i32
      %add3A_1814 = vector.broadcast %add3A_1813 : i32 to vector<16xi32>
      %add3A_1815 = arith.addi %iota3A, %add3A_1814 : vector<16xi32>
      %eq3A_1816 = arith.cmpi eq, %add3A_1815, %min3A_1766 : vector<16xi32>
      %jit3A_1817 = arith.constant 0xFF800000 : f32
      %broadcast_in_dim3A_1818 = vector.broadcast %jit3A_1817 : f32 to vector<16xf32>
      %select_n3A_1819 = arith.select %eq3A_1816, %broadcast_in_dim3A_1818, %select_n3A_1458 : vector<16xi1>, vector<16xf32>
      %add3A_1820 = arith.constant 112 : i32
      %add3A_1821 = vector.broadcast %add3A_1820 : i32 to vector<16xi32>
      %add3A_1822 = arith.addi %iota3A, %add3A_1821 : vector<16xi32>
      %eq3A_1823 = arith.cmpi eq, %add3A_1822, %min3A_1766 : vector<16xi32>
      %jit3A_1824 = arith.constant 0xFF800000 : f32
      %broadcast_in_dim3A_1825 = vector.broadcast %jit3A_1824 : f32 to vector<16xf32>
      %select_n3A_1826 = arith.select %eq3A_1823, %broadcast_in_dim3A_1825, %select_n3A_1465 : vector<16xi1>, vector<16xf32>
      %add3A_1827 = arith.constant 128 : i32
      %add3A_1828 = vector.broadcast %add3A_1827 : i32 to vector<16xi32>
      %add3A_1829 = arith.addi %iota3A, %add3A_1828 : vector<16xi32>
      %eq3A_1830 = arith.cmpi eq, %add3A_1829, %min3A_1766 : vector<16xi32>
      %jit3A_1831 = arith.constant 0xFF800000 : f32
      %broadcast_in_dim3A_1832 = vector.broadcast %jit3A_1831 : f32 to vector<16xf32>
      %select_n3A_1833 = arith.select %eq3A_1830, %broadcast_in_dim3A_1832, %select_n3A_1472 : vector<16xi1>, vector<16xf32>
      %add3A_1834 = arith.constant 144 : i32
      %add3A_1835 = vector.broadcast %add3A_1834 : i32 to vector<16xi32>
      %add3A_1836 = arith.addi %iota3A, %add3A_1835 : vector<16xi32>
      %eq3A_1837 = arith.cmpi eq, %add3A_1836, %min3A_1766 : vector<16xi32>
      %jit3A_1838 = arith.constant 0xFF800000 : f32
      %broadcast_in_dim3A_1839 = vector.broadcast %jit3A_1838 : f32 to vector<16xf32>
      %select_n3A_1840 = arith.select %eq3A_1837, %broadcast_in_dim3A_1839, %select_n3A_1479 : vector<16xi1>, vector<16xf32>
      %add3A_1841 = arith.constant 160 : i32
      %add3A_1842 = vector.broadcast %add3A_1841 : i32 to vector<16xi32>
      %add3A_1843 = arith.addi %iota3A, %add3A_1842 : vector<16xi32>
      %eq3A_1844 = arith.cmpi eq, %add3A_1843, %min3A_1766 : vector<16xi32>
      %jit3A_1845 = arith.constant 0xFF800000 : f32
      %broadcast_in_dim3A_1846 = vector.broadcast %jit3A_1845 : f32 to vector<16xf32>
      %select_n3A_1847 = arith.select %eq3A_1844, %broadcast_in_dim3A_1846, %select_n3A_1486 : vector<16xi1>, vector<16xf32>
      %add3A_1848 = arith.constant 176 : i32
      %add3A_1849 = vector.broadcast %add3A_1848 : i32 to vector<16xi32>
      %add3A_1850 = arith.addi %iota3A, %add3A_1849 : vector<16xi32>
      %eq3A_1851 = arith.cmpi eq, %add3A_1850, %min3A_1766 : vector<16xi32>
      %jit3A_1852 = arith.constant 0xFF800000 : f32
      %broadcast_in_dim3A_1853 = vector.broadcast %jit3A_1852 : f32 to vector<16xf32>
      %select_n3A_1854 = arith.select %eq3A_1851, %broadcast_in_dim3A_1853, %select_n3A_1493 : vector<16xi1>, vector<16xf32>
      %add3A_1855 = arith.constant 192 : i32
      %add3A_1856 = vector.broadcast %add3A_1855 : i32 to vector<16xi32>
      %add3A_1857 = arith.addi %iota3A, %add3A_1856 : vector<16xi32>
      %eq3A_1858 = arith.cmpi eq, %add3A_1857, %min3A_1766 : vector<16xi32>
      %jit3A_1859 = arith.constant 0xFF800000 : f32
      %broadcast_in_dim3A_1860 = vector.broadcast %jit3A_1859 : f32 to vector<16xf32>
      %select_n3A_1861 = arith.select %eq3A_1858, %broadcast_in_dim3A_1860, %select_n3A_1500 : vector<16xi1>, vector<16xf32>
      %add3A_1862 = arith.constant 208 : i32
      %add3A_1863 = vector.broadcast %add3A_1862 : i32 to vector<16xi32>
      %add3A_1864 = arith.addi %iota3A, %add3A_1863 : vector<16xi32>
      %eq3A_1865 = arith.cmpi eq, %add3A_1864, %min3A_1766 : vector<16xi32>
      %jit3A_1866 = arith.constant 0xFF800000 : f32
      %broadcast_in_dim3A_1867 = vector.broadcast %jit3A_1866 : f32 to vector<16xf32>
      %select_n3A_1868 = arith.select %eq3A_1865, %broadcast_in_dim3A_1867, %select_n3A_1507 : vector<16xi1>, vector<16xf32>
      %add3A_1869 = arith.constant 224 : i32
      %add3A_1870 = vector.broadcast %add3A_1869 : i32 to vector<16xi32>
      %add3A_1871 = arith.addi %iota3A, %add3A_1870 : vector<16xi32>
      %eq3A_1872 = arith.cmpi eq, %add3A_1871, %min3A_1766 : vector<16xi32>
      %jit3A_1873 = arith.constant 0xFF800000 : f32
      %broadcast_in_dim3A_1874 = vector.broadcast %jit3A_1873 : f32 to vector<16xf32>
      %select_n3A_1875 = arith.select %eq3A_1872, %broadcast_in_dim3A_1874, %select_n3A_1514 : vector<16xi1>, vector<16xf32>
      %add3A_1876 = arith.constant 240 : i32
      %add3A_1877 = vector.broadcast %add3A_1876 : i32 to vector<16xi32>
      %add3A_1878 = arith.addi %iota3A, %add3A_1877 : vector<16xi32>
      %eq3A_1879 = arith.cmpi eq, %add3A_1878, %min3A_1766 : vector<16xi32>
      %jit3A_1880 = arith.constant 0xFF800000 : f32
      %broadcast_in_dim3A_1881 = vector.broadcast %jit3A_1880 : f32 to vector<16xf32>
      %select_n3A_1882 = arith.select %eq3A_1879, %broadcast_in_dim3A_1881, %select_n3A_1521 : vector<16xi1>, vector<16xf32>
      %add3A_1883 = arith.constant 256 : i32
      %add3A_1884 = vector.broadcast %add3A_1883 : i32 to vector<16xi32>
      %add3A_1885 = arith.addi %iota3A, %add3A_1884 : vector<16xi32>
      %eq3A_1886 = arith.cmpi eq, %add3A_1885, %min3A_1766 : vector<16xi32>
      %jit3A_1887 = arith.constant 0xFF800000 : f32
      %broadcast_in_dim3A_1888 = vector.broadcast %jit3A_1887 : f32 to vector<16xf32>
      %select_n3A_1889 = arith.select %eq3A_1886, %broadcast_in_dim3A_1888, %select_n3A_1528 : vector<16xi1>, vector<16xf32>
      %add3A_1890 = arith.constant 272 : i32
      %add3A_1891 = vector.broadcast %add3A_1890 : i32 to vector<16xi32>
      %add3A_1892 = arith.addi %iota3A, %add3A_1891 : vector<16xi32>
      %eq3A_1893 = arith.cmpi eq, %add3A_1892, %min3A_1766 : vector<16xi32>
      %jit3A_1894 = arith.constant 0xFF800000 : f32
      %broadcast_in_dim3A_1895 = vector.broadcast %jit3A_1894 : f32 to vector<16xf32>
      %select_n3A_1896 = arith.select %eq3A_1893, %broadcast_in_dim3A_1895, %select_n3A_1535 : vector<16xi1>, vector<16xf32>
      %add3A_1897 = arith.constant 288 : i32
      %add3A_1898 = vector.broadcast %add3A_1897 : i32 to vector<16xi32>
      %add3A_1899 = arith.addi %iota3A, %add3A_1898 : vector<16xi32>
      %eq3A_1900 = arith.cmpi eq, %add3A_1899, %min3A_1766 : vector<16xi32>
      %jit3A_1901 = arith.constant 0xFF800000 : f32
      %broadcast_in_dim3A_1902 = vector.broadcast %jit3A_1901 : f32 to vector<16xf32>
      %select_n3A_1903 = arith.select %eq3A_1900, %broadcast_in_dim3A_1902, %select_n3A_1542 : vector<16xi1>, vector<16xf32>
      %add3A_1904 = arith.constant 304 : i32
      %add3A_1905 = vector.broadcast %add3A_1904 : i32 to vector<16xi32>
      %add3A_1906 = arith.addi %iota3A, %add3A_1905 : vector<16xi32>
      %eq3A_1907 = arith.cmpi eq, %add3A_1906, %min3A_1766 : vector<16xi32>
      %jit3A_1908 = arith.constant 0xFF800000 : f32
      %broadcast_in_dim3A_1909 = vector.broadcast %jit3A_1908 : f32 to vector<16xf32>
      %select_n3A_1910 = arith.select %eq3A_1907, %broadcast_in_dim3A_1909, %select_n3A_1549 : vector<16xi1>, vector<16xf32>
      %broadcast_in_dim3A_1911 = arith.constant 0 : i32
      %broadcast_in_dim3A_1912 = vector.broadcast %broadcast_in_dim3A_1911 : i32 to vector<16xi32>
      %gt3A_1913 = arith.cmpf ogt, %select_n3A_1784, %select_n3A_1777 : vector<16xf32>
      %select_n3A_1914 = arith.select %gt3A_1913, %select_n3A_1784, %select_n3A_1777 : vector<16xi1>, vector<16xf32>
      %jit3A_1915 = arith.constant 1 : i32
      %broadcast_in_dim3A_1916 = vector.broadcast %jit3A_1915 : i32 to vector<16xi32>
      %select_n3A_1917 = arith.select %gt3A_1913, %broadcast_in_dim3A_1916, %broadcast_in_dim3A_1912 : vector<16xi1>, vector<16xi32>
      %gt3A_1918 = arith.cmpf ogt, %select_n3A_1791, %select_n3A_1914 : vector<16xf32>
      %select_n3A_1919 = arith.select %gt3A_1918, %select_n3A_1791, %select_n3A_1914 : vector<16xi1>, vector<16xf32>
      %jit3A_1920 = arith.constant 2 : i32
      %broadcast_in_dim3A_1921 = vector.broadcast %jit3A_1920 : i32 to vector<16xi32>
      %select_n3A_1922 = arith.select %gt3A_1918, %broadcast_in_dim3A_1921, %select_n3A_1917 : vector<16xi1>, vector<16xi32>
      %gt3A_1923 = arith.cmpf ogt, %select_n3A_1798, %select_n3A_1919 : vector<16xf32>
      %select_n3A_1924 = arith.select %gt3A_1923, %select_n3A_1798, %select_n3A_1919 : vector<16xi1>, vector<16xf32>
      %jit3A_1925 = arith.constant 3 : i32
      %broadcast_in_dim3A_1926 = vector.broadcast %jit3A_1925 : i32 to vector<16xi32>
      %select_n3A_1927 = arith.select %gt3A_1923, %broadcast_in_dim3A_1926, %select_n3A_1922 : vector<16xi1>, vector<16xi32>
      %gt3A_1928 = arith.cmpf ogt, %select_n3A_1805, %select_n3A_1924 : vector<16xf32>
      %select_n3A_1929 = arith.select %gt3A_1928, %select_n3A_1805, %select_n3A_1924 : vector<16xi1>, vector<16xf32>
      %jit3A_1930 = arith.constant 4 : i32
      %broadcast_in_dim3A_1931 = vector.broadcast %jit3A_1930 : i32 to vector<16xi32>
      %select_n3A_1932 = arith.select %gt3A_1928, %broadcast_in_dim3A_1931, %select_n3A_1927 : vector<16xi1>, vector<16xi32>
      %gt3A_1933 = arith.cmpf ogt, %select_n3A_1812, %select_n3A_1929 : vector<16xf32>
      %select_n3A_1934 = arith.select %gt3A_1933, %select_n3A_1812, %select_n3A_1929 : vector<16xi1>, vector<16xf32>
      %jit3A_1935 = arith.constant 5 : i32
      %broadcast_in_dim3A_1936 = vector.broadcast %jit3A_1935 : i32 to vector<16xi32>
      %select_n3A_1937 = arith.select %gt3A_1933, %broadcast_in_dim3A_1936, %select_n3A_1932 : vector<16xi1>, vector<16xi32>
      %gt3A_1938 = arith.cmpf ogt, %select_n3A_1819, %select_n3A_1934 : vector<16xf32>
      %select_n3A_1939 = arith.select %gt3A_1938, %select_n3A_1819, %select_n3A_1934 : vector<16xi1>, vector<16xf32>
      %jit3A_1940 = arith.constant 6 : i32
      %broadcast_in_dim3A_1941 = vector.broadcast %jit3A_1940 : i32 to vector<16xi32>
      %select_n3A_1942 = arith.select %gt3A_1938, %broadcast_in_dim3A_1941, %select_n3A_1937 : vector<16xi1>, vector<16xi32>
      %gt3A_1943 = arith.cmpf ogt, %select_n3A_1826, %select_n3A_1939 : vector<16xf32>
      %select_n3A_1944 = arith.select %gt3A_1943, %select_n3A_1826, %select_n3A_1939 : vector<16xi1>, vector<16xf32>
      %jit3A_1945 = arith.constant 7 : i32
      %broadcast_in_dim3A_1946 = vector.broadcast %jit3A_1945 : i32 to vector<16xi32>
      %select_n3A_1947 = arith.select %gt3A_1943, %broadcast_in_dim3A_1946, %select_n3A_1942 : vector<16xi1>, vector<16xi32>
      %gt3A_1948 = arith.cmpf ogt, %select_n3A_1833, %select_n3A_1944 : vector<16xf32>
      %select_n3A_1949 = arith.select %gt3A_1948, %select_n3A_1833, %select_n3A_1944 : vector<16xi1>, vector<16xf32>
      %jit3A_1950 = arith.constant 8 : i32
      %broadcast_in_dim3A_1951 = vector.broadcast %jit3A_1950 : i32 to vector<16xi32>
      %select_n3A_1952 = arith.select %gt3A_1948, %broadcast_in_dim3A_1951, %select_n3A_1947 : vector<16xi1>, vector<16xi32>
      %gt3A_1953 = arith.cmpf ogt, %select_n3A_1840, %select_n3A_1949 : vector<16xf32>
      %select_n3A_1954 = arith.select %gt3A_1953, %select_n3A_1840, %select_n3A_1949 : vector<16xi1>, vector<16xf32>
      %jit3A_1955 = arith.constant 9 : i32
      %broadcast_in_dim3A_1956 = vector.broadcast %jit3A_1955 : i32 to vector<16xi32>
      %select_n3A_1957 = arith.select %gt3A_1953, %broadcast_in_dim3A_1956, %select_n3A_1952 : vector<16xi1>, vector<16xi32>
      %gt3A_1958 = arith.cmpf ogt, %select_n3A_1847, %select_n3A_1954 : vector<16xf32>
      %select_n3A_1959 = arith.select %gt3A_1958, %select_n3A_1847, %select_n3A_1954 : vector<16xi1>, vector<16xf32>
      %jit3A_1960 = arith.constant 10 : i32
      %broadcast_in_dim3A_1961 = vector.broadcast %jit3A_1960 : i32 to vector<16xi32>
      %select_n3A_1962 = arith.select %gt3A_1958, %broadcast_in_dim3A_1961, %select_n3A_1957 : vector<16xi1>, vector<16xi32>
      %gt3A_1963 = arith.cmpf ogt, %select_n3A_1854, %select_n3A_1959 : vector<16xf32>
      %select_n3A_1964 = arith.select %gt3A_1963, %select_n3A_1854, %select_n3A_1959 : vector<16xi1>, vector<16xf32>
      %jit3A_1965 = arith.constant 11 : i32
      %broadcast_in_dim3A_1966 = vector.broadcast %jit3A_1965 : i32 to vector<16xi32>
      %select_n3A_1967 = arith.select %gt3A_1963, %broadcast_in_dim3A_1966, %select_n3A_1962 : vector<16xi1>, vector<16xi32>
      %gt3A_1968 = arith.cmpf ogt, %select_n3A_1861, %select_n3A_1964 : vector<16xf32>
      %select_n3A_1969 = arith.select %gt3A_1968, %select_n3A_1861, %select_n3A_1964 : vector<16xi1>, vector<16xf32>
      %jit3A_1970 = arith.constant 12 : i32
      %broadcast_in_dim3A_1971 = vector.broadcast %jit3A_1970 : i32 to vector<16xi32>
      %select_n3A_1972 = arith.select %gt3A_1968, %broadcast_in_dim3A_1971, %select_n3A_1967 : vector<16xi1>, vector<16xi32>
      %gt3A_1973 = arith.cmpf ogt, %select_n3A_1868, %select_n3A_1969 : vector<16xf32>
      %select_n3A_1974 = arith.select %gt3A_1973, %select_n3A_1868, %select_n3A_1969 : vector<16xi1>, vector<16xf32>
      %jit3A_1975 = arith.constant 13 : i32
      %broadcast_in_dim3A_1976 = vector.broadcast %jit3A_1975 : i32 to vector<16xi32>
      %select_n3A_1977 = arith.select %gt3A_1973, %broadcast_in_dim3A_1976, %select_n3A_1972 : vector<16xi1>, vector<16xi32>
      %gt3A_1978 = arith.cmpf ogt, %select_n3A_1875, %select_n3A_1974 : vector<16xf32>
      %select_n3A_1979 = arith.select %gt3A_1978, %select_n3A_1875, %select_n3A_1974 : vector<16xi1>, vector<16xf32>
      %jit3A_1980 = arith.constant 14 : i32
      %broadcast_in_dim3A_1981 = vector.broadcast %jit3A_1980 : i32 to vector<16xi32>
      %select_n3A_1982 = arith.select %gt3A_1978, %broadcast_in_dim3A_1981, %select_n3A_1977 : vector<16xi1>, vector<16xi32>
      %gt3A_1983 = arith.cmpf ogt, %select_n3A_1882, %select_n3A_1979 : vector<16xf32>
      %select_n3A_1984 = arith.select %gt3A_1983, %select_n3A_1882, %select_n3A_1979 : vector<16xi1>, vector<16xf32>
      %jit3A_1985 = arith.constant 15 : i32
      %broadcast_in_dim3A_1986 = vector.broadcast %jit3A_1985 : i32 to vector<16xi32>
      %select_n3A_1987 = arith.select %gt3A_1983, %broadcast_in_dim3A_1986, %select_n3A_1982 : vector<16xi1>, vector<16xi32>
      %gt3A_1988 = arith.cmpf ogt, %select_n3A_1889, %select_n3A_1984 : vector<16xf32>
      %select_n3A_1989 = arith.select %gt3A_1988, %select_n3A_1889, %select_n3A_1984 : vector<16xi1>, vector<16xf32>
      %jit3A_1990 = arith.constant 16 : i32
      %broadcast_in_dim3A_1991 = vector.broadcast %jit3A_1990 : i32 to vector<16xi32>
      %select_n3A_1992 = arith.select %gt3A_1988, %broadcast_in_dim3A_1991, %select_n3A_1987 : vector<16xi1>, vector<16xi32>
      %gt3A_1993 = arith.cmpf ogt, %select_n3A_1896, %select_n3A_1989 : vector<16xf32>
      %select_n3A_1994 = arith.select %gt3A_1993, %select_n3A_1896, %select_n3A_1989 : vector<16xi1>, vector<16xf32>
      %jit3A_1995 = arith.constant 17 : i32
      %broadcast_in_dim3A_1996 = vector.broadcast %jit3A_1995 : i32 to vector<16xi32>
      %select_n3A_1997 = arith.select %gt3A_1993, %broadcast_in_dim3A_1996, %select_n3A_1992 : vector<16xi1>, vector<16xi32>
      %gt3A_1998 = arith.cmpf ogt, %select_n3A_1903, %select_n3A_1994 : vector<16xf32>
      %select_n3A_1999 = arith.select %gt3A_1998, %select_n3A_1903, %select_n3A_1994 : vector<16xi1>, vector<16xf32>
      %jit3A_2000 = arith.constant 18 : i32
      %broadcast_in_dim3A_2001 = vector.broadcast %jit3A_2000 : i32 to vector<16xi32>
      %select_n3A_2002 = arith.select %gt3A_1998, %broadcast_in_dim3A_2001, %select_n3A_1997 : vector<16xi1>, vector<16xi32>
      %gt3A_2003 = arith.cmpf ogt, %select_n3A_1910, %select_n3A_1999 : vector<16xf32>
      %select_n3A_2004 = arith.select %gt3A_2003, %select_n3A_1910, %select_n3A_1999 : vector<16xi1>, vector<16xf32>
      %jit3A_2005 = arith.constant 19 : i32
      %broadcast_in_dim3A_2006 = vector.broadcast %jit3A_2005 : i32 to vector<16xi32>
      %select_n3A_2007 = arith.select %gt3A_2003, %broadcast_in_dim3A_2006, %select_n3A_2002 : vector<16xi1>, vector<16xi32>
      %xor3A_2008 = arith.constant 1 : i32
      %xor3A_2009 = vector.broadcast %xor3A_2008 : i32 to vector<16xi32>
      %xor3A_2010 = arith.xori %iota3A, %xor3A_2009 : vector<16xi32>
      %lt3A_2011 = arith.constant 0 : i32
      %lt3A_2012 = vector.broadcast %lt3A_2011 : i32 to vector<16xi32>
      %lt3A_2013 = arith.cmpi slt, %xor3A_2010, %lt3A_2012 : vector<16xi32>
      %add3A_2014 = arith.constant 16 : i32
      %add3A_2015 = vector.broadcast %add3A_2014 : i32 to vector<16xi32>
      %add3A_2016 = arith.addi %xor3A_2010, %add3A_2015 : vector<16xi32>
      %select_n3A_2017 = arith.select %lt3A_2013, %add3A_2016, %xor3A_2010 : vector<16xi1>, vector<16xi32>
      %broadcast_in_dim3A_2018 = vector.shape_cast %select_n3A_2017 : vector<16xi32> to vector<16x1xi32>
      %gather3A_2019 = vector.shape_cast %broadcast_in_dim3A_2018 : vector<16x1xi32> to vector<16xi32>
      %gather3A_2020 = tpu.dynamic_gather %select_n3A_2004[%gather3A_2019] in [0] : vector<16xf32>, vector<16xi32> -> vector<16xf32>
      %max3A_2021 = arith.maximumf %select_n3A_2004, %gather3A_2020 : vector<16xf32>
      %xor3A_2022 = arith.constant 2 : i32
      %xor3A_2023 = vector.broadcast %xor3A_2022 : i32 to vector<16xi32>
      %xor3A_2024 = arith.xori %iota3A, %xor3A_2023 : vector<16xi32>
      %lt3A_2025 = arith.constant 0 : i32
      %lt3A_2026 = vector.broadcast %lt3A_2025 : i32 to vector<16xi32>
      %lt3A_2027 = arith.cmpi slt, %xor3A_2024, %lt3A_2026 : vector<16xi32>
      %add3A_2028 = arith.constant 16 : i32
      %add3A_2029 = vector.broadcast %add3A_2028 : i32 to vector<16xi32>
      %add3A_2030 = arith.addi %xor3A_2024, %add3A_2029 : vector<16xi32>
      %select_n3A_2031 = arith.select %lt3A_2027, %add3A_2030, %xor3A_2024 : vector<16xi1>, vector<16xi32>
      %broadcast_in_dim3A_2032 = vector.shape_cast %select_n3A_2031 : vector<16xi32> to vector<16x1xi32>
      %gather3A_2033 = vector.shape_cast %broadcast_in_dim3A_2032 : vector<16x1xi32> to vector<16xi32>
      %gather3A_2034 = tpu.dynamic_gather %max3A_2021[%gather3A_2033] in [0] : vector<16xf32>, vector<16xi32> -> vector<16xf32>
      %max3A_2035 = arith.maximumf %max3A_2021, %gather3A_2034 : vector<16xf32>
      %xor3A_2036 = arith.constant 4 : i32
      %xor3A_2037 = vector.broadcast %xor3A_2036 : i32 to vector<16xi32>
      %xor3A_2038 = arith.xori %iota3A, %xor3A_2037 : vector<16xi32>
      %lt3A_2039 = arith.constant 0 : i32
      %lt3A_2040 = vector.broadcast %lt3A_2039 : i32 to vector<16xi32>
      %lt3A_2041 = arith.cmpi slt, %xor3A_2038, %lt3A_2040 : vector<16xi32>
      %add3A_2042 = arith.constant 16 : i32
      %add3A_2043 = vector.broadcast %add3A_2042 : i32 to vector<16xi32>
      %add3A_2044 = arith.addi %xor3A_2038, %add3A_2043 : vector<16xi32>
      %select_n3A_2045 = arith.select %lt3A_2041, %add3A_2044, %xor3A_2038 : vector<16xi1>, vector<16xi32>
      %broadcast_in_dim3A_2046 = vector.shape_cast %select_n3A_2045 : vector<16xi32> to vector<16x1xi32>
      %gather3A_2047 = vector.shape_cast %broadcast_in_dim3A_2046 : vector<16x1xi32> to vector<16xi32>
      %gather3A_2048 = tpu.dynamic_gather %max3A_2035[%gather3A_2047] in [0] : vector<16xf32>, vector<16xi32> -> vector<16xf32>
      %max3A_2049 = arith.maximumf %max3A_2035, %gather3A_2048 : vector<16xf32>
      %xor3A_2050 = arith.constant 8 : i32
      %xor3A_2051 = vector.broadcast %xor3A_2050 : i32 to vector<16xi32>
      %xor3A_2052 = arith.xori %iota3A, %xor3A_2051 : vector<16xi32>
      %lt3A_2053 = arith.constant 0 : i32
      %lt3A_2054 = vector.broadcast %lt3A_2053 : i32 to vector<16xi32>
      %lt3A_2055 = arith.cmpi slt, %xor3A_2052, %lt3A_2054 : vector<16xi32>
      %add3A_2056 = arith.constant 16 : i32
      %add3A_2057 = vector.broadcast %add3A_2056 : i32 to vector<16xi32>
      %add3A_2058 = arith.addi %xor3A_2052, %add3A_2057 : vector<16xi32>
      %select_n3A_2059 = arith.select %lt3A_2055, %add3A_2058, %xor3A_2052 : vector<16xi1>, vector<16xi32>
      %broadcast_in_dim3A_2060 = vector.shape_cast %select_n3A_2059 : vector<16xi32> to vector<16x1xi32>
      %gather3A_2061 = vector.shape_cast %broadcast_in_dim3A_2060 : vector<16x1xi32> to vector<16xi32>
      %gather3A_2062 = tpu.dynamic_gather %max3A_2049[%gather3A_2061] in [0] : vector<16xf32>, vector<16xi32> -> vector<16xf32>
      %max3A_2063 = arith.maximumf %max3A_2049, %gather3A_2062 : vector<16xf32>
      %mul3A_2064 = arith.constant 16 : i32
      %mul3A_2065 = vector.broadcast %mul3A_2064 : i32 to vector<16xi32>
      %mul3A_2066 = arith.muli %select_n3A_2007, %mul3A_2065 : vector<16xi32>
      %add3A_2067 = arith.addi %mul3A_2066, %iota3A : vector<16xi32>
      %eq3A_2068 = arith.cmpf oeq, %select_n3A_2004, %max3A_2063 : vector<16xf32>
      %jit3A_2069 = arith.constant 384 : i32
      %broadcast_in_dim3A_2070 = vector.broadcast %jit3A_2069 : i32 to vector<16xi32>
      %select_n3A_2071 = arith.select %eq3A_2068, %add3A_2067, %broadcast_in_dim3A_2070 : vector<16xi1>, vector<16xi32>
      %xor3A_2072 = arith.constant 1 : i32
      %xor3A_2073 = vector.broadcast %xor3A_2072 : i32 to vector<16xi32>
      %xor3A_2074 = arith.xori %iota3A, %xor3A_2073 : vector<16xi32>
      %lt3A_2075 = arith.constant 0 : i32
      %lt3A_2076 = vector.broadcast %lt3A_2075 : i32 to vector<16xi32>
      %lt3A_2077 = arith.cmpi slt, %xor3A_2074, %lt3A_2076 : vector<16xi32>
      %add3A_2078 = arith.constant 16 : i32
      %add3A_2079 = vector.broadcast %add3A_2078 : i32 to vector<16xi32>
      %add3A_2080 = arith.addi %xor3A_2074, %add3A_2079 : vector<16xi32>
      %select_n3A_2081 = arith.select %lt3A_2077, %add3A_2080, %xor3A_2074 : vector<16xi1>, vector<16xi32>
      %broadcast_in_dim3A_2082 = vector.shape_cast %select_n3A_2081 : vector<16xi32> to vector<16x1xi32>
      %gather3A_2083 = vector.shape_cast %broadcast_in_dim3A_2082 : vector<16x1xi32> to vector<16xi32>
      %gather3A_2084 = tpu.dynamic_gather %select_n3A_2071[%gather3A_2083] in [0] : vector<16xi32>, vector<16xi32> -> vector<16xi32>
      %min3A_2085 = arith.minsi %select_n3A_2071, %gather3A_2084 : vector<16xi32>
      %xor3A_2086 = arith.constant 2 : i32
      %xor3A_2087 = vector.broadcast %xor3A_2086 : i32 to vector<16xi32>
      %xor3A_2088 = arith.xori %iota3A, %xor3A_2087 : vector<16xi32>
      %lt3A_2089 = arith.constant 0 : i32
      %lt3A_2090 = vector.broadcast %lt3A_2089 : i32 to vector<16xi32>
      %lt3A_2091 = arith.cmpi slt, %xor3A_2088, %lt3A_2090 : vector<16xi32>
      %add3A_2092 = arith.constant 16 : i32
      %add3A_2093 = vector.broadcast %add3A_2092 : i32 to vector<16xi32>
      %add3A_2094 = arith.addi %xor3A_2088, %add3A_2093 : vector<16xi32>
      %select_n3A_2095 = arith.select %lt3A_2091, %add3A_2094, %xor3A_2088 : vector<16xi1>, vector<16xi32>
      %broadcast_in_dim3A_2096 = vector.shape_cast %select_n3A_2095 : vector<16xi32> to vector<16x1xi32>
      %gather3A_2097 = vector.shape_cast %broadcast_in_dim3A_2096 : vector<16x1xi32> to vector<16xi32>
      %gather3A_2098 = tpu.dynamic_gather %min3A_2085[%gather3A_2097] in [0] : vector<16xi32>, vector<16xi32> -> vector<16xi32>
      %min3A_2099 = arith.minsi %min3A_2085, %gather3A_2098 : vector<16xi32>
      %xor3A_2100 = arith.constant 4 : i32
      %xor3A_2101 = vector.broadcast %xor3A_2100 : i32 to vector<16xi32>
      %xor3A_2102 = arith.xori %iota3A, %xor3A_2101 : vector<16xi32>
      %lt3A_2103 = arith.constant 0 : i32
      %lt3A_2104 = vector.broadcast %lt3A_2103 : i32 to vector<16xi32>
      %lt3A_2105 = arith.cmpi slt, %xor3A_2102, %lt3A_2104 : vector<16xi32>
      %add3A_2106 = arith.constant 16 : i32
      %add3A_2107 = vector.broadcast %add3A_2106 : i32 to vector<16xi32>
      %add3A_2108 = arith.addi %xor3A_2102, %add3A_2107 : vector<16xi32>
      %select_n3A_2109 = arith.select %lt3A_2105, %add3A_2108, %xor3A_2102 : vector<16xi1>, vector<16xi32>
      %broadcast_in_dim3A_2110 = vector.shape_cast %select_n3A_2109 : vector<16xi32> to vector<16x1xi32>
      %gather3A_2111 = vector.shape_cast %broadcast_in_dim3A_2110 : vector<16x1xi32> to vector<16xi32>
      %gather3A_2112 = tpu.dynamic_gather %min3A_2099[%gather3A_2111] in [0] : vector<16xi32>, vector<16xi32> -> vector<16xi32>
      %min3A_2113 = arith.minsi %min3A_2099, %gather3A_2112 : vector<16xi32>
      %xor3A_2114 = arith.constant 8 : i32
      %xor3A_2115 = vector.broadcast %xor3A_2114 : i32 to vector<16xi32>
      %xor3A_2116 = arith.xori %iota3A, %xor3A_2115 : vector<16xi32>
      %lt3A_2117 = arith.constant 0 : i32
      %lt3A_2118 = vector.broadcast %lt3A_2117 : i32 to vector<16xi32>
      %lt3A_2119 = arith.cmpi slt, %xor3A_2116, %lt3A_2118 : vector<16xi32>
      %add3A_2120 = arith.constant 16 : i32
      %add3A_2121 = vector.broadcast %add3A_2120 : i32 to vector<16xi32>
      %add3A_2122 = arith.addi %xor3A_2116, %add3A_2121 : vector<16xi32>
      %select_n3A_2123 = arith.select %lt3A_2119, %add3A_2122, %xor3A_2116 : vector<16xi1>, vector<16xi32>
      %broadcast_in_dim3A_2124 = vector.shape_cast %select_n3A_2123 : vector<16xi32> to vector<16x1xi32>
      %gather3A_2125 = vector.shape_cast %broadcast_in_dim3A_2124 : vector<16x1xi32> to vector<16xi32>
      %gather3A_2126 = tpu.dynamic_gather %min3A_2113[%gather3A_2125] in [0] : vector<16xi32>, vector<16xi32> -> vector<16xi32>
      %min3A_2127 = arith.minsi %min3A_2113, %gather3A_2126 : vector<16xi32>
      %eq3A_2128 = arith.constant 5 : i32
      %eq3A_2129 = vector.broadcast %eq3A_2128 : i32 to vector<16xi32>
      %eq3A_2130 = arith.cmpi eq, %iota3A, %eq3A_2129 : vector<16xi32>
      %select_n3A_2131 = arith.select %eq3A_2130, %max3A_2063, %select_n3A_1770 : vector<16xi1>, vector<16xf32>
      %add3A_2132 = arith.constant 0 : i32
      %add3A_2133 = vector.broadcast %add3A_2132 : i32 to vector<16xi32>
      %add3A_2134 = arith.addi %iota3A, %add3A_2133 : vector<16xi32>
      %eq3A_2135 = arith.cmpi eq, %add3A_2134, %min3A_2127 : vector<16xi32>
      %jit3A_2136 = arith.constant 0xFF800000 : f32
      %broadcast_in_dim3A_2137 = vector.broadcast %jit3A_2136 : f32 to vector<16xf32>
      %select_n3A_2138 = arith.select %eq3A_2135, %broadcast_in_dim3A_2137, %select_n3A_1777 : vector<16xi1>, vector<16xf32>
      %add3A_2139 = arith.constant 16 : i32
      %add3A_2140 = vector.broadcast %add3A_2139 : i32 to vector<16xi32>
      %add3A_2141 = arith.addi %iota3A, %add3A_2140 : vector<16xi32>
      %eq3A_2142 = arith.cmpi eq, %add3A_2141, %min3A_2127 : vector<16xi32>
      %jit3A_2143 = arith.constant 0xFF800000 : f32
      %broadcast_in_dim3A_2144 = vector.broadcast %jit3A_2143 : f32 to vector<16xf32>
      %select_n3A_2145 = arith.select %eq3A_2142, %broadcast_in_dim3A_2144, %select_n3A_1784 : vector<16xi1>, vector<16xf32>
      %add3A_2146 = arith.constant 32 : i32
      %add3A_2147 = vector.broadcast %add3A_2146 : i32 to vector<16xi32>
      %add3A_2148 = arith.addi %iota3A, %add3A_2147 : vector<16xi32>
      %eq3A_2149 = arith.cmpi eq, %add3A_2148, %min3A_2127 : vector<16xi32>
      %jit3A_2150 = arith.constant 0xFF800000 : f32
      %broadcast_in_dim3A_2151 = vector.broadcast %jit3A_2150 : f32 to vector<16xf32>
      %select_n3A_2152 = arith.select %eq3A_2149, %broadcast_in_dim3A_2151, %select_n3A_1791 : vector<16xi1>, vector<16xf32>
      %add3A_2153 = arith.constant 48 : i32
      %add3A_2154 = vector.broadcast %add3A_2153 : i32 to vector<16xi32>
      %add3A_2155 = arith.addi %iota3A, %add3A_2154 : vector<16xi32>
      %eq3A_2156 = arith.cmpi eq, %add3A_2155, %min3A_2127 : vector<16xi32>
      %jit3A_2157 = arith.constant 0xFF800000 : f32
      %broadcast_in_dim3A_2158 = vector.broadcast %jit3A_2157 : f32 to vector<16xf32>
      %select_n3A_2159 = arith.select %eq3A_2156, %broadcast_in_dim3A_2158, %select_n3A_1798 : vector<16xi1>, vector<16xf32>
      %add3A_2160 = arith.constant 64 : i32
      %add3A_2161 = vector.broadcast %add3A_2160 : i32 to vector<16xi32>
      %add3A_2162 = arith.addi %iota3A, %add3A_2161 : vector<16xi32>
      %eq3A_2163 = arith.cmpi eq, %add3A_2162, %min3A_2127 : vector<16xi32>
      %jit3A_2164 = arith.constant 0xFF800000 : f32
      %broadcast_in_dim3A_2165 = vector.broadcast %jit3A_2164 : f32 to vector<16xf32>
      %select_n3A_2166 = arith.select %eq3A_2163, %broadcast_in_dim3A_2165, %select_n3A_1805 : vector<16xi1>, vector<16xf32>
      %add3A_2167 = arith.constant 80 : i32
      %add3A_2168 = vector.broadcast %add3A_2167 : i32 to vector<16xi32>
      %add3A_2169 = arith.addi %iota3A, %add3A_2168 : vector<16xi32>
      %eq3A_2170 = arith.cmpi eq, %add3A_2169, %min3A_2127 : vector<16xi32>
      %jit3A_2171 = arith.constant 0xFF800000 : f32
      %broadcast_in_dim3A_2172 = vector.broadcast %jit3A_2171 : f32 to vector<16xf32>
      %select_n3A_2173 = arith.select %eq3A_2170, %broadcast_in_dim3A_2172, %select_n3A_1812 : vector<16xi1>, vector<16xf32>
      %add3A_2174 = arith.constant 96 : i32
      %add3A_2175 = vector.broadcast %add3A_2174 : i32 to vector<16xi32>
      %add3A_2176 = arith.addi %iota3A, %add3A_2175 : vector<16xi32>
      %eq3A_2177 = arith.cmpi eq, %add3A_2176, %min3A_2127 : vector<16xi32>
      %jit3A_2178 = arith.constant 0xFF800000 : f32
      %broadcast_in_dim3A_2179 = vector.broadcast %jit3A_2178 : f32 to vector<16xf32>
      %select_n3A_2180 = arith.select %eq3A_2177, %broadcast_in_dim3A_2179, %select_n3A_1819 : vector<16xi1>, vector<16xf32>
      %add3A_2181 = arith.constant 112 : i32
      %add3A_2182 = vector.broadcast %add3A_2181 : i32 to vector<16xi32>
      %add3A_2183 = arith.addi %iota3A, %add3A_2182 : vector<16xi32>
      %eq3A_2184 = arith.cmpi eq, %add3A_2183, %min3A_2127 : vector<16xi32>
      %jit3A_2185 = arith.constant 0xFF800000 : f32
      %broadcast_in_dim3A_2186 = vector.broadcast %jit3A_2185 : f32 to vector<16xf32>
      %select_n3A_2187 = arith.select %eq3A_2184, %broadcast_in_dim3A_2186, %select_n3A_1826 : vector<16xi1>, vector<16xf32>
      %add3A_2188 = arith.constant 128 : i32
      %add3A_2189 = vector.broadcast %add3A_2188 : i32 to vector<16xi32>
      %add3A_2190 = arith.addi %iota3A, %add3A_2189 : vector<16xi32>
      %eq3A_2191 = arith.cmpi eq, %add3A_2190, %min3A_2127 : vector<16xi32>
      %jit3A_2192 = arith.constant 0xFF800000 : f32
      %broadcast_in_dim3A_2193 = vector.broadcast %jit3A_2192 : f32 to vector<16xf32>
      %select_n3A_2194 = arith.select %eq3A_2191, %broadcast_in_dim3A_2193, %select_n3A_1833 : vector<16xi1>, vector<16xf32>
      %add3A_2195 = arith.constant 144 : i32
      %add3A_2196 = vector.broadcast %add3A_2195 : i32 to vector<16xi32>
      %add3A_2197 = arith.addi %iota3A, %add3A_2196 : vector<16xi32>
      %eq3A_2198 = arith.cmpi eq, %add3A_2197, %min3A_2127 : vector<16xi32>
      %jit3A_2199 = arith.constant 0xFF800000 : f32
      %broadcast_in_dim3A_2200 = vector.broadcast %jit3A_2199 : f32 to vector<16xf32>
      %select_n3A_2201 = arith.select %eq3A_2198, %broadcast_in_dim3A_2200, %select_n3A_1840 : vector<16xi1>, vector<16xf32>
      %add3A_2202 = arith.constant 160 : i32
      %add3A_2203 = vector.broadcast %add3A_2202 : i32 to vector<16xi32>
      %add3A_2204 = arith.addi %iota3A, %add3A_2203 : vector<16xi32>
      %eq3A_2205 = arith.cmpi eq, %add3A_2204, %min3A_2127 : vector<16xi32>
      %jit3A_2206 = arith.constant 0xFF800000 : f32
      %broadcast_in_dim3A_2207 = vector.broadcast %jit3A_2206 : f32 to vector<16xf32>
      %select_n3A_2208 = arith.select %eq3A_2205, %broadcast_in_dim3A_2207, %select_n3A_1847 : vector<16xi1>, vector<16xf32>
      %add3A_2209 = arith.constant 176 : i32
      %add3A_2210 = vector.broadcast %add3A_2209 : i32 to vector<16xi32>
      %add3A_2211 = arith.addi %iota3A, %add3A_2210 : vector<16xi32>
      %eq3A_2212 = arith.cmpi eq, %add3A_2211, %min3A_2127 : vector<16xi32>
      %jit3A_2213 = arith.constant 0xFF800000 : f32
      %broadcast_in_dim3A_2214 = vector.broadcast %jit3A_2213 : f32 to vector<16xf32>
      %select_n3A_2215 = arith.select %eq3A_2212, %broadcast_in_dim3A_2214, %select_n3A_1854 : vector<16xi1>, vector<16xf32>
      %add3A_2216 = arith.constant 192 : i32
      %add3A_2217 = vector.broadcast %add3A_2216 : i32 to vector<16xi32>
      %add3A_2218 = arith.addi %iota3A, %add3A_2217 : vector<16xi32>
      %eq3A_2219 = arith.cmpi eq, %add3A_2218, %min3A_2127 : vector<16xi32>
      %jit3A_2220 = arith.constant 0xFF800000 : f32
      %broadcast_in_dim3A_2221 = vector.broadcast %jit3A_2220 : f32 to vector<16xf32>
      %select_n3A_2222 = arith.select %eq3A_2219, %broadcast_in_dim3A_2221, %select_n3A_1861 : vector<16xi1>, vector<16xf32>
      %add3A_2223 = arith.constant 208 : i32
      %add3A_2224 = vector.broadcast %add3A_2223 : i32 to vector<16xi32>
      %add3A_2225 = arith.addi %iota3A, %add3A_2224 : vector<16xi32>
      %eq3A_2226 = arith.cmpi eq, %add3A_2225, %min3A_2127 : vector<16xi32>
      %jit3A_2227 = arith.constant 0xFF800000 : f32
      %broadcast_in_dim3A_2228 = vector.broadcast %jit3A_2227 : f32 to vector<16xf32>
      %select_n3A_2229 = arith.select %eq3A_2226, %broadcast_in_dim3A_2228, %select_n3A_1868 : vector<16xi1>, vector<16xf32>
      %add3A_2230 = arith.constant 224 : i32
      %add3A_2231 = vector.broadcast %add3A_2230 : i32 to vector<16xi32>
      %add3A_2232 = arith.addi %iota3A, %add3A_2231 : vector<16xi32>
      %eq3A_2233 = arith.cmpi eq, %add3A_2232, %min3A_2127 : vector<16xi32>
      %jit3A_2234 = arith.constant 0xFF800000 : f32
      %broadcast_in_dim3A_2235 = vector.broadcast %jit3A_2234 : f32 to vector<16xf32>
      %select_n3A_2236 = arith.select %eq3A_2233, %broadcast_in_dim3A_2235, %select_n3A_1875 : vector<16xi1>, vector<16xf32>
      %add3A_2237 = arith.constant 240 : i32
      %add3A_2238 = vector.broadcast %add3A_2237 : i32 to vector<16xi32>
      %add3A_2239 = arith.addi %iota3A, %add3A_2238 : vector<16xi32>
      %eq3A_2240 = arith.cmpi eq, %add3A_2239, %min3A_2127 : vector<16xi32>
      %jit3A_2241 = arith.constant 0xFF800000 : f32
      %broadcast_in_dim3A_2242 = vector.broadcast %jit3A_2241 : f32 to vector<16xf32>
      %select_n3A_2243 = arith.select %eq3A_2240, %broadcast_in_dim3A_2242, %select_n3A_1882 : vector<16xi1>, vector<16xf32>
      %add3A_2244 = arith.constant 256 : i32
      %add3A_2245 = vector.broadcast %add3A_2244 : i32 to vector<16xi32>
      %add3A_2246 = arith.addi %iota3A, %add3A_2245 : vector<16xi32>
      %eq3A_2247 = arith.cmpi eq, %add3A_2246, %min3A_2127 : vector<16xi32>
      %jit3A_2248 = arith.constant 0xFF800000 : f32
      %broadcast_in_dim3A_2249 = vector.broadcast %jit3A_2248 : f32 to vector<16xf32>
      %select_n3A_2250 = arith.select %eq3A_2247, %broadcast_in_dim3A_2249, %select_n3A_1889 : vector<16xi1>, vector<16xf32>
      %add3A_2251 = arith.constant 272 : i32
      %add3A_2252 = vector.broadcast %add3A_2251 : i32 to vector<16xi32>
      %add3A_2253 = arith.addi %iota3A, %add3A_2252 : vector<16xi32>
      %eq3A_2254 = arith.cmpi eq, %add3A_2253, %min3A_2127 : vector<16xi32>
      %jit3A_2255 = arith.constant 0xFF800000 : f32
      %broadcast_in_dim3A_2256 = vector.broadcast %jit3A_2255 : f32 to vector<16xf32>
      %select_n3A_2257 = arith.select %eq3A_2254, %broadcast_in_dim3A_2256, %select_n3A_1896 : vector<16xi1>, vector<16xf32>
      %add3A_2258 = arith.constant 288 : i32
      %add3A_2259 = vector.broadcast %add3A_2258 : i32 to vector<16xi32>
      %add3A_2260 = arith.addi %iota3A, %add3A_2259 : vector<16xi32>
      %eq3A_2261 = arith.cmpi eq, %add3A_2260, %min3A_2127 : vector<16xi32>
      %jit3A_2262 = arith.constant 0xFF800000 : f32
      %broadcast_in_dim3A_2263 = vector.broadcast %jit3A_2262 : f32 to vector<16xf32>
      %select_n3A_2264 = arith.select %eq3A_2261, %broadcast_in_dim3A_2263, %select_n3A_1903 : vector<16xi1>, vector<16xf32>
      %add3A_2265 = arith.constant 304 : i32
      %add3A_2266 = vector.broadcast %add3A_2265 : i32 to vector<16xi32>
      %add3A_2267 = arith.addi %iota3A, %add3A_2266 : vector<16xi32>
      %eq3A_2268 = arith.cmpi eq, %add3A_2267, %min3A_2127 : vector<16xi32>
      %jit3A_2269 = arith.constant 0xFF800000 : f32
      %broadcast_in_dim3A_2270 = vector.broadcast %jit3A_2269 : f32 to vector<16xf32>
      %select_n3A_2271 = arith.select %eq3A_2268, %broadcast_in_dim3A_2270, %select_n3A_1910 : vector<16xi1>, vector<16xf32>
      %broadcast_in_dim3A_2272 = arith.constant 0 : i32
      %broadcast_in_dim3A_2273 = vector.broadcast %broadcast_in_dim3A_2272 : i32 to vector<16xi32>
      %gt3A_2274 = arith.cmpf ogt, %select_n3A_2145, %select_n3A_2138 : vector<16xf32>
      %select_n3A_2275 = arith.select %gt3A_2274, %select_n3A_2145, %select_n3A_2138 : vector<16xi1>, vector<16xf32>
      %jit3A_2276 = arith.constant 1 : i32
      %broadcast_in_dim3A_2277 = vector.broadcast %jit3A_2276 : i32 to vector<16xi32>
      %select_n3A_2278 = arith.select %gt3A_2274, %broadcast_in_dim3A_2277, %broadcast_in_dim3A_2273 : vector<16xi1>, vector<16xi32>
      %gt3A_2279 = arith.cmpf ogt, %select_n3A_2152, %select_n3A_2275 : vector<16xf32>
      %select_n3A_2280 = arith.select %gt3A_2279, %select_n3A_2152, %select_n3A_2275 : vector<16xi1>, vector<16xf32>
      %jit3A_2281 = arith.constant 2 : i32
      %broadcast_in_dim3A_2282 = vector.broadcast %jit3A_2281 : i32 to vector<16xi32>
      %select_n3A_2283 = arith.select %gt3A_2279, %broadcast_in_dim3A_2282, %select_n3A_2278 : vector<16xi1>, vector<16xi32>
      %gt3A_2284 = arith.cmpf ogt, %select_n3A_2159, %select_n3A_2280 : vector<16xf32>
      %select_n3A_2285 = arith.select %gt3A_2284, %select_n3A_2159, %select_n3A_2280 : vector<16xi1>, vector<16xf32>
      %jit3A_2286 = arith.constant 3 : i32
      %broadcast_in_dim3A_2287 = vector.broadcast %jit3A_2286 : i32 to vector<16xi32>
      %select_n3A_2288 = arith.select %gt3A_2284, %broadcast_in_dim3A_2287, %select_n3A_2283 : vector<16xi1>, vector<16xi32>
      %gt3A_2289 = arith.cmpf ogt, %select_n3A_2166, %select_n3A_2285 : vector<16xf32>
      %select_n3A_2290 = arith.select %gt3A_2289, %select_n3A_2166, %select_n3A_2285 : vector<16xi1>, vector<16xf32>
      %jit3A_2291 = arith.constant 4 : i32
      %broadcast_in_dim3A_2292 = vector.broadcast %jit3A_2291 : i32 to vector<16xi32>
      %select_n3A_2293 = arith.select %gt3A_2289, %broadcast_in_dim3A_2292, %select_n3A_2288 : vector<16xi1>, vector<16xi32>
      %gt3A_2294 = arith.cmpf ogt, %select_n3A_2173, %select_n3A_2290 : vector<16xf32>
      %select_n3A_2295 = arith.select %gt3A_2294, %select_n3A_2173, %select_n3A_2290 : vector<16xi1>, vector<16xf32>
      %jit3A_2296 = arith.constant 5 : i32
      %broadcast_in_dim3A_2297 = vector.broadcast %jit3A_2296 : i32 to vector<16xi32>
      %select_n3A_2298 = arith.select %gt3A_2294, %broadcast_in_dim3A_2297, %select_n3A_2293 : vector<16xi1>, vector<16xi32>
      %gt3A_2299 = arith.cmpf ogt, %select_n3A_2180, %select_n3A_2295 : vector<16xf32>
      %select_n3A_2300 = arith.select %gt3A_2299, %select_n3A_2180, %select_n3A_2295 : vector<16xi1>, vector<16xf32>
      %jit3A_2301 = arith.constant 6 : i32
      %broadcast_in_dim3A_2302 = vector.broadcast %jit3A_2301 : i32 to vector<16xi32>
      %select_n3A_2303 = arith.select %gt3A_2299, %broadcast_in_dim3A_2302, %select_n3A_2298 : vector<16xi1>, vector<16xi32>
      %gt3A_2304 = arith.cmpf ogt, %select_n3A_2187, %select_n3A_2300 : vector<16xf32>
      %select_n3A_2305 = arith.select %gt3A_2304, %select_n3A_2187, %select_n3A_2300 : vector<16xi1>, vector<16xf32>
      %jit3A_2306 = arith.constant 7 : i32
      %broadcast_in_dim3A_2307 = vector.broadcast %jit3A_2306 : i32 to vector<16xi32>
      %select_n3A_2308 = arith.select %gt3A_2304, %broadcast_in_dim3A_2307, %select_n3A_2303 : vector<16xi1>, vector<16xi32>
      %gt3A_2309 = arith.cmpf ogt, %select_n3A_2194, %select_n3A_2305 : vector<16xf32>
      %select_n3A_2310 = arith.select %gt3A_2309, %select_n3A_2194, %select_n3A_2305 : vector<16xi1>, vector<16xf32>
      %jit3A_2311 = arith.constant 8 : i32
      %broadcast_in_dim3A_2312 = vector.broadcast %jit3A_2311 : i32 to vector<16xi32>
      %select_n3A_2313 = arith.select %gt3A_2309, %broadcast_in_dim3A_2312, %select_n3A_2308 : vector<16xi1>, vector<16xi32>
      %gt3A_2314 = arith.cmpf ogt, %select_n3A_2201, %select_n3A_2310 : vector<16xf32>
      %select_n3A_2315 = arith.select %gt3A_2314, %select_n3A_2201, %select_n3A_2310 : vector<16xi1>, vector<16xf32>
      %jit3A_2316 = arith.constant 9 : i32
      %broadcast_in_dim3A_2317 = vector.broadcast %jit3A_2316 : i32 to vector<16xi32>
      %select_n3A_2318 = arith.select %gt3A_2314, %broadcast_in_dim3A_2317, %select_n3A_2313 : vector<16xi1>, vector<16xi32>
      %gt3A_2319 = arith.cmpf ogt, %select_n3A_2208, %select_n3A_2315 : vector<16xf32>
      %select_n3A_2320 = arith.select %gt3A_2319, %select_n3A_2208, %select_n3A_2315 : vector<16xi1>, vector<16xf32>
      %jit3A_2321 = arith.constant 10 : i32
      %broadcast_in_dim3A_2322 = vector.broadcast %jit3A_2321 : i32 to vector<16xi32>
      %select_n3A_2323 = arith.select %gt3A_2319, %broadcast_in_dim3A_2322, %select_n3A_2318 : vector<16xi1>, vector<16xi32>
      %gt3A_2324 = arith.cmpf ogt, %select_n3A_2215, %select_n3A_2320 : vector<16xf32>
      %select_n3A_2325 = arith.select %gt3A_2324, %select_n3A_2215, %select_n3A_2320 : vector<16xi1>, vector<16xf32>
      %jit3A_2326 = arith.constant 11 : i32
      %broadcast_in_dim3A_2327 = vector.broadcast %jit3A_2326 : i32 to vector<16xi32>
      %select_n3A_2328 = arith.select %gt3A_2324, %broadcast_in_dim3A_2327, %select_n3A_2323 : vector<16xi1>, vector<16xi32>
      %gt3A_2329 = arith.cmpf ogt, %select_n3A_2222, %select_n3A_2325 : vector<16xf32>
      %select_n3A_2330 = arith.select %gt3A_2329, %select_n3A_2222, %select_n3A_2325 : vector<16xi1>, vector<16xf32>
      %jit3A_2331 = arith.constant 12 : i32
      %broadcast_in_dim3A_2332 = vector.broadcast %jit3A_2331 : i32 to vector<16xi32>
      %select_n3A_2333 = arith.select %gt3A_2329, %broadcast_in_dim3A_2332, %select_n3A_2328 : vector<16xi1>, vector<16xi32>
      %gt3A_2334 = arith.cmpf ogt, %select_n3A_2229, %select_n3A_2330 : vector<16xf32>
      %select_n3A_2335 = arith.select %gt3A_2334, %select_n3A_2229, %select_n3A_2330 : vector<16xi1>, vector<16xf32>
      %jit3A_2336 = arith.constant 13 : i32
      %broadcast_in_dim3A_2337 = vector.broadcast %jit3A_2336 : i32 to vector<16xi32>
      %select_n3A_2338 = arith.select %gt3A_2334, %broadcast_in_dim3A_2337, %select_n3A_2333 : vector<16xi1>, vector<16xi32>
      %gt3A_2339 = arith.cmpf ogt, %select_n3A_2236, %select_n3A_2335 : vector<16xf32>
      %select_n3A_2340 = arith.select %gt3A_2339, %select_n3A_2236, %select_n3A_2335 : vector<16xi1>, vector<16xf32>
      %jit3A_2341 = arith.constant 14 : i32
      %broadcast_in_dim3A_2342 = vector.broadcast %jit3A_2341 : i32 to vector<16xi32>
      %select_n3A_2343 = arith.select %gt3A_2339, %broadcast_in_dim3A_2342, %select_n3A_2338 : vector<16xi1>, vector<16xi32>
      %gt3A_2344 = arith.cmpf ogt, %select_n3A_2243, %select_n3A_2340 : vector<16xf32>
      %select_n3A_2345 = arith.select %gt3A_2344, %select_n3A_2243, %select_n3A_2340 : vector<16xi1>, vector<16xf32>
      %jit3A_2346 = arith.constant 15 : i32
      %broadcast_in_dim3A_2347 = vector.broadcast %jit3A_2346 : i32 to vector<16xi32>
      %select_n3A_2348 = arith.select %gt3A_2344, %broadcast_in_dim3A_2347, %select_n3A_2343 : vector<16xi1>, vector<16xi32>
      %gt3A_2349 = arith.cmpf ogt, %select_n3A_2250, %select_n3A_2345 : vector<16xf32>
      %select_n3A_2350 = arith.select %gt3A_2349, %select_n3A_2250, %select_n3A_2345 : vector<16xi1>, vector<16xf32>
      %jit3A_2351 = arith.constant 16 : i32
      %broadcast_in_dim3A_2352 = vector.broadcast %jit3A_2351 : i32 to vector<16xi32>
      %select_n3A_2353 = arith.select %gt3A_2349, %broadcast_in_dim3A_2352, %select_n3A_2348 : vector<16xi1>, vector<16xi32>
      %gt3A_2354 = arith.cmpf ogt, %select_n3A_2257, %select_n3A_2350 : vector<16xf32>
      %select_n3A_2355 = arith.select %gt3A_2354, %select_n3A_2257, %select_n3A_2350 : vector<16xi1>, vector<16xf32>
      %jit3A_2356 = arith.constant 17 : i32
      %broadcast_in_dim3A_2357 = vector.broadcast %jit3A_2356 : i32 to vector<16xi32>
      %select_n3A_2358 = arith.select %gt3A_2354, %broadcast_in_dim3A_2357, %select_n3A_2353 : vector<16xi1>, vector<16xi32>
      %gt3A_2359 = arith.cmpf ogt, %select_n3A_2264, %select_n3A_2355 : vector<16xf32>
      %select_n3A_2360 = arith.select %gt3A_2359, %select_n3A_2264, %select_n3A_2355 : vector<16xi1>, vector<16xf32>
      %jit3A_2361 = arith.constant 18 : i32
      %broadcast_in_dim3A_2362 = vector.broadcast %jit3A_2361 : i32 to vector<16xi32>
      %select_n3A_2363 = arith.select %gt3A_2359, %broadcast_in_dim3A_2362, %select_n3A_2358 : vector<16xi1>, vector<16xi32>
      %gt3A_2364 = arith.cmpf ogt, %select_n3A_2271, %select_n3A_2360 : vector<16xf32>
      %select_n3A_2365 = arith.select %gt3A_2364, %select_n3A_2271, %select_n3A_2360 : vector<16xi1>, vector<16xf32>
      %jit3A_2366 = arith.constant 19 : i32
      %broadcast_in_dim3A_2367 = vector.broadcast %jit3A_2366 : i32 to vector<16xi32>
      %select_n3A_2368 = arith.select %gt3A_2364, %broadcast_in_dim3A_2367, %select_n3A_2363 : vector<16xi1>, vector<16xi32>
      %xor3A_2369 = arith.constant 1 : i32
      %xor3A_2370 = vector.broadcast %xor3A_2369 : i32 to vector<16xi32>
      %xor3A_2371 = arith.xori %iota3A, %xor3A_2370 : vector<16xi32>
      %lt3A_2372 = arith.constant 0 : i32
      %lt3A_2373 = vector.broadcast %lt3A_2372 : i32 to vector<16xi32>
      %lt3A_2374 = arith.cmpi slt, %xor3A_2371, %lt3A_2373 : vector<16xi32>
      %add3A_2375 = arith.constant 16 : i32
      %add3A_2376 = vector.broadcast %add3A_2375 : i32 to vector<16xi32>
      %add3A_2377 = arith.addi %xor3A_2371, %add3A_2376 : vector<16xi32>
      %select_n3A_2378 = arith.select %lt3A_2374, %add3A_2377, %xor3A_2371 : vector<16xi1>, vector<16xi32>
      %broadcast_in_dim3A_2379 = vector.shape_cast %select_n3A_2378 : vector<16xi32> to vector<16x1xi32>
      %gather3A_2380 = vector.shape_cast %broadcast_in_dim3A_2379 : vector<16x1xi32> to vector<16xi32>
      %gather3A_2381 = tpu.dynamic_gather %select_n3A_2365[%gather3A_2380] in [0] : vector<16xf32>, vector<16xi32> -> vector<16xf32>
      %max3A_2382 = arith.maximumf %select_n3A_2365, %gather3A_2381 : vector<16xf32>
      %xor3A_2383 = arith.constant 2 : i32
      %xor3A_2384 = vector.broadcast %xor3A_2383 : i32 to vector<16xi32>
      %xor3A_2385 = arith.xori %iota3A, %xor3A_2384 : vector<16xi32>
      %lt3A_2386 = arith.constant 0 : i32
      %lt3A_2387 = vector.broadcast %lt3A_2386 : i32 to vector<16xi32>
      %lt3A_2388 = arith.cmpi slt, %xor3A_2385, %lt3A_2387 : vector<16xi32>
      %add3A_2389 = arith.constant 16 : i32
      %add3A_2390 = vector.broadcast %add3A_2389 : i32 to vector<16xi32>
      %add3A_2391 = arith.addi %xor3A_2385, %add3A_2390 : vector<16xi32>
      %select_n3A_2392 = arith.select %lt3A_2388, %add3A_2391, %xor3A_2385 : vector<16xi1>, vector<16xi32>
      %broadcast_in_dim3A_2393 = vector.shape_cast %select_n3A_2392 : vector<16xi32> to vector<16x1xi32>
      %gather3A_2394 = vector.shape_cast %broadcast_in_dim3A_2393 : vector<16x1xi32> to vector<16xi32>
      %gather3A_2395 = tpu.dynamic_gather %max3A_2382[%gather3A_2394] in [0] : vector<16xf32>, vector<16xi32> -> vector<16xf32>
      %max3A_2396 = arith.maximumf %max3A_2382, %gather3A_2395 : vector<16xf32>
      %xor3A_2397 = arith.constant 4 : i32
      %xor3A_2398 = vector.broadcast %xor3A_2397 : i32 to vector<16xi32>
      %xor3A_2399 = arith.xori %iota3A, %xor3A_2398 : vector<16xi32>
      %lt3A_2400 = arith.constant 0 : i32
      %lt3A_2401 = vector.broadcast %lt3A_2400 : i32 to vector<16xi32>
      %lt3A_2402 = arith.cmpi slt, %xor3A_2399, %lt3A_2401 : vector<16xi32>
      %add3A_2403 = arith.constant 16 : i32
      %add3A_2404 = vector.broadcast %add3A_2403 : i32 to vector<16xi32>
      %add3A_2405 = arith.addi %xor3A_2399, %add3A_2404 : vector<16xi32>
      %select_n3A_2406 = arith.select %lt3A_2402, %add3A_2405, %xor3A_2399 : vector<16xi1>, vector<16xi32>
      %broadcast_in_dim3A_2407 = vector.shape_cast %select_n3A_2406 : vector<16xi32> to vector<16x1xi32>
      %gather3A_2408 = vector.shape_cast %broadcast_in_dim3A_2407 : vector<16x1xi32> to vector<16xi32>
      %gather3A_2409 = tpu.dynamic_gather %max3A_2396[%gather3A_2408] in [0] : vector<16xf32>, vector<16xi32> -> vector<16xf32>
      %max3A_2410 = arith.maximumf %max3A_2396, %gather3A_2409 : vector<16xf32>
      %xor3A_2411 = arith.constant 8 : i32
      %xor3A_2412 = vector.broadcast %xor3A_2411 : i32 to vector<16xi32>
      %xor3A_2413 = arith.xori %iota3A, %xor3A_2412 : vector<16xi32>
      %lt3A_2414 = arith.constant 0 : i32
      %lt3A_2415 = vector.broadcast %lt3A_2414 : i32 to vector<16xi32>
      %lt3A_2416 = arith.cmpi slt, %xor3A_2413, %lt3A_2415 : vector<16xi32>
      %add3A_2417 = arith.constant 16 : i32
      %add3A_2418 = vector.broadcast %add3A_2417 : i32 to vector<16xi32>
      %add3A_2419 = arith.addi %xor3A_2413, %add3A_2418 : vector<16xi32>
      %select_n3A_2420 = arith.select %lt3A_2416, %add3A_2419, %xor3A_2413 : vector<16xi1>, vector<16xi32>
      %broadcast_in_dim3A_2421 = vector.shape_cast %select_n3A_2420 : vector<16xi32> to vector<16x1xi32>
      %gather3A_2422 = vector.shape_cast %broadcast_in_dim3A_2421 : vector<16x1xi32> to vector<16xi32>
      %gather3A_2423 = tpu.dynamic_gather %max3A_2410[%gather3A_2422] in [0] : vector<16xf32>, vector<16xi32> -> vector<16xf32>
      %max3A_2424 = arith.maximumf %max3A_2410, %gather3A_2423 : vector<16xf32>
      %mul3A_2425 = arith.constant 16 : i32
      %mul3A_2426 = vector.broadcast %mul3A_2425 : i32 to vector<16xi32>
      %mul3A_2427 = arith.muli %select_n3A_2368, %mul3A_2426 : vector<16xi32>
      %add3A_2428 = arith.addi %mul3A_2427, %iota3A : vector<16xi32>
      %eq3A_2429 = arith.cmpf oeq, %select_n3A_2365, %max3A_2424 : vector<16xf32>
      %jit3A_2430 = arith.constant 384 : i32
      %broadcast_in_dim3A_2431 = vector.broadcast %jit3A_2430 : i32 to vector<16xi32>
      %select_n3A_2432 = arith.select %eq3A_2429, %add3A_2428, %broadcast_in_dim3A_2431 : vector<16xi1>, vector<16xi32>
      %xor3A_2433 = arith.constant 1 : i32
      %xor3A_2434 = vector.broadcast %xor3A_2433 : i32 to vector<16xi32>
      %xor3A_2435 = arith.xori %iota3A, %xor3A_2434 : vector<16xi32>
      %lt3A_2436 = arith.constant 0 : i32
      %lt3A_2437 = vector.broadcast %lt3A_2436 : i32 to vector<16xi32>
      %lt3A_2438 = arith.cmpi slt, %xor3A_2435, %lt3A_2437 : vector<16xi32>
      %add3A_2439 = arith.constant 16 : i32
      %add3A_2440 = vector.broadcast %add3A_2439 : i32 to vector<16xi32>
      %add3A_2441 = arith.addi %xor3A_2435, %add3A_2440 : vector<16xi32>
      %select_n3A_2442 = arith.select %lt3A_2438, %add3A_2441, %xor3A_2435 : vector<16xi1>, vector<16xi32>
      %broadcast_in_dim3A_2443 = vector.shape_cast %select_n3A_2442 : vector<16xi32> to vector<16x1xi32>
      %gather3A_2444 = vector.shape_cast %broadcast_in_dim3A_2443 : vector<16x1xi32> to vector<16xi32>
      %gather3A_2445 = tpu.dynamic_gather %select_n3A_2432[%gather3A_2444] in [0] : vector<16xi32>, vector<16xi32> -> vector<16xi32>
      %min3A_2446 = arith.minsi %select_n3A_2432, %gather3A_2445 : vector<16xi32>
      %xor3A_2447 = arith.constant 2 : i32
      %xor3A_2448 = vector.broadcast %xor3A_2447 : i32 to vector<16xi32>
      %xor3A_2449 = arith.xori %iota3A, %xor3A_2448 : vector<16xi32>
      %lt3A_2450 = arith.constant 0 : i32
      %lt3A_2451 = vector.broadcast %lt3A_2450 : i32 to vector<16xi32>
      %lt3A_2452 = arith.cmpi slt, %xor3A_2449, %lt3A_2451 : vector<16xi32>
      %add3A_2453 = arith.constant 16 : i32
      %add3A_2454 = vector.broadcast %add3A_2453 : i32 to vector<16xi32>
      %add3A_2455 = arith.addi %xor3A_2449, %add3A_2454 : vector<16xi32>
      %select_n3A_2456 = arith.select %lt3A_2452, %add3A_2455, %xor3A_2449 : vector<16xi1>, vector<16xi32>
      %broadcast_in_dim3A_2457 = vector.shape_cast %select_n3A_2456 : vector<16xi32> to vector<16x1xi32>
      %gather3A_2458 = vector.shape_cast %broadcast_in_dim3A_2457 : vector<16x1xi32> to vector<16xi32>
      %gather3A_2459 = tpu.dynamic_gather %min3A_2446[%gather3A_2458] in [0] : vector<16xi32>, vector<16xi32> -> vector<16xi32>
      %min3A_2460 = arith.minsi %min3A_2446, %gather3A_2459 : vector<16xi32>
      %xor3A_2461 = arith.constant 4 : i32
      %xor3A_2462 = vector.broadcast %xor3A_2461 : i32 to vector<16xi32>
      %xor3A_2463 = arith.xori %iota3A, %xor3A_2462 : vector<16xi32>
      %lt3A_2464 = arith.constant 0 : i32
      %lt3A_2465 = vector.broadcast %lt3A_2464 : i32 to vector<16xi32>
      %lt3A_2466 = arith.cmpi slt, %xor3A_2463, %lt3A_2465 : vector<16xi32>
      %add3A_2467 = arith.constant 16 : i32
      %add3A_2468 = vector.broadcast %add3A_2467 : i32 to vector<16xi32>
      %add3A_2469 = arith.addi %xor3A_2463, %add3A_2468 : vector<16xi32>
      %select_n3A_2470 = arith.select %lt3A_2466, %add3A_2469, %xor3A_2463 : vector<16xi1>, vector<16xi32>
      %broadcast_in_dim3A_2471 = vector.shape_cast %select_n3A_2470 : vector<16xi32> to vector<16x1xi32>
      %gather3A_2472 = vector.shape_cast %broadcast_in_dim3A_2471 : vector<16x1xi32> to vector<16xi32>
      %gather3A_2473 = tpu.dynamic_gather %min3A_2460[%gather3A_2472] in [0] : vector<16xi32>, vector<16xi32> -> vector<16xi32>
      %min3A_2474 = arith.minsi %min3A_2460, %gather3A_2473 : vector<16xi32>
      %xor3A_2475 = arith.constant 8 : i32
      %xor3A_2476 = vector.broadcast %xor3A_2475 : i32 to vector<16xi32>
      %xor3A_2477 = arith.xori %iota3A, %xor3A_2476 : vector<16xi32>
      %lt3A_2478 = arith.constant 0 : i32
      %lt3A_2479 = vector.broadcast %lt3A_2478 : i32 to vector<16xi32>
      %lt3A_2480 = arith.cmpi slt, %xor3A_2477, %lt3A_2479 : vector<16xi32>
      %add3A_2481 = arith.constant 16 : i32
      %add3A_2482 = vector.broadcast %add3A_2481 : i32 to vector<16xi32>
      %add3A_2483 = arith.addi %xor3A_2477, %add3A_2482 : vector<16xi32>
      %select_n3A_2484 = arith.select %lt3A_2480, %add3A_2483, %xor3A_2477 : vector<16xi1>, vector<16xi32>
      %broadcast_in_dim3A_2485 = vector.shape_cast %select_n3A_2484 : vector<16xi32> to vector<16x1xi32>
      %gather3A_2486 = vector.shape_cast %broadcast_in_dim3A_2485 : vector<16x1xi32> to vector<16xi32>
      %gather3A_2487 = tpu.dynamic_gather %min3A_2474[%gather3A_2486] in [0] : vector<16xi32>, vector<16xi32> -> vector<16xi32>
      %min3A_2488 = arith.minsi %min3A_2474, %gather3A_2487 : vector<16xi32>
      %eq3A_2489 = arith.constant 6 : i32
      %eq3A_2490 = vector.broadcast %eq3A_2489 : i32 to vector<16xi32>
      %eq3A_2491 = arith.cmpi eq, %iota3A, %eq3A_2490 : vector<16xi32>
      %select_n3A_2492 = arith.select %eq3A_2491, %max3A_2424, %select_n3A_2131 : vector<16xi1>, vector<16xf32>
      %add3A_2493 = arith.constant 0 : i32
      %add3A_2494 = vector.broadcast %add3A_2493 : i32 to vector<16xi32>
      %add3A_2495 = arith.addi %iota3A, %add3A_2494 : vector<16xi32>
      %eq3A_2496 = arith.cmpi eq, %add3A_2495, %min3A_2488 : vector<16xi32>
      %jit3A_2497 = arith.constant 0xFF800000 : f32
      %broadcast_in_dim3A_2498 = vector.broadcast %jit3A_2497 : f32 to vector<16xf32>
      %select_n3A_2499 = arith.select %eq3A_2496, %broadcast_in_dim3A_2498, %select_n3A_2138 : vector<16xi1>, vector<16xf32>
      %add3A_2500 = arith.constant 16 : i32
      %add3A_2501 = vector.broadcast %add3A_2500 : i32 to vector<16xi32>
      %add3A_2502 = arith.addi %iota3A, %add3A_2501 : vector<16xi32>
      %eq3A_2503 = arith.cmpi eq, %add3A_2502, %min3A_2488 : vector<16xi32>
      %jit3A_2504 = arith.constant 0xFF800000 : f32
      %broadcast_in_dim3A_2505 = vector.broadcast %jit3A_2504 : f32 to vector<16xf32>
      %select_n3A_2506 = arith.select %eq3A_2503, %broadcast_in_dim3A_2505, %select_n3A_2145 : vector<16xi1>, vector<16xf32>
      %add3A_2507 = arith.constant 32 : i32
      %add3A_2508 = vector.broadcast %add3A_2507 : i32 to vector<16xi32>
      %add3A_2509 = arith.addi %iota3A, %add3A_2508 : vector<16xi32>
      %eq3A_2510 = arith.cmpi eq, %add3A_2509, %min3A_2488 : vector<16xi32>
      %jit3A_2511 = arith.constant 0xFF800000 : f32
      %broadcast_in_dim3A_2512 = vector.broadcast %jit3A_2511 : f32 to vector<16xf32>
      %select_n3A_2513 = arith.select %eq3A_2510, %broadcast_in_dim3A_2512, %select_n3A_2152 : vector<16xi1>, vector<16xf32>
      %add3A_2514 = arith.constant 48 : i32
      %add3A_2515 = vector.broadcast %add3A_2514 : i32 to vector<16xi32>
      %add3A_2516 = arith.addi %iota3A, %add3A_2515 : vector<16xi32>
      %eq3A_2517 = arith.cmpi eq, %add3A_2516, %min3A_2488 : vector<16xi32>
      %jit3A_2518 = arith.constant 0xFF800000 : f32
      %broadcast_in_dim3A_2519 = vector.broadcast %jit3A_2518 : f32 to vector<16xf32>
      %select_n3A_2520 = arith.select %eq3A_2517, %broadcast_in_dim3A_2519, %select_n3A_2159 : vector<16xi1>, vector<16xf32>
      %add3A_2521 = arith.constant 64 : i32
      %add3A_2522 = vector.broadcast %add3A_2521 : i32 to vector<16xi32>
      %add3A_2523 = arith.addi %iota3A, %add3A_2522 : vector<16xi32>
      %eq3A_2524 = arith.cmpi eq, %add3A_2523, %min3A_2488 : vector<16xi32>
      %jit3A_2525 = arith.constant 0xFF800000 : f32
      %broadcast_in_dim3A_2526 = vector.broadcast %jit3A_2525 : f32 to vector<16xf32>
      %select_n3A_2527 = arith.select %eq3A_2524, %broadcast_in_dim3A_2526, %select_n3A_2166 : vector<16xi1>, vector<16xf32>
      %add3A_2528 = arith.constant 80 : i32
      %add3A_2529 = vector.broadcast %add3A_2528 : i32 to vector<16xi32>
      %add3A_2530 = arith.addi %iota3A, %add3A_2529 : vector<16xi32>
      %eq3A_2531 = arith.cmpi eq, %add3A_2530, %min3A_2488 : vector<16xi32>
      %jit3A_2532 = arith.constant 0xFF800000 : f32
      %broadcast_in_dim3A_2533 = vector.broadcast %jit3A_2532 : f32 to vector<16xf32>
      %select_n3A_2534 = arith.select %eq3A_2531, %broadcast_in_dim3A_2533, %select_n3A_2173 : vector<16xi1>, vector<16xf32>
      %add3A_2535 = arith.constant 96 : i32
      %add3A_2536 = vector.broadcast %add3A_2535 : i32 to vector<16xi32>
      %add3A_2537 = arith.addi %iota3A, %add3A_2536 : vector<16xi32>
      %eq3A_2538 = arith.cmpi eq, %add3A_2537, %min3A_2488 : vector<16xi32>
      %jit3A_2539 = arith.constant 0xFF800000 : f32
      %broadcast_in_dim3A_2540 = vector.broadcast %jit3A_2539 : f32 to vector<16xf32>
      %select_n3A_2541 = arith.select %eq3A_2538, %broadcast_in_dim3A_2540, %select_n3A_2180 : vector<16xi1>, vector<16xf32>
      %add3A_2542 = arith.constant 112 : i32
      %add3A_2543 = vector.broadcast %add3A_2542 : i32 to vector<16xi32>
      %add3A_2544 = arith.addi %iota3A, %add3A_2543 : vector<16xi32>
      %eq3A_2545 = arith.cmpi eq, %add3A_2544, %min3A_2488 : vector<16xi32>
      %jit3A_2546 = arith.constant 0xFF800000 : f32
      %broadcast_in_dim3A_2547 = vector.broadcast %jit3A_2546 : f32 to vector<16xf32>
      %select_n3A_2548 = arith.select %eq3A_2545, %broadcast_in_dim3A_2547, %select_n3A_2187 : vector<16xi1>, vector<16xf32>
      %add3A_2549 = arith.constant 128 : i32
      %add3A_2550 = vector.broadcast %add3A_2549 : i32 to vector<16xi32>
      %add3A_2551 = arith.addi %iota3A, %add3A_2550 : vector<16xi32>
      %eq3A_2552 = arith.cmpi eq, %add3A_2551, %min3A_2488 : vector<16xi32>
      %jit3A_2553 = arith.constant 0xFF800000 : f32
      %broadcast_in_dim3A_2554 = vector.broadcast %jit3A_2553 : f32 to vector<16xf32>
      %select_n3A_2555 = arith.select %eq3A_2552, %broadcast_in_dim3A_2554, %select_n3A_2194 : vector<16xi1>, vector<16xf32>
      %add3A_2556 = arith.constant 144 : i32
      %add3A_2557 = vector.broadcast %add3A_2556 : i32 to vector<16xi32>
      %add3A_2558 = arith.addi %iota3A, %add3A_2557 : vector<16xi32>
      %eq3A_2559 = arith.cmpi eq, %add3A_2558, %min3A_2488 : vector<16xi32>
      %jit3A_2560 = arith.constant 0xFF800000 : f32
      %broadcast_in_dim3A_2561 = vector.broadcast %jit3A_2560 : f32 to vector<16xf32>
      %select_n3A_2562 = arith.select %eq3A_2559, %broadcast_in_dim3A_2561, %select_n3A_2201 : vector<16xi1>, vector<16xf32>
      %add3A_2563 = arith.constant 160 : i32
      %add3A_2564 = vector.broadcast %add3A_2563 : i32 to vector<16xi32>
      %add3A_2565 = arith.addi %iota3A, %add3A_2564 : vector<16xi32>
      %eq3A_2566 = arith.cmpi eq, %add3A_2565, %min3A_2488 : vector<16xi32>
      %jit3A_2567 = arith.constant 0xFF800000 : f32
      %broadcast_in_dim3A_2568 = vector.broadcast %jit3A_2567 : f32 to vector<16xf32>
      %select_n3A_2569 = arith.select %eq3A_2566, %broadcast_in_dim3A_2568, %select_n3A_2208 : vector<16xi1>, vector<16xf32>
      %add3A_2570 = arith.constant 176 : i32
      %add3A_2571 = vector.broadcast %add3A_2570 : i32 to vector<16xi32>
      %add3A_2572 = arith.addi %iota3A, %add3A_2571 : vector<16xi32>
      %eq3A_2573 = arith.cmpi eq, %add3A_2572, %min3A_2488 : vector<16xi32>
      %jit3A_2574 = arith.constant 0xFF800000 : f32
      %broadcast_in_dim3A_2575 = vector.broadcast %jit3A_2574 : f32 to vector<16xf32>
      %select_n3A_2576 = arith.select %eq3A_2573, %broadcast_in_dim3A_2575, %select_n3A_2215 : vector<16xi1>, vector<16xf32>
      %add3A_2577 = arith.constant 192 : i32
      %add3A_2578 = vector.broadcast %add3A_2577 : i32 to vector<16xi32>
      %add3A_2579 = arith.addi %iota3A, %add3A_2578 : vector<16xi32>
      %eq3A_2580 = arith.cmpi eq, %add3A_2579, %min3A_2488 : vector<16xi32>
      %jit3A_2581 = arith.constant 0xFF800000 : f32
      %broadcast_in_dim3A_2582 = vector.broadcast %jit3A_2581 : f32 to vector<16xf32>
      %select_n3A_2583 = arith.select %eq3A_2580, %broadcast_in_dim3A_2582, %select_n3A_2222 : vector<16xi1>, vector<16xf32>
      %add3A_2584 = arith.constant 208 : i32
      %add3A_2585 = vector.broadcast %add3A_2584 : i32 to vector<16xi32>
      %add3A_2586 = arith.addi %iota3A, %add3A_2585 : vector<16xi32>
      %eq3A_2587 = arith.cmpi eq, %add3A_2586, %min3A_2488 : vector<16xi32>
      %jit3A_2588 = arith.constant 0xFF800000 : f32
      %broadcast_in_dim3A_2589 = vector.broadcast %jit3A_2588 : f32 to vector<16xf32>
      %select_n3A_2590 = arith.select %eq3A_2587, %broadcast_in_dim3A_2589, %select_n3A_2229 : vector<16xi1>, vector<16xf32>
      %add3A_2591 = arith.constant 224 : i32
      %add3A_2592 = vector.broadcast %add3A_2591 : i32 to vector<16xi32>
      %add3A_2593 = arith.addi %iota3A, %add3A_2592 : vector<16xi32>
      %eq3A_2594 = arith.cmpi eq, %add3A_2593, %min3A_2488 : vector<16xi32>
      %jit3A_2595 = arith.constant 0xFF800000 : f32
      %broadcast_in_dim3A_2596 = vector.broadcast %jit3A_2595 : f32 to vector<16xf32>
      %select_n3A_2597 = arith.select %eq3A_2594, %broadcast_in_dim3A_2596, %select_n3A_2236 : vector<16xi1>, vector<16xf32>
      %add3A_2598 = arith.constant 240 : i32
      %add3A_2599 = vector.broadcast %add3A_2598 : i32 to vector<16xi32>
      %add3A_2600 = arith.addi %iota3A, %add3A_2599 : vector<16xi32>
      %eq3A_2601 = arith.cmpi eq, %add3A_2600, %min3A_2488 : vector<16xi32>
      %jit3A_2602 = arith.constant 0xFF800000 : f32
      %broadcast_in_dim3A_2603 = vector.broadcast %jit3A_2602 : f32 to vector<16xf32>
      %select_n3A_2604 = arith.select %eq3A_2601, %broadcast_in_dim3A_2603, %select_n3A_2243 : vector<16xi1>, vector<16xf32>
      %add3A_2605 = arith.constant 256 : i32
      %add3A_2606 = vector.broadcast %add3A_2605 : i32 to vector<16xi32>
      %add3A_2607 = arith.addi %iota3A, %add3A_2606 : vector<16xi32>
      %eq3A_2608 = arith.cmpi eq, %add3A_2607, %min3A_2488 : vector<16xi32>
      %jit3A_2609 = arith.constant 0xFF800000 : f32
      %broadcast_in_dim3A_2610 = vector.broadcast %jit3A_2609 : f32 to vector<16xf32>
      %select_n3A_2611 = arith.select %eq3A_2608, %broadcast_in_dim3A_2610, %select_n3A_2250 : vector<16xi1>, vector<16xf32>
      %add3A_2612 = arith.constant 272 : i32
      %add3A_2613 = vector.broadcast %add3A_2612 : i32 to vector<16xi32>
      %add3A_2614 = arith.addi %iota3A, %add3A_2613 : vector<16xi32>
      %eq3A_2615 = arith.cmpi eq, %add3A_2614, %min3A_2488 : vector<16xi32>
      %jit3A_2616 = arith.constant 0xFF800000 : f32
      %broadcast_in_dim3A_2617 = vector.broadcast %jit3A_2616 : f32 to vector<16xf32>
      %select_n3A_2618 = arith.select %eq3A_2615, %broadcast_in_dim3A_2617, %select_n3A_2257 : vector<16xi1>, vector<16xf32>
      %add3A_2619 = arith.constant 288 : i32
      %add3A_2620 = vector.broadcast %add3A_2619 : i32 to vector<16xi32>
      %add3A_2621 = arith.addi %iota3A, %add3A_2620 : vector<16xi32>
      %eq3A_2622 = arith.cmpi eq, %add3A_2621, %min3A_2488 : vector<16xi32>
      %jit3A_2623 = arith.constant 0xFF800000 : f32
      %broadcast_in_dim3A_2624 = vector.broadcast %jit3A_2623 : f32 to vector<16xf32>
      %select_n3A_2625 = arith.select %eq3A_2622, %broadcast_in_dim3A_2624, %select_n3A_2264 : vector<16xi1>, vector<16xf32>
      %add3A_2626 = arith.constant 304 : i32
      %add3A_2627 = vector.broadcast %add3A_2626 : i32 to vector<16xi32>
      %add3A_2628 = arith.addi %iota3A, %add3A_2627 : vector<16xi32>
      %eq3A_2629 = arith.cmpi eq, %add3A_2628, %min3A_2488 : vector<16xi32>
      %jit3A_2630 = arith.constant 0xFF800000 : f32
      %broadcast_in_dim3A_2631 = vector.broadcast %jit3A_2630 : f32 to vector<16xf32>
      %select_n3A_2632 = arith.select %eq3A_2629, %broadcast_in_dim3A_2631, %select_n3A_2271 : vector<16xi1>, vector<16xf32>
      %broadcast_in_dim3A_2633 = arith.constant 0 : i32
      %broadcast_in_dim3A_2634 = vector.broadcast %broadcast_in_dim3A_2633 : i32 to vector<16xi32>
      %gt3A_2635 = arith.cmpf ogt, %select_n3A_2506, %select_n3A_2499 : vector<16xf32>
      %select_n3A_2636 = arith.select %gt3A_2635, %select_n3A_2506, %select_n3A_2499 : vector<16xi1>, vector<16xf32>
      %jit3A_2637 = arith.constant 1 : i32
      %broadcast_in_dim3A_2638 = vector.broadcast %jit3A_2637 : i32 to vector<16xi32>
      %select_n3A_2639 = arith.select %gt3A_2635, %broadcast_in_dim3A_2638, %broadcast_in_dim3A_2634 : vector<16xi1>, vector<16xi32>
      %gt3A_2640 = arith.cmpf ogt, %select_n3A_2513, %select_n3A_2636 : vector<16xf32>
      %select_n3A_2641 = arith.select %gt3A_2640, %select_n3A_2513, %select_n3A_2636 : vector<16xi1>, vector<16xf32>
      %jit3A_2642 = arith.constant 2 : i32
      %broadcast_in_dim3A_2643 = vector.broadcast %jit3A_2642 : i32 to vector<16xi32>
      %select_n3A_2644 = arith.select %gt3A_2640, %broadcast_in_dim3A_2643, %select_n3A_2639 : vector<16xi1>, vector<16xi32>
      %gt3A_2645 = arith.cmpf ogt, %select_n3A_2520, %select_n3A_2641 : vector<16xf32>
      %select_n3A_2646 = arith.select %gt3A_2645, %select_n3A_2520, %select_n3A_2641 : vector<16xi1>, vector<16xf32>
      %jit3A_2647 = arith.constant 3 : i32
      %broadcast_in_dim3A_2648 = vector.broadcast %jit3A_2647 : i32 to vector<16xi32>
      %select_n3A_2649 = arith.select %gt3A_2645, %broadcast_in_dim3A_2648, %select_n3A_2644 : vector<16xi1>, vector<16xi32>
      %gt3A_2650 = arith.cmpf ogt, %select_n3A_2527, %select_n3A_2646 : vector<16xf32>
      %select_n3A_2651 = arith.select %gt3A_2650, %select_n3A_2527, %select_n3A_2646 : vector<16xi1>, vector<16xf32>
      %jit3A_2652 = arith.constant 4 : i32
      %broadcast_in_dim3A_2653 = vector.broadcast %jit3A_2652 : i32 to vector<16xi32>
      %select_n3A_2654 = arith.select %gt3A_2650, %broadcast_in_dim3A_2653, %select_n3A_2649 : vector<16xi1>, vector<16xi32>
      %gt3A_2655 = arith.cmpf ogt, %select_n3A_2534, %select_n3A_2651 : vector<16xf32>
      %select_n3A_2656 = arith.select %gt3A_2655, %select_n3A_2534, %select_n3A_2651 : vector<16xi1>, vector<16xf32>
      %jit3A_2657 = arith.constant 5 : i32
      %broadcast_in_dim3A_2658 = vector.broadcast %jit3A_2657 : i32 to vector<16xi32>
      %select_n3A_2659 = arith.select %gt3A_2655, %broadcast_in_dim3A_2658, %select_n3A_2654 : vector<16xi1>, vector<16xi32>
      %gt3A_2660 = arith.cmpf ogt, %select_n3A_2541, %select_n3A_2656 : vector<16xf32>
      %select_n3A_2661 = arith.select %gt3A_2660, %select_n3A_2541, %select_n3A_2656 : vector<16xi1>, vector<16xf32>
      %jit3A_2662 = arith.constant 6 : i32
      %broadcast_in_dim3A_2663 = vector.broadcast %jit3A_2662 : i32 to vector<16xi32>
      %select_n3A_2664 = arith.select %gt3A_2660, %broadcast_in_dim3A_2663, %select_n3A_2659 : vector<16xi1>, vector<16xi32>
      %gt3A_2665 = arith.cmpf ogt, %select_n3A_2548, %select_n3A_2661 : vector<16xf32>
      %select_n3A_2666 = arith.select %gt3A_2665, %select_n3A_2548, %select_n3A_2661 : vector<16xi1>, vector<16xf32>
      %jit3A_2667 = arith.constant 7 : i32
      %broadcast_in_dim3A_2668 = vector.broadcast %jit3A_2667 : i32 to vector<16xi32>
      %select_n3A_2669 = arith.select %gt3A_2665, %broadcast_in_dim3A_2668, %select_n3A_2664 : vector<16xi1>, vector<16xi32>
      %gt3A_2670 = arith.cmpf ogt, %select_n3A_2555, %select_n3A_2666 : vector<16xf32>
      %select_n3A_2671 = arith.select %gt3A_2670, %select_n3A_2555, %select_n3A_2666 : vector<16xi1>, vector<16xf32>
      %jit3A_2672 = arith.constant 8 : i32
      %broadcast_in_dim3A_2673 = vector.broadcast %jit3A_2672 : i32 to vector<16xi32>
      %select_n3A_2674 = arith.select %gt3A_2670, %broadcast_in_dim3A_2673, %select_n3A_2669 : vector<16xi1>, vector<16xi32>
      %gt3A_2675 = arith.cmpf ogt, %select_n3A_2562, %select_n3A_2671 : vector<16xf32>
      %select_n3A_2676 = arith.select %gt3A_2675, %select_n3A_2562, %select_n3A_2671 : vector<16xi1>, vector<16xf32>
      %jit3A_2677 = arith.constant 9 : i32
      %broadcast_in_dim3A_2678 = vector.broadcast %jit3A_2677 : i32 to vector<16xi32>
      %select_n3A_2679 = arith.select %gt3A_2675, %broadcast_in_dim3A_2678, %select_n3A_2674 : vector<16xi1>, vector<16xi32>
      %gt3A_2680 = arith.cmpf ogt, %select_n3A_2569, %select_n3A_2676 : vector<16xf32>
      %select_n3A_2681 = arith.select %gt3A_2680, %select_n3A_2569, %select_n3A_2676 : vector<16xi1>, vector<16xf32>
      %jit3A_2682 = arith.constant 10 : i32
      %broadcast_in_dim3A_2683 = vector.broadcast %jit3A_2682 : i32 to vector<16xi32>
      %select_n3A_2684 = arith.select %gt3A_2680, %broadcast_in_dim3A_2683, %select_n3A_2679 : vector<16xi1>, vector<16xi32>
      %gt3A_2685 = arith.cmpf ogt, %select_n3A_2576, %select_n3A_2681 : vector<16xf32>
      %select_n3A_2686 = arith.select %gt3A_2685, %select_n3A_2576, %select_n3A_2681 : vector<16xi1>, vector<16xf32>
      %jit3A_2687 = arith.constant 11 : i32
      %broadcast_in_dim3A_2688 = vector.broadcast %jit3A_2687 : i32 to vector<16xi32>
      %select_n3A_2689 = arith.select %gt3A_2685, %broadcast_in_dim3A_2688, %select_n3A_2684 : vector<16xi1>, vector<16xi32>
      %gt3A_2690 = arith.cmpf ogt, %select_n3A_2583, %select_n3A_2686 : vector<16xf32>
      %select_n3A_2691 = arith.select %gt3A_2690, %select_n3A_2583, %select_n3A_2686 : vector<16xi1>, vector<16xf32>
      %jit3A_2692 = arith.constant 12 : i32
      %broadcast_in_dim3A_2693 = vector.broadcast %jit3A_2692 : i32 to vector<16xi32>
      %select_n3A_2694 = arith.select %gt3A_2690, %broadcast_in_dim3A_2693, %select_n3A_2689 : vector<16xi1>, vector<16xi32>
      %gt3A_2695 = arith.cmpf ogt, %select_n3A_2590, %select_n3A_2691 : vector<16xf32>
      %select_n3A_2696 = arith.select %gt3A_2695, %select_n3A_2590, %select_n3A_2691 : vector<16xi1>, vector<16xf32>
      %jit3A_2697 = arith.constant 13 : i32
      %broadcast_in_dim3A_2698 = vector.broadcast %jit3A_2697 : i32 to vector<16xi32>
      %select_n3A_2699 = arith.select %gt3A_2695, %broadcast_in_dim3A_2698, %select_n3A_2694 : vector<16xi1>, vector<16xi32>
      %gt3A_2700 = arith.cmpf ogt, %select_n3A_2597, %select_n3A_2696 : vector<16xf32>
      %select_n3A_2701 = arith.select %gt3A_2700, %select_n3A_2597, %select_n3A_2696 : vector<16xi1>, vector<16xf32>
      %jit3A_2702 = arith.constant 14 : i32
      %broadcast_in_dim3A_2703 = vector.broadcast %jit3A_2702 : i32 to vector<16xi32>
      %select_n3A_2704 = arith.select %gt3A_2700, %broadcast_in_dim3A_2703, %select_n3A_2699 : vector<16xi1>, vector<16xi32>
      %gt3A_2705 = arith.cmpf ogt, %select_n3A_2604, %select_n3A_2701 : vector<16xf32>
      %select_n3A_2706 = arith.select %gt3A_2705, %select_n3A_2604, %select_n3A_2701 : vector<16xi1>, vector<16xf32>
      %jit3A_2707 = arith.constant 15 : i32
      %broadcast_in_dim3A_2708 = vector.broadcast %jit3A_2707 : i32 to vector<16xi32>
      %select_n3A_2709 = arith.select %gt3A_2705, %broadcast_in_dim3A_2708, %select_n3A_2704 : vector<16xi1>, vector<16xi32>
      %gt3A_2710 = arith.cmpf ogt, %select_n3A_2611, %select_n3A_2706 : vector<16xf32>
      %select_n3A_2711 = arith.select %gt3A_2710, %select_n3A_2611, %select_n3A_2706 : vector<16xi1>, vector<16xf32>
      %jit3A_2712 = arith.constant 16 : i32
      %broadcast_in_dim3A_2713 = vector.broadcast %jit3A_2712 : i32 to vector<16xi32>
      %select_n3A_2714 = arith.select %gt3A_2710, %broadcast_in_dim3A_2713, %select_n3A_2709 : vector<16xi1>, vector<16xi32>
      %gt3A_2715 = arith.cmpf ogt, %select_n3A_2618, %select_n3A_2711 : vector<16xf32>
      %select_n3A_2716 = arith.select %gt3A_2715, %select_n3A_2618, %select_n3A_2711 : vector<16xi1>, vector<16xf32>
      %jit3A_2717 = arith.constant 17 : i32
      %broadcast_in_dim3A_2718 = vector.broadcast %jit3A_2717 : i32 to vector<16xi32>
      %select_n3A_2719 = arith.select %gt3A_2715, %broadcast_in_dim3A_2718, %select_n3A_2714 : vector<16xi1>, vector<16xi32>
      %gt3A_2720 = arith.cmpf ogt, %select_n3A_2625, %select_n3A_2716 : vector<16xf32>
      %select_n3A_2721 = arith.select %gt3A_2720, %select_n3A_2625, %select_n3A_2716 : vector<16xi1>, vector<16xf32>
      %jit3A_2722 = arith.constant 18 : i32
      %broadcast_in_dim3A_2723 = vector.broadcast %jit3A_2722 : i32 to vector<16xi32>
      %select_n3A_2724 = arith.select %gt3A_2720, %broadcast_in_dim3A_2723, %select_n3A_2719 : vector<16xi1>, vector<16xi32>
      %gt3A_2725 = arith.cmpf ogt, %select_n3A_2632, %select_n3A_2721 : vector<16xf32>
      %select_n3A_2726 = arith.select %gt3A_2725, %select_n3A_2632, %select_n3A_2721 : vector<16xi1>, vector<16xf32>
      %jit3A_2727 = arith.constant 19 : i32
      %broadcast_in_dim3A_2728 = vector.broadcast %jit3A_2727 : i32 to vector<16xi32>
      %select_n3A_2729 = arith.select %gt3A_2725, %broadcast_in_dim3A_2728, %select_n3A_2724 : vector<16xi1>, vector<16xi32>
      %xor3A_2730 = arith.constant 1 : i32
      %xor3A_2731 = vector.broadcast %xor3A_2730 : i32 to vector<16xi32>
      %xor3A_2732 = arith.xori %iota3A, %xor3A_2731 : vector<16xi32>
      %lt3A_2733 = arith.constant 0 : i32
      %lt3A_2734 = vector.broadcast %lt3A_2733 : i32 to vector<16xi32>
      %lt3A_2735 = arith.cmpi slt, %xor3A_2732, %lt3A_2734 : vector<16xi32>
      %add3A_2736 = arith.constant 16 : i32
      %add3A_2737 = vector.broadcast %add3A_2736 : i32 to vector<16xi32>
      %add3A_2738 = arith.addi %xor3A_2732, %add3A_2737 : vector<16xi32>
      %select_n3A_2739 = arith.select %lt3A_2735, %add3A_2738, %xor3A_2732 : vector<16xi1>, vector<16xi32>
      %broadcast_in_dim3A_2740 = vector.shape_cast %select_n3A_2739 : vector<16xi32> to vector<16x1xi32>
      %gather3A_2741 = vector.shape_cast %broadcast_in_dim3A_2740 : vector<16x1xi32> to vector<16xi32>
      %gather3A_2742 = tpu.dynamic_gather %select_n3A_2726[%gather3A_2741] in [0] : vector<16xf32>, vector<16xi32> -> vector<16xf32>
      %max3A_2743 = arith.maximumf %select_n3A_2726, %gather3A_2742 : vector<16xf32>
      %xor3A_2744 = arith.constant 2 : i32
      %xor3A_2745 = vector.broadcast %xor3A_2744 : i32 to vector<16xi32>
      %xor3A_2746 = arith.xori %iota3A, %xor3A_2745 : vector<16xi32>
      %lt3A_2747 = arith.constant 0 : i32
      %lt3A_2748 = vector.broadcast %lt3A_2747 : i32 to vector<16xi32>
      %lt3A_2749 = arith.cmpi slt, %xor3A_2746, %lt3A_2748 : vector<16xi32>
      %add3A_2750 = arith.constant 16 : i32
      %add3A_2751 = vector.broadcast %add3A_2750 : i32 to vector<16xi32>
      %add3A_2752 = arith.addi %xor3A_2746, %add3A_2751 : vector<16xi32>
      %select_n3A_2753 = arith.select %lt3A_2749, %add3A_2752, %xor3A_2746 : vector<16xi1>, vector<16xi32>
      %broadcast_in_dim3A_2754 = vector.shape_cast %select_n3A_2753 : vector<16xi32> to vector<16x1xi32>
      %gather3A_2755 = vector.shape_cast %broadcast_in_dim3A_2754 : vector<16x1xi32> to vector<16xi32>
      %gather3A_2756 = tpu.dynamic_gather %max3A_2743[%gather3A_2755] in [0] : vector<16xf32>, vector<16xi32> -> vector<16xf32>
      %max3A_2757 = arith.maximumf %max3A_2743, %gather3A_2756 : vector<16xf32>
      %xor3A_2758 = arith.constant 4 : i32
      %xor3A_2759 = vector.broadcast %xor3A_2758 : i32 to vector<16xi32>
      %xor3A_2760 = arith.xori %iota3A, %xor3A_2759 : vector<16xi32>
      %lt3A_2761 = arith.constant 0 : i32
      %lt3A_2762 = vector.broadcast %lt3A_2761 : i32 to vector<16xi32>
      %lt3A_2763 = arith.cmpi slt, %xor3A_2760, %lt3A_2762 : vector<16xi32>
      %add3A_2764 = arith.constant 16 : i32
      %add3A_2765 = vector.broadcast %add3A_2764 : i32 to vector<16xi32>
      %add3A_2766 = arith.addi %xor3A_2760, %add3A_2765 : vector<16xi32>
      %select_n3A_2767 = arith.select %lt3A_2763, %add3A_2766, %xor3A_2760 : vector<16xi1>, vector<16xi32>
      %broadcast_in_dim3A_2768 = vector.shape_cast %select_n3A_2767 : vector<16xi32> to vector<16x1xi32>
      %gather3A_2769 = vector.shape_cast %broadcast_in_dim3A_2768 : vector<16x1xi32> to vector<16xi32>
      %gather3A_2770 = tpu.dynamic_gather %max3A_2757[%gather3A_2769] in [0] : vector<16xf32>, vector<16xi32> -> vector<16xf32>
      %max3A_2771 = arith.maximumf %max3A_2757, %gather3A_2770 : vector<16xf32>
      %xor3A_2772 = arith.constant 8 : i32
      %xor3A_2773 = vector.broadcast %xor3A_2772 : i32 to vector<16xi32>
      %xor3A_2774 = arith.xori %iota3A, %xor3A_2773 : vector<16xi32>
      %lt3A_2775 = arith.constant 0 : i32
      %lt3A_2776 = vector.broadcast %lt3A_2775 : i32 to vector<16xi32>
      %lt3A_2777 = arith.cmpi slt, %xor3A_2774, %lt3A_2776 : vector<16xi32>
      %add3A_2778 = arith.constant 16 : i32
      %add3A_2779 = vector.broadcast %add3A_2778 : i32 to vector<16xi32>
      %add3A_2780 = arith.addi %xor3A_2774, %add3A_2779 : vector<16xi32>
      %select_n3A_2781 = arith.select %lt3A_2777, %add3A_2780, %xor3A_2774 : vector<16xi1>, vector<16xi32>
      %broadcast_in_dim3A_2782 = vector.shape_cast %select_n3A_2781 : vector<16xi32> to vector<16x1xi32>
      %gather3A_2783 = vector.shape_cast %broadcast_in_dim3A_2782 : vector<16x1xi32> to vector<16xi32>
      %gather3A_2784 = tpu.dynamic_gather %max3A_2771[%gather3A_2783] in [0] : vector<16xf32>, vector<16xi32> -> vector<16xf32>
      %max3A_2785 = arith.maximumf %max3A_2771, %gather3A_2784 : vector<16xf32>
      %mul3A_2786 = arith.constant 16 : i32
      %mul3A_2787 = vector.broadcast %mul3A_2786 : i32 to vector<16xi32>
      %mul3A_2788 = arith.muli %select_n3A_2729, %mul3A_2787 : vector<16xi32>
      %add3A_2789 = arith.addi %mul3A_2788, %iota3A : vector<16xi32>
      %eq3A_2790 = arith.cmpf oeq, %select_n3A_2726, %max3A_2785 : vector<16xf32>
      %jit3A_2791 = arith.constant 384 : i32
      %broadcast_in_dim3A_2792 = vector.broadcast %jit3A_2791 : i32 to vector<16xi32>
      %select_n3A_2793 = arith.select %eq3A_2790, %add3A_2789, %broadcast_in_dim3A_2792 : vector<16xi1>, vector<16xi32>
      %xor3A_2794 = arith.constant 1 : i32
      %xor3A_2795 = vector.broadcast %xor3A_2794 : i32 to vector<16xi32>
      %xor3A_2796 = arith.xori %iota3A, %xor3A_2795 : vector<16xi32>
      %lt3A_2797 = arith.constant 0 : i32
      %lt3A_2798 = vector.broadcast %lt3A_2797 : i32 to vector<16xi32>
      %lt3A_2799 = arith.cmpi slt, %xor3A_2796, %lt3A_2798 : vector<16xi32>
      %add3A_2800 = arith.constant 16 : i32
      %add3A_2801 = vector.broadcast %add3A_2800 : i32 to vector<16xi32>
      %add3A_2802 = arith.addi %xor3A_2796, %add3A_2801 : vector<16xi32>
      %select_n3A_2803 = arith.select %lt3A_2799, %add3A_2802, %xor3A_2796 : vector<16xi1>, vector<16xi32>
      %broadcast_in_dim3A_2804 = vector.shape_cast %select_n3A_2803 : vector<16xi32> to vector<16x1xi32>
      %gather3A_2805 = vector.shape_cast %broadcast_in_dim3A_2804 : vector<16x1xi32> to vector<16xi32>
      %gather3A_2806 = tpu.dynamic_gather %select_n3A_2793[%gather3A_2805] in [0] : vector<16xi32>, vector<16xi32> -> vector<16xi32>
      %min3A_2807 = arith.minsi %select_n3A_2793, %gather3A_2806 : vector<16xi32>
      %xor3A_2808 = arith.constant 2 : i32
      %xor3A_2809 = vector.broadcast %xor3A_2808 : i32 to vector<16xi32>
      %xor3A_2810 = arith.xori %iota3A, %xor3A_2809 : vector<16xi32>
      %lt3A_2811 = arith.constant 0 : i32
      %lt3A_2812 = vector.broadcast %lt3A_2811 : i32 to vector<16xi32>
      %lt3A_2813 = arith.cmpi slt, %xor3A_2810, %lt3A_2812 : vector<16xi32>
      %add3A_2814 = arith.constant 16 : i32
      %add3A_2815 = vector.broadcast %add3A_2814 : i32 to vector<16xi32>
      %add3A_2816 = arith.addi %xor3A_2810, %add3A_2815 : vector<16xi32>
      %select_n3A_2817 = arith.select %lt3A_2813, %add3A_2816, %xor3A_2810 : vector<16xi1>, vector<16xi32>
      %broadcast_in_dim3A_2818 = vector.shape_cast %select_n3A_2817 : vector<16xi32> to vector<16x1xi32>
      %gather3A_2819 = vector.shape_cast %broadcast_in_dim3A_2818 : vector<16x1xi32> to vector<16xi32>
      %gather3A_2820 = tpu.dynamic_gather %min3A_2807[%gather3A_2819] in [0] : vector<16xi32>, vector<16xi32> -> vector<16xi32>
      %min3A_2821 = arith.minsi %min3A_2807, %gather3A_2820 : vector<16xi32>
      %xor3A_2822 = arith.constant 4 : i32
      %xor3A_2823 = vector.broadcast %xor3A_2822 : i32 to vector<16xi32>
      %xor3A_2824 = arith.xori %iota3A, %xor3A_2823 : vector<16xi32>
      %lt3A_2825 = arith.constant 0 : i32
      %lt3A_2826 = vector.broadcast %lt3A_2825 : i32 to vector<16xi32>
      %lt3A_2827 = arith.cmpi slt, %xor3A_2824, %lt3A_2826 : vector<16xi32>
      %add3A_2828 = arith.constant 16 : i32
      %add3A_2829 = vector.broadcast %add3A_2828 : i32 to vector<16xi32>
      %add3A_2830 = arith.addi %xor3A_2824, %add3A_2829 : vector<16xi32>
      %select_n3A_2831 = arith.select %lt3A_2827, %add3A_2830, %xor3A_2824 : vector<16xi1>, vector<16xi32>
      %broadcast_in_dim3A_2832 = vector.shape_cast %select_n3A_2831 : vector<16xi32> to vector<16x1xi32>
      %gather3A_2833 = vector.shape_cast %broadcast_in_dim3A_2832 : vector<16x1xi32> to vector<16xi32>
      %gather3A_2834 = tpu.dynamic_gather %min3A_2821[%gather3A_2833] in [0] : vector<16xi32>, vector<16xi32> -> vector<16xi32>
      %min3A_2835 = arith.minsi %min3A_2821, %gather3A_2834 : vector<16xi32>
      %xor3A_2836 = arith.constant 8 : i32
      %xor3A_2837 = vector.broadcast %xor3A_2836 : i32 to vector<16xi32>
      %xor3A_2838 = arith.xori %iota3A, %xor3A_2837 : vector<16xi32>
      %lt3A_2839 = arith.constant 0 : i32
      %lt3A_2840 = vector.broadcast %lt3A_2839 : i32 to vector<16xi32>
      %lt3A_2841 = arith.cmpi slt, %xor3A_2838, %lt3A_2840 : vector<16xi32>
      %add3A_2842 = arith.constant 16 : i32
      %add3A_2843 = vector.broadcast %add3A_2842 : i32 to vector<16xi32>
      %add3A_2844 = arith.addi %xor3A_2838, %add3A_2843 : vector<16xi32>
      %select_n3A_2845 = arith.select %lt3A_2841, %add3A_2844, %xor3A_2838 : vector<16xi1>, vector<16xi32>
      %broadcast_in_dim3A_2846 = vector.shape_cast %select_n3A_2845 : vector<16xi32> to vector<16x1xi32>
      %gather3A_2847 = vector.shape_cast %broadcast_in_dim3A_2846 : vector<16x1xi32> to vector<16xi32>
      %gather3A_2848 = tpu.dynamic_gather %min3A_2835[%gather3A_2847] in [0] : vector<16xi32>, vector<16xi32> -> vector<16xi32>
      %min3A_2849 = arith.minsi %min3A_2835, %gather3A_2848 : vector<16xi32>
      %eq3A_2850 = arith.constant 7 : i32
      %eq3A_2851 = vector.broadcast %eq3A_2850 : i32 to vector<16xi32>
      %eq3A_2852 = arith.cmpi eq, %iota3A, %eq3A_2851 : vector<16xi32>
      %select_n3A_2853 = arith.select %eq3A_2852, %max3A_2785, %select_n3A_2492 : vector<16xi1>, vector<16xf32>
      %add3A_2854 = arith.constant 0 : i32
      %add3A_2855 = vector.broadcast %add3A_2854 : i32 to vector<16xi32>
      %add3A_2856 = arith.addi %iota3A, %add3A_2855 : vector<16xi32>
      %eq3A_2857 = arith.cmpi eq, %add3A_2856, %min3A_2849 : vector<16xi32>
      %jit3A_2858 = arith.constant 0xFF800000 : f32
      %broadcast_in_dim3A_2859 = vector.broadcast %jit3A_2858 : f32 to vector<16xf32>
      %select_n3A_2860 = arith.select %eq3A_2857, %broadcast_in_dim3A_2859, %select_n3A_2499 : vector<16xi1>, vector<16xf32>
      %add3A_2861 = arith.constant 16 : i32
      %add3A_2862 = vector.broadcast %add3A_2861 : i32 to vector<16xi32>
      %add3A_2863 = arith.addi %iota3A, %add3A_2862 : vector<16xi32>
      %eq3A_2864 = arith.cmpi eq, %add3A_2863, %min3A_2849 : vector<16xi32>
      %jit3A_2865 = arith.constant 0xFF800000 : f32
      %broadcast_in_dim3A_2866 = vector.broadcast %jit3A_2865 : f32 to vector<16xf32>
      %select_n3A_2867 = arith.select %eq3A_2864, %broadcast_in_dim3A_2866, %select_n3A_2506 : vector<16xi1>, vector<16xf32>
      %add3A_2868 = arith.constant 32 : i32
      %add3A_2869 = vector.broadcast %add3A_2868 : i32 to vector<16xi32>
      %add3A_2870 = arith.addi %iota3A, %add3A_2869 : vector<16xi32>
      %eq3A_2871 = arith.cmpi eq, %add3A_2870, %min3A_2849 : vector<16xi32>
      %jit3A_2872 = arith.constant 0xFF800000 : f32
      %broadcast_in_dim3A_2873 = vector.broadcast %jit3A_2872 : f32 to vector<16xf32>
      %select_n3A_2874 = arith.select %eq3A_2871, %broadcast_in_dim3A_2873, %select_n3A_2513 : vector<16xi1>, vector<16xf32>
      %add3A_2875 = arith.constant 48 : i32
      %add3A_2876 = vector.broadcast %add3A_2875 : i32 to vector<16xi32>
      %add3A_2877 = arith.addi %iota3A, %add3A_2876 : vector<16xi32>
      %eq3A_2878 = arith.cmpi eq, %add3A_2877, %min3A_2849 : vector<16xi32>
      %jit3A_2879 = arith.constant 0xFF800000 : f32
      %broadcast_in_dim3A_2880 = vector.broadcast %jit3A_2879 : f32 to vector<16xf32>
      %select_n3A_2881 = arith.select %eq3A_2878, %broadcast_in_dim3A_2880, %select_n3A_2520 : vector<16xi1>, vector<16xf32>
      %add3A_2882 = arith.constant 64 : i32
      %add3A_2883 = vector.broadcast %add3A_2882 : i32 to vector<16xi32>
      %add3A_2884 = arith.addi %iota3A, %add3A_2883 : vector<16xi32>
      %eq3A_2885 = arith.cmpi eq, %add3A_2884, %min3A_2849 : vector<16xi32>
      %jit3A_2886 = arith.constant 0xFF800000 : f32
      %broadcast_in_dim3A_2887 = vector.broadcast %jit3A_2886 : f32 to vector<16xf32>
      %select_n3A_2888 = arith.select %eq3A_2885, %broadcast_in_dim3A_2887, %select_n3A_2527 : vector<16xi1>, vector<16xf32>
      %add3A_2889 = arith.constant 80 : i32
      %add3A_2890 = vector.broadcast %add3A_2889 : i32 to vector<16xi32>
      %add3A_2891 = arith.addi %iota3A, %add3A_2890 : vector<16xi32>
      %eq3A_2892 = arith.cmpi eq, %add3A_2891, %min3A_2849 : vector<16xi32>
      %jit3A_2893 = arith.constant 0xFF800000 : f32
      %broadcast_in_dim3A_2894 = vector.broadcast %jit3A_2893 : f32 to vector<16xf32>
      %select_n3A_2895 = arith.select %eq3A_2892, %broadcast_in_dim3A_2894, %select_n3A_2534 : vector<16xi1>, vector<16xf32>
      %add3A_2896 = arith.constant 96 : i32
      %add3A_2897 = vector.broadcast %add3A_2896 : i32 to vector<16xi32>
      %add3A_2898 = arith.addi %iota3A, %add3A_2897 : vector<16xi32>
      %eq3A_2899 = arith.cmpi eq, %add3A_2898, %min3A_2849 : vector<16xi32>
      %jit3A_2900 = arith.constant 0xFF800000 : f32
      %broadcast_in_dim3A_2901 = vector.broadcast %jit3A_2900 : f32 to vector<16xf32>
      %select_n3A_2902 = arith.select %eq3A_2899, %broadcast_in_dim3A_2901, %select_n3A_2541 : vector<16xi1>, vector<16xf32>
      %add3A_2903 = arith.constant 112 : i32
      %add3A_2904 = vector.broadcast %add3A_2903 : i32 to vector<16xi32>
      %add3A_2905 = arith.addi %iota3A, %add3A_2904 : vector<16xi32>
      %eq3A_2906 = arith.cmpi eq, %add3A_2905, %min3A_2849 : vector<16xi32>
      %jit3A_2907 = arith.constant 0xFF800000 : f32
      %broadcast_in_dim3A_2908 = vector.broadcast %jit3A_2907 : f32 to vector<16xf32>
      %select_n3A_2909 = arith.select %eq3A_2906, %broadcast_in_dim3A_2908, %select_n3A_2548 : vector<16xi1>, vector<16xf32>
      %add3A_2910 = arith.constant 128 : i32
      %add3A_2911 = vector.broadcast %add3A_2910 : i32 to vector<16xi32>
      %add3A_2912 = arith.addi %iota3A, %add3A_2911 : vector<16xi32>
      %eq3A_2913 = arith.cmpi eq, %add3A_2912, %min3A_2849 : vector<16xi32>
      %jit3A_2914 = arith.constant 0xFF800000 : f32
      %broadcast_in_dim3A_2915 = vector.broadcast %jit3A_2914 : f32 to vector<16xf32>
      %select_n3A_2916 = arith.select %eq3A_2913, %broadcast_in_dim3A_2915, %select_n3A_2555 : vector<16xi1>, vector<16xf32>
      %add3A_2917 = arith.constant 144 : i32
      %add3A_2918 = vector.broadcast %add3A_2917 : i32 to vector<16xi32>
      %add3A_2919 = arith.addi %iota3A, %add3A_2918 : vector<16xi32>
      %eq3A_2920 = arith.cmpi eq, %add3A_2919, %min3A_2849 : vector<16xi32>
      %jit3A_2921 = arith.constant 0xFF800000 : f32
      %broadcast_in_dim3A_2922 = vector.broadcast %jit3A_2921 : f32 to vector<16xf32>
      %select_n3A_2923 = arith.select %eq3A_2920, %broadcast_in_dim3A_2922, %select_n3A_2562 : vector<16xi1>, vector<16xf32>
      %add3A_2924 = arith.constant 160 : i32
      %add3A_2925 = vector.broadcast %add3A_2924 : i32 to vector<16xi32>
      %add3A_2926 = arith.addi %iota3A, %add3A_2925 : vector<16xi32>
      %eq3A_2927 = arith.cmpi eq, %add3A_2926, %min3A_2849 : vector<16xi32>
      %jit3A_2928 = arith.constant 0xFF800000 : f32
      %broadcast_in_dim3A_2929 = vector.broadcast %jit3A_2928 : f32 to vector<16xf32>
      %select_n3A_2930 = arith.select %eq3A_2927, %broadcast_in_dim3A_2929, %select_n3A_2569 : vector<16xi1>, vector<16xf32>
      %add3A_2931 = arith.constant 176 : i32
      %add3A_2932 = vector.broadcast %add3A_2931 : i32 to vector<16xi32>
      %add3A_2933 = arith.addi %iota3A, %add3A_2932 : vector<16xi32>
      %eq3A_2934 = arith.cmpi eq, %add3A_2933, %min3A_2849 : vector<16xi32>
      %jit3A_2935 = arith.constant 0xFF800000 : f32
      %broadcast_in_dim3A_2936 = vector.broadcast %jit3A_2935 : f32 to vector<16xf32>
      %select_n3A_2937 = arith.select %eq3A_2934, %broadcast_in_dim3A_2936, %select_n3A_2576 : vector<16xi1>, vector<16xf32>
      %add3A_2938 = arith.constant 192 : i32
      %add3A_2939 = vector.broadcast %add3A_2938 : i32 to vector<16xi32>
      %add3A_2940 = arith.addi %iota3A, %add3A_2939 : vector<16xi32>
      %eq3A_2941 = arith.cmpi eq, %add3A_2940, %min3A_2849 : vector<16xi32>
      %jit3A_2942 = arith.constant 0xFF800000 : f32
      %broadcast_in_dim3A_2943 = vector.broadcast %jit3A_2942 : f32 to vector<16xf32>
      %select_n3A_2944 = arith.select %eq3A_2941, %broadcast_in_dim3A_2943, %select_n3A_2583 : vector<16xi1>, vector<16xf32>
      %add3A_2945 = arith.constant 208 : i32
      %add3A_2946 = vector.broadcast %add3A_2945 : i32 to vector<16xi32>
      %add3A_2947 = arith.addi %iota3A, %add3A_2946 : vector<16xi32>
      %eq3A_2948 = arith.cmpi eq, %add3A_2947, %min3A_2849 : vector<16xi32>
      %jit3A_2949 = arith.constant 0xFF800000 : f32
      %broadcast_in_dim3A_2950 = vector.broadcast %jit3A_2949 : f32 to vector<16xf32>
      %select_n3A_2951 = arith.select %eq3A_2948, %broadcast_in_dim3A_2950, %select_n3A_2590 : vector<16xi1>, vector<16xf32>
      %add3A_2952 = arith.constant 224 : i32
      %add3A_2953 = vector.broadcast %add3A_2952 : i32 to vector<16xi32>
      %add3A_2954 = arith.addi %iota3A, %add3A_2953 : vector<16xi32>
      %eq3A_2955 = arith.cmpi eq, %add3A_2954, %min3A_2849 : vector<16xi32>
      %jit3A_2956 = arith.constant 0xFF800000 : f32
      %broadcast_in_dim3A_2957 = vector.broadcast %jit3A_2956 : f32 to vector<16xf32>
      %select_n3A_2958 = arith.select %eq3A_2955, %broadcast_in_dim3A_2957, %select_n3A_2597 : vector<16xi1>, vector<16xf32>
      %add3A_2959 = arith.constant 240 : i32
      %add3A_2960 = vector.broadcast %add3A_2959 : i32 to vector<16xi32>
      %add3A_2961 = arith.addi %iota3A, %add3A_2960 : vector<16xi32>
      %eq3A_2962 = arith.cmpi eq, %add3A_2961, %min3A_2849 : vector<16xi32>
      %jit3A_2963 = arith.constant 0xFF800000 : f32
      %broadcast_in_dim3A_2964 = vector.broadcast %jit3A_2963 : f32 to vector<16xf32>
      %select_n3A_2965 = arith.select %eq3A_2962, %broadcast_in_dim3A_2964, %select_n3A_2604 : vector<16xi1>, vector<16xf32>
      %add3A_2966 = arith.constant 256 : i32
      %add3A_2967 = vector.broadcast %add3A_2966 : i32 to vector<16xi32>
      %add3A_2968 = arith.addi %iota3A, %add3A_2967 : vector<16xi32>
      %eq3A_2969 = arith.cmpi eq, %add3A_2968, %min3A_2849 : vector<16xi32>
      %jit3A_2970 = arith.constant 0xFF800000 : f32
      %broadcast_in_dim3A_2971 = vector.broadcast %jit3A_2970 : f32 to vector<16xf32>
      %select_n3A_2972 = arith.select %eq3A_2969, %broadcast_in_dim3A_2971, %select_n3A_2611 : vector<16xi1>, vector<16xf32>
      %add3A_2973 = arith.constant 272 : i32
      %add3A_2974 = vector.broadcast %add3A_2973 : i32 to vector<16xi32>
      %add3A_2975 = arith.addi %iota3A, %add3A_2974 : vector<16xi32>
      %eq3A_2976 = arith.cmpi eq, %add3A_2975, %min3A_2849 : vector<16xi32>
      %jit3A_2977 = arith.constant 0xFF800000 : f32
      %broadcast_in_dim3A_2978 = vector.broadcast %jit3A_2977 : f32 to vector<16xf32>
      %select_n3A_2979 = arith.select %eq3A_2976, %broadcast_in_dim3A_2978, %select_n3A_2618 : vector<16xi1>, vector<16xf32>
      %add3A_2980 = arith.constant 288 : i32
      %add3A_2981 = vector.broadcast %add3A_2980 : i32 to vector<16xi32>
      %add3A_2982 = arith.addi %iota3A, %add3A_2981 : vector<16xi32>
      %eq3A_2983 = arith.cmpi eq, %add3A_2982, %min3A_2849 : vector<16xi32>
      %jit3A_2984 = arith.constant 0xFF800000 : f32
      %broadcast_in_dim3A_2985 = vector.broadcast %jit3A_2984 : f32 to vector<16xf32>
      %select_n3A_2986 = arith.select %eq3A_2983, %broadcast_in_dim3A_2985, %select_n3A_2625 : vector<16xi1>, vector<16xf32>
      %add3A_2987 = arith.constant 304 : i32
      %add3A_2988 = vector.broadcast %add3A_2987 : i32 to vector<16xi32>
      %add3A_2989 = arith.addi %iota3A, %add3A_2988 : vector<16xi32>
      %eq3A_2990 = arith.cmpi eq, %add3A_2989, %min3A_2849 : vector<16xi32>
      %jit3A_2991 = arith.constant 0xFF800000 : f32
      %broadcast_in_dim3A_2992 = vector.broadcast %jit3A_2991 : f32 to vector<16xf32>
      %select_n3A_2993 = arith.select %eq3A_2990, %broadcast_in_dim3A_2992, %select_n3A_2632 : vector<16xi1>, vector<16xf32>
      %xor3A_2994 = arith.constant 1 : i32
      %xor3A_2995 = vector.broadcast %xor3A_2994 : i32 to vector<16xi32>
      %xor3A_2996 = arith.xori %iota3A, %xor3A_2995 : vector<16xi32>
      %lt3A_2997 = arith.constant 0 : i32
      %lt3A_2998 = vector.broadcast %lt3A_2997 : i32 to vector<16xi32>
      %lt3A_2999 = arith.cmpi slt, %xor3A_2996, %lt3A_2998 : vector<16xi32>
      %add3A_3000 = arith.constant 16 : i32
      %add3A_3001 = vector.broadcast %add3A_3000 : i32 to vector<16xi32>
      %add3A_3002 = arith.addi %xor3A_2996, %add3A_3001 : vector<16xi32>
      %select_n3A_3003 = arith.select %lt3A_2999, %add3A_3002, %xor3A_2996 : vector<16xi1>, vector<16xi32>
      %broadcast_in_dim3A_3004 = vector.shape_cast %select_n3A_3003 : vector<16xi32> to vector<16x1xi32>
      %gather3A_3005 = vector.shape_cast %broadcast_in_dim3A_3004 : vector<16x1xi32> to vector<16xi32>
      %gather3A_3006 = tpu.dynamic_gather %select_n3A_2853[%gather3A_3005] in [0] : vector<16xf32>, vector<16xi32> -> vector<16xf32>
      %max3A_3007 = arith.maximumf %select_n3A_2853, %gather3A_3006 : vector<16xf32>
      %xor3A_3008 = arith.constant 2 : i32
      %xor3A_3009 = vector.broadcast %xor3A_3008 : i32 to vector<16xi32>
      %xor3A_3010 = arith.xori %iota3A, %xor3A_3009 : vector<16xi32>
      %lt3A_3011 = arith.constant 0 : i32
      %lt3A_3012 = vector.broadcast %lt3A_3011 : i32 to vector<16xi32>
      %lt3A_3013 = arith.cmpi slt, %xor3A_3010, %lt3A_3012 : vector<16xi32>
      %add3A_3014 = arith.constant 16 : i32
      %add3A_3015 = vector.broadcast %add3A_3014 : i32 to vector<16xi32>
      %add3A_3016 = arith.addi %xor3A_3010, %add3A_3015 : vector<16xi32>
      %select_n3A_3017 = arith.select %lt3A_3013, %add3A_3016, %xor3A_3010 : vector<16xi1>, vector<16xi32>
      %broadcast_in_dim3A_3018 = vector.shape_cast %select_n3A_3017 : vector<16xi32> to vector<16x1xi32>
      %gather3A_3019 = vector.shape_cast %broadcast_in_dim3A_3018 : vector<16x1xi32> to vector<16xi32>
      %gather3A_3020 = tpu.dynamic_gather %max3A_3007[%gather3A_3019] in [0] : vector<16xf32>, vector<16xi32> -> vector<16xf32>
      %max3A_3021 = arith.maximumf %max3A_3007, %gather3A_3020 : vector<16xf32>
      %xor3A_3022 = arith.constant 4 : i32
      %xor3A_3023 = vector.broadcast %xor3A_3022 : i32 to vector<16xi32>
      %xor3A_3024 = arith.xori %iota3A, %xor3A_3023 : vector<16xi32>
      %lt3A_3025 = arith.constant 0 : i32
      %lt3A_3026 = vector.broadcast %lt3A_3025 : i32 to vector<16xi32>
      %lt3A_3027 = arith.cmpi slt, %xor3A_3024, %lt3A_3026 : vector<16xi32>
      %add3A_3028 = arith.constant 16 : i32
      %add3A_3029 = vector.broadcast %add3A_3028 : i32 to vector<16xi32>
      %add3A_3030 = arith.addi %xor3A_3024, %add3A_3029 : vector<16xi32>
      %select_n3A_3031 = arith.select %lt3A_3027, %add3A_3030, %xor3A_3024 : vector<16xi1>, vector<16xi32>
      %broadcast_in_dim3A_3032 = vector.shape_cast %select_n3A_3031 : vector<16xi32> to vector<16x1xi32>
      %gather3A_3033 = vector.shape_cast %broadcast_in_dim3A_3032 : vector<16x1xi32> to vector<16xi32>
      %gather3A_3034 = tpu.dynamic_gather %max3A_3021[%gather3A_3033] in [0] : vector<16xf32>, vector<16xi32> -> vector<16xf32>
      %max3A_3035 = arith.maximumf %max3A_3021, %gather3A_3034 : vector<16xf32>
      %xor3A_3036 = arith.constant 8 : i32
      %xor3A_3037 = vector.broadcast %xor3A_3036 : i32 to vector<16xi32>
      %xor3A_3038 = arith.xori %iota3A, %xor3A_3037 : vector<16xi32>
      %lt3A_3039 = arith.constant 0 : i32
      %lt3A_3040 = vector.broadcast %lt3A_3039 : i32 to vector<16xi32>
      %lt3A_3041 = arith.cmpi slt, %xor3A_3038, %lt3A_3040 : vector<16xi32>
      %add3A_3042 = arith.constant 16 : i32
      %add3A_3043 = vector.broadcast %add3A_3042 : i32 to vector<16xi32>
      %add3A_3044 = arith.addi %xor3A_3038, %add3A_3043 : vector<16xi32>
      %select_n3A_3045 = arith.select %lt3A_3041, %add3A_3044, %xor3A_3038 : vector<16xi1>, vector<16xi32>
      %broadcast_in_dim3A_3046 = vector.shape_cast %select_n3A_3045 : vector<16xi32> to vector<16x1xi32>
      %gather3A_3047 = vector.shape_cast %broadcast_in_dim3A_3046 : vector<16x1xi32> to vector<16xi32>
      %gather3A_3048 = tpu.dynamic_gather %max3A_3035[%gather3A_3047] in [0] : vector<16xf32>, vector<16xi32> -> vector<16xf32>
      %max3A_3049 = arith.maximumf %max3A_3035, %gather3A_3048 : vector<16xf32>
      %sub3A = arith.subf %select_n3A_2853, %max3A_3049 : vector<16xf32>
      %exp3A = math.exp %sub3A : vector<16xf32>
      %xor3A_3050 = arith.constant 1 : i32
      %xor3A_3051 = vector.broadcast %xor3A_3050 : i32 to vector<16xi32>
      %xor3A_3052 = arith.xori %iota3A, %xor3A_3051 : vector<16xi32>
      %lt3A_3053 = arith.constant 0 : i32
      %lt3A_3054 = vector.broadcast %lt3A_3053 : i32 to vector<16xi32>
      %lt3A_3055 = arith.cmpi slt, %xor3A_3052, %lt3A_3054 : vector<16xi32>
      %add3A_3056 = arith.constant 16 : i32
      %add3A_3057 = vector.broadcast %add3A_3056 : i32 to vector<16xi32>
      %add3A_3058 = arith.addi %xor3A_3052, %add3A_3057 : vector<16xi32>
      %select_n3A_3059 = arith.select %lt3A_3055, %add3A_3058, %xor3A_3052 : vector<16xi1>, vector<16xi32>
      %broadcast_in_dim3A_3060 = vector.shape_cast %select_n3A_3059 : vector<16xi32> to vector<16x1xi32>
      %gather3A_3061 = vector.shape_cast %broadcast_in_dim3A_3060 : vector<16x1xi32> to vector<16xi32>
      %gather3A_3062 = tpu.dynamic_gather %exp3A[%gather3A_3061] in [0] : vector<16xf32>, vector<16xi32> -> vector<16xf32>
      %add3A_3063 = arith.addf %exp3A, %gather3A_3062 : vector<16xf32>
      %xor3A_3064 = arith.constant 2 : i32
      %xor3A_3065 = vector.broadcast %xor3A_3064 : i32 to vector<16xi32>
      %xor3A_3066 = arith.xori %iota3A, %xor3A_3065 : vector<16xi32>
      %lt3A_3067 = arith.constant 0 : i32
      %lt3A_3068 = vector.broadcast %lt3A_3067 : i32 to vector<16xi32>
      %lt3A_3069 = arith.cmpi slt, %xor3A_3066, %lt3A_3068 : vector<16xi32>
      %add3A_3070 = arith.constant 16 : i32
      %add3A_3071 = vector.broadcast %add3A_3070 : i32 to vector<16xi32>
      %add3A_3072 = arith.addi %xor3A_3066, %add3A_3071 : vector<16xi32>
      %select_n3A_3073 = arith.select %lt3A_3069, %add3A_3072, %xor3A_3066 : vector<16xi1>, vector<16xi32>
      %broadcast_in_dim3A_3074 = vector.shape_cast %select_n3A_3073 : vector<16xi32> to vector<16x1xi32>
      %gather3A_3075 = vector.shape_cast %broadcast_in_dim3A_3074 : vector<16x1xi32> to vector<16xi32>
      %gather3A_3076 = tpu.dynamic_gather %add3A_3063[%gather3A_3075] in [0] : vector<16xf32>, vector<16xi32> -> vector<16xf32>
      %add3A_3077 = arith.addf %add3A_3063, %gather3A_3076 : vector<16xf32>
      %xor3A_3078 = arith.constant 4 : i32
      %xor3A_3079 = vector.broadcast %xor3A_3078 : i32 to vector<16xi32>
      %xor3A_3080 = arith.xori %iota3A, %xor3A_3079 : vector<16xi32>
      %lt3A_3081 = arith.constant 0 : i32
      %lt3A_3082 = vector.broadcast %lt3A_3081 : i32 to vector<16xi32>
      %lt3A_3083 = arith.cmpi slt, %xor3A_3080, %lt3A_3082 : vector<16xi32>
      %add3A_3084 = arith.constant 16 : i32
      %add3A_3085 = vector.broadcast %add3A_3084 : i32 to vector<16xi32>
      %add3A_3086 = arith.addi %xor3A_3080, %add3A_3085 : vector<16xi32>
      %select_n3A_3087 = arith.select %lt3A_3083, %add3A_3086, %xor3A_3080 : vector<16xi1>, vector<16xi32>
      %broadcast_in_dim3A_3088 = vector.shape_cast %select_n3A_3087 : vector<16xi32> to vector<16x1xi32>
      %gather3A_3089 = vector.shape_cast %broadcast_in_dim3A_3088 : vector<16x1xi32> to vector<16xi32>
      %gather3A_3090 = tpu.dynamic_gather %add3A_3077[%gather3A_3089] in [0] : vector<16xf32>, vector<16xi32> -> vector<16xf32>
      %add3A_3091 = arith.addf %add3A_3077, %gather3A_3090 : vector<16xf32>
      %xor3A_3092 = arith.constant 8 : i32
      %xor3A_3093 = vector.broadcast %xor3A_3092 : i32 to vector<16xi32>
      %xor3A_3094 = arith.xori %iota3A, %xor3A_3093 : vector<16xi32>
      %lt3A_3095 = arith.constant 0 : i32
      %lt3A_3096 = vector.broadcast %lt3A_3095 : i32 to vector<16xi32>
      %lt3A_3097 = arith.cmpi slt, %xor3A_3094, %lt3A_3096 : vector<16xi32>
      %add3A_3098 = arith.constant 16 : i32
      %add3A_3099 = vector.broadcast %add3A_3098 : i32 to vector<16xi32>
      %add3A_3100 = arith.addi %xor3A_3094, %add3A_3099 : vector<16xi32>
      %select_n3A_3101 = arith.select %lt3A_3097, %add3A_3100, %xor3A_3094 : vector<16xi1>, vector<16xi32>
      %broadcast_in_dim3A_3102 = vector.shape_cast %select_n3A_3101 : vector<16xi32> to vector<16x1xi32>
      %gather3A_3103 = vector.shape_cast %broadcast_in_dim3A_3102 : vector<16x1xi32> to vector<16xi32>
      %gather3A_3104 = tpu.dynamic_gather %add3A_3091[%gather3A_3103] in [0] : vector<16xf32>, vector<16xi32> -> vector<16xf32>
      %add3A_3105 = arith.addf %add3A_3091, %gather3A_3104 : vector<16xf32>
      %div3A = arith.divf %exp3A, %add3A_3105 : vector<16xf32>
      %broadcast_in_dim3A_3106 = arith.constant 0.000000e+00 : f32
      %broadcast_in_dim3A_3107 = vector.broadcast %broadcast_in_dim3A_3106 : f32 to vector<16xf32>
      %broadcast_in_dim3A_3108 = arith.constant 0 : i32
      %broadcast_in_dim3A_3109 = vector.broadcast %broadcast_in_dim3A_3108 : i32 to vector<16xi32>
      %lt3A_3110 = arith.constant 0 : i32
      %lt3A_3111 = vector.broadcast %lt3A_3110 : i32 to vector<16xi32>
      %lt3A_3112 = arith.cmpi slt, %broadcast_in_dim3A_3109, %lt3A_3111 : vector<16xi32>
      %add3A_3113 = arith.constant 16 : i32
      %add3A_3114 = vector.broadcast %add3A_3113 : i32 to vector<16xi32>
      %add3A_3115 = arith.addi %broadcast_in_dim3A_3109, %add3A_3114 : vector<16xi32>
      %select_n3A_3116 = arith.select %lt3A_3112, %add3A_3115, %broadcast_in_dim3A_3109 : vector<16xi1>, vector<16xi32>
      %broadcast_in_dim3A_3117 = vector.shape_cast %select_n3A_3116 : vector<16xi32> to vector<16x1xi32>
      %gather3A_3118 = vector.shape_cast %broadcast_in_dim3A_3117 : vector<16x1xi32> to vector<16xi32>
      %gather3A_3119 = tpu.dynamic_gather %div3A[%gather3A_3118] in [0] : vector<16xf32>, vector<16xi32> -> vector<16xf32>
      %slice3A = vector.extract_strided_slice %min3A_322 {offsets = [0], sizes = [1], strides = [1]} : vector<16xi32> to vector<1xi32>
      %squeeze3A = vector.extract %slice3A[0] : i32 from vector<1xi32>
      %mul3A_3120 = arith.constant 128 : i32
      %mul3A_3121 = arith.muli %squeeze3A, %mul3A_3120 : i32
      %add3A_3122 = arith.constant 0 : i32
      %add3A_3123 = arith.addi %mul3A_3121, %add3A_3122 : i32
      %get3A_3124 = arith.index_cast %add3A_3123 : i32 to index
      %get3A_3125 = tpu.vector_load %arg6[%get3A_3124] {strides = array<i32>} : memref<49152xf32, #tpu.memory_space<vmem>>, vector<16xf32>,
      %get3A_3126 = vector.shape_cast %get3A_3125 : vector<16xf32> to vector<16xf32>
      %mul3A_3127 = arith.mulf %gather3A_3119, %get3A_3126 : vector<16xf32>
      %add3A_3128 = arith.addf %broadcast_in_dim3A_3107, %mul3A_3127 : vector<16xf32>
      %broadcast_in_dim3A_3129 = arith.constant 1 : i32
      %broadcast_in_dim3A_3130 = vector.broadcast %broadcast_in_dim3A_3129 : i32 to vector<16xi32>
      %lt3A_3131 = arith.constant 0 : i32
      %lt3A_3132 = vector.broadcast %lt3A_3131 : i32 to vector<16xi32>
      %lt3A_3133 = arith.cmpi slt, %broadcast_in_dim3A_3130, %lt3A_3132 : vector<16xi32>
      %add3A_3134 = arith.constant 16 : i32
      %add3A_3135 = vector.broadcast %add3A_3134 : i32 to vector<16xi32>
      %add3A_3136 = arith.addi %broadcast_in_dim3A_3130, %add3A_3135 : vector<16xi32>
      %select_n3A_3137 = arith.select %lt3A_3133, %add3A_3136, %broadcast_in_dim3A_3130 : vector<16xi1>, vector<16xi32>
      %broadcast_in_dim3A_3138 = vector.shape_cast %select_n3A_3137 : vector<16xi32> to vector<16x1xi32>
      %gather3A_3139 = vector.shape_cast %broadcast_in_dim3A_3138 : vector<16x1xi32> to vector<16xi32>
      %gather3A_3140 = tpu.dynamic_gather %div3A[%gather3A_3139] in [0] : vector<16xf32>, vector<16xi32> -> vector<16xf32>
      %slice3A_3141 = vector.extract_strided_slice %min3A_683 {offsets = [0], sizes = [1], strides = [1]} : vector<16xi32> to vector<1xi32>
      %squeeze3A_3142 = vector.extract %slice3A_3141[0] : i32 from vector<1xi32>
      %mul3A_3143 = arith.constant 128 : i32
      %mul3A_3144 = arith.muli %squeeze3A_3142, %mul3A_3143 : i32
      %add3A_3145 = arith.constant 0 : i32
      %add3A_3146 = arith.addi %mul3A_3144, %add3A_3145 : i32
      %get3A_3147 = arith.index_cast %add3A_3146 : i32 to index
      %get3A_3148 = tpu.vector_load %arg6[%get3A_3147] {strides = array<i32>} : memref<49152xf32, #tpu.memory_space<vmem>>, vector<16xf32>,
      %get3A_3149 = vector.shape_cast %get3A_3148 : vector<16xf32> to vector<16xf32>
      %mul3A_3150 = arith.mulf %gather3A_3140, %get3A_3149 : vector<16xf32>
      %add3A_3151 = arith.addf %add3A_3128, %mul3A_3150 : vector<16xf32>
      %broadcast_in_dim3A_3152 = arith.constant 2 : i32
      %broadcast_in_dim3A_3153 = vector.broadcast %broadcast_in_dim3A_3152 : i32 to vector<16xi32>
      %lt3A_3154 = arith.constant 0 : i32
      %lt3A_3155 = vector.broadcast %lt3A_3154 : i32 to vector<16xi32>
      %lt3A_3156 = arith.cmpi slt, %broadcast_in_dim3A_3153, %lt3A_3155 : vector<16xi32>
      %add3A_3157 = arith.constant 16 : i32
      %add3A_3158 = vector.broadcast %add3A_3157 : i32 to vector<16xi32>
      %add3A_3159 = arith.addi %broadcast_in_dim3A_3153, %add3A_3158 : vector<16xi32>
      %select_n3A_3160 = arith.select %lt3A_3156, %add3A_3159, %broadcast_in_dim3A_3153 : vector<16xi1>, vector<16xi32>
      %broadcast_in_dim3A_3161 = vector.shape_cast %select_n3A_3160 : vector<16xi32> to vector<16x1xi32>
      %gather3A_3162 = vector.shape_cast %broadcast_in_dim3A_3161 : vector<16x1xi32> to vector<16xi32>
      %gather3A_3163 = tpu.dynamic_gather %div3A[%gather3A_3162] in [0] : vector<16xf32>, vector<16xi32> -> vector<16xf32>
      %slice3A_3164 = vector.extract_strided_slice %min3A_1044 {offsets = [0], sizes = [1], strides = [1]} : vector<16xi32> to vector<1xi32>
      %squeeze3A_3165 = vector.extract %slice3A_3164[0] : i32 from vector<1xi32>
      %mul3A_3166 = arith.constant 128 : i32
      %mul3A_3167 = arith.muli %squeeze3A_3165, %mul3A_3166 : i32
      %add3A_3168 = arith.constant 0 : i32
      %add3A_3169 = arith.addi %mul3A_3167, %add3A_3168 : i32
      %get3A_3170 = arith.index_cast %add3A_3169 : i32 to index
      %get3A_3171 = tpu.vector_load %arg6[%get3A_3170] {strides = array<i32>} : memref<49152xf32, #tpu.memory_space<vmem>>, vector<16xf32>,
      %get3A_3172 = vector.shape_cast %get3A_3171 : vector<16xf32> to vector<16xf32>
      %mul3A_3173 = arith.mulf %gather3A_3163, %get3A_3172 : vector<16xf32>
      %add3A_3174 = arith.addf %add3A_3151, %mul3A_3173 : vector<16xf32>
      %broadcast_in_dim3A_3175 = arith.constant 3 : i32
      %broadcast_in_dim3A_3176 = vector.broadcast %broadcast_in_dim3A_3175 : i32 to vector<16xi32>
      %lt3A_3177 = arith.constant 0 : i32
      %lt3A_3178 = vector.broadcast %lt3A_3177 : i32 to vector<16xi32>
      %lt3A_3179 = arith.cmpi slt, %broadcast_in_dim3A_3176, %lt3A_3178 : vector<16xi32>
      %add3A_3180 = arith.constant 16 : i32
      %add3A_3181 = vector.broadcast %add3A_3180 : i32 to vector<16xi32>
      %add3A_3182 = arith.addi %broadcast_in_dim3A_3176, %add3A_3181 : vector<16xi32>
      %select_n3A_3183 = arith.select %lt3A_3179, %add3A_3182, %broadcast_in_dim3A_3176 : vector<16xi1>, vector<16xi32>
      %broadcast_in_dim3A_3184 = vector.shape_cast %select_n3A_3183 : vector<16xi32> to vector<16x1xi32>
      %gather3A_3185 = vector.shape_cast %broadcast_in_dim3A_3184 : vector<16x1xi32> to vector<16xi32>
      %gather3A_3186 = tpu.dynamic_gather %div3A[%gather3A_3185] in [0] : vector<16xf32>, vector<16xi32> -> vector<16xf32>
      %slice3A_3187 = vector.extract_strided_slice %min3A_1405 {offsets = [0], sizes = [1], strides = [1]} : vector<16xi32> to vector<1xi32>
      %squeeze3A_3188 = vector.extract %slice3A_3187[0] : i32 from vector<1xi32>
      %mul3A_3189 = arith.constant 128 : i32
      %mul3A_3190 = arith.muli %squeeze3A_3188, %mul3A_3189 : i32
      %add3A_3191 = arith.constant 0 : i32
      %add3A_3192 = arith.addi %mul3A_3190, %add3A_3191 : i32
      %get3A_3193 = arith.index_cast %add3A_3192 : i32 to index
      %get3A_3194 = tpu.vector_load %arg6[%get3A_3193] {strides = array<i32>} : memref<49152xf32, #tpu.memory_space<vmem>>, vector<16xf32>,
      %get3A_3195 = vector.shape_cast %get3A_3194 : vector<16xf32> to vector<16xf32>
      %mul3A_3196 = arith.mulf %gather3A_3186, %get3A_3195 : vector<16xf32>
      %add3A_3197 = arith.addf %add3A_3174, %mul3A_3196 : vector<16xf32>
      %broadcast_in_dim3A_3198 = arith.constant 4 : i32
      %broadcast_in_dim3A_3199 = vector.broadcast %broadcast_in_dim3A_3198 : i32 to vector<16xi32>
      %lt3A_3200 = arith.constant 0 : i32
      %lt3A_3201 = vector.broadcast %lt3A_3200 : i32 to vector<16xi32>
      %lt3A_3202 = arith.cmpi slt, %broadcast_in_dim3A_3199, %lt3A_3201 : vector<16xi32>
      %add3A_3203 = arith.constant 16 : i32
      %add3A_3204 = vector.broadcast %add3A_3203 : i32 to vector<16xi32>
      %add3A_3205 = arith.addi %broadcast_in_dim3A_3199, %add3A_3204 : vector<16xi32>
      %select_n3A_3206 = arith.select %lt3A_3202, %add3A_3205, %broadcast_in_dim3A_3199 : vector<16xi1>, vector<16xi32>
      %broadcast_in_dim3A_3207 = vector.shape_cast %select_n3A_3206 : vector<16xi32> to vector<16x1xi32>
      %gather3A_3208 = vector.shape_cast %broadcast_in_dim3A_3207 : vector<16x1xi32> to vector<16xi32>
      %gather3A_3209 = tpu.dynamic_gather %div3A[%gather3A_3208] in [0] : vector<16xf32>, vector<16xi32> -> vector<16xf32>
      %slice3A_3210 = vector.extract_strided_slice %min3A_1766 {offsets = [0], sizes = [1], strides = [1]} : vector<16xi32> to vector<1xi32>
      %squeeze3A_3211 = vector.extract %slice3A_3210[0] : i32 from vector<1xi32>
      %mul3A_3212 = arith.constant 128 : i32
      %mul3A_3213 = arith.muli %squeeze3A_3211, %mul3A_3212 : i32
      %add3A_3214 = arith.constant 0 : i32
      %add3A_3215 = arith.addi %mul3A_3213, %add3A_3214 : i32
      %get3A_3216 = arith.index_cast %add3A_3215 : i32 to index
      %get3A_3217 = tpu.vector_load %arg6[%get3A_3216] {strides = array<i32>} : memref<49152xf32, #tpu.memory_space<vmem>>, vector<16xf32>,
      %get3A_3218 = vector.shape_cast %get3A_3217 : vector<16xf32> to vector<16xf32>
      %mul3A_3219 = arith.mulf %gather3A_3209, %get3A_3218 : vector<16xf32>
      %add3A_3220 = arith.addf %add3A_3197, %mul3A_3219 : vector<16xf32>
      %broadcast_in_dim3A_3221 = arith.constant 5 : i32
      %broadcast_in_dim3A_3222 = vector.broadcast %broadcast_in_dim3A_3221 : i32 to vector<16xi32>
      %lt3A_3223 = arith.constant 0 : i32
      %lt3A_3224 = vector.broadcast %lt3A_3223 : i32 to vector<16xi32>
      %lt3A_3225 = arith.cmpi slt, %broadcast_in_dim3A_3222, %lt3A_3224 : vector<16xi32>
      %add3A_3226 = arith.constant 16 : i32
      %add3A_3227 = vector.broadcast %add3A_3226 : i32 to vector<16xi32>
      %add3A_3228 = arith.addi %broadcast_in_dim3A_3222, %add3A_3227 : vector<16xi32>
      %select_n3A_3229 = arith.select %lt3A_3225, %add3A_3228, %broadcast_in_dim3A_3222 : vector<16xi1>, vector<16xi32>
      %broadcast_in_dim3A_3230 = vector.shape_cast %select_n3A_3229 : vector<16xi32> to vector<16x1xi32>
      %gather3A_3231 = vector.shape_cast %broadcast_in_dim3A_3230 : vector<16x1xi32> to vector<16xi32>
      %gather3A_3232 = tpu.dynamic_gather %div3A[%gather3A_3231] in [0] : vector<16xf32>, vector<16xi32> -> vector<16xf32>
      %slice3A_3233 = vector.extract_strided_slice %min3A_2127 {offsets = [0], sizes = [1], strides = [1]} : vector<16xi32> to vector<1xi32>
      %squeeze3A_3234 = vector.extract %slice3A_3233[0] : i32 from vector<1xi32>
      %mul3A_3235 = arith.constant 128 : i32
      %mul3A_3236 = arith.muli %squeeze3A_3234, %mul3A_3235 : i32
      %add3A_3237 = arith.constant 0 : i32
      %add3A_3238 = arith.addi %mul3A_3236, %add3A_3237 : i32
      %get3A_3239 = arith.index_cast %add3A_3238 : i32 to index
      %get3A_3240 = tpu.vector_load %arg6[%get3A_3239] {strides = array<i32>} : memref<49152xf32, #tpu.memory_space<vmem>>, vector<16xf32>,
      %get3A_3241 = vector.shape_cast %get3A_3240 : vector<16xf32> to vector<16xf32>
      %mul3A_3242 = arith.mulf %gather3A_3232, %get3A_3241 : vector<16xf32>
      %add3A_3243 = arith.addf %add3A_3220, %mul3A_3242 : vector<16xf32>
      %broadcast_in_dim3A_3244 = arith.constant 6 : i32
      %broadcast_in_dim3A_3245 = vector.broadcast %broadcast_in_dim3A_3244 : i32 to vector<16xi32>
      %lt3A_3246 = arith.constant 0 : i32
      %lt3A_3247 = vector.broadcast %lt3A_3246 : i32 to vector<16xi32>
      %lt3A_3248 = arith.cmpi slt, %broadcast_in_dim3A_3245, %lt3A_3247 : vector<16xi32>
      %add3A_3249 = arith.constant 16 : i32
      %add3A_3250 = vector.broadcast %add3A_3249 : i32 to vector<16xi32>
      %add3A_3251 = arith.addi %broadcast_in_dim3A_3245, %add3A_3250 : vector<16xi32>
      %select_n3A_3252 = arith.select %lt3A_3248, %add3A_3251, %broadcast_in_dim3A_3245 : vector<16xi1>, vector<16xi32>
      %broadcast_in_dim3A_3253 = vector.shape_cast %select_n3A_3252 : vector<16xi32> to vector<16x1xi32>
      %gather3A_3254 = vector.shape_cast %broadcast_in_dim3A_3253 : vector<16x1xi32> to vector<16xi32>
      %gather3A_3255 = tpu.dynamic_gather %div3A[%gather3A_3254] in [0] : vector<16xf32>, vector<16xi32> -> vector<16xf32>
      %slice3A_3256 = vector.extract_strided_slice %min3A_2488 {offsets = [0], sizes = [1], strides = [1]} : vector<16xi32> to vector<1xi32>
      %squeeze3A_3257 = vector.extract %slice3A_3256[0] : i32 from vector<1xi32>
      %mul3A_3258 = arith.constant 128 : i32
      %mul3A_3259 = arith.muli %squeeze3A_3257, %mul3A_3258 : i32
      %add3A_3260 = arith.constant 0 : i32
      %add3A_3261 = arith.addi %mul3A_3259, %add3A_3260 : i32
      %get3A_3262 = arith.index_cast %add3A_3261 : i32 to index
      %get3A_3263 = tpu.vector_load %arg6[%get3A_3262] {strides = array<i32>} : memref<49152xf32, #tpu.memory_space<vmem>>, vector<16xf32>,
      %get3A_3264 = vector.shape_cast %get3A_3263 : vector<16xf32> to vector<16xf32>
      %mul3A_3265 = arith.mulf %gather3A_3255, %get3A_3264 : vector<16xf32>
      %add3A_3266 = arith.addf %add3A_3243, %mul3A_3265 : vector<16xf32>
      %broadcast_in_dim3A_3267 = arith.constant 7 : i32
      %broadcast_in_dim3A_3268 = vector.broadcast %broadcast_in_dim3A_3267 : i32 to vector<16xi32>
      %lt3A_3269 = arith.constant 0 : i32
      %lt3A_3270 = vector.broadcast %lt3A_3269 : i32 to vector<16xi32>
      %lt3A_3271 = arith.cmpi slt, %broadcast_in_dim3A_3268, %lt3A_3270 : vector<16xi32>
      %add3A_3272 = arith.constant 16 : i32
      %add3A_3273 = vector.broadcast %add3A_3272 : i32 to vector<16xi32>
      %add3A_3274 = arith.addi %broadcast_in_dim3A_3268, %add3A_3273 : vector<16xi32>
      %select_n3A_3275 = arith.select %lt3A_3271, %add3A_3274, %broadcast_in_dim3A_3268 : vector<16xi1>, vector<16xi32>
      %broadcast_in_dim3A_3276 = vector.shape_cast %select_n3A_3275 : vector<16xi32> to vector<16x1xi32>
      %gather3A_3277 = vector.shape_cast %broadcast_in_dim3A_3276 : vector<16x1xi32> to vector<16xi32>
      %gather3A_3278 = tpu.dynamic_gather %div3A[%gather3A_3277] in [0] : vector<16xf32>, vector<16xi32> -> vector<16xf32>
      %slice3A_3279 = vector.extract_strided_slice %min3A_2849 {offsets = [0], sizes = [1], strides = [1]} : vector<16xi32> to vector<1xi32>
      %squeeze3A_3280 = vector.extract %slice3A_3279[0] : i32 from vector<1xi32>
      %mul3A_3281 = arith.constant 128 : i32
      %mul3A_3282 = arith.muli %squeeze3A_3280, %mul3A_3281 : i32
      %add3A_3283 = arith.constant 0 : i32
      %add3A_3284 = arith.addi %mul3A_3282, %add3A_3283 : i32
      %get3A_3285 = arith.index_cast %add3A_3284 : i32 to index
      %get3A_3286 = tpu.vector_load %arg6[%get3A_3285] {strides = array<i32>} : memref<49152xf32, #tpu.memory_space<vmem>>, vector<16xf32>,
      %get3A_3287 = vector.shape_cast %get3A_3286 : vector<16xf32> to vector<16xf32>
      %mul3A_3288 = arith.mulf %gather3A_3278, %get3A_3287 : vector<16xf32>
      %add3A_3289 = arith.addf %add3A_3266, %mul3A_3288 : vector<16xf32>
      %mul3A_3290 = arith.constant 128 : i32
      %mul3A_3291 = arith.muli %scan3A_12, %mul3A_3290 : i32
      %add3A_3292 = arith.constant 0 : i32
      %add3A_3293 = arith.addi %mul3A_3291, %add3A_3292 : i32
      %swap3A = arith.index_cast %add3A_3293 : i32 to index
      %swap3A_3294 = tpu.vector_load %arg7[%swap3A] {strides = array<i32>} : memref<1024xf32, #tpu.memory_space<vmem>>, vector<16xf32>,
      %swap3A_3295 = vector.shape_cast %swap3A_3294 : vector<16xf32> to vector<16xf32>
      %swap3A_3296 = vector.shape_cast %add3A_3289 : vector<16xf32> to vector<16xf32>
      tpu.vector_store %arg7[%swap3A], %swap3A_3296 {strides = array<i32>} : memref<1024xf32, #tpu.memory_space<vmem>>, vector<16xf32>,
      %broadcast_in_dim3A_3297 = arith.constant 0.000000e+00 : f32
      %broadcast_in_dim3A_3298 = vector.broadcast %broadcast_in_dim3A_3297 : f32 to vector<16xf32>
      %broadcast_in_dim3A_3299 = arith.constant 0 : i32
      %broadcast_in_dim3A_3300 = vector.broadcast %broadcast_in_dim3A_3299 : i32 to vector<16xi32>
      %lt3A_3301 = arith.constant 0 : i32
      %lt3A_3302 = vector.broadcast %lt3A_3301 : i32 to vector<16xi32>
      %lt3A_3303 = arith.cmpi slt, %broadcast_in_dim3A_3300, %lt3A_3302 : vector<16xi32>
      %add3A_3304 = arith.constant 16 : i32
      %add3A_3305 = vector.broadcast %add3A_3304 : i32 to vector<16xi32>
      %add3A_3306 = arith.addi %broadcast_in_dim3A_3300, %add3A_3305 : vector<16xi32>
      %select_n3A_3307 = arith.select %lt3A_3303, %add3A_3306, %broadcast_in_dim3A_3300 : vector<16xi1>, vector<16xi32>
      %broadcast_in_dim3A_3308 = vector.shape_cast %select_n3A_3307 : vector<16xi32> to vector<16x1xi32>
      %gather3A_3309 = vector.shape_cast %broadcast_in_dim3A_3308 : vector<16x1xi32> to vector<16xi32>
      %gather3A_3310 = tpu.dynamic_gather %div3A[%gather3A_3309] in [0] : vector<16xf32>, vector<16xi32> -> vector<16xf32>
      %slice3A_3311 = vector.extract_strided_slice %min3A_322 {offsets = [0], sizes = [1], strides = [1]} : vector<16xi32> to vector<1xi32>
      %squeeze3A_3312 = vector.extract %slice3A_3311[0] : i32 from vector<1xi32>
      %mul3A_3313 = arith.constant 128 : i32
      %mul3A_3314 = arith.muli %squeeze3A_3312, %mul3A_3313 : i32
      %add3A_3315 = arith.constant 16 : i32
      %add3A_3316 = arith.addi %mul3A_3314, %add3A_3315 : i32
      %get3A_3317 = arith.index_cast %add3A_3316 : i32 to index
      %get3A_3318 = tpu.vector_load %arg6[%get3A_3317] {strides = array<i32>} : memref<49152xf32, #tpu.memory_space<vmem>>, vector<16xf32>,
      %get3A_3319 = vector.shape_cast %get3A_3318 : vector<16xf32> to vector<16xf32>
      %mul3A_3320 = arith.mulf %gather3A_3310, %get3A_3319 : vector<16xf32>
      %add3A_3321 = arith.addf %broadcast_in_dim3A_3298, %mul3A_3320 : vector<16xf32>
      %broadcast_in_dim3A_3322 = arith.constant 1 : i32
      %broadcast_in_dim3A_3323 = vector.broadcast %broadcast_in_dim3A_3322 : i32 to vector<16xi32>
      %lt3A_3324 = arith.constant 0 : i32
      %lt3A_3325 = vector.broadcast %lt3A_3324 : i32 to vector<16xi32>
      %lt3A_3326 = arith.cmpi slt, %broadcast_in_dim3A_3323, %lt3A_3325 : vector<16xi32>
      %add3A_3327 = arith.constant 16 : i32
      %add3A_3328 = vector.broadcast %add3A_3327 : i32 to vector<16xi32>
      %add3A_3329 = arith.addi %broadcast_in_dim3A_3323, %add3A_3328 : vector<16xi32>
      %select_n3A_3330 = arith.select %lt3A_3326, %add3A_3329, %broadcast_in_dim3A_3323 : vector<16xi1>, vector<16xi32>
      %broadcast_in_dim3A_3331 = vector.shape_cast %select_n3A_3330 : vector<16xi32> to vector<16x1xi32>
      %gather3A_3332 = vector.shape_cast %broadcast_in_dim3A_3331 : vector<16x1xi32> to vector<16xi32>
      %gather3A_3333 = tpu.dynamic_gather %div3A[%gather3A_3332] in [0] : vector<16xf32>, vector<16xi32> -> vector<16xf32>
      %slice3A_3334 = vector.extract_strided_slice %min3A_683 {offsets = [0], sizes = [1], strides = [1]} : vector<16xi32> to vector<1xi32>
      %squeeze3A_3335 = vector.extract %slice3A_3334[0] : i32 from vector<1xi32>
      %mul3A_3336 = arith.constant 128 : i32
      %mul3A_3337 = arith.muli %squeeze3A_3335, %mul3A_3336 : i32
      %add3A_3338 = arith.constant 16 : i32
      %add3A_3339 = arith.addi %mul3A_3337, %add3A_3338 : i32
      %get3A_3340 = arith.index_cast %add3A_3339 : i32 to index
      %get3A_3341 = tpu.vector_load %arg6[%get3A_3340] {strides = array<i32>} : memref<49152xf32, #tpu.memory_space<vmem>>, vector<16xf32>,
      %get3A_3342 = vector.shape_cast %get3A_3341 : vector<16xf32> to vector<16xf32>
      %mul3A_3343 = arith.mulf %gather3A_3333, %get3A_3342 : vector<16xf32>
      %add3A_3344 = arith.addf %add3A_3321, %mul3A_3343 : vector<16xf32>
      %broadcast_in_dim3A_3345 = arith.constant 2 : i32
      %broadcast_in_dim3A_3346 = vector.broadcast %broadcast_in_dim3A_3345 : i32 to vector<16xi32>
      %lt3A_3347 = arith.constant 0 : i32
      %lt3A_3348 = vector.broadcast %lt3A_3347 : i32 to vector<16xi32>
      %lt3A_3349 = arith.cmpi slt, %broadcast_in_dim3A_3346, %lt3A_3348 : vector<16xi32>
      %add3A_3350 = arith.constant 16 : i32
      %add3A_3351 = vector.broadcast %add3A_3350 : i32 to vector<16xi32>
      %add3A_3352 = arith.addi %broadcast_in_dim3A_3346, %add3A_3351 : vector<16xi32>
      %select_n3A_3353 = arith.select %lt3A_3349, %add3A_3352, %broadcast_in_dim3A_3346 : vector<16xi1>, vector<16xi32>
      %broadcast_in_dim3A_3354 = vector.shape_cast %select_n3A_3353 : vector<16xi32> to vector<16x1xi32>
      %gather3A_3355 = vector.shape_cast %broadcast_in_dim3A_3354 : vector<16x1xi32> to vector<16xi32>
      %gather3A_3356 = tpu.dynamic_gather %div3A[%gather3A_3355] in [0] : vector<16xf32>, vector<16xi32> -> vector<16xf32>
      %slice3A_3357 = vector.extract_strided_slice %min3A_1044 {offsets = [0], sizes = [1], strides = [1]} : vector<16xi32> to vector<1xi32>
      %squeeze3A_3358 = vector.extract %slice3A_3357[0] : i32 from vector<1xi32>
      %mul3A_3359 = arith.constant 128 : i32
      %mul3A_3360 = arith.muli %squeeze3A_3358, %mul3A_3359 : i32
      %add3A_3361 = arith.constant 16 : i32
      %add3A_3362 = arith.addi %mul3A_3360, %add3A_3361 : i32
      %get3A_3363 = arith.index_cast %add3A_3362 : i32 to index
      %get3A_3364 = tpu.vector_load %arg6[%get3A_3363] {strides = array<i32>} : memref<49152xf32, #tpu.memory_space<vmem>>, vector<16xf32>,
      %get3A_3365 = vector.shape_cast %get3A_3364 : vector<16xf32> to vector<16xf32>
      %mul3A_3366 = arith.mulf %gather3A_3356, %get3A_3365 : vector<16xf32>
      %add3A_3367 = arith.addf %add3A_3344, %mul3A_3366 : vector<16xf32>
      %broadcast_in_dim3A_3368 = arith.constant 3 : i32
      %broadcast_in_dim3A_3369 = vector.broadcast %broadcast_in_dim3A_3368 : i32 to vector<16xi32>
      %lt3A_3370 = arith.constant 0 : i32
      %lt3A_3371 = vector.broadcast %lt3A_3370 : i32 to vector<16xi32>
      %lt3A_3372 = arith.cmpi slt, %broadcast_in_dim3A_3369, %lt3A_3371 : vector<16xi32>
      %add3A_3373 = arith.constant 16 : i32
      %add3A_3374 = vector.broadcast %add3A_3373 : i32 to vector<16xi32>
      %add3A_3375 = arith.addi %broadcast_in_dim3A_3369, %add3A_3374 : vector<16xi32>
      %select_n3A_3376 = arith.select %lt3A_3372, %add3A_3375, %broadcast_in_dim3A_3369 : vector<16xi1>, vector<16xi32>
      %broadcast_in_dim3A_3377 = vector.shape_cast %select_n3A_3376 : vector<16xi32> to vector<16x1xi32>
      %gather3A_3378 = vector.shape_cast %broadcast_in_dim3A_3377 : vector<16x1xi32> to vector<16xi32>
      %gather3A_3379 = tpu.dynamic_gather %div3A[%gather3A_3378] in [0] : vector<16xf32>, vector<16xi32> -> vector<16xf32>
      %slice3A_3380 = vector.extract_strided_slice %min3A_1405 {offsets = [0], sizes = [1], strides = [1]} : vector<16xi32> to vector<1xi32>
      %squeeze3A_3381 = vector.extract %slice3A_3380[0] : i32 from vector<1xi32>
      %mul3A_3382 = arith.constant 128 : i32
      %mul3A_3383 = arith.muli %squeeze3A_3381, %mul3A_3382 : i32
      %add3A_3384 = arith.constant 16 : i32
      %add3A_3385 = arith.addi %mul3A_3383, %add3A_3384 : i32
      %get3A_3386 = arith.index_cast %add3A_3385 : i32 to index
      %get3A_3387 = tpu.vector_load %arg6[%get3A_3386] {strides = array<i32>} : memref<49152xf32, #tpu.memory_space<vmem>>, vector<16xf32>,
      %get3A_3388 = vector.shape_cast %get3A_3387 : vector<16xf32> to vector<16xf32>
      %mul3A_3389 = arith.mulf %gather3A_3379, %get3A_3388 : vector<16xf32>
      %add3A_3390 = arith.addf %add3A_3367, %mul3A_3389 : vector<16xf32>
      %broadcast_in_dim3A_3391 = arith.constant 4 : i32
      %broadcast_in_dim3A_3392 = vector.broadcast %broadcast_in_dim3A_3391 : i32 to vector<16xi32>
      %lt3A_3393 = arith.constant 0 : i32
      %lt3A_3394 = vector.broadcast %lt3A_3393 : i32 to vector<16xi32>
      %lt3A_3395 = arith.cmpi slt, %broadcast_in_dim3A_3392, %lt3A_3394 : vector<16xi32>
      %add3A_3396 = arith.constant 16 : i32
      %add3A_3397 = vector.broadcast %add3A_3396 : i32 to vector<16xi32>
      %add3A_3398 = arith.addi %broadcast_in_dim3A_3392, %add3A_3397 : vector<16xi32>
      %select_n3A_3399 = arith.select %lt3A_3395, %add3A_3398, %broadcast_in_dim3A_3392 : vector<16xi1>, vector<16xi32>
      %broadcast_in_dim3A_3400 = vector.shape_cast %select_n3A_3399 : vector<16xi32> to vector<16x1xi32>
      %gather3A_3401 = vector.shape_cast %broadcast_in_dim3A_3400 : vector<16x1xi32> to vector<16xi32>
      %gather3A_3402 = tpu.dynamic_gather %div3A[%gather3A_3401] in [0] : vector<16xf32>, vector<16xi32> -> vector<16xf32>
      %slice3A_3403 = vector.extract_strided_slice %min3A_1766 {offsets = [0], sizes = [1], strides = [1]} : vector<16xi32> to vector<1xi32>
      %squeeze3A_3404 = vector.extract %slice3A_3403[0] : i32 from vector<1xi32>
      %mul3A_3405 = arith.constant 128 : i32
      %mul3A_3406 = arith.muli %squeeze3A_3404, %mul3A_3405 : i32
      %add3A_3407 = arith.constant 16 : i32
      %add3A_3408 = arith.addi %mul3A_3406, %add3A_3407 : i32
      %get3A_3409 = arith.index_cast %add3A_3408 : i32 to index
      %get3A_3410 = tpu.vector_load %arg6[%get3A_3409] {strides = array<i32>} : memref<49152xf32, #tpu.memory_space<vmem>>, vector<16xf32>,
      %get3A_3411 = vector.shape_cast %get3A_3410 : vector<16xf32> to vector<16xf32>
      %mul3A_3412 = arith.mulf %gather3A_3402, %get3A_3411 : vector<16xf32>
      %add3A_3413 = arith.addf %add3A_3390, %mul3A_3412 : vector<16xf32>
      %broadcast_in_dim3A_3414 = arith.constant 5 : i32
      %broadcast_in_dim3A_3415 = vector.broadcast %broadcast_in_dim3A_3414 : i32 to vector<16xi32>
      %lt3A_3416 = arith.constant 0 : i32
      %lt3A_3417 = vector.broadcast %lt3A_3416 : i32 to vector<16xi32>
      %lt3A_3418 = arith.cmpi slt, %broadcast_in_dim3A_3415, %lt3A_3417 : vector<16xi32>
      %add3A_3419 = arith.constant 16 : i32
      %add3A_3420 = vector.broadcast %add3A_3419 : i32 to vector<16xi32>
      %add3A_3421 = arith.addi %broadcast_in_dim3A_3415, %add3A_3420 : vector<16xi32>
      %select_n3A_3422 = arith.select %lt3A_3418, %add3A_3421, %broadcast_in_dim3A_3415 : vector<16xi1>, vector<16xi32>
      %broadcast_in_dim3A_3423 = vector.shape_cast %select_n3A_3422 : vector<16xi32> to vector<16x1xi32>
      %gather3A_3424 = vector.shape_cast %broadcast_in_dim3A_3423 : vector<16x1xi32> to vector<16xi32>
      %gather3A_3425 = tpu.dynamic_gather %div3A[%gather3A_3424] in [0] : vector<16xf32>, vector<16xi32> -> vector<16xf32>
      %slice3A_3426 = vector.extract_strided_slice %min3A_2127 {offsets = [0], sizes = [1], strides = [1]} : vector<16xi32> to vector<1xi32>
      %squeeze3A_3427 = vector.extract %slice3A_3426[0] : i32 from vector<1xi32>
      %mul3A_3428 = arith.constant 128 : i32
      %mul3A_3429 = arith.muli %squeeze3A_3427, %mul3A_3428 : i32
      %add3A_3430 = arith.constant 16 : i32
      %add3A_3431 = arith.addi %mul3A_3429, %add3A_3430 : i32
      %get3A_3432 = arith.index_cast %add3A_3431 : i32 to index
      %get3A_3433 = tpu.vector_load %arg6[%get3A_3432] {strides = array<i32>} : memref<49152xf32, #tpu.memory_space<vmem>>, vector<16xf32>,
      %get3A_3434 = vector.shape_cast %get3A_3433 : vector<16xf32> to vector<16xf32>
      %mul3A_3435 = arith.mulf %gather3A_3425, %get3A_3434 : vector<16xf32>
      %add3A_3436 = arith.addf %add3A_3413, %mul3A_3435 : vector<16xf32>
      %broadcast_in_dim3A_3437 = arith.constant 6 : i32
      %broadcast_in_dim3A_3438 = vector.broadcast %broadcast_in_dim3A_3437 : i32 to vector<16xi32>
      %lt3A_3439 = arith.constant 0 : i32
      %lt3A_3440 = vector.broadcast %lt3A_3439 : i32 to vector<16xi32>
      %lt3A_3441 = arith.cmpi slt, %broadcast_in_dim3A_3438, %lt3A_3440 : vector<16xi32>
      %add3A_3442 = arith.constant 16 : i32
      %add3A_3443 = vector.broadcast %add3A_3442 : i32 to vector<16xi32>
      %add3A_3444 = arith.addi %broadcast_in_dim3A_3438, %add3A_3443 : vector<16xi32>
      %select_n3A_3445 = arith.select %lt3A_3441, %add3A_3444, %broadcast_in_dim3A_3438 : vector<16xi1>, vector<16xi32>
      %broadcast_in_dim3A_3446 = vector.shape_cast %select_n3A_3445 : vector<16xi32> to vector<16x1xi32>
      %gather3A_3447 = vector.shape_cast %broadcast_in_dim3A_3446 : vector<16x1xi32> to vector<16xi32>
      %gather3A_3448 = tpu.dynamic_gather %div3A[%gather3A_3447] in [0] : vector<16xf32>, vector<16xi32> -> vector<16xf32>
      %slice3A_3449 = vector.extract_strided_slice %min3A_2488 {offsets = [0], sizes = [1], strides = [1]} : vector<16xi32> to vector<1xi32>
      %squeeze3A_3450 = vector.extract %slice3A_3449[0] : i32 from vector<1xi32>
      %mul3A_3451 = arith.constant 128 : i32
      %mul3A_3452 = arith.muli %squeeze3A_3450, %mul3A_3451 : i32
      %add3A_3453 = arith.constant 16 : i32
      %add3A_3454 = arith.addi %mul3A_3452, %add3A_3453 : i32
      %get3A_3455 = arith.index_cast %add3A_3454 : i32 to index
      %get3A_3456 = tpu.vector_load %arg6[%get3A_3455] {strides = array<i32>} : memref<49152xf32, #tpu.memory_space<vmem>>, vector<16xf32>,
      %get3A_3457 = vector.shape_cast %get3A_3456 : vector<16xf32> to vector<16xf32>
      %mul3A_3458 = arith.mulf %gather3A_3448, %get3A_3457 : vector<16xf32>
      %add3A_3459 = arith.addf %add3A_3436, %mul3A_3458 : vector<16xf32>
      %broadcast_in_dim3A_3460 = arith.constant 7 : i32
      %broadcast_in_dim3A_3461 = vector.broadcast %broadcast_in_dim3A_3460 : i32 to vector<16xi32>
      %lt3A_3462 = arith.constant 0 : i32
      %lt3A_3463 = vector.broadcast %lt3A_3462 : i32 to vector<16xi32>
      %lt3A_3464 = arith.cmpi slt, %broadcast_in_dim3A_3461, %lt3A_3463 : vector<16xi32>
      %add3A_3465 = arith.constant 16 : i32
      %add3A_3466 = vector.broadcast %add3A_3465 : i32 to vector<16xi32>
      %add3A_3467 = arith.addi %broadcast_in_dim3A_3461, %add3A_3466 : vector<16xi32>
      %select_n3A_3468 = arith.select %lt3A_3464, %add3A_3467, %broadcast_in_dim3A_3461 : vector<16xi1>, vector<16xi32>
      %broadcast_in_dim3A_3469 = vector.shape_cast %select_n3A_3468 : vector<16xi32> to vector<16x1xi32>
      %gather3A_3470 = vector.shape_cast %broadcast_in_dim3A_3469 : vector<16x1xi32> to vector<16xi32>
      %gather3A_3471 = tpu.dynamic_gather %div3A[%gather3A_3470] in [0] : vector<16xf32>, vector<16xi32> -> vector<16xf32>
      %slice3A_3472 = vector.extract_strided_slice %min3A_2849 {offsets = [0], sizes = [1], strides = [1]} : vector<16xi32> to vector<1xi32>
      %squeeze3A_3473 = vector.extract %slice3A_3472[0] : i32 from vector<1xi32>
      %mul3A_3474 = arith.constant 128 : i32
      %mul3A_3475 = arith.muli %squeeze3A_3473, %mul3A_3474 : i32
      %add3A_3476 = arith.constant 16 : i32
      %add3A_3477 = arith.addi %mul3A_3475, %add3A_3476 : i32
      %get3A_3478 = arith.index_cast %add3A_3477 : i32 to index
      %get3A_3479 = tpu.vector_load %arg6[%get3A_3478] {strides = array<i32>} : memref<49152xf32, #tpu.memory_space<vmem>>, vector<16xf32>,
      %get3A_3480 = vector.shape_cast %get3A_3479 : vector<16xf32> to vector<16xf32>
      %mul3A_3481 = arith.mulf %gather3A_3471, %get3A_3480 : vector<16xf32>
      %add3A_3482 = arith.addf %add3A_3459, %mul3A_3481 : vector<16xf32>
      %mul3A_3483 = arith.constant 128 : i32
      %mul3A_3484 = arith.muli %scan3A_12, %mul3A_3483 : i32
      %add3A_3485 = arith.constant 16 : i32
      %add3A_3486 = arith.addi %mul3A_3484, %add3A_3485 : i32
      %swap3A_3487 = arith.index_cast %add3A_3486 : i32 to index
      %swap3A_3488 = tpu.vector_load %arg7[%swap3A_3487] {strides = array<i32>} : memref<1024xf32, #tpu.memory_space<vmem>>, vector<16xf32>,
      %swap3A_3489 = vector.shape_cast %swap3A_3488 : vector<16xf32> to vector<16xf32>
      %swap3A_3490 = vector.shape_cast %add3A_3482 : vector<16xf32> to vector<16xf32>
      tpu.vector_store %arg7[%swap3A_3487], %swap3A_3490 {strides = array<i32>} : memref<1024xf32, #tpu.memory_space<vmem>>, vector<16xf32>,
      %broadcast_in_dim3A_3491 = arith.constant 0.000000e+00 : f32
      %broadcast_in_dim3A_3492 = vector.broadcast %broadcast_in_dim3A_3491 : f32 to vector<16xf32>
      %broadcast_in_dim3A_3493 = arith.constant 0 : i32
      %broadcast_in_dim3A_3494 = vector.broadcast %broadcast_in_dim3A_3493 : i32 to vector<16xi32>
      %lt3A_3495 = arith.constant 0 : i32
      %lt3A_3496 = vector.broadcast %lt3A_3495 : i32 to vector<16xi32>
      %lt3A_3497 = arith.cmpi slt, %broadcast_in_dim3A_3494, %lt3A_3496 : vector<16xi32>
      %add3A_3498 = arith.constant 16 : i32
      %add3A_3499 = vector.broadcast %add3A_3498 : i32 to vector<16xi32>
      %add3A_3500 = arith.addi %broadcast_in_dim3A_3494, %add3A_3499 : vector<16xi32>
      %select_n3A_3501 = arith.select %lt3A_3497, %add3A_3500, %broadcast_in_dim3A_3494 : vector<16xi1>, vector<16xi32>
      %broadcast_in_dim3A_3502 = vector.shape_cast %select_n3A_3501 : vector<16xi32> to vector<16x1xi32>
      %gather3A_3503 = vector.shape_cast %broadcast_in_dim3A_3502 : vector<16x1xi32> to vector<16xi32>
      %gather3A_3504 = tpu.dynamic_gather %div3A[%gather3A_3503] in [0] : vector<16xf32>, vector<16xi32> -> vector<16xf32>
      %slice3A_3505 = vector.extract_strided_slice %min3A_322 {offsets = [0], sizes = [1], strides = [1]} : vector<16xi32> to vector<1xi32>
      %squeeze3A_3506 = vector.extract %slice3A_3505[0] : i32 from vector<1xi32>
      %mul3A_3507 = arith.constant 128 : i32
      %mul3A_3508 = arith.muli %squeeze3A_3506, %mul3A_3507 : i32
      %add3A_3509 = arith.constant 32 : i32
      %add3A_3510 = arith.addi %mul3A_3508, %add3A_3509 : i32
      %get3A_3511 = arith.index_cast %add3A_3510 : i32 to index
      %get3A_3512 = tpu.vector_load %arg6[%get3A_3511] {strides = array<i32>} : memref<49152xf32, #tpu.memory_space<vmem>>, vector<16xf32>,
      %get3A_3513 = vector.shape_cast %get3A_3512 : vector<16xf32> to vector<16xf32>
      %mul3A_3514 = arith.mulf %gather3A_3504, %get3A_3513 : vector<16xf32>
      %add3A_3515 = arith.addf %broadcast_in_dim3A_3492, %mul3A_3514 : vector<16xf32>
      %broadcast_in_dim3A_3516 = arith.constant 1 : i32
      %broadcast_in_dim3A_3517 = vector.broadcast %broadcast_in_dim3A_3516 : i32 to vector<16xi32>
      %lt3A_3518 = arith.constant 0 : i32
      %lt3A_3519 = vector.broadcast %lt3A_3518 : i32 to vector<16xi32>
      %lt3A_3520 = arith.cmpi slt, %broadcast_in_dim3A_3517, %lt3A_3519 : vector<16xi32>
      %add3A_3521 = arith.constant 16 : i32
      %add3A_3522 = vector.broadcast %add3A_3521 : i32 to vector<16xi32>
      %add3A_3523 = arith.addi %broadcast_in_dim3A_3517, %add3A_3522 : vector<16xi32>
      %select_n3A_3524 = arith.select %lt3A_3520, %add3A_3523, %broadcast_in_dim3A_3517 : vector<16xi1>, vector<16xi32>
      %broadcast_in_dim3A_3525 = vector.shape_cast %select_n3A_3524 : vector<16xi32> to vector<16x1xi32>
      %gather3A_3526 = vector.shape_cast %broadcast_in_dim3A_3525 : vector<16x1xi32> to vector<16xi32>
      %gather3A_3527 = tpu.dynamic_gather %div3A[%gather3A_3526] in [0] : vector<16xf32>, vector<16xi32> -> vector<16xf32>
      %slice3A_3528 = vector.extract_strided_slice %min3A_683 {offsets = [0], sizes = [1], strides = [1]} : vector<16xi32> to vector<1xi32>
      %squeeze3A_3529 = vector.extract %slice3A_3528[0] : i32 from vector<1xi32>
      %mul3A_3530 = arith.constant 128 : i32
      %mul3A_3531 = arith.muli %squeeze3A_3529, %mul3A_3530 : i32
      %add3A_3532 = arith.constant 32 : i32
      %add3A_3533 = arith.addi %mul3A_3531, %add3A_3532 : i32
      %get3A_3534 = arith.index_cast %add3A_3533 : i32 to index
      %get3A_3535 = tpu.vector_load %arg6[%get3A_3534] {strides = array<i32>} : memref<49152xf32, #tpu.memory_space<vmem>>, vector<16xf32>,
      %get3A_3536 = vector.shape_cast %get3A_3535 : vector<16xf32> to vector<16xf32>
      %mul3A_3537 = arith.mulf %gather3A_3527, %get3A_3536 : vector<16xf32>
      %add3A_3538 = arith.addf %add3A_3515, %mul3A_3537 : vector<16xf32>
      %broadcast_in_dim3A_3539 = arith.constant 2 : i32
      %broadcast_in_dim3A_3540 = vector.broadcast %broadcast_in_dim3A_3539 : i32 to vector<16xi32>
      %lt3A_3541 = arith.constant 0 : i32
      %lt3A_3542 = vector.broadcast %lt3A_3541 : i32 to vector<16xi32>
      %lt3A_3543 = arith.cmpi slt, %broadcast_in_dim3A_3540, %lt3A_3542 : vector<16xi32>
      %add3A_3544 = arith.constant 16 : i32
      %add3A_3545 = vector.broadcast %add3A_3544 : i32 to vector<16xi32>
      %add3A_3546 = arith.addi %broadcast_in_dim3A_3540, %add3A_3545 : vector<16xi32>
      %select_n3A_3547 = arith.select %lt3A_3543, %add3A_3546, %broadcast_in_dim3A_3540 : vector<16xi1>, vector<16xi32>
      %broadcast_in_dim3A_3548 = vector.shape_cast %select_n3A_3547 : vector<16xi32> to vector<16x1xi32>
      %gather3A_3549 = vector.shape_cast %broadcast_in_dim3A_3548 : vector<16x1xi32> to vector<16xi32>
      %gather3A_3550 = tpu.dynamic_gather %div3A[%gather3A_3549] in [0] : vector<16xf32>, vector<16xi32> -> vector<16xf32>
      %slice3A_3551 = vector.extract_strided_slice %min3A_1044 {offsets = [0], sizes = [1], strides = [1]} : vector<16xi32> to vector<1xi32>
      %squeeze3A_3552 = vector.extract %slice3A_3551[0] : i32 from vector<1xi32>
      %mul3A_3553 = arith.constant 128 : i32
      %mul3A_3554 = arith.muli %squeeze3A_3552, %mul3A_3553 : i32
      %add3A_3555 = arith.constant 32 : i32
      %add3A_3556 = arith.addi %mul3A_3554, %add3A_3555 : i32
      %get3A_3557 = arith.index_cast %add3A_3556 : i32 to index
      %get3A_3558 = tpu.vector_load %arg6[%get3A_3557] {strides = array<i32>} : memref<49152xf32, #tpu.memory_space<vmem>>, vector<16xf32>,
      %get3A_3559 = vector.shape_cast %get3A_3558 : vector<16xf32> to vector<16xf32>
      %mul3A_3560 = arith.mulf %gather3A_3550, %get3A_3559 : vector<16xf32>
      %add3A_3561 = arith.addf %add3A_3538, %mul3A_3560 : vector<16xf32>
      %broadcast_in_dim3A_3562 = arith.constant 3 : i32
      %broadcast_in_dim3A_3563 = vector.broadcast %broadcast_in_dim3A_3562 : i32 to vector<16xi32>
      %lt3A_3564 = arith.constant 0 : i32
      %lt3A_3565 = vector.broadcast %lt3A_3564 : i32 to vector<16xi32>
      %lt3A_3566 = arith.cmpi slt, %broadcast_in_dim3A_3563, %lt3A_3565 : vector<16xi32>
      %add3A_3567 = arith.constant 16 : i32
      %add3A_3568 = vector.broadcast %add3A_3567 : i32 to vector<16xi32>
      %add3A_3569 = arith.addi %broadcast_in_dim3A_3563, %add3A_3568 : vector<16xi32>
      %select_n3A_3570 = arith.select %lt3A_3566, %add3A_3569, %broadcast_in_dim3A_3563 : vector<16xi1>, vector<16xi32>
      %broadcast_in_dim3A_3571 = vector.shape_cast %select_n3A_3570 : vector<16xi32> to vector<16x1xi32>
      %gather3A_3572 = vector.shape_cast %broadcast_in_dim3A_3571 : vector<16x1xi32> to vector<16xi32>
      %gather3A_3573 = tpu.dynamic_gather %div3A[%gather3A_3572] in [0] : vector<16xf32>, vector<16xi32> -> vector<16xf32>
      %slice3A_3574 = vector.extract_strided_slice %min3A_1405 {offsets = [0], sizes = [1], strides = [1]} : vector<16xi32> to vector<1xi32>
      %squeeze3A_3575 = vector.extract %slice3A_3574[0] : i32 from vector<1xi32>
      %mul3A_3576 = arith.constant 128 : i32
      %mul3A_3577 = arith.muli %squeeze3A_3575, %mul3A_3576 : i32
      %add3A_3578 = arith.constant 32 : i32
      %add3A_3579 = arith.addi %mul3A_3577, %add3A_3578 : i32
      %get3A_3580 = arith.index_cast %add3A_3579 : i32 to index
      %get3A_3581 = tpu.vector_load %arg6[%get3A_3580] {strides = array<i32>} : memref<49152xf32, #tpu.memory_space<vmem>>, vector<16xf32>,
      %get3A_3582 = vector.shape_cast %get3A_3581 : vector<16xf32> to vector<16xf32>
      %mul3A_3583 = arith.mulf %gather3A_3573, %get3A_3582 : vector<16xf32>
      %add3A_3584 = arith.addf %add3A_3561, %mul3A_3583 : vector<16xf32>
      %broadcast_in_dim3A_3585 = arith.constant 4 : i32
      %broadcast_in_dim3A_3586 = vector.broadcast %broadcast_in_dim3A_3585 : i32 to vector<16xi32>
      %lt3A_3587 = arith.constant 0 : i32
      %lt3A_3588 = vector.broadcast %lt3A_3587 : i32 to vector<16xi32>
      %lt3A_3589 = arith.cmpi slt, %broadcast_in_dim3A_3586, %lt3A_3588 : vector<16xi32>
      %add3A_3590 = arith.constant 16 : i32
      %add3A_3591 = vector.broadcast %add3A_3590 : i32 to vector<16xi32>
      %add3A_3592 = arith.addi %broadcast_in_dim3A_3586, %add3A_3591 : vector<16xi32>
      %select_n3A_3593 = arith.select %lt3A_3589, %add3A_3592, %broadcast_in_dim3A_3586 : vector<16xi1>, vector<16xi32>
      %broadcast_in_dim3A_3594 = vector.shape_cast %select_n3A_3593 : vector<16xi32> to vector<16x1xi32>
      %gather3A_3595 = vector.shape_cast %broadcast_in_dim3A_3594 : vector<16x1xi32> to vector<16xi32>
      %gather3A_3596 = tpu.dynamic_gather %div3A[%gather3A_3595] in [0] : vector<16xf32>, vector<16xi32> -> vector<16xf32>
      %slice3A_3597 = vector.extract_strided_slice %min3A_1766 {offsets = [0], sizes = [1], strides = [1]} : vector<16xi32> to vector<1xi32>
      %squeeze3A_3598 = vector.extract %slice3A_3597[0] : i32 from vector<1xi32>
      %mul3A_3599 = arith.constant 128 : i32
      %mul3A_3600 = arith.muli %squeeze3A_3598, %mul3A_3599 : i32
      %add3A_3601 = arith.constant 32 : i32
      %add3A_3602 = arith.addi %mul3A_3600, %add3A_3601 : i32
      %get3A_3603 = arith.index_cast %add3A_3602 : i32 to index
      %get3A_3604 = tpu.vector_load %arg6[%get3A_3603] {strides = array<i32>} : memref<49152xf32, #tpu.memory_space<vmem>>, vector<16xf32>,
      %get3A_3605 = vector.shape_cast %get3A_3604 : vector<16xf32> to vector<16xf32>
      %mul3A_3606 = arith.mulf %gather3A_3596, %get3A_3605 : vector<16xf32>
      %add3A_3607 = arith.addf %add3A_3584, %mul3A_3606 : vector<16xf32>
      %broadcast_in_dim3A_3608 = arith.constant 5 : i32
      %broadcast_in_dim3A_3609 = vector.broadcast %broadcast_in_dim3A_3608 : i32 to vector<16xi32>
      %lt3A_3610 = arith.constant 0 : i32
      %lt3A_3611 = vector.broadcast %lt3A_3610 : i32 to vector<16xi32>
      %lt3A_3612 = arith.cmpi slt, %broadcast_in_dim3A_3609, %lt3A_3611 : vector<16xi32>
      %add3A_3613 = arith.constant 16 : i32
      %add3A_3614 = vector.broadcast %add3A_3613 : i32 to vector<16xi32>
      %add3A_3615 = arith.addi %broadcast_in_dim3A_3609, %add3A_3614 : vector<16xi32>
      %select_n3A_3616 = arith.select %lt3A_3612, %add3A_3615, %broadcast_in_dim3A_3609 : vector<16xi1>, vector<16xi32>
      %broadcast_in_dim3A_3617 = vector.shape_cast %select_n3A_3616 : vector<16xi32> to vector<16x1xi32>
      %gather3A_3618 = vector.shape_cast %broadcast_in_dim3A_3617 : vector<16x1xi32> to vector<16xi32>
      %gather3A_3619 = tpu.dynamic_gather %div3A[%gather3A_3618] in [0] : vector<16xf32>, vector<16xi32> -> vector<16xf32>
      %slice3A_3620 = vector.extract_strided_slice %min3A_2127 {offsets = [0], sizes = [1], strides = [1]} : vector<16xi32> to vector<1xi32>
      %squeeze3A_3621 = vector.extract %slice3A_3620[0] : i32 from vector<1xi32>
      %mul3A_3622 = arith.constant 128 : i32
      %mul3A_3623 = arith.muli %squeeze3A_3621, %mul3A_3622 : i32
      %add3A_3624 = arith.constant 32 : i32
      %add3A_3625 = arith.addi %mul3A_3623, %add3A_3624 : i32
      %get3A_3626 = arith.index_cast %add3A_3625 : i32 to index
      %get3A_3627 = tpu.vector_load %arg6[%get3A_3626] {strides = array<i32>} : memref<49152xf32, #tpu.memory_space<vmem>>, vector<16xf32>,
      %get3A_3628 = vector.shape_cast %get3A_3627 : vector<16xf32> to vector<16xf32>
      %mul3A_3629 = arith.mulf %gather3A_3619, %get3A_3628 : vector<16xf32>
      %add3A_3630 = arith.addf %add3A_3607, %mul3A_3629 : vector<16xf32>
      %broadcast_in_dim3A_3631 = arith.constant 6 : i32
      %broadcast_in_dim3A_3632 = vector.broadcast %broadcast_in_dim3A_3631 : i32 to vector<16xi32>
      %lt3A_3633 = arith.constant 0 : i32
      %lt3A_3634 = vector.broadcast %lt3A_3633 : i32 to vector<16xi32>
      %lt3A_3635 = arith.cmpi slt, %broadcast_in_dim3A_3632, %lt3A_3634 : vector<16xi32>
      %add3A_3636 = arith.constant 16 : i32
      %add3A_3637 = vector.broadcast %add3A_3636 : i32 to vector<16xi32>
      %add3A_3638 = arith.addi %broadcast_in_dim3A_3632, %add3A_3637 : vector<16xi32>
      %select_n3A_3639 = arith.select %lt3A_3635, %add3A_3638, %broadcast_in_dim3A_3632 : vector<16xi1>, vector<16xi32>
      %broadcast_in_dim3A_3640 = vector.shape_cast %select_n3A_3639 : vector<16xi32> to vector<16x1xi32>
      %gather3A_3641 = vector.shape_cast %broadcast_in_dim3A_3640 : vector<16x1xi32> to vector<16xi32>
      %gather3A_3642 = tpu.dynamic_gather %div3A[%gather3A_3641] in [0] : vector<16xf32>, vector<16xi32> -> vector<16xf32>
      %slice3A_3643 = vector.extract_strided_slice %min3A_2488 {offsets = [0], sizes = [1], strides = [1]} : vector<16xi32> to vector<1xi32>
      %squeeze3A_3644 = vector.extract %slice3A_3643[0] : i32 from vector<1xi32>
      %mul3A_3645 = arith.constant 128 : i32
      %mul3A_3646 = arith.muli %squeeze3A_3644, %mul3A_3645 : i32
      %add3A_3647 = arith.constant 32 : i32
      %add3A_3648 = arith.addi %mul3A_3646, %add3A_3647 : i32
      %get3A_3649 = arith.index_cast %add3A_3648 : i32 to index
      %get3A_3650 = tpu.vector_load %arg6[%get3A_3649] {strides = array<i32>} : memref<49152xf32, #tpu.memory_space<vmem>>, vector<16xf32>,
      %get3A_3651 = vector.shape_cast %get3A_3650 : vector<16xf32> to vector<16xf32>
      %mul3A_3652 = arith.mulf %gather3A_3642, %get3A_3651 : vector<16xf32>
      %add3A_3653 = arith.addf %add3A_3630, %mul3A_3652 : vector<16xf32>
      %broadcast_in_dim3A_3654 = arith.constant 7 : i32
      %broadcast_in_dim3A_3655 = vector.broadcast %broadcast_in_dim3A_3654 : i32 to vector<16xi32>
      %lt3A_3656 = arith.constant 0 : i32
      %lt3A_3657 = vector.broadcast %lt3A_3656 : i32 to vector<16xi32>
      %lt3A_3658 = arith.cmpi slt, %broadcast_in_dim3A_3655, %lt3A_3657 : vector<16xi32>
      %add3A_3659 = arith.constant 16 : i32
      %add3A_3660 = vector.broadcast %add3A_3659 : i32 to vector<16xi32>
      %add3A_3661 = arith.addi %broadcast_in_dim3A_3655, %add3A_3660 : vector<16xi32>
      %select_n3A_3662 = arith.select %lt3A_3658, %add3A_3661, %broadcast_in_dim3A_3655 : vector<16xi1>, vector<16xi32>
      %broadcast_in_dim3A_3663 = vector.shape_cast %select_n3A_3662 : vector<16xi32> to vector<16x1xi32>
      %gather3A_3664 = vector.shape_cast %broadcast_in_dim3A_3663 : vector<16x1xi32> to vector<16xi32>
      %gather3A_3665 = tpu.dynamic_gather %div3A[%gather3A_3664] in [0] : vector<16xf32>, vector<16xi32> -> vector<16xf32>
      %slice3A_3666 = vector.extract_strided_slice %min3A_2849 {offsets = [0], sizes = [1], strides = [1]} : vector<16xi32> to vector<1xi32>
      %squeeze3A_3667 = vector.extract %slice3A_3666[0] : i32 from vector<1xi32>
      %mul3A_3668 = arith.constant 128 : i32
      %mul3A_3669 = arith.muli %squeeze3A_3667, %mul3A_3668 : i32
      %add3A_3670 = arith.constant 32 : i32
      %add3A_3671 = arith.addi %mul3A_3669, %add3A_3670 : i32
      %get3A_3672 = arith.index_cast %add3A_3671 : i32 to index
      %get3A_3673 = tpu.vector_load %arg6[%get3A_3672] {strides = array<i32>} : memref<49152xf32, #tpu.memory_space<vmem>>, vector<16xf32>,
      %get3A_3674 = vector.shape_cast %get3A_3673 : vector<16xf32> to vector<16xf32>
      %mul3A_3675 = arith.mulf %gather3A_3665, %get3A_3674 : vector<16xf32>
      %add3A_3676 = arith.addf %add3A_3653, %mul3A_3675 : vector<16xf32>
      %mul3A_3677 = arith.constant 128 : i32
      %mul3A_3678 = arith.muli %scan3A_12, %mul3A_3677 : i32
      %add3A_3679 = arith.constant 32 : i32
      %add3A_3680 = arith.addi %mul3A_3678, %add3A_3679 : i32
      %swap3A_3681 = arith.index_cast %add3A_3680 : i32 to index
      %swap3A_3682 = tpu.vector_load %arg7[%swap3A_3681] {strides = array<i32>} : memref<1024xf32, #tpu.memory_space<vmem>>, vector<16xf32>,
      %swap3A_3683 = vector.shape_cast %swap3A_3682 : vector<16xf32> to vector<16xf32>
      %swap3A_3684 = vector.shape_cast %add3A_3676 : vector<16xf32> to vector<16xf32>
      tpu.vector_store %arg7[%swap3A_3681], %swap3A_3684 {strides = array<i32>} : memref<1024xf32, #tpu.memory_space<vmem>>, vector<16xf32>,
      %broadcast_in_dim3A_3685 = arith.constant 0.000000e+00 : f32
      %broadcast_in_dim3A_3686 = vector.broadcast %broadcast_in_dim3A_3685 : f32 to vector<16xf32>
      %broadcast_in_dim3A_3687 = arith.constant 0 : i32
      %broadcast_in_dim3A_3688 = vector.broadcast %broadcast_in_dim3A_3687 : i32 to vector<16xi32>
      %lt3A_3689 = arith.constant 0 : i32
      %lt3A_3690 = vector.broadcast %lt3A_3689 : i32 to vector<16xi32>
      %lt3A_3691 = arith.cmpi slt, %broadcast_in_dim3A_3688, %lt3A_3690 : vector<16xi32>
      %add3A_3692 = arith.constant 16 : i32
      %add3A_3693 = vector.broadcast %add3A_3692 : i32 to vector<16xi32>
      %add3A_3694 = arith.addi %broadcast_in_dim3A_3688, %add3A_3693 : vector<16xi32>
      %select_n3A_3695 = arith.select %lt3A_3691, %add3A_3694, %broadcast_in_dim3A_3688 : vector<16xi1>, vector<16xi32>
      %broadcast_in_dim3A_3696 = vector.shape_cast %select_n3A_3695 : vector<16xi32> to vector<16x1xi32>
      %gather3A_3697 = vector.shape_cast %broadcast_in_dim3A_3696 : vector<16x1xi32> to vector<16xi32>
      %gather3A_3698 = tpu.dynamic_gather %div3A[%gather3A_3697] in [0] : vector<16xf32>, vector<16xi32> -> vector<16xf32>
      %slice3A_3699 = vector.extract_strided_slice %min3A_322 {offsets = [0], sizes = [1], strides = [1]} : vector<16xi32> to vector<1xi32>
      %squeeze3A_3700 = vector.extract %slice3A_3699[0] : i32 from vector<1xi32>
      %mul3A_3701 = arith.constant 128 : i32
      %mul3A_3702 = arith.muli %squeeze3A_3700, %mul3A_3701 : i32
      %add3A_3703 = arith.constant 48 : i32
      %add3A_3704 = arith.addi %mul3A_3702, %add3A_3703 : i32
      %get3A_3705 = arith.index_cast %add3A_3704 : i32 to index
      %get3A_3706 = tpu.vector_load %arg6[%get3A_3705] {strides = array<i32>} : memref<49152xf32, #tpu.memory_space<vmem>>, vector<16xf32>,
      %get3A_3707 = vector.shape_cast %get3A_3706 : vector<16xf32> to vector<16xf32>
      %mul3A_3708 = arith.mulf %gather3A_3698, %get3A_3707 : vector<16xf32>
      %add3A_3709 = arith.addf %broadcast_in_dim3A_3686, %mul3A_3708 : vector<16xf32>
      %broadcast_in_dim3A_3710 = arith.constant 1 : i32
      %broadcast_in_dim3A_3711 = vector.broadcast %broadcast_in_dim3A_3710 : i32 to vector<16xi32>
      %lt3A_3712 = arith.constant 0 : i32
      %lt3A_3713 = vector.broadcast %lt3A_3712 : i32 to vector<16xi32>
      %lt3A_3714 = arith.cmpi slt, %broadcast_in_dim3A_3711, %lt3A_3713 : vector<16xi32>
      %add3A_3715 = arith.constant 16 : i32
      %add3A_3716 = vector.broadcast %add3A_3715 : i32 to vector<16xi32>
      %add3A_3717 = arith.addi %broadcast_in_dim3A_3711, %add3A_3716 : vector<16xi32>
      %select_n3A_3718 = arith.select %lt3A_3714, %add3A_3717, %broadcast_in_dim3A_3711 : vector<16xi1>, vector<16xi32>
      %broadcast_in_dim3A_3719 = vector.shape_cast %select_n3A_3718 : vector<16xi32> to vector<16x1xi32>
      %gather3A_3720 = vector.shape_cast %broadcast_in_dim3A_3719 : vector<16x1xi32> to vector<16xi32>
      %gather3A_3721 = tpu.dynamic_gather %div3A[%gather3A_3720] in [0] : vector<16xf32>, vector<16xi32> -> vector<16xf32>
      %slice3A_3722 = vector.extract_strided_slice %min3A_683 {offsets = [0], sizes = [1], strides = [1]} : vector<16xi32> to vector<1xi32>
      %squeeze3A_3723 = vector.extract %slice3A_3722[0] : i32 from vector<1xi32>
      %mul3A_3724 = arith.constant 128 : i32
      %mul3A_3725 = arith.muli %squeeze3A_3723, %mul3A_3724 : i32
      %add3A_3726 = arith.constant 48 : i32
      %add3A_3727 = arith.addi %mul3A_3725, %add3A_3726 : i32
      %get3A_3728 = arith.index_cast %add3A_3727 : i32 to index
      %get3A_3729 = tpu.vector_load %arg6[%get3A_3728] {strides = array<i32>} : memref<49152xf32, #tpu.memory_space<vmem>>, vector<16xf32>,
      %get3A_3730 = vector.shape_cast %get3A_3729 : vector<16xf32> to vector<16xf32>
      %mul3A_3731 = arith.mulf %gather3A_3721, %get3A_3730 : vector<16xf32>
      %add3A_3732 = arith.addf %add3A_3709, %mul3A_3731 : vector<16xf32>
      %broadcast_in_dim3A_3733 = arith.constant 2 : i32
      %broadcast_in_dim3A_3734 = vector.broadcast %broadcast_in_dim3A_3733 : i32 to vector<16xi32>
      %lt3A_3735 = arith.constant 0 : i32
      %lt3A_3736 = vector.broadcast %lt3A_3735 : i32 to vector<16xi32>
      %lt3A_3737 = arith.cmpi slt, %broadcast_in_dim3A_3734, %lt3A_3736 : vector<16xi32>
      %add3A_3738 = arith.constant 16 : i32
      %add3A_3739 = vector.broadcast %add3A_3738 : i32 to vector<16xi32>
      %add3A_3740 = arith.addi %broadcast_in_dim3A_3734, %add3A_3739 : vector<16xi32>
      %select_n3A_3741 = arith.select %lt3A_3737, %add3A_3740, %broadcast_in_dim3A_3734 : vector<16xi1>, vector<16xi32>
      %broadcast_in_dim3A_3742 = vector.shape_cast %select_n3A_3741 : vector<16xi32> to vector<16x1xi32>
      %gather3A_3743 = vector.shape_cast %broadcast_in_dim3A_3742 : vector<16x1xi32> to vector<16xi32>
      %gather3A_3744 = tpu.dynamic_gather %div3A[%gather3A_3743] in [0] : vector<16xf32>, vector<16xi32> -> vector<16xf32>
      %slice3A_3745 = vector.extract_strided_slice %min3A_1044 {offsets = [0], sizes = [1], strides = [1]} : vector<16xi32> to vector<1xi32>
      %squeeze3A_3746 = vector.extract %slice3A_3745[0] : i32 from vector<1xi32>
      %mul3A_3747 = arith.constant 128 : i32
      %mul3A_3748 = arith.muli %squeeze3A_3746, %mul3A_3747 : i32
      %add3A_3749 = arith.constant 48 : i32
      %add3A_3750 = arith.addi %mul3A_3748, %add3A_3749 : i32
      %get3A_3751 = arith.index_cast %add3A_3750 : i32 to index
      %get3A_3752 = tpu.vector_load %arg6[%get3A_3751] {strides = array<i32>} : memref<49152xf32, #tpu.memory_space<vmem>>, vector<16xf32>,
      %get3A_3753 = vector.shape_cast %get3A_3752 : vector<16xf32> to vector<16xf32>
      %mul3A_3754 = arith.mulf %gather3A_3744, %get3A_3753 : vector<16xf32>
      %add3A_3755 = arith.addf %add3A_3732, %mul3A_3754 : vector<16xf32>
      %broadcast_in_dim3A_3756 = arith.constant 3 : i32
      %broadcast_in_dim3A_3757 = vector.broadcast %broadcast_in_dim3A_3756 : i32 to vector<16xi32>
      %lt3A_3758 = arith.constant 0 : i32
      %lt3A_3759 = vector.broadcast %lt3A_3758 : i32 to vector<16xi32>
      %lt3A_3760 = arith.cmpi slt, %broadcast_in_dim3A_3757, %lt3A_3759 : vector<16xi32>
      %add3A_3761 = arith.constant 16 : i32
      %add3A_3762 = vector.broadcast %add3A_3761 : i32 to vector<16xi32>
      %add3A_3763 = arith.addi %broadcast_in_dim3A_3757, %add3A_3762 : vector<16xi32>
      %select_n3A_3764 = arith.select %lt3A_3760, %add3A_3763, %broadcast_in_dim3A_3757 : vector<16xi1>, vector<16xi32>
      %broadcast_in_dim3A_3765 = vector.shape_cast %select_n3A_3764 : vector<16xi32> to vector<16x1xi32>
      %gather3A_3766 = vector.shape_cast %broadcast_in_dim3A_3765 : vector<16x1xi32> to vector<16xi32>
      %gather3A_3767 = tpu.dynamic_gather %div3A[%gather3A_3766] in [0] : vector<16xf32>, vector<16xi32> -> vector<16xf32>
      %slice3A_3768 = vector.extract_strided_slice %min3A_1405 {offsets = [0], sizes = [1], strides = [1]} : vector<16xi32> to vector<1xi32>
      %squeeze3A_3769 = vector.extract %slice3A_3768[0] : i32 from vector<1xi32>
      %mul3A_3770 = arith.constant 128 : i32
      %mul3A_3771 = arith.muli %squeeze3A_3769, %mul3A_3770 : i32
      %add3A_3772 = arith.constant 48 : i32
      %add3A_3773 = arith.addi %mul3A_3771, %add3A_3772 : i32
      %get3A_3774 = arith.index_cast %add3A_3773 : i32 to index
      %get3A_3775 = tpu.vector_load %arg6[%get3A_3774] {strides = array<i32>} : memref<49152xf32, #tpu.memory_space<vmem>>, vector<16xf32>,
      %get3A_3776 = vector.shape_cast %get3A_3775 : vector<16xf32> to vector<16xf32>
      %mul3A_3777 = arith.mulf %gather3A_3767, %get3A_3776 : vector<16xf32>
      %add3A_3778 = arith.addf %add3A_3755, %mul3A_3777 : vector<16xf32>
      %broadcast_in_dim3A_3779 = arith.constant 4 : i32
      %broadcast_in_dim3A_3780 = vector.broadcast %broadcast_in_dim3A_3779 : i32 to vector<16xi32>
      %lt3A_3781 = arith.constant 0 : i32
      %lt3A_3782 = vector.broadcast %lt3A_3781 : i32 to vector<16xi32>
      %lt3A_3783 = arith.cmpi slt, %broadcast_in_dim3A_3780, %lt3A_3782 : vector<16xi32>
      %add3A_3784 = arith.constant 16 : i32
      %add3A_3785 = vector.broadcast %add3A_3784 : i32 to vector<16xi32>
      %add3A_3786 = arith.addi %broadcast_in_dim3A_3780, %add3A_3785 : vector<16xi32>
      %select_n3A_3787 = arith.select %lt3A_3783, %add3A_3786, %broadcast_in_dim3A_3780 : vector<16xi1>, vector<16xi32>
      %broadcast_in_dim3A_3788 = vector.shape_cast %select_n3A_3787 : vector<16xi32> to vector<16x1xi32>
      %gather3A_3789 = vector.shape_cast %broadcast_in_dim3A_3788 : vector<16x1xi32> to vector<16xi32>
      %gather3A_3790 = tpu.dynamic_gather %div3A[%gather3A_3789] in [0] : vector<16xf32>, vector<16xi32> -> vector<16xf32>
      %slice3A_3791 = vector.extract_strided_slice %min3A_1766 {offsets = [0], sizes = [1], strides = [1]} : vector<16xi32> to vector<1xi32>
      %squeeze3A_3792 = vector.extract %slice3A_3791[0] : i32 from vector<1xi32>
      %mul3A_3793 = arith.constant 128 : i32
      %mul3A_3794 = arith.muli %squeeze3A_3792, %mul3A_3793 : i32
      %add3A_3795 = arith.constant 48 : i32
      %add3A_3796 = arith.addi %mul3A_3794, %add3A_3795 : i32
      %get3A_3797 = arith.index_cast %add3A_3796 : i32 to index
      %get3A_3798 = tpu.vector_load %arg6[%get3A_3797] {strides = array<i32>} : memref<49152xf32, #tpu.memory_space<vmem>>, vector<16xf32>,
      %get3A_3799 = vector.shape_cast %get3A_3798 : vector<16xf32> to vector<16xf32>
      %mul3A_3800 = arith.mulf %gather3A_3790, %get3A_3799 : vector<16xf32>
      %add3A_3801 = arith.addf %add3A_3778, %mul3A_3800 : vector<16xf32>
      %broadcast_in_dim3A_3802 = arith.constant 5 : i32
      %broadcast_in_dim3A_3803 = vector.broadcast %broadcast_in_dim3A_3802 : i32 to vector<16xi32>
      %lt3A_3804 = arith.constant 0 : i32
      %lt3A_3805 = vector.broadcast %lt3A_3804 : i32 to vector<16xi32>
      %lt3A_3806 = arith.cmpi slt, %broadcast_in_dim3A_3803, %lt3A_3805 : vector<16xi32>
      %add3A_3807 = arith.constant 16 : i32
      %add3A_3808 = vector.broadcast %add3A_3807 : i32 to vector<16xi32>
      %add3A_3809 = arith.addi %broadcast_in_dim3A_3803, %add3A_3808 : vector<16xi32>
      %select_n3A_3810 = arith.select %lt3A_3806, %add3A_3809, %broadcast_in_dim3A_3803 : vector<16xi1>, vector<16xi32>
      %broadcast_in_dim3A_3811 = vector.shape_cast %select_n3A_3810 : vector<16xi32> to vector<16x1xi32>
      %gather3A_3812 = vector.shape_cast %broadcast_in_dim3A_3811 : vector<16x1xi32> to vector<16xi32>
      %gather3A_3813 = tpu.dynamic_gather %div3A[%gather3A_3812] in [0] : vector<16xf32>, vector<16xi32> -> vector<16xf32>
      %slice3A_3814 = vector.extract_strided_slice %min3A_2127 {offsets = [0], sizes = [1], strides = [1]} : vector<16xi32> to vector<1xi32>
      %squeeze3A_3815 = vector.extract %slice3A_3814[0] : i32 from vector<1xi32>
      %mul3A_3816 = arith.constant 128 : i32
      %mul3A_3817 = arith.muli %squeeze3A_3815, %mul3A_3816 : i32
      %add3A_3818 = arith.constant 48 : i32
      %add3A_3819 = arith.addi %mul3A_3817, %add3A_3818 : i32
      %get3A_3820 = arith.index_cast %add3A_3819 : i32 to index
      %get3A_3821 = tpu.vector_load %arg6[%get3A_3820] {strides = array<i32>} : memref<49152xf32, #tpu.memory_space<vmem>>, vector<16xf32>,
      %get3A_3822 = vector.shape_cast %get3A_3821 : vector<16xf32> to vector<16xf32>
      %mul3A_3823 = arith.mulf %gather3A_3813, %get3A_3822 : vector<16xf32>
      %add3A_3824 = arith.addf %add3A_3801, %mul3A_3823 : vector<16xf32>
      %broadcast_in_dim3A_3825 = arith.constant 6 : i32
      %broadcast_in_dim3A_3826 = vector.broadcast %broadcast_in_dim3A_3825 : i32 to vector<16xi32>
      %lt3A_3827 = arith.constant 0 : i32
      %lt3A_3828 = vector.broadcast %lt3A_3827 : i32 to vector<16xi32>
      %lt3A_3829 = arith.cmpi slt, %broadcast_in_dim3A_3826, %lt3A_3828 : vector<16xi32>
      %add3A_3830 = arith.constant 16 : i32
      %add3A_3831 = vector.broadcast %add3A_3830 : i32 to vector<16xi32>
      %add3A_3832 = arith.addi %broadcast_in_dim3A_3826, %add3A_3831 : vector<16xi32>
      %select_n3A_3833 = arith.select %lt3A_3829, %add3A_3832, %broadcast_in_dim3A_3826 : vector<16xi1>, vector<16xi32>
      %broadcast_in_dim3A_3834 = vector.shape_cast %select_n3A_3833 : vector<16xi32> to vector<16x1xi32>
      %gather3A_3835 = vector.shape_cast %broadcast_in_dim3A_3834 : vector<16x1xi32> to vector<16xi32>
      %gather3A_3836 = tpu.dynamic_gather %div3A[%gather3A_3835] in [0] : vector<16xf32>, vector<16xi32> -> vector<16xf32>
      %slice3A_3837 = vector.extract_strided_slice %min3A_2488 {offsets = [0], sizes = [1], strides = [1]} : vector<16xi32> to vector<1xi32>
      %squeeze3A_3838 = vector.extract %slice3A_3837[0] : i32 from vector<1xi32>
      %mul3A_3839 = arith.constant 128 : i32
      %mul3A_3840 = arith.muli %squeeze3A_3838, %mul3A_3839 : i32
      %add3A_3841 = arith.constant 48 : i32
      %add3A_3842 = arith.addi %mul3A_3840, %add3A_3841 : i32
      %get3A_3843 = arith.index_cast %add3A_3842 : i32 to index
      %get3A_3844 = tpu.vector_load %arg6[%get3A_3843] {strides = array<i32>} : memref<49152xf32, #tpu.memory_space<vmem>>, vector<16xf32>,
      %get3A_3845 = vector.shape_cast %get3A_3844 : vector<16xf32> to vector<16xf32>
      %mul3A_3846 = arith.mulf %gather3A_3836, %get3A_3845 : vector<16xf32>
      %add3A_3847 = arith.addf %add3A_3824, %mul3A_3846 : vector<16xf32>
      %broadcast_in_dim3A_3848 = arith.constant 7 : i32
      %broadcast_in_dim3A_3849 = vector.broadcast %broadcast_in_dim3A_3848 : i32 to vector<16xi32>
      %lt3A_3850 = arith.constant 0 : i32
      %lt3A_3851 = vector.broadcast %lt3A_3850 : i32 to vector<16xi32>
      %lt3A_3852 = arith.cmpi slt, %broadcast_in_dim3A_3849, %lt3A_3851 : vector<16xi32>
      %add3A_3853 = arith.constant 16 : i32
      %add3A_3854 = vector.broadcast %add3A_3853 : i32 to vector<16xi32>
      %add3A_3855 = arith.addi %broadcast_in_dim3A_3849, %add3A_3854 : vector<16xi32>
      %select_n3A_3856 = arith.select %lt3A_3852, %add3A_3855, %broadcast_in_dim3A_3849 : vector<16xi1>, vector<16xi32>
      %broadcast_in_dim3A_3857 = vector.shape_cast %select_n3A_3856 : vector<16xi32> to vector<16x1xi32>
      %gather3A_3858 = vector.shape_cast %broadcast_in_dim3A_3857 : vector<16x1xi32> to vector<16xi32>
      %gather3A_3859 = tpu.dynamic_gather %div3A[%gather3A_3858] in [0] : vector<16xf32>, vector<16xi32> -> vector<16xf32>
      %slice3A_3860 = vector.extract_strided_slice %min3A_2849 {offsets = [0], sizes = [1], strides = [1]} : vector<16xi32> to vector<1xi32>
      %squeeze3A_3861 = vector.extract %slice3A_3860[0] : i32 from vector<1xi32>
      %mul3A_3862 = arith.constant 128 : i32
      %mul3A_3863 = arith.muli %squeeze3A_3861, %mul3A_3862 : i32
      %add3A_3864 = arith.constant 48 : i32
      %add3A_3865 = arith.addi %mul3A_3863, %add3A_3864 : i32
      %get3A_3866 = arith.index_cast %add3A_3865 : i32 to index
      %get3A_3867 = tpu.vector_load %arg6[%get3A_3866] {strides = array<i32>} : memref<49152xf32, #tpu.memory_space<vmem>>, vector<16xf32>,
      %get3A_3868 = vector.shape_cast %get3A_3867 : vector<16xf32> to vector<16xf32>
      %mul3A_3869 = arith.mulf %gather3A_3859, %get3A_3868 : vector<16xf32>
      %add3A_3870 = arith.addf %add3A_3847, %mul3A_3869 : vector<16xf32>
      %mul3A_3871 = arith.constant 128 : i32
      %mul3A_3872 = arith.muli %scan3A_12, %mul3A_3871 : i32
      %add3A_3873 = arith.constant 48 : i32
      %add3A_3874 = arith.addi %mul3A_3872, %add3A_3873 : i32
      %swap3A_3875 = arith.index_cast %add3A_3874 : i32 to index
      %swap3A_3876 = tpu.vector_load %arg7[%swap3A_3875] {strides = array<i32>} : memref<1024xf32, #tpu.memory_space<vmem>>, vector<16xf32>,
      %swap3A_3877 = vector.shape_cast %swap3A_3876 : vector<16xf32> to vector<16xf32>
      %swap3A_3878 = vector.shape_cast %add3A_3870 : vector<16xf32> to vector<16xf32>
      tpu.vector_store %arg7[%swap3A_3875], %swap3A_3878 {strides = array<i32>} : memref<1024xf32, #tpu.memory_space<vmem>>, vector<16xf32>,
      %broadcast_in_dim3A_3879 = arith.constant 0.000000e+00 : f32
      %broadcast_in_dim3A_3880 = vector.broadcast %broadcast_in_dim3A_3879 : f32 to vector<16xf32>
      %broadcast_in_dim3A_3881 = arith.constant 0 : i32
      %broadcast_in_dim3A_3882 = vector.broadcast %broadcast_in_dim3A_3881 : i32 to vector<16xi32>
      %lt3A_3883 = arith.constant 0 : i32
      %lt3A_3884 = vector.broadcast %lt3A_3883 : i32 to vector<16xi32>
      %lt3A_3885 = arith.cmpi slt, %broadcast_in_dim3A_3882, %lt3A_3884 : vector<16xi32>
      %add3A_3886 = arith.constant 16 : i32
      %add3A_3887 = vector.broadcast %add3A_3886 : i32 to vector<16xi32>
      %add3A_3888 = arith.addi %broadcast_in_dim3A_3882, %add3A_3887 : vector<16xi32>
      %select_n3A_3889 = arith.select %lt3A_3885, %add3A_3888, %broadcast_in_dim3A_3882 : vector<16xi1>, vector<16xi32>
      %broadcast_in_dim3A_3890 = vector.shape_cast %select_n3A_3889 : vector<16xi32> to vector<16x1xi32>
      %gather3A_3891 = vector.shape_cast %broadcast_in_dim3A_3890 : vector<16x1xi32> to vector<16xi32>
      %gather3A_3892 = tpu.dynamic_gather %div3A[%gather3A_3891] in [0] : vector<16xf32>, vector<16xi32> -> vector<16xf32>
      %slice3A_3893 = vector.extract_strided_slice %min3A_322 {offsets = [0], sizes = [1], strides = [1]} : vector<16xi32> to vector<1xi32>
      %squeeze3A_3894 = vector.extract %slice3A_3893[0] : i32 from vector<1xi32>
      %mul3A_3895 = arith.constant 128 : i32
      %mul3A_3896 = arith.muli %squeeze3A_3894, %mul3A_3895 : i32
      %add3A_3897 = arith.constant 64 : i32
      %add3A_3898 = arith.addi %mul3A_3896, %add3A_3897 : i32
      %get3A_3899 = arith.index_cast %add3A_3898 : i32 to index
      %get3A_3900 = tpu.vector_load %arg6[%get3A_3899] {strides = array<i32>} : memref<49152xf32, #tpu.memory_space<vmem>>, vector<16xf32>,
      %get3A_3901 = vector.shape_cast %get3A_3900 : vector<16xf32> to vector<16xf32>
      %mul3A_3902 = arith.mulf %gather3A_3892, %get3A_3901 : vector<16xf32>
      %add3A_3903 = arith.addf %broadcast_in_dim3A_3880, %mul3A_3902 : vector<16xf32>
      %broadcast_in_dim3A_3904 = arith.constant 1 : i32
      %broadcast_in_dim3A_3905 = vector.broadcast %broadcast_in_dim3A_3904 : i32 to vector<16xi32>
      %lt3A_3906 = arith.constant 0 : i32
      %lt3A_3907 = vector.broadcast %lt3A_3906 : i32 to vector<16xi32>
      %lt3A_3908 = arith.cmpi slt, %broadcast_in_dim3A_3905, %lt3A_3907 : vector<16xi32>
      %add3A_3909 = arith.constant 16 : i32
      %add3A_3910 = vector.broadcast %add3A_3909 : i32 to vector<16xi32>
      %add3A_3911 = arith.addi %broadcast_in_dim3A_3905, %add3A_3910 : vector<16xi32>
      %select_n3A_3912 = arith.select %lt3A_3908, %add3A_3911, %broadcast_in_dim3A_3905 : vector<16xi1>, vector<16xi32>
      %broadcast_in_dim3A_3913 = vector.shape_cast %select_n3A_3912 : vector<16xi32> to vector<16x1xi32>
      %gather3A_3914 = vector.shape_cast %broadcast_in_dim3A_3913 : vector<16x1xi32> to vector<16xi32>
      %gather3A_3915 = tpu.dynamic_gather %div3A[%gather3A_3914] in [0] : vector<16xf32>, vector<16xi32> -> vector<16xf32>
      %slice3A_3916 = vector.extract_strided_slice %min3A_683 {offsets = [0], sizes = [1], strides = [1]} : vector<16xi32> to vector<1xi32>
      %squeeze3A_3917 = vector.extract %slice3A_3916[0] : i32 from vector<1xi32>
      %mul3A_3918 = arith.constant 128 : i32
      %mul3A_3919 = arith.muli %squeeze3A_3917, %mul3A_3918 : i32
      %add3A_3920 = arith.constant 64 : i32
      %add3A_3921 = arith.addi %mul3A_3919, %add3A_3920 : i32
      %get3A_3922 = arith.index_cast %add3A_3921 : i32 to index
      %get3A_3923 = tpu.vector_load %arg6[%get3A_3922] {strides = array<i32>} : memref<49152xf32, #tpu.memory_space<vmem>>, vector<16xf32>,
      %get3A_3924 = vector.shape_cast %get3A_3923 : vector<16xf32> to vector<16xf32>
      %mul3A_3925 = arith.mulf %gather3A_3915, %get3A_3924 : vector<16xf32>
      %add3A_3926 = arith.addf %add3A_3903, %mul3A_3925 : vector<16xf32>
      %broadcast_in_dim3A_3927 = arith.constant 2 : i32
      %broadcast_in_dim3A_3928 = vector.broadcast %broadcast_in_dim3A_3927 : i32 to vector<16xi32>
      %lt3A_3929 = arith.constant 0 : i32
      %lt3A_3930 = vector.broadcast %lt3A_3929 : i32 to vector<16xi32>
      %lt3A_3931 = arith.cmpi slt, %broadcast_in_dim3A_3928, %lt3A_3930 : vector<16xi32>
      %add3A_3932 = arith.constant 16 : i32
      %add3A_3933 = vector.broadcast %add3A_3932 : i32 to vector<16xi32>
      %add3A_3934 = arith.addi %broadcast_in_dim3A_3928, %add3A_3933 : vector<16xi32>
      %select_n3A_3935 = arith.select %lt3A_3931, %add3A_3934, %broadcast_in_dim3A_3928 : vector<16xi1>, vector<16xi32>
      %broadcast_in_dim3A_3936 = vector.shape_cast %select_n3A_3935 : vector<16xi32> to vector<16x1xi32>
      %gather3A_3937 = vector.shape_cast %broadcast_in_dim3A_3936 : vector<16x1xi32> to vector<16xi32>
      %gather3A_3938 = tpu.dynamic_gather %div3A[%gather3A_3937] in [0] : vector<16xf32>, vector<16xi32> -> vector<16xf32>
      %slice3A_3939 = vector.extract_strided_slice %min3A_1044 {offsets = [0], sizes = [1], strides = [1]} : vector<16xi32> to vector<1xi32>
      %squeeze3A_3940 = vector.extract %slice3A_3939[0] : i32 from vector<1xi32>
      %mul3A_3941 = arith.constant 128 : i32
      %mul3A_3942 = arith.muli %squeeze3A_3940, %mul3A_3941 : i32
      %add3A_3943 = arith.constant 64 : i32
      %add3A_3944 = arith.addi %mul3A_3942, %add3A_3943 : i32
      %get3A_3945 = arith.index_cast %add3A_3944 : i32 to index
      %get3A_3946 = tpu.vector_load %arg6[%get3A_3945] {strides = array<i32>} : memref<49152xf32, #tpu.memory_space<vmem>>, vector<16xf32>,
      %get3A_3947 = vector.shape_cast %get3A_3946 : vector<16xf32> to vector<16xf32>
      %mul3A_3948 = arith.mulf %gather3A_3938, %get3A_3947 : vector<16xf32>
      %add3A_3949 = arith.addf %add3A_3926, %mul3A_3948 : vector<16xf32>
      %broadcast_in_dim3A_3950 = arith.constant 3 : i32
      %broadcast_in_dim3A_3951 = vector.broadcast %broadcast_in_dim3A_3950 : i32 to vector<16xi32>
      %lt3A_3952 = arith.constant 0 : i32
      %lt3A_3953 = vector.broadcast %lt3A_3952 : i32 to vector<16xi32>
      %lt3A_3954 = arith.cmpi slt, %broadcast_in_dim3A_3951, %lt3A_3953 : vector<16xi32>
      %add3A_3955 = arith.constant 16 : i32
      %add3A_3956 = vector.broadcast %add3A_3955 : i32 to vector<16xi32>
      %add3A_3957 = arith.addi %broadcast_in_dim3A_3951, %add3A_3956 : vector<16xi32>
      %select_n3A_3958 = arith.select %lt3A_3954, %add3A_3957, %broadcast_in_dim3A_3951 : vector<16xi1>, vector<16xi32>
      %broadcast_in_dim3A_3959 = vector.shape_cast %select_n3A_3958 : vector<16xi32> to vector<16x1xi32>
      %gather3A_3960 = vector.shape_cast %broadcast_in_dim3A_3959 : vector<16x1xi32> to vector<16xi32>
      %gather3A_3961 = tpu.dynamic_gather %div3A[%gather3A_3960] in [0] : vector<16xf32>, vector<16xi32> -> vector<16xf32>
      %slice3A_3962 = vector.extract_strided_slice %min3A_1405 {offsets = [0], sizes = [1], strides = [1]} : vector<16xi32> to vector<1xi32>
      %squeeze3A_3963 = vector.extract %slice3A_3962[0] : i32 from vector<1xi32>
      %mul3A_3964 = arith.constant 128 : i32
      %mul3A_3965 = arith.muli %squeeze3A_3963, %mul3A_3964 : i32
      %add3A_3966 = arith.constant 64 : i32
      %add3A_3967 = arith.addi %mul3A_3965, %add3A_3966 : i32
      %get3A_3968 = arith.index_cast %add3A_3967 : i32 to index
      %get3A_3969 = tpu.vector_load %arg6[%get3A_3968] {strides = array<i32>} : memref<49152xf32, #tpu.memory_space<vmem>>, vector<16xf32>,
      %get3A_3970 = vector.shape_cast %get3A_3969 : vector<16xf32> to vector<16xf32>
      %mul3A_3971 = arith.mulf %gather3A_3961, %get3A_3970 : vector<16xf32>
      %add3A_3972 = arith.addf %add3A_3949, %mul3A_3971 : vector<16xf32>
      %broadcast_in_dim3A_3973 = arith.constant 4 : i32
      %broadcast_in_dim3A_3974 = vector.broadcast %broadcast_in_dim3A_3973 : i32 to vector<16xi32>
      %lt3A_3975 = arith.constant 0 : i32
      %lt3A_3976 = vector.broadcast %lt3A_3975 : i32 to vector<16xi32>
      %lt3A_3977 = arith.cmpi slt, %broadcast_in_dim3A_3974, %lt3A_3976 : vector<16xi32>
      %add3A_3978 = arith.constant 16 : i32
      %add3A_3979 = vector.broadcast %add3A_3978 : i32 to vector<16xi32>
      %add3A_3980 = arith.addi %broadcast_in_dim3A_3974, %add3A_3979 : vector<16xi32>
      %select_n3A_3981 = arith.select %lt3A_3977, %add3A_3980, %broadcast_in_dim3A_3974 : vector<16xi1>, vector<16xi32>
      %broadcast_in_dim3A_3982 = vector.shape_cast %select_n3A_3981 : vector<16xi32> to vector<16x1xi32>
      %gather3A_3983 = vector.shape_cast %broadcast_in_dim3A_3982 : vector<16x1xi32> to vector<16xi32>
      %gather3A_3984 = tpu.dynamic_gather %div3A[%gather3A_3983] in [0] : vector<16xf32>, vector<16xi32> -> vector<16xf32>
      %slice3A_3985 = vector.extract_strided_slice %min3A_1766 {offsets = [0], sizes = [1], strides = [1]} : vector<16xi32> to vector<1xi32>
      %squeeze3A_3986 = vector.extract %slice3A_3985[0] : i32 from vector<1xi32>
      %mul3A_3987 = arith.constant 128 : i32
      %mul3A_3988 = arith.muli %squeeze3A_3986, %mul3A_3987 : i32
      %add3A_3989 = arith.constant 64 : i32
      %add3A_3990 = arith.addi %mul3A_3988, %add3A_3989 : i32
      %get3A_3991 = arith.index_cast %add3A_3990 : i32 to index
      %get3A_3992 = tpu.vector_load %arg6[%get3A_3991] {strides = array<i32>} : memref<49152xf32, #tpu.memory_space<vmem>>, vector<16xf32>,
      %get3A_3993 = vector.shape_cast %get3A_3992 : vector<16xf32> to vector<16xf32>
      %mul3A_3994 = arith.mulf %gather3A_3984, %get3A_3993 : vector<16xf32>
      %add3A_3995 = arith.addf %add3A_3972, %mul3A_3994 : vector<16xf32>
      %broadcast_in_dim3A_3996 = arith.constant 5 : i32
      %broadcast_in_dim3A_3997 = vector.broadcast %broadcast_in_dim3A_3996 : i32 to vector<16xi32>
      %lt3A_3998 = arith.constant 0 : i32
      %lt3A_3999 = vector.broadcast %lt3A_3998 : i32 to vector<16xi32>
      %lt3A_4000 = arith.cmpi slt, %broadcast_in_dim3A_3997, %lt3A_3999 : vector<16xi32>
      %add3A_4001 = arith.constant 16 : i32
      %add3A_4002 = vector.broadcast %add3A_4001 : i32 to vector<16xi32>
      %add3A_4003 = arith.addi %broadcast_in_dim3A_3997, %add3A_4002 : vector<16xi32>
      %select_n3A_4004 = arith.select %lt3A_4000, %add3A_4003, %broadcast_in_dim3A_3997 : vector<16xi1>, vector<16xi32>
      %broadcast_in_dim3A_4005 = vector.shape_cast %select_n3A_4004 : vector<16xi32> to vector<16x1xi32>
      %gather3A_4006 = vector.shape_cast %broadcast_in_dim3A_4005 : vector<16x1xi32> to vector<16xi32>
      %gather3A_4007 = tpu.dynamic_gather %div3A[%gather3A_4006] in [0] : vector<16xf32>, vector<16xi32> -> vector<16xf32>
      %slice3A_4008 = vector.extract_strided_slice %min3A_2127 {offsets = [0], sizes = [1], strides = [1]} : vector<16xi32> to vector<1xi32>
      %squeeze3A_4009 = vector.extract %slice3A_4008[0] : i32 from vector<1xi32>
      %mul3A_4010 = arith.constant 128 : i32
      %mul3A_4011 = arith.muli %squeeze3A_4009, %mul3A_4010 : i32
      %add3A_4012 = arith.constant 64 : i32
      %add3A_4013 = arith.addi %mul3A_4011, %add3A_4012 : i32
      %get3A_4014 = arith.index_cast %add3A_4013 : i32 to index
      %get3A_4015 = tpu.vector_load %arg6[%get3A_4014] {strides = array<i32>} : memref<49152xf32, #tpu.memory_space<vmem>>, vector<16xf32>,
      %get3A_4016 = vector.shape_cast %get3A_4015 : vector<16xf32> to vector<16xf32>
      %mul3A_4017 = arith.mulf %gather3A_4007, %get3A_4016 : vector<16xf32>
      %add3A_4018 = arith.addf %add3A_3995, %mul3A_4017 : vector<16xf32>
      %broadcast_in_dim3A_4019 = arith.constant 6 : i32
      %broadcast_in_dim3A_4020 = vector.broadcast %broadcast_in_dim3A_4019 : i32 to vector<16xi32>
      %lt3A_4021 = arith.constant 0 : i32
      %lt3A_4022 = vector.broadcast %lt3A_4021 : i32 to vector<16xi32>
      %lt3A_4023 = arith.cmpi slt, %broadcast_in_dim3A_4020, %lt3A_4022 : vector<16xi32>
      %add3A_4024 = arith.constant 16 : i32
      %add3A_4025 = vector.broadcast %add3A_4024 : i32 to vector<16xi32>
      %add3A_4026 = arith.addi %broadcast_in_dim3A_4020, %add3A_4025 : vector<16xi32>
      %select_n3A_4027 = arith.select %lt3A_4023, %add3A_4026, %broadcast_in_dim3A_4020 : vector<16xi1>, vector<16xi32>
      %broadcast_in_dim3A_4028 = vector.shape_cast %select_n3A_4027 : vector<16xi32> to vector<16x1xi32>
      %gather3A_4029 = vector.shape_cast %broadcast_in_dim3A_4028 : vector<16x1xi32> to vector<16xi32>
      %gather3A_4030 = tpu.dynamic_gather %div3A[%gather3A_4029] in [0] : vector<16xf32>, vector<16xi32> -> vector<16xf32>
      %slice3A_4031 = vector.extract_strided_slice %min3A_2488 {offsets = [0], sizes = [1], strides = [1]} : vector<16xi32> to vector<1xi32>
      %squeeze3A_4032 = vector.extract %slice3A_4031[0] : i32 from vector<1xi32>
      %mul3A_4033 = arith.constant 128 : i32
      %mul3A_4034 = arith.muli %squeeze3A_4032, %mul3A_4033 : i32
      %add3A_4035 = arith.constant 64 : i32
      %add3A_4036 = arith.addi %mul3A_4034, %add3A_4035 : i32
      %get3A_4037 = arith.index_cast %add3A_4036 : i32 to index
      %get3A_4038 = tpu.vector_load %arg6[%get3A_4037] {strides = array<i32>} : memref<49152xf32, #tpu.memory_space<vmem>>, vector<16xf32>,
      %get3A_4039 = vector.shape_cast %get3A_4038 : vector<16xf32> to vector<16xf32>
      %mul3A_4040 = arith.mulf %gather3A_4030, %get3A_4039 : vector<16xf32>
      %add3A_4041 = arith.addf %add3A_4018, %mul3A_4040 : vector<16xf32>
      %broadcast_in_dim3A_4042 = arith.constant 7 : i32
      %broadcast_in_dim3A_4043 = vector.broadcast %broadcast_in_dim3A_4042 : i32 to vector<16xi32>
      %lt3A_4044 = arith.constant 0 : i32
      %lt3A_4045 = vector.broadcast %lt3A_4044 : i32 to vector<16xi32>
      %lt3A_4046 = arith.cmpi slt, %broadcast_in_dim3A_4043, %lt3A_4045 : vector<16xi32>
      %add3A_4047 = arith.constant 16 : i32
      %add3A_4048 = vector.broadcast %add3A_4047 : i32 to vector<16xi32>
      %add3A_4049 = arith.addi %broadcast_in_dim3A_4043, %add3A_4048 : vector<16xi32>
      %select_n3A_4050 = arith.select %lt3A_4046, %add3A_4049, %broadcast_in_dim3A_4043 : vector<16xi1>, vector<16xi32>
      %broadcast_in_dim3A_4051 = vector.shape_cast %select_n3A_4050 : vector<16xi32> to vector<16x1xi32>
      %gather3A_4052 = vector.shape_cast %broadcast_in_dim3A_4051 : vector<16x1xi32> to vector<16xi32>
      %gather3A_4053 = tpu.dynamic_gather %div3A[%gather3A_4052] in [0] : vector<16xf32>, vector<16xi32> -> vector<16xf32>
      %slice3A_4054 = vector.extract_strided_slice %min3A_2849 {offsets = [0], sizes = [1], strides = [1]} : vector<16xi32> to vector<1xi32>
      %squeeze3A_4055 = vector.extract %slice3A_4054[0] : i32 from vector<1xi32>
      %mul3A_4056 = arith.constant 128 : i32
      %mul3A_4057 = arith.muli %squeeze3A_4055, %mul3A_4056 : i32
      %add3A_4058 = arith.constant 64 : i32
      %add3A_4059 = arith.addi %mul3A_4057, %add3A_4058 : i32
      %get3A_4060 = arith.index_cast %add3A_4059 : i32 to index
      %get3A_4061 = tpu.vector_load %arg6[%get3A_4060] {strides = array<i32>} : memref<49152xf32, #tpu.memory_space<vmem>>, vector<16xf32>,
      %get3A_4062 = vector.shape_cast %get3A_4061 : vector<16xf32> to vector<16xf32>
      %mul3A_4063 = arith.mulf %gather3A_4053, %get3A_4062 : vector<16xf32>
      %add3A_4064 = arith.addf %add3A_4041, %mul3A_4063 : vector<16xf32>
      %mul3A_4065 = arith.constant 128 : i32
      %mul3A_4066 = arith.muli %scan3A_12, %mul3A_4065 : i32
      %add3A_4067 = arith.constant 64 : i32
      %add3A_4068 = arith.addi %mul3A_4066, %add3A_4067 : i32
      %swap3A_4069 = arith.index_cast %add3A_4068 : i32 to index
      %swap3A_4070 = tpu.vector_load %arg7[%swap3A_4069] {strides = array<i32>} : memref<1024xf32, #tpu.memory_space<vmem>>, vector<16xf32>,
      %swap3A_4071 = vector.shape_cast %swap3A_4070 : vector<16xf32> to vector<16xf32>
      %swap3A_4072 = vector.shape_cast %add3A_4064 : vector<16xf32> to vector<16xf32>
      tpu.vector_store %arg7[%swap3A_4069], %swap3A_4072 {strides = array<i32>} : memref<1024xf32, #tpu.memory_space<vmem>>, vector<16xf32>,
      %broadcast_in_dim3A_4073 = arith.constant 0.000000e+00 : f32
      %broadcast_in_dim3A_4074 = vector.broadcast %broadcast_in_dim3A_4073 : f32 to vector<16xf32>
      %broadcast_in_dim3A_4075 = arith.constant 0 : i32
      %broadcast_in_dim3A_4076 = vector.broadcast %broadcast_in_dim3A_4075 : i32 to vector<16xi32>
      %lt3A_4077 = arith.constant 0 : i32
      %lt3A_4078 = vector.broadcast %lt3A_4077 : i32 to vector<16xi32>
      %lt3A_4079 = arith.cmpi slt, %broadcast_in_dim3A_4076, %lt3A_4078 : vector<16xi32>
      %add3A_4080 = arith.constant 16 : i32
      %add3A_4081 = vector.broadcast %add3A_4080 : i32 to vector<16xi32>
      %add3A_4082 = arith.addi %broadcast_in_dim3A_4076, %add3A_4081 : vector<16xi32>
      %select_n3A_4083 = arith.select %lt3A_4079, %add3A_4082, %broadcast_in_dim3A_4076 : vector<16xi1>, vector<16xi32>
      %broadcast_in_dim3A_4084 = vector.shape_cast %select_n3A_4083 : vector<16xi32> to vector<16x1xi32>
      %gather3A_4085 = vector.shape_cast %broadcast_in_dim3A_4084 : vector<16x1xi32> to vector<16xi32>
      %gather3A_4086 = tpu.dynamic_gather %div3A[%gather3A_4085] in [0] : vector<16xf32>, vector<16xi32> -> vector<16xf32>
      %slice3A_4087 = vector.extract_strided_slice %min3A_322 {offsets = [0], sizes = [1], strides = [1]} : vector<16xi32> to vector<1xi32>
      %squeeze3A_4088 = vector.extract %slice3A_4087[0] : i32 from vector<1xi32>
      %mul3A_4089 = arith.constant 128 : i32
      %mul3A_4090 = arith.muli %squeeze3A_4088, %mul3A_4089 : i32
      %add3A_4091 = arith.constant 80 : i32
      %add3A_4092 = arith.addi %mul3A_4090, %add3A_4091 : i32
      %get3A_4093 = arith.index_cast %add3A_4092 : i32 to index
      %get3A_4094 = tpu.vector_load %arg6[%get3A_4093] {strides = array<i32>} : memref<49152xf32, #tpu.memory_space<vmem>>, vector<16xf32>,
      %get3A_4095 = vector.shape_cast %get3A_4094 : vector<16xf32> to vector<16xf32>
      %mul3A_4096 = arith.mulf %gather3A_4086, %get3A_4095 : vector<16xf32>
      %add3A_4097 = arith.addf %broadcast_in_dim3A_4074, %mul3A_4096 : vector<16xf32>
      %broadcast_in_dim3A_4098 = arith.constant 1 : i32
      %broadcast_in_dim3A_4099 = vector.broadcast %broadcast_in_dim3A_4098 : i32 to vector<16xi32>
      %lt3A_4100 = arith.constant 0 : i32
      %lt3A_4101 = vector.broadcast %lt3A_4100 : i32 to vector<16xi32>
      %lt3A_4102 = arith.cmpi slt, %broadcast_in_dim3A_4099, %lt3A_4101 : vector<16xi32>
      %add3A_4103 = arith.constant 16 : i32
      %add3A_4104 = vector.broadcast %add3A_4103 : i32 to vector<16xi32>
      %add3A_4105 = arith.addi %broadcast_in_dim3A_4099, %add3A_4104 : vector<16xi32>
      %select_n3A_4106 = arith.select %lt3A_4102, %add3A_4105, %broadcast_in_dim3A_4099 : vector<16xi1>, vector<16xi32>
      %broadcast_in_dim3A_4107 = vector.shape_cast %select_n3A_4106 : vector<16xi32> to vector<16x1xi32>
      %gather3A_4108 = vector.shape_cast %broadcast_in_dim3A_4107 : vector<16x1xi32> to vector<16xi32>
      %gather3A_4109 = tpu.dynamic_gather %div3A[%gather3A_4108] in [0] : vector<16xf32>, vector<16xi32> -> vector<16xf32>
      %slice3A_4110 = vector.extract_strided_slice %min3A_683 {offsets = [0], sizes = [1], strides = [1]} : vector<16xi32> to vector<1xi32>
      %squeeze3A_4111 = vector.extract %slice3A_4110[0] : i32 from vector<1xi32>
      %mul3A_4112 = arith.constant 128 : i32
      %mul3A_4113 = arith.muli %squeeze3A_4111, %mul3A_4112 : i32
      %add3A_4114 = arith.constant 80 : i32
      %add3A_4115 = arith.addi %mul3A_4113, %add3A_4114 : i32
      %get3A_4116 = arith.index_cast %add3A_4115 : i32 to index
      %get3A_4117 = tpu.vector_load %arg6[%get3A_4116] {strides = array<i32>} : memref<49152xf32, #tpu.memory_space<vmem>>, vector<16xf32>,
      %get3A_4118 = vector.shape_cast %get3A_4117 : vector<16xf32> to vector<16xf32>
      %mul3A_4119 = arith.mulf %gather3A_4109, %get3A_4118 : vector<16xf32>
      %add3A_4120 = arith.addf %add3A_4097, %mul3A_4119 : vector<16xf32>
      %broadcast_in_dim3A_4121 = arith.constant 2 : i32
      %broadcast_in_dim3A_4122 = vector.broadcast %broadcast_in_dim3A_4121 : i32 to vector<16xi32>
      %lt3A_4123 = arith.constant 0 : i32
      %lt3A_4124 = vector.broadcast %lt3A_4123 : i32 to vector<16xi32>
      %lt3A_4125 = arith.cmpi slt, %broadcast_in_dim3A_4122, %lt3A_4124 : vector<16xi32>
      %add3A_4126 = arith.constant 16 : i32
      %add3A_4127 = vector.broadcast %add3A_4126 : i32 to vector<16xi32>
      %add3A_4128 = arith.addi %broadcast_in_dim3A_4122, %add3A_4127 : vector<16xi32>
      %select_n3A_4129 = arith.select %lt3A_4125, %add3A_4128, %broadcast_in_dim3A_4122 : vector<16xi1>, vector<16xi32>
      %broadcast_in_dim3A_4130 = vector.shape_cast %select_n3A_4129 : vector<16xi32> to vector<16x1xi32>
      %gather3A_4131 = vector.shape_cast %broadcast_in_dim3A_4130 : vector<16x1xi32> to vector<16xi32>
      %gather3A_4132 = tpu.dynamic_gather %div3A[%gather3A_4131] in [0] : vector<16xf32>, vector<16xi32> -> vector<16xf32>
      %slice3A_4133 = vector.extract_strided_slice %min3A_1044 {offsets = [0], sizes = [1], strides = [1]} : vector<16xi32> to vector<1xi32>
      %squeeze3A_4134 = vector.extract %slice3A_4133[0] : i32 from vector<1xi32>
      %mul3A_4135 = arith.constant 128 : i32
      %mul3A_4136 = arith.muli %squeeze3A_4134, %mul3A_4135 : i32
      %add3A_4137 = arith.constant 80 : i32
      %add3A_4138 = arith.addi %mul3A_4136, %add3A_4137 : i32
      %get3A_4139 = arith.index_cast %add3A_4138 : i32 to index
      %get3A_4140 = tpu.vector_load %arg6[%get3A_4139] {strides = array<i32>} : memref<49152xf32, #tpu.memory_space<vmem>>, vector<16xf32>,
      %get3A_4141 = vector.shape_cast %get3A_4140 : vector<16xf32> to vector<16xf32>
      %mul3A_4142 = arith.mulf %gather3A_4132, %get3A_4141 : vector<16xf32>
      %add3A_4143 = arith.addf %add3A_4120, %mul3A_4142 : vector<16xf32>
      %broadcast_in_dim3A_4144 = arith.constant 3 : i32
      %broadcast_in_dim3A_4145 = vector.broadcast %broadcast_in_dim3A_4144 : i32 to vector<16xi32>
      %lt3A_4146 = arith.constant 0 : i32
      %lt3A_4147 = vector.broadcast %lt3A_4146 : i32 to vector<16xi32>
      %lt3A_4148 = arith.cmpi slt, %broadcast_in_dim3A_4145, %lt3A_4147 : vector<16xi32>
      %add3A_4149 = arith.constant 16 : i32
      %add3A_4150 = vector.broadcast %add3A_4149 : i32 to vector<16xi32>
      %add3A_4151 = arith.addi %broadcast_in_dim3A_4145, %add3A_4150 : vector<16xi32>
      %select_n3A_4152 = arith.select %lt3A_4148, %add3A_4151, %broadcast_in_dim3A_4145 : vector<16xi1>, vector<16xi32>
      %broadcast_in_dim3A_4153 = vector.shape_cast %select_n3A_4152 : vector<16xi32> to vector<16x1xi32>
      %gather3A_4154 = vector.shape_cast %broadcast_in_dim3A_4153 : vector<16x1xi32> to vector<16xi32>
      %gather3A_4155 = tpu.dynamic_gather %div3A[%gather3A_4154] in [0] : vector<16xf32>, vector<16xi32> -> vector<16xf32>
      %slice3A_4156 = vector.extract_strided_slice %min3A_1405 {offsets = [0], sizes = [1], strides = [1]} : vector<16xi32> to vector<1xi32>
      %squeeze3A_4157 = vector.extract %slice3A_4156[0] : i32 from vector<1xi32>
      %mul3A_4158 = arith.constant 128 : i32
      %mul3A_4159 = arith.muli %squeeze3A_4157, %mul3A_4158 : i32
      %add3A_4160 = arith.constant 80 : i32
      %add3A_4161 = arith.addi %mul3A_4159, %add3A_4160 : i32
      %get3A_4162 = arith.index_cast %add3A_4161 : i32 to index
      %get3A_4163 = tpu.vector_load %arg6[%get3A_4162] {strides = array<i32>} : memref<49152xf32, #tpu.memory_space<vmem>>, vector<16xf32>,
      %get3A_4164 = vector.shape_cast %get3A_4163 : vector<16xf32> to vector<16xf32>
      %mul3A_4165 = arith.mulf %gather3A_4155, %get3A_4164 : vector<16xf32>
      %add3A_4166 = arith.addf %add3A_4143, %mul3A_4165 : vector<16xf32>
      %broadcast_in_dim3A_4167 = arith.constant 4 : i32
      %broadcast_in_dim3A_4168 = vector.broadcast %broadcast_in_dim3A_4167 : i32 to vector<16xi32>
      %lt3A_4169 = arith.constant 0 : i32
      %lt3A_4170 = vector.broadcast %lt3A_4169 : i32 to vector<16xi32>
      %lt3A_4171 = arith.cmpi slt, %broadcast_in_dim3A_4168, %lt3A_4170 : vector<16xi32>
      %add3A_4172 = arith.constant 16 : i32
      %add3A_4173 = vector.broadcast %add3A_4172 : i32 to vector<16xi32>
      %add3A_4174 = arith.addi %broadcast_in_dim3A_4168, %add3A_4173 : vector<16xi32>
      %select_n3A_4175 = arith.select %lt3A_4171, %add3A_4174, %broadcast_in_dim3A_4168 : vector<16xi1>, vector<16xi32>
      %broadcast_in_dim3A_4176 = vector.shape_cast %select_n3A_4175 : vector<16xi32> to vector<16x1xi32>
      %gather3A_4177 = vector.shape_cast %broadcast_in_dim3A_4176 : vector<16x1xi32> to vector<16xi32>
      %gather3A_4178 = tpu.dynamic_gather %div3A[%gather3A_4177] in [0] : vector<16xf32>, vector<16xi32> -> vector<16xf32>
      %slice3A_4179 = vector.extract_strided_slice %min3A_1766 {offsets = [0], sizes = [1], strides = [1]} : vector<16xi32> to vector<1xi32>
      %squeeze3A_4180 = vector.extract %slice3A_4179[0] : i32 from vector<1xi32>
      %mul3A_4181 = arith.constant 128 : i32
      %mul3A_4182 = arith.muli %squeeze3A_4180, %mul3A_4181 : i32
      %add3A_4183 = arith.constant 80 : i32
      %add3A_4184 = arith.addi %mul3A_4182, %add3A_4183 : i32
      %get3A_4185 = arith.index_cast %add3A_4184 : i32 to index
      %get3A_4186 = tpu.vector_load %arg6[%get3A_4185] {strides = array<i32>} : memref<49152xf32, #tpu.memory_space<vmem>>, vector<16xf32>,
      %get3A_4187 = vector.shape_cast %get3A_4186 : vector<16xf32> to vector<16xf32>
      %mul3A_4188 = arith.mulf %gather3A_4178, %get3A_4187 : vector<16xf32>
      %add3A_4189 = arith.addf %add3A_4166, %mul3A_4188 : vector<16xf32>
      %broadcast_in_dim3A_4190 = arith.constant 5 : i32
      %broadcast_in_dim3A_4191 = vector.broadcast %broadcast_in_dim3A_4190 : i32 to vector<16xi32>
      %lt3A_4192 = arith.constant 0 : i32
      %lt3A_4193 = vector.broadcast %lt3A_4192 : i32 to vector<16xi32>
      %lt3A_4194 = arith.cmpi slt, %broadcast_in_dim3A_4191, %lt3A_4193 : vector<16xi32>
      %add3A_4195 = arith.constant 16 : i32
      %add3A_4196 = vector.broadcast %add3A_4195 : i32 to vector<16xi32>
      %add3A_4197 = arith.addi %broadcast_in_dim3A_4191, %add3A_4196 : vector<16xi32>
      %select_n3A_4198 = arith.select %lt3A_4194, %add3A_4197, %broadcast_in_dim3A_4191 : vector<16xi1>, vector<16xi32>
      %broadcast_in_dim3A_4199 = vector.shape_cast %select_n3A_4198 : vector<16xi32> to vector<16x1xi32>
      %gather3A_4200 = vector.shape_cast %broadcast_in_dim3A_4199 : vector<16x1xi32> to vector<16xi32>
      %gather3A_4201 = tpu.dynamic_gather %div3A[%gather3A_4200] in [0] : vector<16xf32>, vector<16xi32> -> vector<16xf32>
      %slice3A_4202 = vector.extract_strided_slice %min3A_2127 {offsets = [0], sizes = [1], strides = [1]} : vector<16xi32> to vector<1xi32>
      %squeeze3A_4203 = vector.extract %slice3A_4202[0] : i32 from vector<1xi32>
      %mul3A_4204 = arith.constant 128 : i32
      %mul3A_4205 = arith.muli %squeeze3A_4203, %mul3A_4204 : i32
      %add3A_4206 = arith.constant 80 : i32
      %add3A_4207 = arith.addi %mul3A_4205, %add3A_4206 : i32
      %get3A_4208 = arith.index_cast %add3A_4207 : i32 to index
      %get3A_4209 = tpu.vector_load %arg6[%get3A_4208] {strides = array<i32>} : memref<49152xf32, #tpu.memory_space<vmem>>, vector<16xf32>,
      %get3A_4210 = vector.shape_cast %get3A_4209 : vector<16xf32> to vector<16xf32>
      %mul3A_4211 = arith.mulf %gather3A_4201, %get3A_4210 : vector<16xf32>
      %add3A_4212 = arith.addf %add3A_4189, %mul3A_4211 : vector<16xf32>
      %broadcast_in_dim3A_4213 = arith.constant 6 : i32
      %broadcast_in_dim3A_4214 = vector.broadcast %broadcast_in_dim3A_4213 : i32 to vector<16xi32>
      %lt3A_4215 = arith.constant 0 : i32
      %lt3A_4216 = vector.broadcast %lt3A_4215 : i32 to vector<16xi32>
      %lt3A_4217 = arith.cmpi slt, %broadcast_in_dim3A_4214, %lt3A_4216 : vector<16xi32>
      %add3A_4218 = arith.constant 16 : i32
      %add3A_4219 = vector.broadcast %add3A_4218 : i32 to vector<16xi32>
      %add3A_4220 = arith.addi %broadcast_in_dim3A_4214, %add3A_4219 : vector<16xi32>
      %select_n3A_4221 = arith.select %lt3A_4217, %add3A_4220, %broadcast_in_dim3A_4214 : vector<16xi1>, vector<16xi32>
      %broadcast_in_dim3A_4222 = vector.shape_cast %select_n3A_4221 : vector<16xi32> to vector<16x1xi32>
      %gather3A_4223 = vector.shape_cast %broadcast_in_dim3A_4222 : vector<16x1xi32> to vector<16xi32>
      %gather3A_4224 = tpu.dynamic_gather %div3A[%gather3A_4223] in [0] : vector<16xf32>, vector<16xi32> -> vector<16xf32>
      %slice3A_4225 = vector.extract_strided_slice %min3A_2488 {offsets = [0], sizes = [1], strides = [1]} : vector<16xi32> to vector<1xi32>
      %squeeze3A_4226 = vector.extract %slice3A_4225[0] : i32 from vector<1xi32>
      %mul3A_4227 = arith.constant 128 : i32
      %mul3A_4228 = arith.muli %squeeze3A_4226, %mul3A_4227 : i32
      %add3A_4229 = arith.constant 80 : i32
      %add3A_4230 = arith.addi %mul3A_4228, %add3A_4229 : i32
      %get3A_4231 = arith.index_cast %add3A_4230 : i32 to index
      %get3A_4232 = tpu.vector_load %arg6[%get3A_4231] {strides = array<i32>} : memref<49152xf32, #tpu.memory_space<vmem>>, vector<16xf32>,
      %get3A_4233 = vector.shape_cast %get3A_4232 : vector<16xf32> to vector<16xf32>
      %mul3A_4234 = arith.mulf %gather3A_4224, %get3A_4233 : vector<16xf32>
      %add3A_4235 = arith.addf %add3A_4212, %mul3A_4234 : vector<16xf32>
      %broadcast_in_dim3A_4236 = arith.constant 7 : i32
      %broadcast_in_dim3A_4237 = vector.broadcast %broadcast_in_dim3A_4236 : i32 to vector<16xi32>
      %lt3A_4238 = arith.constant 0 : i32
      %lt3A_4239 = vector.broadcast %lt3A_4238 : i32 to vector<16xi32>
      %lt3A_4240 = arith.cmpi slt, %broadcast_in_dim3A_4237, %lt3A_4239 : vector<16xi32>
      %add3A_4241 = arith.constant 16 : i32
      %add3A_4242 = vector.broadcast %add3A_4241 : i32 to vector<16xi32>
      %add3A_4243 = arith.addi %broadcast_in_dim3A_4237, %add3A_4242 : vector<16xi32>
      %select_n3A_4244 = arith.select %lt3A_4240, %add3A_4243, %broadcast_in_dim3A_4237 : vector<16xi1>, vector<16xi32>
      %broadcast_in_dim3A_4245 = vector.shape_cast %select_n3A_4244 : vector<16xi32> to vector<16x1xi32>
      %gather3A_4246 = vector.shape_cast %broadcast_in_dim3A_4245 : vector<16x1xi32> to vector<16xi32>
      %gather3A_4247 = tpu.dynamic_gather %div3A[%gather3A_4246] in [0] : vector<16xf32>, vector<16xi32> -> vector<16xf32>
      %slice3A_4248 = vector.extract_strided_slice %min3A_2849 {offsets = [0], sizes = [1], strides = [1]} : vector<16xi32> to vector<1xi32>
      %squeeze3A_4249 = vector.extract %slice3A_4248[0] : i32 from vector<1xi32>
      %mul3A_4250 = arith.constant 128 : i32
      %mul3A_4251 = arith.muli %squeeze3A_4249, %mul3A_4250 : i32
      %add3A_4252 = arith.constant 80 : i32
      %add3A_4253 = arith.addi %mul3A_4251, %add3A_4252 : i32
      %get3A_4254 = arith.index_cast %add3A_4253 : i32 to index
      %get3A_4255 = tpu.vector_load %arg6[%get3A_4254] {strides = array<i32>} : memref<49152xf32, #tpu.memory_space<vmem>>, vector<16xf32>,
      %get3A_4256 = vector.shape_cast %get3A_4255 : vector<16xf32> to vector<16xf32>
      %mul3A_4257 = arith.mulf %gather3A_4247, %get3A_4256 : vector<16xf32>
      %add3A_4258 = arith.addf %add3A_4235, %mul3A_4257 : vector<16xf32>
      %mul3A_4259 = arith.constant 128 : i32
      %mul3A_4260 = arith.muli %scan3A_12, %mul3A_4259 : i32
      %add3A_4261 = arith.constant 80 : i32
      %add3A_4262 = arith.addi %mul3A_4260, %add3A_4261 : i32
      %swap3A_4263 = arith.index_cast %add3A_4262 : i32 to index
      %swap3A_4264 = tpu.vector_load %arg7[%swap3A_4263] {strides = array<i32>} : memref<1024xf32, #tpu.memory_space<vmem>>, vector<16xf32>,
      %swap3A_4265 = vector.shape_cast %swap3A_4264 : vector<16xf32> to vector<16xf32>
      %swap3A_4266 = vector.shape_cast %add3A_4258 : vector<16xf32> to vector<16xf32>
      tpu.vector_store %arg7[%swap3A_4263], %swap3A_4266 {strides = array<i32>} : memref<1024xf32, #tpu.memory_space<vmem>>, vector<16xf32>,
      %broadcast_in_dim3A_4267 = arith.constant 0.000000e+00 : f32
      %broadcast_in_dim3A_4268 = vector.broadcast %broadcast_in_dim3A_4267 : f32 to vector<16xf32>
      %broadcast_in_dim3A_4269 = arith.constant 0 : i32
      %broadcast_in_dim3A_4270 = vector.broadcast %broadcast_in_dim3A_4269 : i32 to vector<16xi32>
      %lt3A_4271 = arith.constant 0 : i32
      %lt3A_4272 = vector.broadcast %lt3A_4271 : i32 to vector<16xi32>
      %lt3A_4273 = arith.cmpi slt, %broadcast_in_dim3A_4270, %lt3A_4272 : vector<16xi32>
      %add3A_4274 = arith.constant 16 : i32
      %add3A_4275 = vector.broadcast %add3A_4274 : i32 to vector<16xi32>
      %add3A_4276 = arith.addi %broadcast_in_dim3A_4270, %add3A_4275 : vector<16xi32>
      %select_n3A_4277 = arith.select %lt3A_4273, %add3A_4276, %broadcast_in_dim3A_4270 : vector<16xi1>, vector<16xi32>
      %broadcast_in_dim3A_4278 = vector.shape_cast %select_n3A_4277 : vector<16xi32> to vector<16x1xi32>
      %gather3A_4279 = vector.shape_cast %broadcast_in_dim3A_4278 : vector<16x1xi32> to vector<16xi32>
      %gather3A_4280 = tpu.dynamic_gather %div3A[%gather3A_4279] in [0] : vector<16xf32>, vector<16xi32> -> vector<16xf32>
      %slice3A_4281 = vector.extract_strided_slice %min3A_322 {offsets = [0], sizes = [1], strides = [1]} : vector<16xi32> to vector<1xi32>
      %squeeze3A_4282 = vector.extract %slice3A_4281[0] : i32 from vector<1xi32>
      %mul3A_4283 = arith.constant 128 : i32
      %mul3A_4284 = arith.muli %squeeze3A_4282, %mul3A_4283 : i32
      %add3A_4285 = arith.constant 96 : i32
      %add3A_4286 = arith.addi %mul3A_4284, %add3A_4285 : i32
      %get3A_4287 = arith.index_cast %add3A_4286 : i32 to index
      %get3A_4288 = tpu.vector_load %arg6[%get3A_4287] {strides = array<i32>} : memref<49152xf32, #tpu.memory_space<vmem>>, vector<16xf32>,
      %get3A_4289 = vector.shape_cast %get3A_4288 : vector<16xf32> to vector<16xf32>
      %mul3A_4290 = arith.mulf %gather3A_4280, %get3A_4289 : vector<16xf32>
      %add3A_4291 = arith.addf %broadcast_in_dim3A_4268, %mul3A_4290 : vector<16xf32>
      %broadcast_in_dim3A_4292 = arith.constant 1 : i32
      %broadcast_in_dim3A_4293 = vector.broadcast %broadcast_in_dim3A_4292 : i32 to vector<16xi32>
      %lt3A_4294 = arith.constant 0 : i32
      %lt3A_4295 = vector.broadcast %lt3A_4294 : i32 to vector<16xi32>
      %lt3A_4296 = arith.cmpi slt, %broadcast_in_dim3A_4293, %lt3A_4295 : vector<16xi32>
      %add3A_4297 = arith.constant 16 : i32
      %add3A_4298 = vector.broadcast %add3A_4297 : i32 to vector<16xi32>
      %add3A_4299 = arith.addi %broadcast_in_dim3A_4293, %add3A_4298 : vector<16xi32>
      %select_n3A_4300 = arith.select %lt3A_4296, %add3A_4299, %broadcast_in_dim3A_4293 : vector<16xi1>, vector<16xi32>
      %broadcast_in_dim3A_4301 = vector.shape_cast %select_n3A_4300 : vector<16xi32> to vector<16x1xi32>
      %gather3A_4302 = vector.shape_cast %broadcast_in_dim3A_4301 : vector<16x1xi32> to vector<16xi32>
      %gather3A_4303 = tpu.dynamic_gather %div3A[%gather3A_4302] in [0] : vector<16xf32>, vector<16xi32> -> vector<16xf32>
      %slice3A_4304 = vector.extract_strided_slice %min3A_683 {offsets = [0], sizes = [1], strides = [1]} : vector<16xi32> to vector<1xi32>
      %squeeze3A_4305 = vector.extract %slice3A_4304[0] : i32 from vector<1xi32>
      %mul3A_4306 = arith.constant 128 : i32
      %mul3A_4307 = arith.muli %squeeze3A_4305, %mul3A_4306 : i32
      %add3A_4308 = arith.constant 96 : i32
      %add3A_4309 = arith.addi %mul3A_4307, %add3A_4308 : i32
      %get3A_4310 = arith.index_cast %add3A_4309 : i32 to index
      %get3A_4311 = tpu.vector_load %arg6[%get3A_4310] {strides = array<i32>} : memref<49152xf32, #tpu.memory_space<vmem>>, vector<16xf32>,
      %get3A_4312 = vector.shape_cast %get3A_4311 : vector<16xf32> to vector<16xf32>
      %mul3A_4313 = arith.mulf %gather3A_4303, %get3A_4312 : vector<16xf32>
      %add3A_4314 = arith.addf %add3A_4291, %mul3A_4313 : vector<16xf32>
      %broadcast_in_dim3A_4315 = arith.constant 2 : i32
      %broadcast_in_dim3A_4316 = vector.broadcast %broadcast_in_dim3A_4315 : i32 to vector<16xi32>
      %lt3A_4317 = arith.constant 0 : i32
      %lt3A_4318 = vector.broadcast %lt3A_4317 : i32 to vector<16xi32>
      %lt3A_4319 = arith.cmpi slt, %broadcast_in_dim3A_4316, %lt3A_4318 : vector<16xi32>
      %add3A_4320 = arith.constant 16 : i32
      %add3A_4321 = vector.broadcast %add3A_4320 : i32 to vector<16xi32>
      %add3A_4322 = arith.addi %broadcast_in_dim3A_4316, %add3A_4321 : vector<16xi32>
      %select_n3A_4323 = arith.select %lt3A_4319, %add3A_4322, %broadcast_in_dim3A_4316 : vector<16xi1>, vector<16xi32>
      %broadcast_in_dim3A_4324 = vector.shape_cast %select_n3A_4323 : vector<16xi32> to vector<16x1xi32>
      %gather3A_4325 = vector.shape_cast %broadcast_in_dim3A_4324 : vector<16x1xi32> to vector<16xi32>
      %gather3A_4326 = tpu.dynamic_gather %div3A[%gather3A_4325] in [0] : vector<16xf32>, vector<16xi32> -> vector<16xf32>
      %slice3A_4327 = vector.extract_strided_slice %min3A_1044 {offsets = [0], sizes = [1], strides = [1]} : vector<16xi32> to vector<1xi32>
      %squeeze3A_4328 = vector.extract %slice3A_4327[0] : i32 from vector<1xi32>
      %mul3A_4329 = arith.constant 128 : i32
      %mul3A_4330 = arith.muli %squeeze3A_4328, %mul3A_4329 : i32
      %add3A_4331 = arith.constant 96 : i32
      %add3A_4332 = arith.addi %mul3A_4330, %add3A_4331 : i32
      %get3A_4333 = arith.index_cast %add3A_4332 : i32 to index
      %get3A_4334 = tpu.vector_load %arg6[%get3A_4333] {strides = array<i32>} : memref<49152xf32, #tpu.memory_space<vmem>>, vector<16xf32>,
      %get3A_4335 = vector.shape_cast %get3A_4334 : vector<16xf32> to vector<16xf32>
      %mul3A_4336 = arith.mulf %gather3A_4326, %get3A_4335 : vector<16xf32>
      %add3A_4337 = arith.addf %add3A_4314, %mul3A_4336 : vector<16xf32>
      %broadcast_in_dim3A_4338 = arith.constant 3 : i32
      %broadcast_in_dim3A_4339 = vector.broadcast %broadcast_in_dim3A_4338 : i32 to vector<16xi32>
      %lt3A_4340 = arith.constant 0 : i32
      %lt3A_4341 = vector.broadcast %lt3A_4340 : i32 to vector<16xi32>
      %lt3A_4342 = arith.cmpi slt, %broadcast_in_dim3A_4339, %lt3A_4341 : vector<16xi32>
      %add3A_4343 = arith.constant 16 : i32
      %add3A_4344 = vector.broadcast %add3A_4343 : i32 to vector<16xi32>
      %add3A_4345 = arith.addi %broadcast_in_dim3A_4339, %add3A_4344 : vector<16xi32>
      %select_n3A_4346 = arith.select %lt3A_4342, %add3A_4345, %broadcast_in_dim3A_4339 : vector<16xi1>, vector<16xi32>
      %broadcast_in_dim3A_4347 = vector.shape_cast %select_n3A_4346 : vector<16xi32> to vector<16x1xi32>
      %gather3A_4348 = vector.shape_cast %broadcast_in_dim3A_4347 : vector<16x1xi32> to vector<16xi32>
      %gather3A_4349 = tpu.dynamic_gather %div3A[%gather3A_4348] in [0] : vector<16xf32>, vector<16xi32> -> vector<16xf32>
      %slice3A_4350 = vector.extract_strided_slice %min3A_1405 {offsets = [0], sizes = [1], strides = [1]} : vector<16xi32> to vector<1xi32>
      %squeeze3A_4351 = vector.extract %slice3A_4350[0] : i32 from vector<1xi32>
      %mul3A_4352 = arith.constant 128 : i32
      %mul3A_4353 = arith.muli %squeeze3A_4351, %mul3A_4352 : i32
      %add3A_4354 = arith.constant 96 : i32
      %add3A_4355 = arith.addi %mul3A_4353, %add3A_4354 : i32
      %get3A_4356 = arith.index_cast %add3A_4355 : i32 to index
      %get3A_4357 = tpu.vector_load %arg6[%get3A_4356] {strides = array<i32>} : memref<49152xf32, #tpu.memory_space<vmem>>, vector<16xf32>,
      %get3A_4358 = vector.shape_cast %get3A_4357 : vector<16xf32> to vector<16xf32>
      %mul3A_4359 = arith.mulf %gather3A_4349, %get3A_4358 : vector<16xf32>
      %add3A_4360 = arith.addf %add3A_4337, %mul3A_4359 : vector<16xf32>
      %broadcast_in_dim3A_4361 = arith.constant 4 : i32
      %broadcast_in_dim3A_4362 = vector.broadcast %broadcast_in_dim3A_4361 : i32 to vector<16xi32>
      %lt3A_4363 = arith.constant 0 : i32
      %lt3A_4364 = vector.broadcast %lt3A_4363 : i32 to vector<16xi32>
      %lt3A_4365 = arith.cmpi slt, %broadcast_in_dim3A_4362, %lt3A_4364 : vector<16xi32>
      %add3A_4366 = arith.constant 16 : i32
      %add3A_4367 = vector.broadcast %add3A_4366 : i32 to vector<16xi32>
      %add3A_4368 = arith.addi %broadcast_in_dim3A_4362, %add3A_4367 : vector<16xi32>
      %select_n3A_4369 = arith.select %lt3A_4365, %add3A_4368, %broadcast_in_dim3A_4362 : vector<16xi1>, vector<16xi32>
      %broadcast_in_dim3A_4370 = vector.shape_cast %select_n3A_4369 : vector<16xi32> to vector<16x1xi32>
      %gather3A_4371 = vector.shape_cast %broadcast_in_dim3A_4370 : vector<16x1xi32> to vector<16xi32>
      %gather3A_4372 = tpu.dynamic_gather %div3A[%gather3A_4371] in [0] : vector<16xf32>, vector<16xi32> -> vector<16xf32>
      %slice3A_4373 = vector.extract_strided_slice %min3A_1766 {offsets = [0], sizes = [1], strides = [1]} : vector<16xi32> to vector<1xi32>
      %squeeze3A_4374 = vector.extract %slice3A_4373[0] : i32 from vector<1xi32>
      %mul3A_4375 = arith.constant 128 : i32
      %mul3A_4376 = arith.muli %squeeze3A_4374, %mul3A_4375 : i32
      %add3A_4377 = arith.constant 96 : i32
      %add3A_4378 = arith.addi %mul3A_4376, %add3A_4377 : i32
      %get3A_4379 = arith.index_cast %add3A_4378 : i32 to index
      %get3A_4380 = tpu.vector_load %arg6[%get3A_4379] {strides = array<i32>} : memref<49152xf32, #tpu.memory_space<vmem>>, vector<16xf32>,
      %get3A_4381 = vector.shape_cast %get3A_4380 : vector<16xf32> to vector<16xf32>
      %mul3A_4382 = arith.mulf %gather3A_4372, %get3A_4381 : vector<16xf32>
      %add3A_4383 = arith.addf %add3A_4360, %mul3A_4382 : vector<16xf32>
      %broadcast_in_dim3A_4384 = arith.constant 5 : i32
      %broadcast_in_dim3A_4385 = vector.broadcast %broadcast_in_dim3A_4384 : i32 to vector<16xi32>
      %lt3A_4386 = arith.constant 0 : i32
      %lt3A_4387 = vector.broadcast %lt3A_4386 : i32 to vector<16xi32>
      %lt3A_4388 = arith.cmpi slt, %broadcast_in_dim3A_4385, %lt3A_4387 : vector<16xi32>
      %add3A_4389 = arith.constant 16 : i32
      %add3A_4390 = vector.broadcast %add3A_4389 : i32 to vector<16xi32>
      %add3A_4391 = arith.addi %broadcast_in_dim3A_4385, %add3A_4390 : vector<16xi32>
      %select_n3A_4392 = arith.select %lt3A_4388, %add3A_4391, %broadcast_in_dim3A_4385 : vector<16xi1>, vector<16xi32>
      %broadcast_in_dim3A_4393 = vector.shape_cast %select_n3A_4392 : vector<16xi32> to vector<16x1xi32>
      %gather3A_4394 = vector.shape_cast %broadcast_in_dim3A_4393 : vector<16x1xi32> to vector<16xi32>
      %gather3A_4395 = tpu.dynamic_gather %div3A[%gather3A_4394] in [0] : vector<16xf32>, vector<16xi32> -> vector<16xf32>
      %slice3A_4396 = vector.extract_strided_slice %min3A_2127 {offsets = [0], sizes = [1], strides = [1]} : vector<16xi32> to vector<1xi32>
      %squeeze3A_4397 = vector.extract %slice3A_4396[0] : i32 from vector<1xi32>
      %mul3A_4398 = arith.constant 128 : i32
      %mul3A_4399 = arith.muli %squeeze3A_4397, %mul3A_4398 : i32
      %add3A_4400 = arith.constant 96 : i32
      %add3A_4401 = arith.addi %mul3A_4399, %add3A_4400 : i32
      %get3A_4402 = arith.index_cast %add3A_4401 : i32 to index
      %get3A_4403 = tpu.vector_load %arg6[%get3A_4402] {strides = array<i32>} : memref<49152xf32, #tpu.memory_space<vmem>>, vector<16xf32>,
      %get3A_4404 = vector.shape_cast %get3A_4403 : vector<16xf32> to vector<16xf32>
      %mul3A_4405 = arith.mulf %gather3A_4395, %get3A_4404 : vector<16xf32>
      %add3A_4406 = arith.addf %add3A_4383, %mul3A_4405 : vector<16xf32>
      %broadcast_in_dim3A_4407 = arith.constant 6 : i32
      %broadcast_in_dim3A_4408 = vector.broadcast %broadcast_in_dim3A_4407 : i32 to vector<16xi32>
      %lt3A_4409 = arith.constant 0 : i32
      %lt3A_4410 = vector.broadcast %lt3A_4409 : i32 to vector<16xi32>
      %lt3A_4411 = arith.cmpi slt, %broadcast_in_dim3A_4408, %lt3A_4410 : vector<16xi32>
      %add3A_4412 = arith.constant 16 : i32
      %add3A_4413 = vector.broadcast %add3A_4412 : i32 to vector<16xi32>
      %add3A_4414 = arith.addi %broadcast_in_dim3A_4408, %add3A_4413 : vector<16xi32>
      %select_n3A_4415 = arith.select %lt3A_4411, %add3A_4414, %broadcast_in_dim3A_4408 : vector<16xi1>, vector<16xi32>
      %broadcast_in_dim3A_4416 = vector.shape_cast %select_n3A_4415 : vector<16xi32> to vector<16x1xi32>
      %gather3A_4417 = vector.shape_cast %broadcast_in_dim3A_4416 : vector<16x1xi32> to vector<16xi32>
      %gather3A_4418 = tpu.dynamic_gather %div3A[%gather3A_4417] in [0] : vector<16xf32>, vector<16xi32> -> vector<16xf32>
      %slice3A_4419 = vector.extract_strided_slice %min3A_2488 {offsets = [0], sizes = [1], strides = [1]} : vector<16xi32> to vector<1xi32>
      %squeeze3A_4420 = vector.extract %slice3A_4419[0] : i32 from vector<1xi32>
      %mul3A_4421 = arith.constant 128 : i32
      %mul3A_4422 = arith.muli %squeeze3A_4420, %mul3A_4421 : i32
      %add3A_4423 = arith.constant 96 : i32
      %add3A_4424 = arith.addi %mul3A_4422, %add3A_4423 : i32
      %get3A_4425 = arith.index_cast %add3A_4424 : i32 to index
      %get3A_4426 = tpu.vector_load %arg6[%get3A_4425] {strides = array<i32>} : memref<49152xf32, #tpu.memory_space<vmem>>, vector<16xf32>,
      %get3A_4427 = vector.shape_cast %get3A_4426 : vector<16xf32> to vector<16xf32>
      %mul3A_4428 = arith.mulf %gather3A_4418, %get3A_4427 : vector<16xf32>
      %add3A_4429 = arith.addf %add3A_4406, %mul3A_4428 : vector<16xf32>
      %broadcast_in_dim3A_4430 = arith.constant 7 : i32
      %broadcast_in_dim3A_4431 = vector.broadcast %broadcast_in_dim3A_4430 : i32 to vector<16xi32>
      %lt3A_4432 = arith.constant 0 : i32
      %lt3A_4433 = vector.broadcast %lt3A_4432 : i32 to vector<16xi32>
      %lt3A_4434 = arith.cmpi slt, %broadcast_in_dim3A_4431, %lt3A_4433 : vector<16xi32>
      %add3A_4435 = arith.constant 16 : i32
      %add3A_4436 = vector.broadcast %add3A_4435 : i32 to vector<16xi32>
      %add3A_4437 = arith.addi %broadcast_in_dim3A_4431, %add3A_4436 : vector<16xi32>
      %select_n3A_4438 = arith.select %lt3A_4434, %add3A_4437, %broadcast_in_dim3A_4431 : vector<16xi1>, vector<16xi32>
      %broadcast_in_dim3A_4439 = vector.shape_cast %select_n3A_4438 : vector<16xi32> to vector<16x1xi32>
      %gather3A_4440 = vector.shape_cast %broadcast_in_dim3A_4439 : vector<16x1xi32> to vector<16xi32>
      %gather3A_4441 = tpu.dynamic_gather %div3A[%gather3A_4440] in [0] : vector<16xf32>, vector<16xi32> -> vector<16xf32>
      %slice3A_4442 = vector.extract_strided_slice %min3A_2849 {offsets = [0], sizes = [1], strides = [1]} : vector<16xi32> to vector<1xi32>
      %squeeze3A_4443 = vector.extract %slice3A_4442[0] : i32 from vector<1xi32>
      %mul3A_4444 = arith.constant 128 : i32
      %mul3A_4445 = arith.muli %squeeze3A_4443, %mul3A_4444 : i32
      %add3A_4446 = arith.constant 96 : i32
      %add3A_4447 = arith.addi %mul3A_4445, %add3A_4446 : i32
      %get3A_4448 = arith.index_cast %add3A_4447 : i32 to index
      %get3A_4449 = tpu.vector_load %arg6[%get3A_4448] {strides = array<i32>} : memref<49152xf32, #tpu.memory_space<vmem>>, vector<16xf32>,
      %get3A_4450 = vector.shape_cast %get3A_4449 : vector<16xf32> to vector<16xf32>
      %mul3A_4451 = arith.mulf %gather3A_4441, %get3A_4450 : vector<16xf32>
      %add3A_4452 = arith.addf %add3A_4429, %mul3A_4451 : vector<16xf32>
      %mul3A_4453 = arith.constant 128 : i32
      %mul3A_4454 = arith.muli %scan3A_12, %mul3A_4453 : i32
      %add3A_4455 = arith.constant 96 : i32
      %add3A_4456 = arith.addi %mul3A_4454, %add3A_4455 : i32
      %swap3A_4457 = arith.index_cast %add3A_4456 : i32 to index
      %swap3A_4458 = tpu.vector_load %arg7[%swap3A_4457] {strides = array<i32>} : memref<1024xf32, #tpu.memory_space<vmem>>, vector<16xf32>,
      %swap3A_4459 = vector.shape_cast %swap3A_4458 : vector<16xf32> to vector<16xf32>
      %swap3A_4460 = vector.shape_cast %add3A_4452 : vector<16xf32> to vector<16xf32>
      tpu.vector_store %arg7[%swap3A_4457], %swap3A_4460 {strides = array<i32>} : memref<1024xf32, #tpu.memory_space<vmem>>, vector<16xf32>,
      %broadcast_in_dim3A_4461 = arith.constant 0.000000e+00 : f32
      %broadcast_in_dim3A_4462 = vector.broadcast %broadcast_in_dim3A_4461 : f32 to vector<16xf32>
      %broadcast_in_dim3A_4463 = arith.constant 0 : i32
      %broadcast_in_dim3A_4464 = vector.broadcast %broadcast_in_dim3A_4463 : i32 to vector<16xi32>
      %lt3A_4465 = arith.constant 0 : i32
      %lt3A_4466 = vector.broadcast %lt3A_4465 : i32 to vector<16xi32>
      %lt3A_4467 = arith.cmpi slt, %broadcast_in_dim3A_4464, %lt3A_4466 : vector<16xi32>
      %add3A_4468 = arith.constant 16 : i32
      %add3A_4469 = vector.broadcast %add3A_4468 : i32 to vector<16xi32>
      %add3A_4470 = arith.addi %broadcast_in_dim3A_4464, %add3A_4469 : vector<16xi32>
      %select_n3A_4471 = arith.select %lt3A_4467, %add3A_4470, %broadcast_in_dim3A_4464 : vector<16xi1>, vector<16xi32>
      %broadcast_in_dim3A_4472 = vector.shape_cast %select_n3A_4471 : vector<16xi32> to vector<16x1xi32>
      %gather3A_4473 = vector.shape_cast %broadcast_in_dim3A_4472 : vector<16x1xi32> to vector<16xi32>
      %gather3A_4474 = tpu.dynamic_gather %div3A[%gather3A_4473] in [0] : vector<16xf32>, vector<16xi32> -> vector<16xf32>
      %slice3A_4475 = vector.extract_strided_slice %min3A_322 {offsets = [0], sizes = [1], strides = [1]} : vector<16xi32> to vector<1xi32>
      %squeeze3A_4476 = vector.extract %slice3A_4475[0] : i32 from vector<1xi32>
      %mul3A_4477 = arith.constant 128 : i32
      %mul3A_4478 = arith.muli %squeeze3A_4476, %mul3A_4477 : i32
      %add3A_4479 = arith.constant 112 : i32
      %add3A_4480 = arith.addi %mul3A_4478, %add3A_4479 : i32
      %get3A_4481 = arith.index_cast %add3A_4480 : i32 to index
      %get3A_4482 = tpu.vector_load %arg6[%get3A_4481] {strides = array<i32>} : memref<49152xf32, #tpu.memory_space<vmem>>, vector<16xf32>,
      %get3A_4483 = vector.shape_cast %get3A_4482 : vector<16xf32> to vector<16xf32>
      %mul3A_4484 = arith.mulf %gather3A_4474, %get3A_4483 : vector<16xf32>
      %add3A_4485 = arith.addf %broadcast_in_dim3A_4462, %mul3A_4484 : vector<16xf32>
      %broadcast_in_dim3A_4486 = arith.constant 1 : i32
      %broadcast_in_dim3A_4487 = vector.broadcast %broadcast_in_dim3A_4486 : i32 to vector<16xi32>
      %lt3A_4488 = arith.constant 0 : i32
      %lt3A_4489 = vector.broadcast %lt3A_4488 : i32 to vector<16xi32>
      %lt3A_4490 = arith.cmpi slt, %broadcast_in_dim3A_4487, %lt3A_4489 : vector<16xi32>
      %add3A_4491 = arith.constant 16 : i32
      %add3A_4492 = vector.broadcast %add3A_4491 : i32 to vector<16xi32>
      %add3A_4493 = arith.addi %broadcast_in_dim3A_4487, %add3A_4492 : vector<16xi32>
      %select_n3A_4494 = arith.select %lt3A_4490, %add3A_4493, %broadcast_in_dim3A_4487 : vector<16xi1>, vector<16xi32>
      %broadcast_in_dim3A_4495 = vector.shape_cast %select_n3A_4494 : vector<16xi32> to vector<16x1xi32>
      %gather3A_4496 = vector.shape_cast %broadcast_in_dim3A_4495 : vector<16x1xi32> to vector<16xi32>
      %gather3A_4497 = tpu.dynamic_gather %div3A[%gather3A_4496] in [0] : vector<16xf32>, vector<16xi32> -> vector<16xf32>
      %slice3A_4498 = vector.extract_strided_slice %min3A_683 {offsets = [0], sizes = [1], strides = [1]} : vector<16xi32> to vector<1xi32>
      %squeeze3A_4499 = vector.extract %slice3A_4498[0] : i32 from vector<1xi32>
      %mul3A_4500 = arith.constant 128 : i32
      %mul3A_4501 = arith.muli %squeeze3A_4499, %mul3A_4500 : i32
      %add3A_4502 = arith.constant 112 : i32
      %add3A_4503 = arith.addi %mul3A_4501, %add3A_4502 : i32
      %get3A_4504 = arith.index_cast %add3A_4503 : i32 to index
      %get3A_4505 = tpu.vector_load %arg6[%get3A_4504] {strides = array<i32>} : memref<49152xf32, #tpu.memory_space<vmem>>, vector<16xf32>,
      %get3A_4506 = vector.shape_cast %get3A_4505 : vector<16xf32> to vector<16xf32>
      %mul3A_4507 = arith.mulf %gather3A_4497, %get3A_4506 : vector<16xf32>
      %add3A_4508 = arith.addf %add3A_4485, %mul3A_4507 : vector<16xf32>
      %broadcast_in_dim3A_4509 = arith.constant 2 : i32
      %broadcast_in_dim3A_4510 = vector.broadcast %broadcast_in_dim3A_4509 : i32 to vector<16xi32>
      %lt3A_4511 = arith.constant 0 : i32
      %lt3A_4512 = vector.broadcast %lt3A_4511 : i32 to vector<16xi32>
      %lt3A_4513 = arith.cmpi slt, %broadcast_in_dim3A_4510, %lt3A_4512 : vector<16xi32>
      %add3A_4514 = arith.constant 16 : i32
      %add3A_4515 = vector.broadcast %add3A_4514 : i32 to vector<16xi32>
      %add3A_4516 = arith.addi %broadcast_in_dim3A_4510, %add3A_4515 : vector<16xi32>
      %select_n3A_4517 = arith.select %lt3A_4513, %add3A_4516, %broadcast_in_dim3A_4510 : vector<16xi1>, vector<16xi32>
      %broadcast_in_dim3A_4518 = vector.shape_cast %select_n3A_4517 : vector<16xi32> to vector<16x1xi32>
      %gather3A_4519 = vector.shape_cast %broadcast_in_dim3A_4518 : vector<16x1xi32> to vector<16xi32>
      %gather3A_4520 = tpu.dynamic_gather %div3A[%gather3A_4519] in [0] : vector<16xf32>, vector<16xi32> -> vector<16xf32>
      %slice3A_4521 = vector.extract_strided_slice %min3A_1044 {offsets = [0], sizes = [1], strides = [1]} : vector<16xi32> to vector<1xi32>
      %squeeze3A_4522 = vector.extract %slice3A_4521[0] : i32 from vector<1xi32>
      %mul3A_4523 = arith.constant 128 : i32
      %mul3A_4524 = arith.muli %squeeze3A_4522, %mul3A_4523 : i32
      %add3A_4525 = arith.constant 112 : i32
      %add3A_4526 = arith.addi %mul3A_4524, %add3A_4525 : i32
      %get3A_4527 = arith.index_cast %add3A_4526 : i32 to index
      %get3A_4528 = tpu.vector_load %arg6[%get3A_4527] {strides = array<i32>} : memref<49152xf32, #tpu.memory_space<vmem>>, vector<16xf32>,
      %get3A_4529 = vector.shape_cast %get3A_4528 : vector<16xf32> to vector<16xf32>
      %mul3A_4530 = arith.mulf %gather3A_4520, %get3A_4529 : vector<16xf32>
      %add3A_4531 = arith.addf %add3A_4508, %mul3A_4530 : vector<16xf32>
      %broadcast_in_dim3A_4532 = arith.constant 3 : i32
      %broadcast_in_dim3A_4533 = vector.broadcast %broadcast_in_dim3A_4532 : i32 to vector<16xi32>
      %lt3A_4534 = arith.constant 0 : i32
      %lt3A_4535 = vector.broadcast %lt3A_4534 : i32 to vector<16xi32>
      %lt3A_4536 = arith.cmpi slt, %broadcast_in_dim3A_4533, %lt3A_4535 : vector<16xi32>
      %add3A_4537 = arith.constant 16 : i32
      %add3A_4538 = vector.broadcast %add3A_4537 : i32 to vector<16xi32>
      %add3A_4539 = arith.addi %broadcast_in_dim3A_4533, %add3A_4538 : vector<16xi32>
      %select_n3A_4540 = arith.select %lt3A_4536, %add3A_4539, %broadcast_in_dim3A_4533 : vector<16xi1>, vector<16xi32>
      %broadcast_in_dim3A_4541 = vector.shape_cast %select_n3A_4540 : vector<16xi32> to vector<16x1xi32>
      %gather3A_4542 = vector.shape_cast %broadcast_in_dim3A_4541 : vector<16x1xi32> to vector<16xi32>
      %gather3A_4543 = tpu.dynamic_gather %div3A[%gather3A_4542] in [0] : vector<16xf32>, vector<16xi32> -> vector<16xf32>
      %slice3A_4544 = vector.extract_strided_slice %min3A_1405 {offsets = [0], sizes = [1], strides = [1]} : vector<16xi32> to vector<1xi32>
      %squeeze3A_4545 = vector.extract %slice3A_4544[0] : i32 from vector<1xi32>
      %mul3A_4546 = arith.constant 128 : i32
      %mul3A_4547 = arith.muli %squeeze3A_4545, %mul3A_4546 : i32
      %add3A_4548 = arith.constant 112 : i32
      %add3A_4549 = arith.addi %mul3A_4547, %add3A_4548 : i32
      %get3A_4550 = arith.index_cast %add3A_4549 : i32 to index
      %get3A_4551 = tpu.vector_load %arg6[%get3A_4550] {strides = array<i32>} : memref<49152xf32, #tpu.memory_space<vmem>>, vector<16xf32>,
      %get3A_4552 = vector.shape_cast %get3A_4551 : vector<16xf32> to vector<16xf32>
      %mul3A_4553 = arith.mulf %gather3A_4543, %get3A_4552 : vector<16xf32>
      %add3A_4554 = arith.addf %add3A_4531, %mul3A_4553 : vector<16xf32>
      %broadcast_in_dim3A_4555 = arith.constant 4 : i32
      %broadcast_in_dim3A_4556 = vector.broadcast %broadcast_in_dim3A_4555 : i32 to vector<16xi32>
      %lt3A_4557 = arith.constant 0 : i32
      %lt3A_4558 = vector.broadcast %lt3A_4557 : i32 to vector<16xi32>
      %lt3A_4559 = arith.cmpi slt, %broadcast_in_dim3A_4556, %lt3A_4558 : vector<16xi32>
      %add3A_4560 = arith.constant 16 : i32
      %add3A_4561 = vector.broadcast %add3A_4560 : i32 to vector<16xi32>
      %add3A_4562 = arith.addi %broadcast_in_dim3A_4556, %add3A_4561 : vector<16xi32>
      %select_n3A_4563 = arith.select %lt3A_4559, %add3A_4562, %broadcast_in_dim3A_4556 : vector<16xi1>, vector<16xi32>
      %broadcast_in_dim3A_4564 = vector.shape_cast %select_n3A_4563 : vector<16xi32> to vector<16x1xi32>
      %gather3A_4565 = vector.shape_cast %broadcast_in_dim3A_4564 : vector<16x1xi32> to vector<16xi32>
      %gather3A_4566 = tpu.dynamic_gather %div3A[%gather3A_4565] in [0] : vector<16xf32>, vector<16xi32> -> vector<16xf32>
      %slice3A_4567 = vector.extract_strided_slice %min3A_1766 {offsets = [0], sizes = [1], strides = [1]} : vector<16xi32> to vector<1xi32>
      %squeeze3A_4568 = vector.extract %slice3A_4567[0] : i32 from vector<1xi32>
      %mul3A_4569 = arith.constant 128 : i32
      %mul3A_4570 = arith.muli %squeeze3A_4568, %mul3A_4569 : i32
      %add3A_4571 = arith.constant 112 : i32
      %add3A_4572 = arith.addi %mul3A_4570, %add3A_4571 : i32
      %get3A_4573 = arith.index_cast %add3A_4572 : i32 to index
      %get3A_4574 = tpu.vector_load %arg6[%get3A_4573] {strides = array<i32>} : memref<49152xf32, #tpu.memory_space<vmem>>, vector<16xf32>,
      %get3A_4575 = vector.shape_cast %get3A_4574 : vector<16xf32> to vector<16xf32>
      %mul3A_4576 = arith.mulf %gather3A_4566, %get3A_4575 : vector<16xf32>
      %add3A_4577 = arith.addf %add3A_4554, %mul3A_4576 : vector<16xf32>
      %broadcast_in_dim3A_4578 = arith.constant 5 : i32
      %broadcast_in_dim3A_4579 = vector.broadcast %broadcast_in_dim3A_4578 : i32 to vector<16xi32>
      %lt3A_4580 = arith.constant 0 : i32
      %lt3A_4581 = vector.broadcast %lt3A_4580 : i32 to vector<16xi32>
      %lt3A_4582 = arith.cmpi slt, %broadcast_in_dim3A_4579, %lt3A_4581 : vector<16xi32>
      %add3A_4583 = arith.constant 16 : i32
      %add3A_4584 = vector.broadcast %add3A_4583 : i32 to vector<16xi32>
      %add3A_4585 = arith.addi %broadcast_in_dim3A_4579, %add3A_4584 : vector<16xi32>
      %select_n3A_4586 = arith.select %lt3A_4582, %add3A_4585, %broadcast_in_dim3A_4579 : vector<16xi1>, vector<16xi32>
      %broadcast_in_dim3A_4587 = vector.shape_cast %select_n3A_4586 : vector<16xi32> to vector<16x1xi32>
      %gather3A_4588 = vector.shape_cast %broadcast_in_dim3A_4587 : vector<16x1xi32> to vector<16xi32>
      %gather3A_4589 = tpu.dynamic_gather %div3A[%gather3A_4588] in [0] : vector<16xf32>, vector<16xi32> -> vector<16xf32>
      %slice3A_4590 = vector.extract_strided_slice %min3A_2127 {offsets = [0], sizes = [1], strides = [1]} : vector<16xi32> to vector<1xi32>
      %squeeze3A_4591 = vector.extract %slice3A_4590[0] : i32 from vector<1xi32>
      %mul3A_4592 = arith.constant 128 : i32
      %mul3A_4593 = arith.muli %squeeze3A_4591, %mul3A_4592 : i32
      %add3A_4594 = arith.constant 112 : i32
      %add3A_4595 = arith.addi %mul3A_4593, %add3A_4594 : i32
      %get3A_4596 = arith.index_cast %add3A_4595 : i32 to index
      %get3A_4597 = tpu.vector_load %arg6[%get3A_4596] {strides = array<i32>} : memref<49152xf32, #tpu.memory_space<vmem>>, vector<16xf32>,
      %get3A_4598 = vector.shape_cast %get3A_4597 : vector<16xf32> to vector<16xf32>
      %mul3A_4599 = arith.mulf %gather3A_4589, %get3A_4598 : vector<16xf32>
      %add3A_4600 = arith.addf %add3A_4577, %mul3A_4599 : vector<16xf32>
      %broadcast_in_dim3A_4601 = arith.constant 6 : i32
      %broadcast_in_dim3A_4602 = vector.broadcast %broadcast_in_dim3A_4601 : i32 to vector<16xi32>
      %lt3A_4603 = arith.constant 0 : i32
      %lt3A_4604 = vector.broadcast %lt3A_4603 : i32 to vector<16xi32>
      %lt3A_4605 = arith.cmpi slt, %broadcast_in_dim3A_4602, %lt3A_4604 : vector<16xi32>
      %add3A_4606 = arith.constant 16 : i32
      %add3A_4607 = vector.broadcast %add3A_4606 : i32 to vector<16xi32>
      %add3A_4608 = arith.addi %broadcast_in_dim3A_4602, %add3A_4607 : vector<16xi32>
      %select_n3A_4609 = arith.select %lt3A_4605, %add3A_4608, %broadcast_in_dim3A_4602 : vector<16xi1>, vector<16xi32>
      %broadcast_in_dim3A_4610 = vector.shape_cast %select_n3A_4609 : vector<16xi32> to vector<16x1xi32>
      %gather3A_4611 = vector.shape_cast %broadcast_in_dim3A_4610 : vector<16x1xi32> to vector<16xi32>
      %gather3A_4612 = tpu.dynamic_gather %div3A[%gather3A_4611] in [0] : vector<16xf32>, vector<16xi32> -> vector<16xf32>
      %slice3A_4613 = vector.extract_strided_slice %min3A_2488 {offsets = [0], sizes = [1], strides = [1]} : vector<16xi32> to vector<1xi32>
      %squeeze3A_4614 = vector.extract %slice3A_4613[0] : i32 from vector<1xi32>
      %mul3A_4615 = arith.constant 128 : i32
      %mul3A_4616 = arith.muli %squeeze3A_4614, %mul3A_4615 : i32
      %add3A_4617 = arith.constant 112 : i32
      %add3A_4618 = arith.addi %mul3A_4616, %add3A_4617 : i32
      %get3A_4619 = arith.index_cast %add3A_4618 : i32 to index
      %get3A_4620 = tpu.vector_load %arg6[%get3A_4619] {strides = array<i32>} : memref<49152xf32, #tpu.memory_space<vmem>>, vector<16xf32>,
      %get3A_4621 = vector.shape_cast %get3A_4620 : vector<16xf32> to vector<16xf32>
      %mul3A_4622 = arith.mulf %gather3A_4612, %get3A_4621 : vector<16xf32>
      %add3A_4623 = arith.addf %add3A_4600, %mul3A_4622 : vector<16xf32>
      %broadcast_in_dim3A_4624 = arith.constant 7 : i32
      %broadcast_in_dim3A_4625 = vector.broadcast %broadcast_in_dim3A_4624 : i32 to vector<16xi32>
      %lt3A_4626 = arith.constant 0 : i32
      %lt3A_4627 = vector.broadcast %lt3A_4626 : i32 to vector<16xi32>
      %lt3A_4628 = arith.cmpi slt, %broadcast_in_dim3A_4625, %lt3A_4627 : vector<16xi32>
      %add3A_4629 = arith.constant 16 : i32
      %add3A_4630 = vector.broadcast %add3A_4629 : i32 to vector<16xi32>
      %add3A_4631 = arith.addi %broadcast_in_dim3A_4625, %add3A_4630 : vector<16xi32>
      %select_n3A_4632 = arith.select %lt3A_4628, %add3A_4631, %broadcast_in_dim3A_4625 : vector<16xi1>, vector<16xi32>
      %broadcast_in_dim3A_4633 = vector.shape_cast %select_n3A_4632 : vector<16xi32> to vector<16x1xi32>
      %gather3A_4634 = vector.shape_cast %broadcast_in_dim3A_4633 : vector<16x1xi32> to vector<16xi32>
      %gather3A_4635 = tpu.dynamic_gather %div3A[%gather3A_4634] in [0] : vector<16xf32>, vector<16xi32> -> vector<16xf32>
      %slice3A_4636 = vector.extract_strided_slice %min3A_2849 {offsets = [0], sizes = [1], strides = [1]} : vector<16xi32> to vector<1xi32>
      %squeeze3A_4637 = vector.extract %slice3A_4636[0] : i32 from vector<1xi32>
      %mul3A_4638 = arith.constant 128 : i32
      %mul3A_4639 = arith.muli %squeeze3A_4637, %mul3A_4638 : i32
      %add3A_4640 = arith.constant 112 : i32
      %add3A_4641 = arith.addi %mul3A_4639, %add3A_4640 : i32
      %get3A_4642 = arith.index_cast %add3A_4641 : i32 to index
      %get3A_4643 = tpu.vector_load %arg6[%get3A_4642] {strides = array<i32>} : memref<49152xf32, #tpu.memory_space<vmem>>, vector<16xf32>,
      %get3A_4644 = vector.shape_cast %get3A_4643 : vector<16xf32> to vector<16xf32>
      %mul3A_4645 = arith.mulf %gather3A_4635, %get3A_4644 : vector<16xf32>
      %add3A_4646 = arith.addf %add3A_4623, %mul3A_4645 : vector<16xf32>
      %mul3A_4647 = arith.constant 128 : i32
      %mul3A_4648 = arith.muli %scan3A_12, %mul3A_4647 : i32
      %add3A_4649 = arith.constant 112 : i32
      %add3A_4650 = arith.addi %mul3A_4648, %add3A_4649 : i32
      %swap3A_4651 = arith.index_cast %add3A_4650 : i32 to index
      %swap3A_4652 = tpu.vector_load %arg7[%swap3A_4651] {strides = array<i32>} : memref<1024xf32, #tpu.memory_space<vmem>>, vector<16xf32>,
      %swap3A_4653 = vector.shape_cast %swap3A_4652 : vector<16xf32> to vector<16xf32>
      %swap3A_4654 = vector.shape_cast %add3A_4646 : vector<16xf32> to vector<16xf32>
      tpu.vector_store %arg7[%swap3A_4651], %swap3A_4654 {strides = array<i32>} : memref<1024xf32, #tpu.memory_space<vmem>>, vector<16xf32>,
    }
    %scan3A_9 = arith.constant 8 : i32
    %mul3A_10 = arith.constant 128 : i32
    %mul3A_11 = arith.muli %mul3A_2, %mul3A_10 : i32
    "tpu.region"() ({
      %run_scoped3A = tpu.sem_alloc : memref<!tpu.dma_semaphore, #tpu.memory_space<semaphore_mem>>
      %dma_start3A = tpu.memref_slice %arg4[%mul3A_11] : memref<32768xf32, #tpu.memory_space<hbm>> -> memref<1024xf32, #tpu.memory_space<hbm>>
      %dma_start3A_12 = tpu.memref_slice %arg4[%mul3A_11] : memref<32768xf32, #tpu.memory_space<hbm>> -> memref<1024xf32, #tpu.memory_space<hbm>>
      tpu.enqueue_dma source(%arg7 : memref<1024xf32, #tpu.memory_space<vmem>>) target(%dma_start3A_12 : memref<1024xf32, #tpu.memory_space<hbm>>) target_semaphore(%run_scoped3A : memref<!tpu.dma_semaphore, #tpu.memory_space<semaphore_mem>>)
      %dma_wait3A = tpu.memref_slice %arg4[%mul3A_11] : memref<32768xf32, #tpu.memory_space<hbm>> -> memref<1024xf32, #tpu.memory_space<hbm>>
      %dma_wait3A_13 = tpu.memref_slice %arg4[%mul3A_11] : memref<32768xf32, #tpu.memory_space<hbm>> -> memref<1024xf32, #tpu.memory_space<hbm>>
      tpu.wait_dma2 semaphore(%run_scoped3A : memref<!tpu.dma_semaphore, #tpu.memory_space<semaphore_mem>>) src(%arg7 : memref<1024xf32, #tpu.memory_space<vmem>>) dst(%dma_wait3A_13 : memref<1024xf32, #tpu.memory_space<hbm>>)
      tpu.yield
    }) : () -> ()
    return
  }
}

module attributes {stable_mosaic.version = 14 : i64} {
  func.func @_tc_body(%arg0: memref<1024x128xf32, #tpu.memory_space<vmem>>, %arg1: memref<1024x128xf32, #tpu.memory_space<vmem>>, %arg2: memref<1024x128xf32, #tpu.memory_space<vmem>>, %arg3: memref<1024x384xf32, #tpu.memory_space<vmem>>, %arg4: memref<384x128xf32, #tpu.memory_space<vmem>>) attributes {dimension_semantics = [], scalar_prefetch = 0 : i64, scratch_operands = 0 : i64, tpu.core_type = #tpu.core_type<tc>} {
    %get3A = arith.constant 0 : index
    %get3A_0 = arith.constant 0 : index
    %get3A_1 = vector.load %arg0[%get3A, %get3A_0] : memref<1024x128xf32, #tpu.memory_space<vmem>>, vector<1024x128xf32>
    %get3A_2 = arith.constant 0 : index
    %get3A_3 = arith.constant 0 : index
    %get3A_4 = vector.load %arg1[%get3A_2, %get3A_3] : memref<1024x128xf32, #tpu.memory_space<vmem>>, vector<1024x128xf32>
    %get3A_5 = arith.constant 0 : index
    %get3A_6 = arith.constant 0 : index
    %get3A_7 = vector.load %arg2[%get3A_5, %get3A_6] : memref<1024x128xf32, #tpu.memory_space<vmem>>, vector<1024x128xf32>
    %max3A = arith.constant 0.000000e+00 : f32
    %max3A_8 = vector.broadcast %max3A : f32 to vector<1024x128xf32>
    %max3A_9 = arith.maximumf %get3A_4, %max3A_8 : vector<1024x128xf32>
    %mul3A = arith.mulf %get3A_4, %get3A_7 : vector<1024x128xf32>
    %sub3A = arith.subf %max3A_9, %mul3A : vector<1024x128xf32>
    %abs3A = math.absf %get3A_4 : vector<1024x128xf32>
    %neg3A = arith.constant 0.000000e+00 : f32
    %neg3A_10 = vector.broadcast %neg3A : f32 to vector<1024x128xf32>
    %neg3A_11 = arith.subf %neg3A_10, %abs3A : vector<1024x128xf32>
    %exp3A = math.exp %neg3A_11 : vector<1024x128xf32>
    %log1p3A = math.log1p %exp3A : vector<1024x128xf32>
    %add3A = arith.addf %sub3A, %log1p3A : vector<1024x128xf32>
    %slice3A = vector.extract_strided_slice %add3A {offsets = [0, 0], sizes = [1024, 8], strides = [1, 1]} : vector<1024x128xf32> to vector<1024x8xf32>
    %slice3A_12 = vector.extract_strided_slice %add3A {offsets = [0, 8], sizes = [1024, 8], strides = [1, 1]} : vector<1024x128xf32> to vector<1024x8xf32>
    %add3A_13 = arith.addf %slice3A, %slice3A_12 : vector<1024x8xf32>
    %slice3A_14 = vector.extract_strided_slice %add3A {offsets = [0, 16], sizes = [1024, 8], strides = [1, 1]} : vector<1024x128xf32> to vector<1024x8xf32>
    %add3A_15 = arith.addf %add3A_13, %slice3A_14 : vector<1024x8xf32>
    %slice3A_16 = vector.extract_strided_slice %add3A {offsets = [0, 24], sizes = [1024, 8], strides = [1, 1]} : vector<1024x128xf32> to vector<1024x8xf32>
    %add3A_17 = arith.addf %add3A_15, %slice3A_16 : vector<1024x8xf32>
    %slice3A_18 = vector.extract_strided_slice %add3A {offsets = [0, 32], sizes = [1024, 8], strides = [1, 1]} : vector<1024x128xf32> to vector<1024x8xf32>
    %add3A_19 = arith.addf %add3A_17, %slice3A_18 : vector<1024x8xf32>
    %slice3A_20 = vector.extract_strided_slice %add3A {offsets = [0, 40], sizes = [1024, 8], strides = [1, 1]} : vector<1024x128xf32> to vector<1024x8xf32>
    %add3A_21 = arith.addf %add3A_19, %slice3A_20 : vector<1024x8xf32>
    %slice3A_22 = vector.extract_strided_slice %add3A {offsets = [0, 48], sizes = [1024, 8], strides = [1, 1]} : vector<1024x128xf32> to vector<1024x8xf32>
    %add3A_23 = arith.addf %add3A_21, %slice3A_22 : vector<1024x8xf32>
    %slice3A_24 = vector.extract_strided_slice %add3A {offsets = [0, 56], sizes = [1024, 8], strides = [1, 1]} : vector<1024x128xf32> to vector<1024x8xf32>
    %add3A_25 = arith.addf %add3A_23, %slice3A_24 : vector<1024x8xf32>
    %slice3A_26 = vector.extract_strided_slice %add3A {offsets = [0, 64], sizes = [1024, 8], strides = [1, 1]} : vector<1024x128xf32> to vector<1024x8xf32>
    %add3A_27 = arith.addf %add3A_25, %slice3A_26 : vector<1024x8xf32>
    %slice3A_28 = vector.extract_strided_slice %add3A {offsets = [0, 72], sizes = [1024, 8], strides = [1, 1]} : vector<1024x128xf32> to vector<1024x8xf32>
    %add3A_29 = arith.addf %add3A_27, %slice3A_28 : vector<1024x8xf32>
    %slice3A_30 = vector.extract_strided_slice %add3A {offsets = [0, 80], sizes = [1024, 8], strides = [1, 1]} : vector<1024x128xf32> to vector<1024x8xf32>
    %add3A_31 = arith.addf %add3A_29, %slice3A_30 : vector<1024x8xf32>
    %slice3A_32 = vector.extract_strided_slice %add3A {offsets = [0, 88], sizes = [1024, 8], strides = [1, 1]} : vector<1024x128xf32> to vector<1024x8xf32>
    %add3A_33 = arith.addf %add3A_31, %slice3A_32 : vector<1024x8xf32>
    %slice3A_34 = vector.extract_strided_slice %add3A {offsets = [0, 96], sizes = [1024, 8], strides = [1, 1]} : vector<1024x128xf32> to vector<1024x8xf32>
    %add3A_35 = arith.addf %add3A_33, %slice3A_34 : vector<1024x8xf32>
    %slice3A_36 = vector.extract_strided_slice %add3A {offsets = [0, 104], sizes = [1024, 8], strides = [1, 1]} : vector<1024x128xf32> to vector<1024x8xf32>
    %add3A_37 = arith.addf %add3A_35, %slice3A_36 : vector<1024x8xf32>
    %slice3A_38 = vector.extract_strided_slice %add3A {offsets = [0, 112], sizes = [1024, 8], strides = [1, 1]} : vector<1024x128xf32> to vector<1024x8xf32>
    %add3A_39 = arith.addf %add3A_37, %slice3A_38 : vector<1024x8xf32>
    %slice3A_40 = vector.extract_strided_slice %add3A {offsets = [0, 120], sizes = [1024, 8], strides = [1, 1]} : vector<1024x128xf32> to vector<1024x8xf32>
    %add3A_41 = arith.addf %add3A_39, %slice3A_40 : vector<1024x8xf32>
    %slice3A_42 = vector.extract_strided_slice %add3A_41 {offsets = [0, 0], sizes = [1024, 4], strides = [1, 1]} : vector<1024x8xf32> to vector<1024x4xf32>
    %slice3A_43 = vector.extract_strided_slice %add3A_41 {offsets = [0, 4], sizes = [1024, 4], strides = [1, 1]} : vector<1024x8xf32> to vector<1024x4xf32>
    %add3A_44 = arith.addf %slice3A_42, %slice3A_43 : vector<1024x4xf32>
    %slice3A_45 = vector.extract_strided_slice %add3A_44 {offsets = [0, 0], sizes = [1024, 2], strides = [1, 1]} : vector<1024x4xf32> to vector<1024x2xf32>
    %slice3A_46 = vector.extract_strided_slice %add3A_44 {offsets = [0, 2], sizes = [1024, 2], strides = [1, 1]} : vector<1024x4xf32> to vector<1024x2xf32>
    %add3A_47 = arith.addf %slice3A_45, %slice3A_46 : vector<1024x2xf32>
    %slice3A_48 = vector.extract_strided_slice %add3A_47 {offsets = [0, 0], sizes = [1024, 1], strides = [1, 1]} : vector<1024x2xf32> to vector<1024x1xf32>
    %slice3A_49 = vector.extract_strided_slice %add3A_47 {offsets = [0, 1], sizes = [1024, 1], strides = [1, 1]} : vector<1024x2xf32> to vector<1024x1xf32>
    %add3A_50 = arith.addf %slice3A_48, %slice3A_49 : vector<1024x1xf32>
    %div3A = arith.constant 1.280000e+02 : f32
    %div3A_51 = vector.broadcast %div3A : f32 to vector<1024x1xf32>
    %div3A_52 = arith.divf %add3A_50, %div3A_51 : vector<1024x1xf32>
    %reduce_max3A = vector.shape_cast %div3A_52 : vector<1024x1xf32> to vector<1x1024x1xf32>
    %reduce_max3A_53 = arith.constant dense<0xFF800000> : vector<1xf32>
    %reduce_max3A_54 = vector.multi_reduction <maximumf>, %reduce_max3A, %reduce_max3A_53 [1, 2] : vector<1x1024x1xf32> to vector<1xf32>
    %reduce_max3A_55 = vector.shape_cast %reduce_max3A_54 : vector<1xf32> to vector<1x1x1xf32>
    %reduce_max3A_56 = vector.extract %reduce_max3A_55[0, 0, 0] : f32 from vector<1x1x1xf32>
    %gt3A = arith.constant 0.000000e+00 : f32
    %gt3A_57 = arith.cmpf ogt, %reduce_max3A_56, %gt3A : f32
    %add3A_58 = arith.constant 9.99999993E-9 : f32
    %add3A_59 = arith.addf %reduce_max3A_56, %add3A_58 : f32
    %div3A_60 = vector.broadcast %add3A_59 : f32 to vector<1024x1xf32>
    %div3A_61 = arith.divf %div3A_52, %div3A_60 : vector<1024x1xf32>
    %select_n3A = arith.select %gt3A_57, %div3A_61, %div3A_52 : vector<1024x1xf32>
    %logistic3A = arith.negf %get3A_4 : vector<1024x128xf32>
    %logistic3A_62 = math.exp %logistic3A : vector<1024x128xf32>
    %logistic3A_63 = arith.constant 1.000000e+00 : f32
    %logistic3A_64 = vector.broadcast %logistic3A_63 : f32 to vector<1024x128xf32>
    %logistic3A_65 = arith.addf %logistic3A_64, %logistic3A_62 : vector<1024x128xf32>
    %logistic3A_66 = arith.divf %logistic3A_64, %logistic3A_65 : vector<1024x128xf32>
    %sub3A_67 = arith.constant 5.000000e-01 : f32
    %sub3A_68 = vector.broadcast %sub3A_67 : f32 to vector<1024x128xf32>
    %sub3A_69 = arith.subf %logistic3A_66, %sub3A_68 : vector<1024x128xf32>
    %abs3A_70 = math.absf %sub3A_69 : vector<1024x128xf32>
    %slice3A_71 = vector.extract_strided_slice %abs3A_70 {offsets = [0, 0], sizes = [1024, 8], strides = [1, 1]} : vector<1024x128xf32> to vector<1024x8xf32>
    %slice3A_72 = vector.extract_strided_slice %abs3A_70 {offsets = [0, 8], sizes = [1024, 8], strides = [1, 1]} : vector<1024x128xf32> to vector<1024x8xf32>
    %add3A_73 = arith.addf %slice3A_71, %slice3A_72 : vector<1024x8xf32>
    %slice3A_74 = vector.extract_strided_slice %abs3A_70 {offsets = [0, 16], sizes = [1024, 8], strides = [1, 1]} : vector<1024x128xf32> to vector<1024x8xf32>
    %add3A_75 = arith.addf %add3A_73, %slice3A_74 : vector<1024x8xf32>
    %slice3A_76 = vector.extract_strided_slice %abs3A_70 {offsets = [0, 24], sizes = [1024, 8], strides = [1, 1]} : vector<1024x128xf32> to vector<1024x8xf32>
    %add3A_77 = arith.addf %add3A_75, %slice3A_76 : vector<1024x8xf32>
    %slice3A_78 = vector.extract_strided_slice %abs3A_70 {offsets = [0, 32], sizes = [1024, 8], strides = [1, 1]} : vector<1024x128xf32> to vector<1024x8xf32>
    %add3A_79 = arith.addf %add3A_77, %slice3A_78 : vector<1024x8xf32>
    %slice3A_80 = vector.extract_strided_slice %abs3A_70 {offsets = [0, 40], sizes = [1024, 8], strides = [1, 1]} : vector<1024x128xf32> to vector<1024x8xf32>
    %add3A_81 = arith.addf %add3A_79, %slice3A_80 : vector<1024x8xf32>
    %slice3A_82 = vector.extract_strided_slice %abs3A_70 {offsets = [0, 48], sizes = [1024, 8], strides = [1, 1]} : vector<1024x128xf32> to vector<1024x8xf32>
    %add3A_83 = arith.addf %add3A_81, %slice3A_82 : vector<1024x8xf32>
    %slice3A_84 = vector.extract_strided_slice %abs3A_70 {offsets = [0, 56], sizes = [1024, 8], strides = [1, 1]} : vector<1024x128xf32> to vector<1024x8xf32>
    %add3A_85 = arith.addf %add3A_83, %slice3A_84 : vector<1024x8xf32>
    %slice3A_86 = vector.extract_strided_slice %abs3A_70 {offsets = [0, 64], sizes = [1024, 8], strides = [1, 1]} : vector<1024x128xf32> to vector<1024x8xf32>
    %add3A_87 = arith.addf %add3A_85, %slice3A_86 : vector<1024x8xf32>
    %slice3A_88 = vector.extract_strided_slice %abs3A_70 {offsets = [0, 72], sizes = [1024, 8], strides = [1, 1]} : vector<1024x128xf32> to vector<1024x8xf32>
    %add3A_89 = arith.addf %add3A_87, %slice3A_88 : vector<1024x8xf32>
    %slice3A_90 = vector.extract_strided_slice %abs3A_70 {offsets = [0, 80], sizes = [1024, 8], strides = [1, 1]} : vector<1024x128xf32> to vector<1024x8xf32>
    %add3A_91 = arith.addf %add3A_89, %slice3A_90 : vector<1024x8xf32>
    %slice3A_92 = vector.extract_strided_slice %abs3A_70 {offsets = [0, 88], sizes = [1024, 8], strides = [1, 1]} : vector<1024x128xf32> to vector<1024x8xf32>
    %add3A_93 = arith.addf %add3A_91, %slice3A_92 : vector<1024x8xf32>
    %slice3A_94 = vector.extract_strided_slice %abs3A_70 {offsets = [0, 96], sizes = [1024, 8], strides = [1, 1]} : vector<1024x128xf32> to vector<1024x8xf32>
    %add3A_95 = arith.addf %add3A_93, %slice3A_94 : vector<1024x8xf32>
    %slice3A_96 = vector.extract_strided_slice %abs3A_70 {offsets = [0, 104], sizes = [1024, 8], strides = [1, 1]} : vector<1024x128xf32> to vector<1024x8xf32>
    %add3A_97 = arith.addf %add3A_95, %slice3A_96 : vector<1024x8xf32>
    %slice3A_98 = vector.extract_strided_slice %abs3A_70 {offsets = [0, 112], sizes = [1024, 8], strides = [1, 1]} : vector<1024x128xf32> to vector<1024x8xf32>
    %add3A_99 = arith.addf %add3A_97, %slice3A_98 : vector<1024x8xf32>
    %slice3A_100 = vector.extract_strided_slice %abs3A_70 {offsets = [0, 120], sizes = [1024, 8], strides = [1, 1]} : vector<1024x128xf32> to vector<1024x8xf32>
    %add3A_101 = arith.addf %add3A_99, %slice3A_100 : vector<1024x8xf32>
    %slice3A_102 = vector.extract_strided_slice %add3A_101 {offsets = [0, 0], sizes = [1024, 4], strides = [1, 1]} : vector<1024x8xf32> to vector<1024x4xf32>
    %slice3A_103 = vector.extract_strided_slice %add3A_101 {offsets = [0, 4], sizes = [1024, 4], strides = [1, 1]} : vector<1024x8xf32> to vector<1024x4xf32>
    %add3A_104 = arith.addf %slice3A_102, %slice3A_103 : vector<1024x4xf32>
    %slice3A_105 = vector.extract_strided_slice %add3A_104 {offsets = [0, 0], sizes = [1024, 2], strides = [1, 1]} : vector<1024x4xf32> to vector<1024x2xf32>
    %slice3A_106 = vector.extract_strided_slice %add3A_104 {offsets = [0, 2], sizes = [1024, 2], strides = [1, 1]} : vector<1024x4xf32> to vector<1024x2xf32>
    %add3A_107 = arith.addf %slice3A_105, %slice3A_106 : vector<1024x2xf32>
    %slice3A_108 = vector.extract_strided_slice %add3A_107 {offsets = [0, 0], sizes = [1024, 1], strides = [1, 1]} : vector<1024x2xf32> to vector<1024x1xf32>
    %slice3A_109 = vector.extract_strided_slice %add3A_107 {offsets = [0, 1], sizes = [1024, 1], strides = [1, 1]} : vector<1024x2xf32> to vector<1024x1xf32>
    %add3A_110 = arith.addf %slice3A_108, %slice3A_109 : vector<1024x1xf32>
    %div3A_111 = arith.constant 1.280000e+02 : f32
    %div3A_112 = vector.broadcast %div3A_111 : f32 to vector<1024x1xf32>
    %div3A_113 = arith.divf %add3A_110, %div3A_112 : vector<1024x1xf32>
    %mul3A_114 = arith.constant 2.000000e+00 : f32
    %mul3A_115 = vector.broadcast %mul3A_114 : f32 to vector<1024x1xf32>
    %mul3A_116 = arith.mulf %mul3A_115, %div3A_113 : vector<1024x1xf32>
    %sub3A_117 = arith.constant 1.000000e+00 : f32
    %sub3A_118 = vector.broadcast %sub3A_117 : f32 to vector<1024x1xf32>
    %sub3A_119 = arith.subf %sub3A_118, %mul3A_116 : vector<1024x1xf32>
    %jit3A = arith.constant 0.000000e+00 : f32
    %jit3A_120 = arith.constant 1.000000e+00 : f32
    %max3A_121 = vector.broadcast %jit3A : f32 to vector<1024x1xf32>
    %max3A_122 = arith.maximumf %max3A_121, %sub3A_119 : vector<1024x1xf32>
    %min3A = vector.broadcast %jit3A_120 : f32 to vector<1024x1xf32>
    %min3A_123 = arith.minimumf %min3A, %max3A_122 : vector<1024x1xf32>
    %mul3A_124 = arith.constant 6.000000e-01 : f32
    %mul3A_125 = vector.broadcast %mul3A_124 : f32 to vector<1024x1xf32>
    %mul3A_126 = arith.mulf %mul3A_125, %select_n3A : vector<1024x1xf32>
    %mul3A_127 = arith.constant 4.000000e-01 : f32
    %mul3A_128 = vector.broadcast %mul3A_127 : f32 to vector<1024x1xf32>
    %mul3A_129 = arith.mulf %mul3A_128, %min3A_123 : vector<1024x1xf32>
    %add3A_130 = arith.addf %mul3A_126, %mul3A_129 : vector<1024x1xf32>
    %broadcast_in_dim3A = arith.constant 1.000000e+00 : f32
    %broadcast_in_dim3A_131 = vector.broadcast %broadcast_in_dim3A : f32 to vector<1024x1xf32>
    %dot_general3A = arith.constant dense<0.000000e+00> : vector<1024x1024xf32>
    %dot_general3A_132 = tpu.matmul %broadcast_in_dim3A_131, %add3A_130, %dot_general3A {dimension_numbers = #tpu.dot_dimension_numbers<[1], [1], [0], [0], [0, 0, 1, 0], [], []>, precision = #tpu.contract_precision<fp32>, transpose_lhs_hint = false} : vector<1024x1xf32>, vector<1024x1xf32>, vector<1024x1024xf32> -> vector<1024x1024xf32>
    %iota3A = tpu.iota {dimensions = array<i32: 0>} : vector<1024x1024xi32>
    %iota3A_133 = tpu.iota {dimensions = array<i32: 1>} : vector<1024x1024xi32>
    %lt3A = vector.broadcast %add3A_130 : vector<1024x1xf32> to vector<1024x1024xf32>
    %lt3A_134 = arith.cmpf olt, %dot_general3A_132, %lt3A : vector<1024x1024xf32>
    %eq3A = vector.broadcast %add3A_130 : vector<1024x1xf32> to vector<1024x1024xf32>
    %eq3A_135 = arith.cmpf oeq, %dot_general3A_132, %eq3A : vector<1024x1024xf32>
    %lt3A_136 = arith.cmpi slt, %iota3A_133, %iota3A : vector<1024x1024xi32>
    %and3A = arith.andi %eq3A_135, %lt3A_136 : vector<1024x1024xi1>
    %or3A = arith.ori %lt3A_134, %and3A : vector<1024x1024xi1>
    %convert_element_type3A = arith.extui %or3A : vector<1024x1024xi1> to vector<1024x1024xi32>
    %convert_element_type3A_137 = arith.sitofp %convert_element_type3A : vector<1024x1024xi32> to vector<1024x1024xf32>
    %reduce_sum3A = arith.constant dense<0.000000e+00> : vector<1024xf32>
    %reduce_sum3A_138 = vector.multi_reduction <add>, %convert_element_type3A_137, %reduce_sum3A [1] : vector<1024x1024xf32> to vector<1024xf32>
    %broadcast_in_dim3A_139 = vector.shape_cast %reduce_sum3A_138 : vector<1024xf32> to vector<1024x1xf32>
    %eq3A_140 = arith.constant 7.160000e+02 : f32
    %eq3A_141 = vector.broadcast %eq3A_140 : f32 to vector<1024x1xf32>
    %eq3A_142 = arith.cmpf oeq, %broadcast_in_dim3A_139, %eq3A_141 : vector<1024x1xf32>
    %jit3A_143 = arith.constant 0.000000e+00 : f32
    %broadcast_in_dim3A_144 = vector.broadcast %jit3A_143 : f32 to vector<1024x1xf32>
    %select_n3A_145 = arith.select %eq3A_142, %add3A_130, %broadcast_in_dim3A_144 : vector<1024x1xi1>, vector<1024x1xf32>
    %reduce_sum3A_146 = vector.shape_cast %select_n3A_145 : vector<1024x1xf32> to vector<1x1024x1xf32>
    %reduce_sum3A_147 = arith.constant dense<0.000000e+00> : vector<1xf32>
    %reduce_sum3A_148 = vector.multi_reduction <add>, %reduce_sum3A_146, %reduce_sum3A_147 [1, 2] : vector<1x1024x1xf32> to vector<1xf32>
    %reduce_sum3A_149 = vector.shape_cast %reduce_sum3A_148 : vector<1xf32> to vector<1x1x1xf32>
    %reduce_sum3A_150 = vector.extract %reduce_sum3A_149[0, 0, 0] : f32 from vector<1x1x1xf32>
    %eq3A_151 = arith.constant 7.170000e+02 : f32
    %eq3A_152 = vector.broadcast %eq3A_151 : f32 to vector<1024x1xf32>
    %eq3A_153 = arith.cmpf oeq, %broadcast_in_dim3A_139, %eq3A_152 : vector<1024x1xf32>
    %jit3A_154 = arith.constant 0.000000e+00 : f32
    %broadcast_in_dim3A_155 = vector.broadcast %jit3A_154 : f32 to vector<1024x1xf32>
    %select_n3A_156 = arith.select %eq3A_153, %add3A_130, %broadcast_in_dim3A_155 : vector<1024x1xi1>, vector<1024x1xf32>
    %reduce_sum3A_157 = vector.shape_cast %select_n3A_156 : vector<1024x1xf32> to vector<1x1024x1xf32>
    %reduce_sum3A_158 = arith.constant dense<0.000000e+00> : vector<1xf32>
    %reduce_sum3A_159 = vector.multi_reduction <add>, %reduce_sum3A_157, %reduce_sum3A_158 [1, 2] : vector<1x1024x1xf32> to vector<1xf32>
    %reduce_sum3A_160 = vector.shape_cast %reduce_sum3A_159 : vector<1xf32> to vector<1x1x1xf32>
    %reduce_sum3A_161 = vector.extract %reduce_sum3A_160[0, 0, 0] : f32 from vector<1x1x1xf32>
    %mul3A_162 = arith.constant 0.699999988 : f32
    %mul3A_163 = arith.constant 1.023000e+03 : f32
    %mul3A_164 = arith.mulf %mul3A_162, %mul3A_163 : f32
    %sub3A_165 = arith.constant 7.160000e+02 : f32
    %sub3A_166 = arith.subf %mul3A_164, %sub3A_165 : f32
    %sub3A_167 = arith.constant 1.000000e+00 : f32
    %sub3A_168 = arith.subf %sub3A_167, %sub3A_166 : f32
    %mul3A_169 = arith.mulf %reduce_sum3A_150, %sub3A_168 : f32
    %mul3A_170 = arith.mulf %reduce_sum3A_161, %sub3A_166 : f32
    %add3A_171 = arith.addf %mul3A_169, %mul3A_170 : f32
    %gt3A_172 = vector.broadcast %add3A_171 : f32 to vector<1024x1xf32>
    %gt3A_173 = arith.cmpf ogt, %add3A_130, %gt3A_172 : vector<1024x1xf32>
    %convert_element_type3A_174 = arith.extui %gt3A_173 : vector<1024x1xi1> to vector<1024x1xi32>
    %convert_element_type3A_175 = arith.sitofp %convert_element_type3A_174 : vector<1024x1xi32> to vector<1024x1xf32>
    %lt3A_176 = arith.cmpi slt, %iota3A_133, %iota3A : vector<1024x1024xi32>
    %convert_element_type3A_177 = arith.extui %lt3A_176 : vector<1024x1024xi1> to vector<1024x1024xi32>
    %convert_element_type3A_178 = arith.sitofp %convert_element_type3A_177 : vector<1024x1024xi32> to vector<1024x1024xf32>
    %dot_general3A_179 = arith.constant dense<0.000000e+00> : vector<1024x1xf32>
    %dot_general3A_180 = tpu.matmul %convert_element_type3A_178, %convert_element_type3A_175, %dot_general3A_179 {dimension_numbers = #tpu.dot_dimension_numbers<[1], [0], [0], [1], [0, 0, 1, 1], [], []>, precision = #tpu.contract_precision<fp32>, transpose_lhs_hint = false} : vector<1024x1024xf32>, vector<1024x1xf32>, vector<1024x1xf32> -> vector<1024x1xf32>
    %reduce_sum3A_181 = vector.shape_cast %convert_element_type3A_175 : vector<1024x1xf32> to vector<1x1024x1xf32>
    %reduce_sum3A_182 = arith.constant dense<0.000000e+00> : vector<1xf32>
    %reduce_sum3A_183 = vector.multi_reduction <add>, %reduce_sum3A_181, %reduce_sum3A_182 [1, 2] : vector<1x1024x1xf32> to vector<1xf32>
    %reduce_sum3A_184 = vector.shape_cast %reduce_sum3A_183 : vector<1xf32> to vector<1x1x1xf32>
    %reduce_sum3A_185 = vector.extract %reduce_sum3A_184[0, 0, 0] : f32 from vector<1x1x1xf32>
    %iota3A_186 = tpu.iota {dimensions = array<i32: 1>} : vector<1024x384xi32>
    %convert_element_type3A_187 = arith.sitofp %iota3A_186 : vector<1024x384xi32> to vector<1024x384xf32>
    %eq3A_188 = vector.broadcast %dot_general3A_180 : vector<1024x1xf32> to vector<1024x384xf32>
    %eq3A_189 = arith.cmpf oeq, %convert_element_type3A_187, %eq3A_188 : vector<1024x384xf32>
    %gt3A_190 = arith.constant 0.000000e+00 : f32
    %gt3A_191 = vector.broadcast %gt3A_190 : f32 to vector<1024x1xf32>
    %gt3A_192 = arith.cmpf ogt, %convert_element_type3A_175, %gt3A_191 : vector<1024x1xf32>
    %and3A_193 = vector.broadcast %gt3A_192 : vector<1024x1xi1> to vector<1024x384xi1>
    %and3A_194 = arith.andi %eq3A_189, %and3A_193 : vector<1024x384xi1>
    %jit3A_195 = arith.constant 1.000000e+00 : f32
    %jit3A_196 = arith.constant 0.000000e+00 : f32
    %broadcast_in_dim3A_197 = vector.broadcast %jit3A_195 : f32 to vector<1024x384xf32>
    %broadcast_in_dim3A_198 = vector.broadcast %jit3A_196 : f32 to vector<1024x384xf32>
    %select_n3A_199 = arith.select %and3A_194, %broadcast_in_dim3A_197, %broadcast_in_dim3A_198 : vector<1024x384xi1>, vector<1024x384xf32>
    %mul3A_200 = arith.mulf %get3A_1, %get3A_1 : vector<1024x128xf32>
    %slice3A_201 = vector.extract_strided_slice %mul3A_200 {offsets = [0, 0], sizes = [1024, 8], strides = [1, 1]} : vector<1024x128xf32> to vector<1024x8xf32>
    %slice3A_202 = vector.extract_strided_slice %mul3A_200 {offsets = [0, 8], sizes = [1024, 8], strides = [1, 1]} : vector<1024x128xf32> to vector<1024x8xf32>
    %add3A_203 = arith.addf %slice3A_201, %slice3A_202 : vector<1024x8xf32>
    %slice3A_204 = vector.extract_strided_slice %mul3A_200 {offsets = [0, 16], sizes = [1024, 8], strides = [1, 1]} : vector<1024x128xf32> to vector<1024x8xf32>
    %add3A_205 = arith.addf %add3A_203, %slice3A_204 : vector<1024x8xf32>
    %slice3A_206 = vector.extract_strided_slice %mul3A_200 {offsets = [0, 24], sizes = [1024, 8], strides = [1, 1]} : vector<1024x128xf32> to vector<1024x8xf32>
    %add3A_207 = arith.addf %add3A_205, %slice3A_206 : vector<1024x8xf32>
    %slice3A_208 = vector.extract_strided_slice %mul3A_200 {offsets = [0, 32], sizes = [1024, 8], strides = [1, 1]} : vector<1024x128xf32> to vector<1024x8xf32>
    %add3A_209 = arith.addf %add3A_207, %slice3A_208 : vector<1024x8xf32>
    %slice3A_210 = vector.extract_strided_slice %mul3A_200 {offsets = [0, 40], sizes = [1024, 8], strides = [1, 1]} : vector<1024x128xf32> to vector<1024x8xf32>
    %add3A_211 = arith.addf %add3A_209, %slice3A_210 : vector<1024x8xf32>
    %slice3A_212 = vector.extract_strided_slice %mul3A_200 {offsets = [0, 48], sizes = [1024, 8], strides = [1, 1]} : vector<1024x128xf32> to vector<1024x8xf32>
    %add3A_213 = arith.addf %add3A_211, %slice3A_212 : vector<1024x8xf32>
    %slice3A_214 = vector.extract_strided_slice %mul3A_200 {offsets = [0, 56], sizes = [1024, 8], strides = [1, 1]} : vector<1024x128xf32> to vector<1024x8xf32>
    %add3A_215 = arith.addf %add3A_213, %slice3A_214 : vector<1024x8xf32>
    %slice3A_216 = vector.extract_strided_slice %mul3A_200 {offsets = [0, 64], sizes = [1024, 8], strides = [1, 1]} : vector<1024x128xf32> to vector<1024x8xf32>
    %add3A_217 = arith.addf %add3A_215, %slice3A_216 : vector<1024x8xf32>
    %slice3A_218 = vector.extract_strided_slice %mul3A_200 {offsets = [0, 72], sizes = [1024, 8], strides = [1, 1]} : vector<1024x128xf32> to vector<1024x8xf32>
    %add3A_219 = arith.addf %add3A_217, %slice3A_218 : vector<1024x8xf32>
    %slice3A_220 = vector.extract_strided_slice %mul3A_200 {offsets = [0, 80], sizes = [1024, 8], strides = [1, 1]} : vector<1024x128xf32> to vector<1024x8xf32>
    %add3A_221 = arith.addf %add3A_219, %slice3A_220 : vector<1024x8xf32>
    %slice3A_222 = vector.extract_strided_slice %mul3A_200 {offsets = [0, 88], sizes = [1024, 8], strides = [1, 1]} : vector<1024x128xf32> to vector<1024x8xf32>
    %add3A_223 = arith.addf %add3A_221, %slice3A_222 : vector<1024x8xf32>
    %slice3A_224 = vector.extract_strided_slice %mul3A_200 {offsets = [0, 96], sizes = [1024, 8], strides = [1, 1]} : vector<1024x128xf32> to vector<1024x8xf32>
    %add3A_225 = arith.addf %add3A_223, %slice3A_224 : vector<1024x8xf32>
    %slice3A_226 = vector.extract_strided_slice %mul3A_200 {offsets = [0, 104], sizes = [1024, 8], strides = [1, 1]} : vector<1024x128xf32> to vector<1024x8xf32>
    %add3A_227 = arith.addf %add3A_225, %slice3A_226 : vector<1024x8xf32>
    %slice3A_228 = vector.extract_strided_slice %mul3A_200 {offsets = [0, 112], sizes = [1024, 8], strides = [1, 1]} : vector<1024x128xf32> to vector<1024x8xf32>
    %add3A_229 = arith.addf %add3A_227, %slice3A_228 : vector<1024x8xf32>
    %slice3A_230 = vector.extract_strided_slice %mul3A_200 {offsets = [0, 120], sizes = [1024, 8], strides = [1, 1]} : vector<1024x128xf32> to vector<1024x8xf32>
    %add3A_231 = arith.addf %add3A_229, %slice3A_230 : vector<1024x8xf32>
    %slice3A_232 = vector.extract_strided_slice %add3A_231 {offsets = [0, 0], sizes = [1024, 4], strides = [1, 1]} : vector<1024x8xf32> to vector<1024x4xf32>
    %slice3A_233 = vector.extract_strided_slice %add3A_231 {offsets = [0, 4], sizes = [1024, 4], strides = [1, 1]} : vector<1024x8xf32> to vector<1024x4xf32>
    %add3A_234 = arith.addf %slice3A_232, %slice3A_233 : vector<1024x4xf32>
    %slice3A_235 = vector.extract_strided_slice %add3A_234 {offsets = [0, 0], sizes = [1024, 2], strides = [1, 1]} : vector<1024x4xf32> to vector<1024x2xf32>
    %slice3A_236 = vector.extract_strided_slice %add3A_234 {offsets = [0, 2], sizes = [1024, 2], strides = [1, 1]} : vector<1024x4xf32> to vector<1024x2xf32>
    %add3A_237 = arith.addf %slice3A_235, %slice3A_236 : vector<1024x2xf32>
    %slice3A_238 = vector.extract_strided_slice %add3A_237 {offsets = [0, 0], sizes = [1024, 1], strides = [1, 1]} : vector<1024x2xf32> to vector<1024x1xf32>
    %slice3A_239 = vector.extract_strided_slice %add3A_237 {offsets = [0, 1], sizes = [1024, 1], strides = [1, 1]} : vector<1024x2xf32> to vector<1024x1xf32>
    %add3A_240 = arith.addf %slice3A_238, %slice3A_239 : vector<1024x1xf32>
    %sqrt3A = math.sqrt %add3A_240 : vector<1024x1xf32>
    %max3A_241 = arith.constant 9.99999996E-13 : f32
    %max3A_242 = vector.broadcast %max3A_241 : f32 to vector<1024x1xf32>
    %max3A_243 = arith.maximumf %sqrt3A, %max3A_242 : vector<1024x1xf32>
    %div3A_244 = vector.broadcast %max3A_243 : vector<1024x1xf32> to vector<1024x128xf32>
    %div3A_245 = arith.divf %get3A_1, %div3A_244 : vector<1024x128xf32>
    %dot_general3A_246 = arith.constant dense<0.000000e+00> : vector<384x128xf32>
    %dot_general3A_247 = tpu.matmul %select_n3A_199, %div3A_245, %dot_general3A_246 {dimension_numbers = #tpu.dot_dimension_numbers<[0], [0], [1], [1], [0, 1, 1, 1], [], []>, precision = #tpu.contract_precision<fp32>, transpose_lhs_hint = false} : vector<1024x384xf32>, vector<1024x128xf32>, vector<384x128xf32> -> vector<384x128xf32>
    %dot_general3A_248 = arith.constant dense<0.000000e+00> : vector<384x128xf32>
    %dot_general3A_249 = tpu.matmul %select_n3A_199, %get3A_1, %dot_general3A_248 {dimension_numbers = #tpu.dot_dimension_numbers<[0], [0], [1], [1], [0, 1, 1, 1], [], []>, precision = #tpu.contract_precision<fp32>, transpose_lhs_hint = false} : vector<1024x384xf32>, vector<1024x128xf32>, vector<384x128xf32> -> vector<384x128xf32>
    %swap3A = arith.constant 0 : index
    %swap3A_250 = arith.constant 0 : index
    %swap3A_251 = vector.load %arg4[%swap3A, %swap3A_250] : memref<384x128xf32, #tpu.memory_space<vmem>>, vector<384x128xf32>
    tpu.vector_store %arg4[%swap3A, %swap3A_250], %dot_general3A_249 {strides = array<i32>} : memref<384x128xf32, #tpu.memory_space<vmem>>, vector<384x128xf32>,
    %dot_general3A_252 = arith.constant dense<0.000000e+00> : vector<1024x384xf32>
    %dot_general3A_253 = tpu.matmul %div3A_245, %dot_general3A_247, %dot_general3A_252 {dimension_numbers = #tpu.dot_dimension_numbers<[1], [1], [0], [0], [0, 0, 1, 0], [], []>, transpose_lhs_hint = false} : vector<1024x128xf32>, vector<384x128xf32>, vector<1024x384xf32> -> vector<1024x384xf32>
    %lt3A_254 = vector.broadcast %reduce_sum3A_185 : f32 to vector<1024x384xf32>
    %lt3A_255 = arith.cmpf olt, %convert_element_type3A_187, %lt3A_254 : vector<1024x384xf32>
    %jit3A_256 = arith.constant 0xFF800000 : f32
    %broadcast_in_dim3A_257 = vector.broadcast %jit3A_256 : f32 to vector<1024x384xf32>
    %select_n3A_258 = arith.select %lt3A_255, %dot_general3A_253, %broadcast_in_dim3A_257 : vector<1024x384xi1>, vector<1024x384xf32>
    %swap3A_259 = arith.constant 0 : index
    %swap3A_260 = arith.constant 0 : index
    %swap3A_261 = vector.load %arg3[%swap3A_259, %swap3A_260] : memref<1024x384xf32, #tpu.memory_space<vmem>>, vector<1024x384xf32>
    tpu.vector_store %arg3[%swap3A_259, %swap3A_260], %select_n3A_258 {strides = array<i32>} : memref<1024x384xf32, #tpu.memory_space<vmem>>, vector<1024x384xf32>,
    return
  }
}

module attributes {stable_mosaic.version = 14 : i64} {
  func.func @_tc2_body(%arg0: memref<768x384xf32, #tpu.memory_space<vmem>>, %arg1: memref<384x128xf32, #tpu.memory_space<vmem>>, %arg2: memref<768x128xf32, #tpu.memory_space<vmem>>) attributes {dimension_semantics = [], scalar_prefetch = 0 : i64, scratch_operands = 0 : i64, tpu.core_type = #tpu.core_type<tc>} {
    %get3A = arith.constant 0 : index
    %get3A_0 = arith.constant 0 : index
    %get3A_1 = vector.load %arg0[%get3A, %get3A_0] : memref<768x384xf32, #tpu.memory_space<vmem>>, vector<768x384xf32>
    %get3A_2 = arith.constant 0 : index
    %get3A_3 = arith.constant 0 : index
    %get3A_4 = vector.load %arg1[%get3A_2, %get3A_3] : memref<384x128xf32, #tpu.memory_space<vmem>>, vector<384x128xf32>
    %iota3A = tpu.iota {dimensions = array<i32: 1>} : vector<768x384xi32>
    %convert_element_type3A = arith.sitofp %iota3A : vector<768x384xi32> to vector<768x384xf32>
    %reduce_max3A = arith.constant dense<0xFF800000> : vector<768xf32>
    %reduce_max3A_5 = vector.multi_reduction <maximumf>, %get3A_1, %reduce_max3A [1] : vector<768x384xf32> to vector<768xf32>
    %broadcast_in_dim3A = vector.shape_cast %reduce_max3A_5 : vector<768xf32> to vector<768x1xf32>
    %eq3A = vector.broadcast %broadcast_in_dim3A : vector<768x1xf32> to vector<768x384xf32>
    %eq3A_6 = arith.cmpf oeq, %get3A_1, %eq3A : vector<768x384xf32>
    %jit3A = arith.constant 3.840000e+02 : f32
    %broadcast_in_dim3A_7 = vector.broadcast %jit3A : f32 to vector<768x384xf32>
    %select_n3A = arith.select %eq3A_6, %convert_element_type3A, %broadcast_in_dim3A_7 : vector<768x384xi1>, vector<768x384xf32>
    %reduce_min3A = arith.constant dense<0x7F800000> : vector<768xf32>
    %reduce_min3A_8 = vector.multi_reduction <minimumf>, %select_n3A, %reduce_min3A [1] : vector<768x384xf32> to vector<768xf32>
    %broadcast_in_dim3A_9 = vector.shape_cast %reduce_min3A_8 : vector<768xf32> to vector<768x1xf32>
    %eq3A_10 = vector.broadcast %broadcast_in_dim3A_9 : vector<768x1xf32> to vector<768x384xf32>
    %eq3A_11 = arith.cmpf oeq, %convert_element_type3A, %eq3A_10 : vector<768x384xf32>
    %jit3A_12 = arith.constant 0xFF800000 : f32
    %broadcast_in_dim3A_13 = vector.broadcast %jit3A_12 : f32 to vector<768x384xf32>
    %select_n3A_14 = arith.select %eq3A_11, %broadcast_in_dim3A_13, %get3A_1 : vector<768x384xi1>, vector<768x384xf32>
    %reduce_max3A_15 = arith.constant dense<0xFF800000> : vector<768xf32>
    %reduce_max3A_16 = vector.multi_reduction <maximumf>, %select_n3A_14, %reduce_max3A_15 [1] : vector<768x384xf32> to vector<768xf32>
    %broadcast_in_dim3A_17 = vector.shape_cast %reduce_max3A_16 : vector<768xf32> to vector<768x1xf32>
    %eq3A_18 = vector.broadcast %broadcast_in_dim3A_17 : vector<768x1xf32> to vector<768x384xf32>
    %eq3A_19 = arith.cmpf oeq, %select_n3A_14, %eq3A_18 : vector<768x384xf32>
    %jit3A_20 = arith.constant 3.840000e+02 : f32
    %broadcast_in_dim3A_21 = vector.broadcast %jit3A_20 : f32 to vector<768x384xf32>
    %select_n3A_22 = arith.select %eq3A_19, %convert_element_type3A, %broadcast_in_dim3A_21 : vector<768x384xi1>, vector<768x384xf32>
    %reduce_min3A_23 = arith.constant dense<0x7F800000> : vector<768xf32>
    %reduce_min3A_24 = vector.multi_reduction <minimumf>, %select_n3A_22, %reduce_min3A_23 [1] : vector<768x384xf32> to vector<768xf32>
    %broadcast_in_dim3A_25 = vector.shape_cast %reduce_min3A_24 : vector<768xf32> to vector<768x1xf32>
    %eq3A_26 = vector.broadcast %broadcast_in_dim3A_25 : vector<768x1xf32> to vector<768x384xf32>
    %eq3A_27 = arith.cmpf oeq, %convert_element_type3A, %eq3A_26 : vector<768x384xf32>
    %jit3A_28 = arith.constant 0xFF800000 : f32
    %broadcast_in_dim3A_29 = vector.broadcast %jit3A_28 : f32 to vector<768x384xf32>
    %select_n3A_30 = arith.select %eq3A_27, %broadcast_in_dim3A_29, %select_n3A_14 : vector<768x384xi1>, vector<768x384xf32>
    %reduce_max3A_31 = arith.constant dense<0xFF800000> : vector<768xf32>
    %reduce_max3A_32 = vector.multi_reduction <maximumf>, %select_n3A_30, %reduce_max3A_31 [1] : vector<768x384xf32> to vector<768xf32>
    %broadcast_in_dim3A_33 = vector.shape_cast %reduce_max3A_32 : vector<768xf32> to vector<768x1xf32>
    %eq3A_34 = vector.broadcast %broadcast_in_dim3A_33 : vector<768x1xf32> to vector<768x384xf32>
    %eq3A_35 = arith.cmpf oeq, %select_n3A_30, %eq3A_34 : vector<768x384xf32>
    %jit3A_36 = arith.constant 3.840000e+02 : f32
    %broadcast_in_dim3A_37 = vector.broadcast %jit3A_36 : f32 to vector<768x384xf32>
    %select_n3A_38 = arith.select %eq3A_35, %convert_element_type3A, %broadcast_in_dim3A_37 : vector<768x384xi1>, vector<768x384xf32>
    %reduce_min3A_39 = arith.constant dense<0x7F800000> : vector<768xf32>
    %reduce_min3A_40 = vector.multi_reduction <minimumf>, %select_n3A_38, %reduce_min3A_39 [1] : vector<768x384xf32> to vector<768xf32>
    %broadcast_in_dim3A_41 = vector.shape_cast %reduce_min3A_40 : vector<768xf32> to vector<768x1xf32>
    %eq3A_42 = vector.broadcast %broadcast_in_dim3A_41 : vector<768x1xf32> to vector<768x384xf32>
    %eq3A_43 = arith.cmpf oeq, %convert_element_type3A, %eq3A_42 : vector<768x384xf32>
    %jit3A_44 = arith.constant 0xFF800000 : f32
    %broadcast_in_dim3A_45 = vector.broadcast %jit3A_44 : f32 to vector<768x384xf32>
    %select_n3A_46 = arith.select %eq3A_43, %broadcast_in_dim3A_45, %select_n3A_30 : vector<768x384xi1>, vector<768x384xf32>
    %reduce_max3A_47 = arith.constant dense<0xFF800000> : vector<768xf32>
    %reduce_max3A_48 = vector.multi_reduction <maximumf>, %select_n3A_46, %reduce_max3A_47 [1] : vector<768x384xf32> to vector<768xf32>
    %broadcast_in_dim3A_49 = vector.shape_cast %reduce_max3A_48 : vector<768xf32> to vector<768x1xf32>
    %eq3A_50 = vector.broadcast %broadcast_in_dim3A_49 : vector<768x1xf32> to vector<768x384xf32>
    %eq3A_51 = arith.cmpf oeq, %select_n3A_46, %eq3A_50 : vector<768x384xf32>
    %jit3A_52 = arith.constant 3.840000e+02 : f32
    %broadcast_in_dim3A_53 = vector.broadcast %jit3A_52 : f32 to vector<768x384xf32>
    %select_n3A_54 = arith.select %eq3A_51, %convert_element_type3A, %broadcast_in_dim3A_53 : vector<768x384xi1>, vector<768x384xf32>
    %reduce_min3A_55 = arith.constant dense<0x7F800000> : vector<768xf32>
    %reduce_min3A_56 = vector.multi_reduction <minimumf>, %select_n3A_54, %reduce_min3A_55 [1] : vector<768x384xf32> to vector<768xf32>
    %broadcast_in_dim3A_57 = vector.shape_cast %reduce_min3A_56 : vector<768xf32> to vector<768x1xf32>
    %eq3A_58 = vector.broadcast %broadcast_in_dim3A_57 : vector<768x1xf32> to vector<768x384xf32>
    %eq3A_59 = arith.cmpf oeq, %convert_element_type3A, %eq3A_58 : vector<768x384xf32>
    %jit3A_60 = arith.constant 0xFF800000 : f32
    %broadcast_in_dim3A_61 = vector.broadcast %jit3A_60 : f32 to vector<768x384xf32>
    %select_n3A_62 = arith.select %eq3A_59, %broadcast_in_dim3A_61, %select_n3A_46 : vector<768x384xi1>, vector<768x384xf32>
    %reduce_max3A_63 = arith.constant dense<0xFF800000> : vector<768xf32>
    %reduce_max3A_64 = vector.multi_reduction <maximumf>, %select_n3A_62, %reduce_max3A_63 [1] : vector<768x384xf32> to vector<768xf32>
    %broadcast_in_dim3A_65 = vector.shape_cast %reduce_max3A_64 : vector<768xf32> to vector<768x1xf32>
    %eq3A_66 = vector.broadcast %broadcast_in_dim3A_65 : vector<768x1xf32> to vector<768x384xf32>
    %eq3A_67 = arith.cmpf oeq, %select_n3A_62, %eq3A_66 : vector<768x384xf32>
    %jit3A_68 = arith.constant 3.840000e+02 : f32
    %broadcast_in_dim3A_69 = vector.broadcast %jit3A_68 : f32 to vector<768x384xf32>
    %select_n3A_70 = arith.select %eq3A_67, %convert_element_type3A, %broadcast_in_dim3A_69 : vector<768x384xi1>, vector<768x384xf32>
    %reduce_min3A_71 = arith.constant dense<0x7F800000> : vector<768xf32>
    %reduce_min3A_72 = vector.multi_reduction <minimumf>, %select_n3A_70, %reduce_min3A_71 [1] : vector<768x384xf32> to vector<768xf32>
    %broadcast_in_dim3A_73 = vector.shape_cast %reduce_min3A_72 : vector<768xf32> to vector<768x1xf32>
    %eq3A_74 = vector.broadcast %broadcast_in_dim3A_73 : vector<768x1xf32> to vector<768x384xf32>
    %eq3A_75 = arith.cmpf oeq, %convert_element_type3A, %eq3A_74 : vector<768x384xf32>
    %jit3A_76 = arith.constant 0xFF800000 : f32
    %broadcast_in_dim3A_77 = vector.broadcast %jit3A_76 : f32 to vector<768x384xf32>
    %select_n3A_78 = arith.select %eq3A_75, %broadcast_in_dim3A_77, %select_n3A_62 : vector<768x384xi1>, vector<768x384xf32>
    %reduce_max3A_79 = arith.constant dense<0xFF800000> : vector<768xf32>
    %reduce_max3A_80 = vector.multi_reduction <maximumf>, %select_n3A_78, %reduce_max3A_79 [1] : vector<768x384xf32> to vector<768xf32>
    %broadcast_in_dim3A_81 = vector.shape_cast %reduce_max3A_80 : vector<768xf32> to vector<768x1xf32>
    %eq3A_82 = vector.broadcast %broadcast_in_dim3A_81 : vector<768x1xf32> to vector<768x384xf32>
    %eq3A_83 = arith.cmpf oeq, %select_n3A_78, %eq3A_82 : vector<768x384xf32>
    %jit3A_84 = arith.constant 3.840000e+02 : f32
    %broadcast_in_dim3A_85 = vector.broadcast %jit3A_84 : f32 to vector<768x384xf32>
    %select_n3A_86 = arith.select %eq3A_83, %convert_element_type3A, %broadcast_in_dim3A_85 : vector<768x384xi1>, vector<768x384xf32>
    %reduce_min3A_87 = arith.constant dense<0x7F800000> : vector<768xf32>
    %reduce_min3A_88 = vector.multi_reduction <minimumf>, %select_n3A_86, %reduce_min3A_87 [1] : vector<768x384xf32> to vector<768xf32>
    %broadcast_in_dim3A_89 = vector.shape_cast %reduce_min3A_88 : vector<768xf32> to vector<768x1xf32>
    %eq3A_90 = vector.broadcast %broadcast_in_dim3A_89 : vector<768x1xf32> to vector<768x384xf32>
    %eq3A_91 = arith.cmpf oeq, %convert_element_type3A, %eq3A_90 : vector<768x384xf32>
    %jit3A_92 = arith.constant 0xFF800000 : f32
    %broadcast_in_dim3A_93 = vector.broadcast %jit3A_92 : f32 to vector<768x384xf32>
    %select_n3A_94 = arith.select %eq3A_91, %broadcast_in_dim3A_93, %select_n3A_78 : vector<768x384xi1>, vector<768x384xf32>
    %reduce_max3A_95 = arith.constant dense<0xFF800000> : vector<768xf32>
    %reduce_max3A_96 = vector.multi_reduction <maximumf>, %select_n3A_94, %reduce_max3A_95 [1] : vector<768x384xf32> to vector<768xf32>
    %broadcast_in_dim3A_97 = vector.shape_cast %reduce_max3A_96 : vector<768xf32> to vector<768x1xf32>
    %eq3A_98 = vector.broadcast %broadcast_in_dim3A_97 : vector<768x1xf32> to vector<768x384xf32>
    %eq3A_99 = arith.cmpf oeq, %select_n3A_94, %eq3A_98 : vector<768x384xf32>
    %jit3A_100 = arith.constant 3.840000e+02 : f32
    %broadcast_in_dim3A_101 = vector.broadcast %jit3A_100 : f32 to vector<768x384xf32>
    %select_n3A_102 = arith.select %eq3A_99, %convert_element_type3A, %broadcast_in_dim3A_101 : vector<768x384xi1>, vector<768x384xf32>
    %reduce_min3A_103 = arith.constant dense<0x7F800000> : vector<768xf32>
    %reduce_min3A_104 = vector.multi_reduction <minimumf>, %select_n3A_102, %reduce_min3A_103 [1] : vector<768x384xf32> to vector<768xf32>
    %broadcast_in_dim3A_105 = vector.shape_cast %reduce_min3A_104 : vector<768xf32> to vector<768x1xf32>
    %eq3A_106 = vector.broadcast %broadcast_in_dim3A_105 : vector<768x1xf32> to vector<768x384xf32>
    %eq3A_107 = arith.cmpf oeq, %convert_element_type3A, %eq3A_106 : vector<768x384xf32>
    %jit3A_108 = arith.constant 0xFF800000 : f32
    %broadcast_in_dim3A_109 = vector.broadcast %jit3A_108 : f32 to vector<768x384xf32>
    %select_n3A_110 = arith.select %eq3A_107, %broadcast_in_dim3A_109, %select_n3A_94 : vector<768x384xi1>, vector<768x384xf32>
    %reduce_max3A_111 = arith.constant dense<0xFF800000> : vector<768xf32>
    %reduce_max3A_112 = vector.multi_reduction <maximumf>, %select_n3A_110, %reduce_max3A_111 [1] : vector<768x384xf32> to vector<768xf32>
    %broadcast_in_dim3A_113 = vector.shape_cast %reduce_max3A_112 : vector<768xf32> to vector<768x1xf32>
    %eq3A_114 = vector.broadcast %broadcast_in_dim3A_113 : vector<768x1xf32> to vector<768x384xf32>
    %eq3A_115 = arith.cmpf oeq, %select_n3A_110, %eq3A_114 : vector<768x384xf32>
    %jit3A_116 = arith.constant 3.840000e+02 : f32
    %broadcast_in_dim3A_117 = vector.broadcast %jit3A_116 : f32 to vector<768x384xf32>
    %select_n3A_118 = arith.select %eq3A_115, %convert_element_type3A, %broadcast_in_dim3A_117 : vector<768x384xi1>, vector<768x384xf32>
    %reduce_min3A_119 = arith.constant dense<0x7F800000> : vector<768xf32>
    %reduce_min3A_120 = vector.multi_reduction <minimumf>, %select_n3A_118, %reduce_min3A_119 [1] : vector<768x384xf32> to vector<768xf32>
    %broadcast_in_dim3A_121 = vector.shape_cast %reduce_min3A_120 : vector<768xf32> to vector<768x1xf32>
    %concatenate3A = tpu.concatenate %broadcast_in_dim3A, %broadcast_in_dim3A_17, %broadcast_in_dim3A_33, %broadcast_in_dim3A_49, %broadcast_in_dim3A_65, %broadcast_in_dim3A_81, %broadcast_in_dim3A_97, %broadcast_in_dim3A_113 in 1 : vector<768x1xf32>, vector<768x1xf32>, vector<768x1xf32>, vector<768x1xf32>, vector<768x1xf32>, vector<768x1xf32>, vector<768x1xf32>, vector<768x1xf32> -> vector<768x8xf32>
    %reduce_max3A_122 = arith.constant dense<0xFF800000> : vector<768xf32>
    %reduce_max3A_123 = vector.multi_reduction <maximumf>, %concatenate3A, %reduce_max3A_122 [1] : vector<768x8xf32> to vector<768xf32>
    %broadcast_in_dim3A_124 = vector.shape_cast %reduce_max3A_123 : vector<768xf32> to vector<768x1xf32>
    %sub3A = vector.broadcast %broadcast_in_dim3A_124 : vector<768x1xf32> to vector<768x8xf32>
    %sub3A_125 = arith.subf %concatenate3A, %sub3A : vector<768x8xf32>
    %exp3A = math.exp %sub3A_125 : vector<768x8xf32>
    %reduce_sum3A = arith.constant dense<0.000000e+00> : vector<768xf32>
    %reduce_sum3A_126 = vector.multi_reduction <add>, %exp3A, %reduce_sum3A [1] : vector<768x8xf32> to vector<768xf32>
    %broadcast_in_dim3A_127 = vector.shape_cast %reduce_sum3A_126 : vector<768xf32> to vector<768x1xf32>
    %div3A = vector.broadcast %broadcast_in_dim3A_127 : vector<768x1xf32> to vector<768x8xf32>
    %div3A_128 = arith.divf %exp3A, %div3A : vector<768x8xf32>
    %broadcast_in_dim3A_129 = arith.constant 0.000000e+00 : f32
    %broadcast_in_dim3A_130 = vector.broadcast %broadcast_in_dim3A_129 : f32 to vector<768x384xf32>
    %eq3A_131 = vector.broadcast %broadcast_in_dim3A_9 : vector<768x1xf32> to vector<768x384xf32>
    %eq3A_132 = arith.cmpf oeq, %convert_element_type3A, %eq3A_131 : vector<768x384xf32>
    %slice3A = vector.extract_strided_slice %div3A_128 {offsets = [0, 0], sizes = [768, 1], strides = [1, 1]} : vector<768x8xf32> to vector<768x1xf32>
    %jit3A_133 = arith.constant 0.000000e+00 : f32
    %broadcast_in_dim3A_134 = vector.shape_cast %slice3A : vector<768x1xf32> to vector<768x1xf32>
    %broadcast_in_dim3A_135 = vector.broadcast %broadcast_in_dim3A_134 : vector<768x1xf32> to vector<768x384xf32>
    %broadcast_in_dim3A_136 = vector.broadcast %jit3A_133 : f32 to vector<768x384xf32>
    %select_n3A_137 = arith.select %eq3A_132, %broadcast_in_dim3A_135, %broadcast_in_dim3A_136 : vector<768x384xi1>, vector<768x384xf32>
    %add3A = arith.addf %broadcast_in_dim3A_130, %select_n3A_137 : vector<768x384xf32>
    %eq3A_138 = vector.broadcast %broadcast_in_dim3A_25 : vector<768x1xf32> to vector<768x384xf32>
    %eq3A_139 = arith.cmpf oeq, %convert_element_type3A, %eq3A_138 : vector<768x384xf32>
    %slice3A_140 = vector.extract_strided_slice %div3A_128 {offsets = [0, 1], sizes = [768, 1], strides = [1, 1]} : vector<768x8xf32> to vector<768x1xf32>
    %jit3A_141 = arith.constant 0.000000e+00 : f32
    %broadcast_in_dim3A_142 = vector.shape_cast %slice3A_140 : vector<768x1xf32> to vector<768x1xf32>
    %broadcast_in_dim3A_143 = vector.broadcast %broadcast_in_dim3A_142 : vector<768x1xf32> to vector<768x384xf32>
    %broadcast_in_dim3A_144 = vector.broadcast %jit3A_141 : f32 to vector<768x384xf32>
    %select_n3A_145 = arith.select %eq3A_139, %broadcast_in_dim3A_143, %broadcast_in_dim3A_144 : vector<768x384xi1>, vector<768x384xf32>
    %add3A_146 = arith.addf %add3A, %select_n3A_145 : vector<768x384xf32>
    %eq3A_147 = vector.broadcast %broadcast_in_dim3A_41 : vector<768x1xf32> to vector<768x384xf32>
    %eq3A_148 = arith.cmpf oeq, %convert_element_type3A, %eq3A_147 : vector<768x384xf32>
    %slice3A_149 = vector.extract_strided_slice %div3A_128 {offsets = [0, 2], sizes = [768, 1], strides = [1, 1]} : vector<768x8xf32> to vector<768x1xf32>
    %jit3A_150 = arith.constant 0.000000e+00 : f32
    %broadcast_in_dim3A_151 = vector.shape_cast %slice3A_149 : vector<768x1xf32> to vector<768x1xf32>
    %broadcast_in_dim3A_152 = vector.broadcast %broadcast_in_dim3A_151 : vector<768x1xf32> to vector<768x384xf32>
    %broadcast_in_dim3A_153 = vector.broadcast %jit3A_150 : f32 to vector<768x384xf32>
    %select_n3A_154 = arith.select %eq3A_148, %broadcast_in_dim3A_152, %broadcast_in_dim3A_153 : vector<768x384xi1>, vector<768x384xf32>
    %add3A_155 = arith.addf %add3A_146, %select_n3A_154 : vector<768x384xf32>
    %eq3A_156 = vector.broadcast %broadcast_in_dim3A_57 : vector<768x1xf32> to vector<768x384xf32>
    %eq3A_157 = arith.cmpf oeq, %convert_element_type3A, %eq3A_156 : vector<768x384xf32>
    %slice3A_158 = vector.extract_strided_slice %div3A_128 {offsets = [0, 3], sizes = [768, 1], strides = [1, 1]} : vector<768x8xf32> to vector<768x1xf32>
    %jit3A_159 = arith.constant 0.000000e+00 : f32
    %broadcast_in_dim3A_160 = vector.shape_cast %slice3A_158 : vector<768x1xf32> to vector<768x1xf32>
    %broadcast_in_dim3A_161 = vector.broadcast %broadcast_in_dim3A_160 : vector<768x1xf32> to vector<768x384xf32>
    %broadcast_in_dim3A_162 = vector.broadcast %jit3A_159 : f32 to vector<768x384xf32>
    %select_n3A_163 = arith.select %eq3A_157, %broadcast_in_dim3A_161, %broadcast_in_dim3A_162 : vector<768x384xi1>, vector<768x384xf32>
    %add3A_164 = arith.addf %add3A_155, %select_n3A_163 : vector<768x384xf32>
    %eq3A_165 = vector.broadcast %broadcast_in_dim3A_73 : vector<768x1xf32> to vector<768x384xf32>
    %eq3A_166 = arith.cmpf oeq, %convert_element_type3A, %eq3A_165 : vector<768x384xf32>
    %slice3A_167 = vector.extract_strided_slice %div3A_128 {offsets = [0, 4], sizes = [768, 1], strides = [1, 1]} : vector<768x8xf32> to vector<768x1xf32>
    %jit3A_168 = arith.constant 0.000000e+00 : f32
    %broadcast_in_dim3A_169 = vector.shape_cast %slice3A_167 : vector<768x1xf32> to vector<768x1xf32>
    %broadcast_in_dim3A_170 = vector.broadcast %broadcast_in_dim3A_169 : vector<768x1xf32> to vector<768x384xf32>
    %broadcast_in_dim3A_171 = vector.broadcast %jit3A_168 : f32 to vector<768x384xf32>
    %select_n3A_172 = arith.select %eq3A_166, %broadcast_in_dim3A_170, %broadcast_in_dim3A_171 : vector<768x384xi1>, vector<768x384xf32>
    %add3A_173 = arith.addf %add3A_164, %select_n3A_172 : vector<768x384xf32>
    %eq3A_174 = vector.broadcast %broadcast_in_dim3A_89 : vector<768x1xf32> to vector<768x384xf32>
    %eq3A_175 = arith.cmpf oeq, %convert_element_type3A, %eq3A_174 : vector<768x384xf32>
    %slice3A_176 = vector.extract_strided_slice %div3A_128 {offsets = [0, 5], sizes = [768, 1], strides = [1, 1]} : vector<768x8xf32> to vector<768x1xf32>
    %jit3A_177 = arith.constant 0.000000e+00 : f32
    %broadcast_in_dim3A_178 = vector.shape_cast %slice3A_176 : vector<768x1xf32> to vector<768x1xf32>
    %broadcast_in_dim3A_179 = vector.broadcast %broadcast_in_dim3A_178 : vector<768x1xf32> to vector<768x384xf32>
    %broadcast_in_dim3A_180 = vector.broadcast %jit3A_177 : f32 to vector<768x384xf32>
    %select_n3A_181 = arith.select %eq3A_175, %broadcast_in_dim3A_179, %broadcast_in_dim3A_180 : vector<768x384xi1>, vector<768x384xf32>
    %add3A_182 = arith.addf %add3A_173, %select_n3A_181 : vector<768x384xf32>
    %eq3A_183 = vector.broadcast %broadcast_in_dim3A_105 : vector<768x1xf32> to vector<768x384xf32>
    %eq3A_184 = arith.cmpf oeq, %convert_element_type3A, %eq3A_183 : vector<768x384xf32>
    %slice3A_185 = vector.extract_strided_slice %div3A_128 {offsets = [0, 6], sizes = [768, 1], strides = [1, 1]} : vector<768x8xf32> to vector<768x1xf32>
    %jit3A_186 = arith.constant 0.000000e+00 : f32
    %broadcast_in_dim3A_187 = vector.shape_cast %slice3A_185 : vector<768x1xf32> to vector<768x1xf32>
    %broadcast_in_dim3A_188 = vector.broadcast %broadcast_in_dim3A_187 : vector<768x1xf32> to vector<768x384xf32>
    %broadcast_in_dim3A_189 = vector.broadcast %jit3A_186 : f32 to vector<768x384xf32>
    %select_n3A_190 = arith.select %eq3A_184, %broadcast_in_dim3A_188, %broadcast_in_dim3A_189 : vector<768x384xi1>, vector<768x384xf32>
    %add3A_191 = arith.addf %add3A_182, %select_n3A_190 : vector<768x384xf32>
    %eq3A_192 = vector.broadcast %broadcast_in_dim3A_121 : vector<768x1xf32> to vector<768x384xf32>
    %eq3A_193 = arith.cmpf oeq, %convert_element_type3A, %eq3A_192 : vector<768x384xf32>
    %slice3A_194 = vector.extract_strided_slice %div3A_128 {offsets = [0, 7], sizes = [768, 1], strides = [1, 1]} : vector<768x8xf32> to vector<768x1xf32>
    %jit3A_195 = arith.constant 0.000000e+00 : f32
    %broadcast_in_dim3A_196 = vector.shape_cast %slice3A_194 : vector<768x1xf32> to vector<768x1xf32>
    %broadcast_in_dim3A_197 = vector.broadcast %broadcast_in_dim3A_196 : vector<768x1xf32> to vector<768x384xf32>
    %broadcast_in_dim3A_198 = vector.broadcast %jit3A_195 : f32 to vector<768x384xf32>
    %select_n3A_199 = arith.select %eq3A_193, %broadcast_in_dim3A_197, %broadcast_in_dim3A_198 : vector<768x384xi1>, vector<768x384xf32>
    %add3A_200 = arith.addf %add3A_191, %select_n3A_199 : vector<768x384xf32>
    %dot_general3A = arith.constant dense<0.000000e+00> : vector<768x128xf32>
    %dot_general3A_201 = tpu.matmul %add3A_200, %get3A_4, %dot_general3A {dimension_numbers = #tpu.dot_dimension_numbers<[1], [0], [0], [1], [0, 0, 1, 1], [], []>, precision = #tpu.contract_precision<fp32>, transpose_lhs_hint = false} : vector<768x384xf32>, vector<384x128xf32>, vector<768x128xf32> -> vector<768x128xf32>
    %swap3A = arith.constant 0 : index
    %swap3A_202 = arith.constant 0 : index
    %swap3A_203 = vector.load %arg2[%swap3A, %swap3A_202] : memref<768x128xf32, #tpu.memory_space<vmem>>, vector<768x128xf32>
    tpu.vector_store %arg2[%swap3A, %swap3A_202], %dot_general3A_201 {strides = array<i32>} : memref<768x128xf32, #tpu.memory_space<vmem>>, vector<768x128xf32>,
    return
  }
}

</mosaic_0001>

<sc_bundles>
// kernel: kernel.5.cloned.1.call-start
scs
__scs_entry_jumppad:
0x0: {  	(pc) =	sbr.rel $0x88, $3  }
0x1: {  	(tag) =	ssettag $0x0;
	lr =	simm.s32 $0x1  }
0x2: {  	[smem:$0x3F9E] =	sst lr;
	_ =	strace $0xD0000000  }
0x3: {  	_ = 	snop  }
0x4: {  	_ = 	snop  }
0x5: {  	_ = 	snop  }
0x6: {  	_ = 	snop  }
0x7: {  	_ = 	snop  }
__scs_overlays_trampoline_lowered:
0x8: {  	[smem:$0x3FAD] =	sst s0  }
0x9: {  	[smem:$0x3FAE] =	sst s1  }
0xa: {  	[smem:$0x3FAF] =	sst s2  }
0xb: {  	[smem:$0x3FB0] =	sst s3  }
0xc: {  	[smem:$0x3FB1] =	sst s4  }
0xd: {  	[smem:$0x3FB2] =	sst s5  }
0xe: {  	[smem:$0x3FB3] =	sst s6  }
0xf: {  	[smem:$0x3FB4] =	sst s7  }
0x10: {  	[smem:$0x3FB5] =	sst s8  }
0x11: {  	[smem:$0x3FB6] =	sst s9;
	s0 =	simm.s32 @!p0 $0x0  }
0x12: {  	s1 =	sld [smem:$0x3F9C];
	s0 =	simm.s32 @p0 $0x1  }
0x13: {  	[smem:$0x3FB7] =	sst s0;
	s0 =	simm.s32 @!p1 $0x0  }
0x14: {  	s2 =	sld [smem:$0x3F9B];
	s0 =	simm.s32 @p1 $0x1  }
0x15: {  	[smem:$0x3FB8] =	sst s0;
	s0 =	simm.s32 @!p2 $0x0  }
0x16: {  	s3 =	sld [smem:$0x3FDB];
	s0 =	simm.s32 @p2 $0x1  }
0x17: {  	s4 =	simm.s32 $0x1BF5;
	[smem:$0x3FBA] =	sst s0  }
0x18: {  	s0 =	sld [smem:$0x3F9D];
	_ =	swait.ge [sflag:s4], $0x0  }
0x19: {  	s7 =	sld [smem:$0x3F9E]  }
0x1a: {  	s8 =	sadd.s32 $0xFFFFE003, lr  }
0x1b: {  	s9 =	sadd.s32 $0xFFFFFEF7, lr;
	s5 =	simm.s32 $0xFFFFFFFF;
	p2 =	slt.u32 s8, $0xFFFFF086  }
0x1c: {  	p1 =	slt.u32 s9, $0xF7A;
	s5 =	simm.s32 @!p2 $0x0  }
0x1d: {  	s5 =	simm.s32 @p1 $0x1;
	p0 =	seq.s32 s7, s2  }
0x1e: {  	s7 =	smul.u32 @!p0 $0xF7A, s2;
	p2 =	seq.s32 @!p0 s5, $0x0  }
0x1f: {  	s9 =	smul.u32 $0xF7A, s1;
	s8 =	simm.s32 @!p0 $0x1BF5;
	p2 =	por !p2, p0  }
0x20: {  	[sflag:s8] =	ssyncset.s32 @!p0 $0xFFFFF086;
	s6 =	sadd.s32 @!p0 s3, s7;
	s7 =	simm.s32 @!p0 $0x108  }
0x21: {  	s3 =	sadd.s32 s3, s9;
	s6 =	sadd.s32 @!p0 $0x88, s6;
	s7 =	simm.s32 @p2 $0x1082  }
0x22: {  	[simem:s7], [sflag:s8] =	dma.local @!p0 [hbm:s6], $0xF7A  }
0x23: {  	s9 =	sor.u32 $0xD0000000, s2;
	s6 =	simm.s32 $0x108;
	_ =	swait.ge @!p0 [sflag:s8], $0x0  }
0x24: {  	s3 =	sadd.s32 $0x88, s3;
	s6 =	simm.s32 @!p1 $0x1082;
	[sflag:s4] =	ssyncset.s32 $0xFFFFF086  }
0x25: {  	[simem:s6], [sflag:s4] =	dma.local [hbm:s3], $0xF7A  }
0x26: {  	[smem:$0x3F9E] =	sst s1;
	(tag) =	ssettag s2;
	_ =	strace s9  }
0x27: {  	s1 =	sld [smem:$0x3FAE]  }
0x28: {  	s2 =	sld [smem:$0x3FAF]  }
0x29: {  	s4 =	sld [smem:$0x3FB1]  }
0x2a: {  	p0 =	seq.s32 s5, $0x0;
	s5 =	sld [smem:$0x3FB2]  }
0x2b: {  	s6 =	sld [smem:$0x3FB3]  }
0x2c: {  	s7 =	sld [smem:$0x3FB4]  }
0x2d: {  	s3 =	simm.s32 $0x108;
	s8 =	sld [smem:$0x3FB5]  }
0x2e: {  	s3 =	simm.s32 @!p0 $0x1082;
	s9 =	sld [smem:$0x3FB6]  }
0x2f: {  	lr =	sadd.s32 s0, s3;
	s0 =	sld [smem:$0x3FAD]  }
0x30: {  	s3 =	sld [smem:$0x3FB0]  }
0x31: {  	[smem:$0x3FB9] =	sst s10  }
0x32: {  	s10 =	sld [smem:$0x3FB7];
	_ =	sdelay $0x3  }
0x33: {  	p0 =	seq.s32 s10, $0x1;
	s10 =	sld [smem:$0x3FB9];
	_ =	sdelay $0x3  }
0x34: {  	[smem:$0x3FB9] =	sst s10  }
0x35: {  	s10 =	sld [smem:$0x3FB8];
	_ =	sdelay $0x3  }
0x36: {  	p1 =	seq.s32 s10, $0x1;
	s10 =	sld [smem:$0x3FB9];
	_ =	sdelay $0x3  }
0x37: {  	[smem:$0x3FB9] =	sst s10  }
0x38: {  	s10 =	sld [smem:$0x3FBA]  }
0x39: {  	_ = 	snop;
	(pc) =	sbr.ind lr, $3  }
0x3a: {  	_ = 	snop  }
0x3b: {  	_ = 	snop  }
0x3c: {  	p2 =	seq.s32 s10, $0x1;
	s10 =	sld [smem:$0x3FB9]  }
0x3d: {  	_ =	shalt  }
0x3e: {  	_ =	shalt  }
0x3f: {  	_ =	shalt  }
0x40: {  	_ =	shalt  }
0x41: {  	_ =	shalt  }
0x42: {  	_ =	shalt  }
0x43: {  	_ =	shalt  }
0x44: {  	_ =	shalt  }
0x45: {  	_ =	shalt  }
0x46: {  	_ =	shalt  }
0x47: {  	_ =	shalt  }
0x48: {  	_ =	shalt  }
0x49: {  	_ =	shalt  }
0x4a: {  	_ =	shalt  }
0x4b: {  	_ =	shalt  }
0x4c: {  	_ =	shalt  }
0x4d: {  	_ =	shalt  }
0x4e: {  	_ =	shalt  }
0x4f: {  	_ =	shalt  }
0x50: {  	_ =	shalt  }
0x51: {  	_ =	shalt  }
0x52: {  	_ =	shalt  }
0x53: {  	_ =	shalt  }
0x54: {  	_ =	shalt  }
0x55: {  	_ =	shalt  }
0x56: {  	_ =	shalt  }
0x57: {  	_ =	shalt  }
0x58: {  	_ =	shalt  }
0x59: {  	_ =	shalt  }
0x5a: {  	_ =	shalt  }
0x5b: {  	_ =	shalt  }
0x5c: {  	_ =	shalt  }
0x5d: {  	_ =	shalt  }
0x5e: {  	_ =	shalt  }
0x5f: {  	_ =	shalt  }
0x60: {  	_ =	shalt  }
0x61: {  	_ =	shalt  }
0x62: {  	_ =	shalt  }
0x63: {  	_ =	shalt  }
0x64: {  	_ =	shalt  }
0x65: {  	_ =	shalt  }
0x66: {  	_ =	shalt  }
0x67: {  	_ =	shalt  }
0x68: {  	_ =	shalt  }
0x69: {  	_ =	shalt  }
0x6a: {  	_ =	shalt  }
0x6b: {  	_ =	shalt  }
0x6c: {  	_ =	shalt  }
0x6d: {  	_ =	shalt  }
0x6e: {  	_ =	shalt  }
0x6f: {  	_ =	shalt  }
0x70: {  	_ =	shalt  }
0x71: {  	_ =	shalt  }
0x72: {  	_ =	shalt  }
0x73: {  	_ =	shalt  }
0x74: {  	_ =	shalt  }
0x75: {  	_ =	shalt  }
0x76: {  	_ =	shalt  }
0x77: {  	_ =	shalt  }
0x78: {  	_ =	shalt  }
0x79: {  	_ =	shalt  }
0x7a: {  	_ =	shalt  }
0x7b: {  	_ =	shalt  }
0x7c: {  	_ =	shalt  }
0x7d: {  	_ =	shalt  }
0x7e: {  	_ =	shalt  }
0x7f: {  	_ =	shalt  }
0x80: {  	_ =	shalt  }
0x81: {  	_ =	shalt  }
0x82: {  	_ =	shalt  }
0x83: {  	_ =	shalt  }
0x84: {  	_ =	shalt  }
0x85: {  	_ =	shalt  }
0x86: {  	_ =	shalt  }
0x87: {  	_ =	shalt  }
.Lfunc_end0:
.L_simem_size_0:
called_computation_lowered:
.L_overlay_start_0:
0x88: {  	s2 =	sld [smem:$0x3FD9]  }
0x89: {  	s3 =	sld [smem:$0x3FFE];
	_ =	sdelay $0x1  }
0x8a: {  	s1 =	srdreg.scid  }
0x8b: {  	s0 =	sand.u32 $0x1, s1  }
0x8c: {  	s17 =	sshll.u32 s0, $0xA;
	s2 =	sadd.s32 s3, s2  }
0x8d: {  	s2 =	sadd.s32 s2, s17  }
0x8e: {  	[smem:$0x3FC5] =	sst s2  }
0x8f: {  	_ = 	snop  }
0x90: {  	s2 =	sld [smem:$0x3FD0];
	(tm) =	ssettm $0x1  }
0x91: {  	s18 =	sld [smem:$0x3FFB];
	_ =	sdelay $0x3  }
0x92: {  	_ =	strace s18  }
0x93: {  	s3 =	sld [smem:$0x3FFC];
	_ =	sdelay $0x3  }
0x94: {  	_ =	strace s3  }
0x95: {  	s3 =	sld [smem:$0x3FFD];
	_ =	sdelay $0x3  }
0x96: {  	_ =	strace s3  }
0x97: {  	_ =	strace $0x8FFFFFFF  }
0x98: {  	s19 =	sld [smem:$0x3FDB];
	_ =	sdelay $0x1  }
0x99: {  	s4 =	simm.s32 $_scs_section_size  }
0x9a: {  	s5 =	simm.s32 $_size__tile_overlayer_lowered;
	s6 =	simm.s32 $_tile_overlayer_lowered  }
0x9b: {  	s22 =	simm.s32 $0x1BFF;
	s21 =	sshll.u32 s6, $0x1;
	s3 =	sadd.s32 s4, s19  }
0x9c: {  	s7 =	simm.s32 $0x0;
	s20 =	sshll.u32 s5, $0x1;
	s5 =	sadd.s32 s21, s3  }
0x9d: {  	[timem:s7], [sflag:s22] =	dma.local [hbm:s5], s20  }
0x9e: {  	_ =	swait.ge [sflag:s22], s20  }
0x9f: {  	s4 =	ssub.s32 $0x0, s20;
	[sflag:s22] =	ssyncset.done $0x0  }
0xa0: {  	[sflag:s22] =	ssyncadd.s32 s4;
	_ =	sdelay $0x1  }
0xa1: {  	s23 =	simm.s32 $0x1B8B  }
0xa2: {  	_ =	swait.ge [sflag:s23], $0x1  }
0xa3: {  	[sflag:s23] =	ssyncset.done $0x0  }
0xa4: {  	s25 =	simm.s32 $0x1B8E;
	s24 =	sld [smem:$0x3FFE];
	[sflag:s23] =	ssyncadd.s32 $0xFFFFFFFF  }
0xa5: {  	s26 =	simm.s32 $execute0_lowered;
	[smem:$0x3FD2] =	sst s25  }
0xa6: {  	s5 =	sshll.u32 s26, $0x1;
	_ =	strace $0x80000046;
	[dreg:$0x1] =	wrdreg $0xFFFFFFFF  }
0xa7: {  	s28 =	simm.s32 $_size_execute0_lowered;
	s3 =	sadd.s32 s3, s5;
	[dreg:$0x0] =	wrdreg $0x0  }
0xa8: {  	s5 =	sshll.u32 s28, $0x1;
	[dreg:$0x2] =	wrdreg s3  }
0xa9: {  	[dreg:$0x3] =	wrdreg s5  }
0xaa: {  	[dreg:$0x4] =	wrdreg $0xC0  }
0xab: {  	_ =	task [dreg:s7], $0x5FFFF  }
0xac: {  	[dreg:$0x1] =	wrdreg $0xFFFFFFFF  }
0xad: {  	[dreg:$0x0] =	wrdreg $0x60  }
0xae: {  	[dreg:$0x2] =	wrdreg s2  }
0xaf: {  	[dreg:$0x3] =	wrdreg s24  }
0xb0: {  	[dreg:$0x4] =	wrdreg $0x9  }
0xb1: {  	_ =	task.clear_ibuf [dreg:s7], $0x5FFFF;
	_ =	strace $0x90000046  }
0xb2: {  	s29 =	simm.s32 $0x9;
	_ =	strace $0x80000048  }
0xb3: {  	_ =	swait.ge [sflag:s29], $0x1  }
0xb4: {  	[sflag:s29] =	ssyncadd.s32 $0xFFFFFFFF  }
0xb5: {  	_ =	strace $0x90000048  }
0xb6: {  	_ =	sfence  }
0xb7: {  	s30 =	sld [smem:$0x0];
	_ =	sdelay $0x2  }
0xb8: {  	s31 =	sshll.u32 s1, $0xD;
	s1 =	sshrl.u32 s1, $0x2  }
0xb9: {  	s3 =	sand.u32 $0x4000, s31;
	s1 =	sadd.s32 s1, s30  }
0xba: {  	s0 =	sor.u32 s3, s0;
	s1 =	sshll.u32 s1, $0x11  }
0xbb: {  	s0 =	sor.u32 s1, s0  }
0xbc: {  	s0 =	sadd.s32 $0x8F2B, s0  }
0xbd: {  	[sflag:s0] =	ssyncadd.remote.s32 $0x1  }
0xbe: {  	_ =	sfence.sel $0xFFFF  }
0xbf: {  	[dreg:$0x0] =	wrdreg $0xFFFFFFFF;
	(pc) =	sbr.abs _section_cstart, $3  }
0xc0: {  	[dreg:$0x1] =	wrdreg $0xFFFFFFFF  }
0xc1: {  	_ =	task.clear_ibuf [dreg:s7], $0x2FFFF;
	_ =	strace $0x9FFFFFFF  }
0xc2: {  	(tm) =	ssettm $0x7FFFFFFF  }
0xc3: {  	_ =	shalt  }
tec
execute0_lowered:
.L_overlay_start_1:
0x0: {  	(tag) =	ssettag $0x1  }
0x1: {  	v0 =	vimm.s32 $0xEFCDAB89;
	v1 =	vimm.s32 $0x67452301  }
0x2: {  	v2 =	vimm.s32 $0xDCFE98BA;
	v3 =	vimm.s32 $0x54761032;
	v4 =	vimm.s32 $0xBA98FEDC  }
0x3: {  	v5 =	vimm.s32 $0x32107654;
	v6 =	vimm.s32 $0xFEDCBA98;
	v7 =	vimm.s32 $0x76543210  }
0x4: {  	vm0 =	vmmov $0x1;
	v24 =	vimm.s32 $0x0;
	v28 =	vimm.s32 $0x4  }
0x5: {  	v29 =	vimm.s32 $0x5;
	v30 =	vimm.s32 $0x6;
	v0 =	vunpack.c.l.s4.s8 v0  }
0x6: {  	v1 =	vunpack.c.l.s4.s8 v1;
	v2 =	vunpack.c.l.s4.s8 v2;
	v3 =	vunpack.c.l.s4.s8 v3  }
0x7: {  	v4 =	vunpack.c.l.s4.s8 v4;
	v5 =	vunpack.c.l.s4.s8 v5;
	v0 =	vunpack.c.0.s8.s32 v0  }
0x8: {  	v1 =	vunpack.c.0.s8.s32 v1;
	v2 =	vunpack.c.0.s8.s32 v2;
	v3 =	vunpack.c.0.s8.s32 v3  }
0x9: {  	v31 =	vimm.s32 $0x7;
	v4 =	vunpack.c.0.s8.s32 v4;
	v5 =	vunpack.c.0.s8.s32 v5  }
0xa: {  	v6 =	vunpack.c.l.s4.s8 v6;
	v0 =	vcombine.low v1, v0;
	v1 =	vcombine.low v3, v2  }
0xb: {  	s4 =	rddreg [dreg:$0x0];
	v24 =	vsel vm0, $0xFFFFFFFF, v24;
	v2 =	vunpack.c.l.s4.s8 v7;
	v3 =	vcombine.low v5, v4  }
0xc: {  	s5 =	rddreg [dreg:$0x1];
	v4 =	vunpack.c.0.s8.s32 v6;
	v0 =	vand.u32 $0xF, v0;
	v1 =	vand.u32 $0xF, v1  }
0xd: {  	s0 =	rddreg [dreg:$0x2];
	s3 =	srdreg.scid;
	v5 =	vunpack.c.0.s8.s32 v2;
	v2 =	vand.u32 $0xF, v3;
	v3 =	vlaneseq.u32  }
0xe: {  	s1 =	stileid.u32;
	s2 =	simm.s32 $0x0;
	s10 =	simm.s32 $0x0;
	v4 =	vand.u32 $0xF, v4;
	v6 =	vor.u32 $0x20, v3;
	v7 =	vor.u32 $0x30, v3  }
0xf: {  	s3 =	sand.u32 $0x1, s3;
	s6 =	sshll.u32 s1, $0x1;
	[smem:$0x7FF] =	sst s2;
	v8 =	vor.u32 $0x40, v3;
	v9 =	vor.u32 $0x50, v3;
	v10 =	vor.u32 $0x60, v3  }
0x10: {  	s6 =	sor.u32 s3, s6;
	s7 =	ssub.s32 $0x2, s3;
	s3 =	sadd.s32 $0x1000, s5;
	v11 =	vor.u32 $0x70, v3;
	v12 =	vor.u32 $0x80, v3;
	v13 =	vor.u32 $0x90, v3  }
0x11: {  	[tilespmem:$0x1FFF0] =	vst v24;
	s8 =	smul.u32 $0x180, s6;
	s6 =	sshll.u32 s6, $0x7;
	s9 =	sshrl.u32 s7, $0x1;
	v14 =	vor.u32 $0xA0, v3;
	v15 =	vor.u32 $0xB0, v3;
	v16 =	vor.u32 $0xC0, v3  }
0x12: {  	_ =	strace $0x80000047;
	s5 =	sadd.s32 s6, s5;
	s31 =	ssub.s32 s7, s9;
	v17 =	vor.u32 $0xD0, v3;
	v18 =	vor.u32 $0xE0, v3;
	v19 =	vor.u32 $0xF0, v3  }
0x13: {  	s7 =	simm.s32 $0x1;
	s9 =	simm.s32 $0xCC00;
	s4 =	sadd.s32 s4, s8;
	v20 =	vor.u32 $0x100, v3;
	v21 =	vor.u32 $0x110, v3;
	v22 =	vor.u32 $0x120, v3  }
0x14: {  	s5 =	sadd.s32 $0x2800, s5;
	s6 =	smax.u32 s31, $0x1;
	s8 =	simm.s32 $0xC00;
	v23 =	vor.u32 $0x130, v3;
	v4 =	vcombine.low v4, v5;
	v5 =	vor.u32 $0x10, v3  }
.LBB2_1:
0x15: {  	[tilespmem:s2], [sflag:$0x1] =	stream.linear.gather [hbm4b:s4+s2], $0xC00, $0x38;
	[tilespmem:$0xD000] =	vst v63  }
0x16: {  	_ =	swait.ge [sflag:s7], $0xC00  }
0x17: {  	[sflag:s7] =	ssyncset.done $0x0  }
0x18: {  	[sflag:s7] =	ssyncadd.s32 $0xFFFFF400  }
0x19: {  	[tilespmem:s8], [sflag:$0x1] =	stream.linear.gather [hbm4b:s3+s2], $0xC000, $0x38;
	[tilespmem:$0xD000] =	vst v63  }
0x1a: {  	_ =	swait.ge [sflag:s7], $0xC000  }
0x1b: {  	[sflag:s7] =	ssyncset.done $0x0  }
0x1c: {  	s11 =	simm.s32 $0xA0;
	s12 =	simm.s32 $0x0;
	[sflag:s7] =	ssyncadd.s32 $0xFFFF4000  }
.LBB2_2:
0x1d: {  	v34 =	vld [tilespmem:s11+$0xFFFFFF60]  }
0x1e: {  	v35 =	vld [tilespmem:s11+$0xFFFFFF70];
	_ =	sdelay $0x1  }
0x1f: {  	v36 =	vld [tilespmem:s11+$0xFFFFFF80];
	_ =	sdelay $0x1  }
0x20: {  	v37 =	vld [tilespmem:s11+$0xFFFFFF90]  }
0x21: {  	vm0 =	vgt.f32 v35, v34  }
0x22: {  	v38 =	vld [tilespmem:s11+$0xFFFFFFA0];
	v32 =	vsel vm0, v35, v34  }
0x23: {  	vm1 =	vgt.f32 v36, v32  }
0x24: {  	v39 =	vld [tilespmem:s11+$0xFFFFFFB0];
	v32 =	vsel vm1, v36, v32  }
0x25: {  	vm2 =	vgt.f32 v37, v32  }
0x26: {  	v40 =	vld [tilespmem:s11+$0xFFFFFFC0];
	v32 =	vsel vm2, v37, v32  }
0x27: {  	vm3 =	vgt.f32 v38, v32  }
0x28: {  	v41 =	vld [tilespmem:s11+$0xFFFFFFD0];
	v32 =	vsel vm3, v38, v32  }
0x29: {  	vm4 =	vgt.f32 v39, v32  }
0x2a: {  	v42 =	vld [tilespmem:s11+$0xFFFFFFE0];
	v32 =	vsel vm4, v39, v32  }
0x2b: {  	vm5 =	vgt.f32 v40, v32  }
0x2c: {  	v43 =	vld [tilespmem:s11+$0xFFFFFFF0];
	v32 =	vsel vm5, v40, v32  }
0x2d: {  	vm6 =	vgt.f32 v41, v32  }
0x2e: {  	v44 =	vld [tilespmem:s11+$0x0];
	v32 =	vsel vm6, v41, v32  }
0x2f: {  	vm7 =	vgt.f32 v42, v32  }
0x30: {  	v45 =	vld [tilespmem:s11+$0x10];
	v32 =	vsel vm7, v42, v32  }
0x31: {  	vm8 =	vgt.f32 v43, v32  }
0x32: {  	v46 =	vld [tilespmem:s11+$0x20];
	v32 =	vsel vm8, v43, v32  }
0x33: {  	vm9 =	vgt.f32 v44, v32  }
0x34: {  	v47 =	vld [tilespmem:s11+$0x30];
	v32 =	vsel vm9, v44, v32  }
0x35: {  	vm10 =	vgt.f32 v45, v32  }
0x36: {  	v48 =	vld [tilespmem:s11+$0x40];
	v32 =	vsel vm10, v45, v32  }
0x37: {  	vm11 =	vgt.f32 v46, v32  }
0x38: {  	v49 =	vld [tilespmem:s11+$0x50];
	v32 =	vsel vm11, v46, v32  }
0x39: {  	vm12 =	vgt.f32 v47, v32  }
0x3a: {  	v50 =	vld [tilespmem:s11+$0x60];
	v32 =	vsel vm12, v47, v32  }
0x3b: {  	vm13 =	vgt.f32 v48, v32  }
0x3c: {  	v51 =	vld [tilespmem:s11+$0x70];
	v32 =	vsel vm13, v48, v32  }
0x3d: {  	vm14 =	vgt.f32 v49, v32  }
0x3e: {  	v52 =	vld [tilespmem:s11+$0x80];
	v32 =	vsel vm14, v49, v32  }
0x3f: {  	vm15 =	vgt.f32 v50, v32  }
0x40: {  	v53 =	vld [tilespmem:s11+$0x90];
	v32 =	vsel vm15, v50, v32  }
0x41: {  	v33 =	vsel vm0, v5, v3;
	vm0 =	vgt.f32 v51, v32  }
0x42: {  	v33 =	vsel vm1, v6, v33;
	v32 =	vsel vm0, v51, v32  }
0x43: {  	v33 =	vsel vm2, v7, v33;
	vm1 =	vgt.f32 v52, v32  }
0x44: {  	v33 =	vsel vm3, v8, v33;
	v32 =	vsel vm1, v52, v32  }
0x45: {  	v33 =	vsel vm4, v9, v33;
	vm2 =	vgt.f32 v53, v32  }
0x46: {  	v33 =	vsel vm5, v10, v33;
	v32 =	vsel vm2, v53, v32  }
0x47: {  	v33 =	vsel vm6, v11, v33;
	v54 =	vperm.xlane v32, v0  }
0x48: {  	v33 =	vsel vm7, v12, v33  }
0x49: {  	v33 =	vsel vm8, v13, v33;
	v54 =	vmax.f32 v32, v54  }
0x4a: {  	v33 =	vsel vm9, v14, v33;
	v55 =	vperm.xlane v54, v1  }
0x4b: {  	v33 =	vsel vm10, v15, v33  }
0x4c: {  	v33 =	vsel vm11, v16, v33;
	v54 =	vmax.f32 v54, v55  }
0x4d: {  	v33 =	vsel vm12, v17, v33;
	v55 =	vperm.xlane v54, v2  }
0x4e: {  	v33 =	vsel vm13, v18, v33  }
0x4f: {  	v33 =	vsel vm14, v19, v33;
	v54 =	vmax.f32 v54, v55  }
0x50: {  	v33 =	vsel vm15, v20, v33;
	v55 =	vperm.xlane v54, v4  }
0x51: {  	v56 =	vsel vm0, v21, v33  }
0x52: {  	v60 =	vsel vm1, v22, v56;
	v33 =	vmax.f32 v54, v55  }
0x53: {  	v54 =	vsel vm2, v23, v60;
	vm14 =	veq.f32 v32, v33  }
0x54: {  	v32 =	vnsel vm14, $0x180, v54  }
0x55: {  	v54 =	vperm.xlane v32, v0;
	_ =	sdelay $0x1  }
0x56: {  	vm0 =	vlt.s32 v32, v54  }
0x57: {  	v32 =	vsel vm0, v32, v54  }
0x58: {  	v54 =	vperm.xlane v32, v1;
	_ =	sdelay $0x1  }
0x59: {  	vm0 =	vlt.s32 v32, v54  }
0x5a: {  	v32 =	vsel vm0, v32, v54  }
0x5b: {  	v54 =	vperm.xlane v32, v2;
	_ =	sdelay $0x1  }
0x5c: {  	vm0 =	vlt.s32 v32, v54  }
0x5d: {  	v32 =	vsel vm0, v32, v54  }
0x5e: {  	v54 =	vperm.xlane v32, v4;
	_ =	sdelay $0x1  }
0x5f: {  	vm0 =	vlt.s32 v32, v54  }
0x60: {  	v32 =	vsel vm0, v32, v54  }
0x61: {  	vm0 =	veq.s32 v32, v3;
	vm15 =	veq.s32 v32, v5  }
0x62: {  	v61 =	vsel vm0, $0xFF800000, v34;
	v62 =	vsel vm15, $0xFF800000, v35  }
0x63: {  	vm4 =	veq.s32 v32, v6;
	vm2 =	vgt.f32 v62, v61  }
0x64: {  	v36 =	vsel vm4, $0xFF800000, v36;
	v34 =	vsel vm2, v62, v61  }
0x65: {  	vm5 =	veq.s32 v32, v7;
	vm6 =	vgt.f32 v36, v34  }
0x66: {  	v37 =	vsel vm5, $0xFF800000, v37;
	v34 =	vsel vm6, v36, v34  }
0x67: {  	vm7 =	veq.s32 v32, v8;
	vm3 =	vgt.f32 v37, v34  }
0x68: {  	v38 =	vsel vm7, $0xFF800000, v38;
	v34 =	vsel vm3, v37, v34  }
0x69: {  	vm8 =	veq.s32 v32, v9;
	vm4 =	vgt.f32 v38, v34  }
0x6a: {  	v39 =	vsel vm8, $0xFF800000, v39;
	v34 =	vsel vm4, v38, v34  }
0x6b: {  	vm9 =	veq.s32 v32, v10;
	vm5 =	vgt.f32 v39, v34  }
0x6c: {  	v24 =	vimm.s32 $0x0;
	v40 =	vsel vm9, $0xFF800000, v40;
	v34 =	vsel vm5, v39, v34  }
0x6d: {  	vm10 =	veq.s32 v32, v11;
	v24 =	vsel vm6, $0xFFFFFFFF, v24;
	vm6 =	vgt.f32 v40, v34  }
0x6e: {  	v41 =	vsel vm10, $0xFF800000, v41;
	v34 =	vsel vm6, v40, v34  }
0x6f: {  	vm11 =	veq.s32 v32, v12;
	vm7 =	vgt.f32 v41, v34  }
0x70: {  	v42 =	vsel vm11, $0xFF800000, v42;
	v34 =	vsel vm7, v41, v34  }
0x71: {  	vm12 =	veq.s32 v32, v13;
	vm1 =	vgt.f32 v42, v34  }
0x72: {  	v43 =	vsel vm12, $0xFF800000, v43;
	v34 =	vsel vm1, v42, v34  }
0x73: {  	vm13 =	veq.s32 v32, v14;
	vm8 =	vgt.f32 v43, v34  }
0x74: {  	v44 =	vsel vm13, $0xFF800000, v44;
	v34 =	vsel vm8, v43, v34  }
0x75: {  	vm14 =	veq.s32 v32, v15;
	vm9 =	vgt.f32 v44, v34  }
0x76: {  	v45 =	vsel vm14, $0xFF800000, v45;
	v34 =	vsel vm9, v44, v34  }
0x77: {  	vm15 =	veq.s32 v32, v16;
	vm10 =	vgt.f32 v45, v34  }
0x78: {  	v46 =	vsel vm15, $0xFF800000, v46;
	v34 =	vsel vm10, v45, v34  }
0x79: {  	vm0 =	veq.s32 v32, v17;
	vm11 =	vgt.f32 v46, v34  }
0x7a: {  	v47 =	vsel vm0, $0xFF800000, v47;
	v34 =	vsel vm11, v46, v34  }
0x7b: {  	vm0 =	veq.s32 v32, v18;
	vm12 =	vgt.f32 v47, v34  }
0x7c: {  	v48 =	vsel vm0, $0xFF800000, v48;
	v34 =	vsel vm12, v47, v34  }
0x7d: {  	vm0 =	veq.s32 v32, v19;
	[tilespmem:$0x1FF50] =	vst v24;
	vm13 =	vgt.f32 v48, v34  }
0x7e: {  	v49 =	vsel vm0, $0xFF800000, v49;
	v24 =	vld [tilespmem:$0x1FF50];
	v34 =	vsel vm13, v48, v34  }
0x7f: {  	vm0 =	veq.s32 v32, v20;
	vm14 =	vgt.f32 v49, v34  }
0x80: {  	v50 =	vsel vm0, $0xFF800000, v50;
	v34 =	vsel vm14, v49, v34  }
0x81: {  	v63 =	vsel vm2, v5, v3;
	vm0 =	veq.s32 v32, v21;
	vm15 =	vgt.f32 v50, v34  }
0x82: {  	v51 =	vsel vm0, $0xFF800000, v51;
	vm0 =	veq.s32 v32, v22;
	v34 =	vsel vm15, v50, v34  }
0x83: {  	v52 =	vsel vm0, $0xFF800000, v52;
	vm0 =	vnez.u8 v24;
	vm2 =	vgt.f32 v51, v34  }
0x84: {  	v35 =	vsel vm0, v6, v63;
	v34 =	vsel vm2, v51, v34  }
0x85: {  	vm0 =	veq.s32 v32, v23;
	v35 =	vsel vm3, v7, v35;
	vm3 =	vgt.f32 v52, v34  }
0x86: {  	v53 =	vsel vm0, $0xFF800000, v53;
	v35 =	vsel vm4, v8, v35;
	v34 =	vsel vm3, v52, v34  }
0x87: {  	v35 =	vsel vm5, v9, v35;
	vm0 =	vgt.f32 v53, v34  }
0x88: {  	v35 =	vsel vm6, v10, v35;
	v34 =	vsel vm0, v53, v34  }
0x89: {  	v35 =	vsel vm7, v11, v35;
	v26 =	vperm.xlane v34, v0  }
0x8a: {  	v35 =	vsel vm1, v12, v35  }
0x8b: {  	v35 =	vsel vm8, v13, v35;
	v56 =	vmax.f32 v34, v26  }
0x8c: {  	v35 =	vsel vm9, v14, v35;
	v57 =	vperm.xlane v56, v1  }
0x8d: {  	v35 =	vsel vm10, v15, v35  }
0x8e: {  	v35 =	vsel vm11, v16, v35;
	v56 =	vmax.f32 v56, v57  }
0x8f: {  	v35 =	vsel vm12, v17, v35;
	v57 =	vperm.xlane v56, v2  }
0x90: {  	v35 =	vsel vm13, v18, v35  }
0x91: {  	v35 =	vsel vm14, v19, v35;
	v56 =	vmax.f32 v56, v57  }
0x92: {  	v35 =	vsel vm15, v20, v35;
	v57 =	vperm.xlane v56, v4  }
0x93: {  	v58 =	vsel vm2, v21, v35  }
0x94: {  	v60 =	vsel vm3, v22, v58;
	v35 =	vmax.f32 v56, v57  }
0x95: {  	v56 =	vsel vm0, v23, v60;
	vm14 =	veq.f32 v34, v35  }
0x96: {  	v34 =	vnsel vm14, $0x180, v56  }
0x97: {  	v56 =	vperm.xlane v34, v0;
	_ =	sdelay $0x1  }
0x98: {  	vm0 =	vlt.s32 v34, v56  }
0x99: {  	v34 =	vsel vm0, v34, v56  }
0x9a: {  	v56 =	vperm.xlane v34, v1;
	_ =	sdelay $0x1  }
0x9b: {  	vm0 =	vlt.s32 v34, v56  }
0x9c: {  	v34 =	vsel vm0, v34, v56  }
0x9d: {  	v56 =	vperm.xlane v34, v2;
	_ =	sdelay $0x1  }
0x9e: {  	vm0 =	vlt.s32 v34, v56  }
0x9f: {  	v34 =	vsel vm0, v34, v56  }
0xa0: {  	v56 =	vperm.xlane v34, v4;
	_ =	sdelay $0x1  }
0xa1: {  	vm0 =	vlt.s32 v34, v56  }
0xa2: {  	v34 =	vsel vm0, v34, v56  }
0xa3: {  	vm0 =	veq.s32 v34, v3;
	vm15 =	veq.s32 v34, v5  }
0xa4: {  	v54 =	vsel vm0, $0xFF800000, v61;
	v55 =	vsel vm15, $0xFF800000, v62  }
0xa5: {  	vm4 =	veq.s32 v34, v6;
	vm2 =	vgt.f32 v55, v54  }
0xa6: {  	v56 =	vsel vm4, $0xFF800000, v36;
	v61 =	vsel vm2, v55, v54  }
0xa7: {  	vm5 =	veq.s32 v34, v7;
	vm6 =	vgt.f32 v56, v61  }
0xa8: {  	v57 =	vsel vm5, $0xFF800000, v37;
	v36 =	vsel vm6, v56, v61  }
0xa9: {  	vm7 =	veq.s32 v34, v8;
	vm3 =	vgt.f32 v57, v36  }
0xaa: {  	v38 =	vsel vm7, $0xFF800000, v38;
	v36 =	vsel vm3, v57, v36  }
0xab: {  	vm8 =	veq.s32 v34, v9;
	vm4 =	vgt.f32 v38, v36  }
0xac: {  	v39 =	vsel vm8, $0xFF800000, v39;
	v36 =	vsel vm4, v38, v36  }
0xad: {  	vm9 =	veq.s32 v34, v10;
	vm5 =	vgt.f32 v39, v36  }
0xae: {  	v62 =	vimm.s32 $0x0;
	v40 =	vsel vm9, $0xFF800000, v40;
	v36 =	vsel vm5, v39, v36  }
0xaf: {  	vm10 =	veq.s32 v34, v11;
	v24 =	vsel vm6, $0xFFFFFFFF, v62;
	vm6 =	vgt.f32 v40, v36  }
0xb0: {  	v41 =	vsel vm10, $0xFF800000, v41;
	v36 =	vsel vm6, v40, v36  }
0xb1: {  	vm11 =	veq.s32 v34, v12;
	vm7 =	vgt.f32 v41, v36  }
0xb2: {  	v42 =	vsel vm11, $0xFF800000, v42;
	v36 =	vsel vm7, v41, v36  }
0xb3: {  	vm12 =	veq.s32 v34, v13;
	vm1 =	vgt.f32 v42, v36  }
0xb4: {  	v43 =	vsel vm12, $0xFF800000, v43;
	v36 =	vsel vm1, v42, v36  }
0xb5: {  	vm13 =	veq.s32 v34, v14;
	vm8 =	vgt.f32 v43, v36  }
0xb6: {  	v44 =	vsel vm13, $0xFF800000, v44;
	v36 =	vsel vm8, v43, v36  }
0xb7: {  	vm14 =	veq.s32 v34, v15;
	vm9 =	vgt.f32 v44, v36  }
0xb8: {  	v45 =	vsel vm14, $0xFF800000, v45;
	v36 =	vsel vm9, v44, v36  }
0xb9: {  	vm15 =	veq.s32 v34, v16;
	vm10 =	vgt.f32 v45, v36  }
0xba: {  	v46 =	vsel vm15, $0xFF800000, v46;
	v36 =	vsel vm10, v45, v36  }
0xbb: {  	vm0 =	veq.s32 v34, v17;
	vm11 =	vgt.f32 v46, v36  }
0xbc: {  	v47 =	vsel vm0, $0xFF800000, v47;
	v36 =	vsel vm11, v46, v36  }
0xbd: {  	vm0 =	veq.s32 v34, v18;
	vm12 =	vgt.f32 v47, v36  }
0xbe: {  	v48 =	vsel vm0, $0xFF800000, v48;
	v36 =	vsel vm12, v47, v36  }
0xbf: {  	vm0 =	veq.s32 v34, v19;
	[tilespmem:$0x1FF60] =	vst v24;
	vm13 =	vgt.f32 v48, v36  }
0xc0: {  	v49 =	vsel vm0, $0xFF800000, v49;
	v24 =	vld [tilespmem:$0x1FF60];
	v36 =	vsel vm13, v48, v36  }
0xc1: {  	vm0 =	veq.s32 v34, v20;
	vm14 =	vgt.f32 v49, v36  }
0xc2: {  	v50 =	vsel vm0, $0xFF800000, v50;
	v36 =	vsel vm14, v49, v36  }
0xc3: {  	v63 =	vsel vm2, v5, v3;
	vm0 =	veq.s32 v34, v21;
	vm15 =	vgt.f32 v50, v36  }
0xc4: {  	v51 =	vsel vm0, $0xFF800000, v51;
	vm0 =	veq.s32 v34, v22;
	v36 =	vsel vm15, v50, v36  }
0xc5: {  	v52 =	vsel vm0, $0xFF800000, v52;
	vm0 =	vnez.u8 v24;
	vm2 =	vgt.f32 v51, v36  }
0xc6: {  	v37 =	vsel vm0, v6, v63;
	v36 =	vsel vm2, v51, v36  }
0xc7: {  	vm0 =	veq.s32 v34, v23;
	v37 =	vsel vm3, v7, v37;
	vm3 =	vgt.f32 v52, v36  }
0xc8: {  	v53 =	vsel vm0, $0xFF800000, v53;
	v37 =	vsel vm4, v8, v37;
	v36 =	vsel vm3, v52, v36  }
0xc9: {  	v37 =	vsel vm5, v9, v37;
	vm0 =	vgt.f32 v53, v36  }
0xca: {  	v37 =	vsel vm6, v10, v37;
	v36 =	vsel vm0, v53, v36  }
0xcb: {  	v37 =	vsel vm7, v11, v37;
	v25 =	vperm.xlane v36, v0  }
0xcc: {  	v37 =	vsel vm1, v12, v37  }
0xcd: {  	v37 =	vsel vm8, v13, v37;
	v58 =	vmax.f32 v36, v25  }
0xce: {  	v37 =	vsel vm9, v14, v37;
	v59 =	vperm.xlane v58, v1  }
0xcf: {  	v37 =	vsel vm10, v15, v37  }
0xd0: {  	v37 =	vsel vm11, v16, v37;
	v58 =	vmax.f32 v58, v59  }
0xd1: {  	v37 =	vsel vm12, v17, v37;
	v59 =	vperm.xlane v58, v2  }
0xd2: {  	v37 =	vsel vm13, v18, v37  }
0xd3: {  	v37 =	vsel vm14, v19, v37;
	v58 =	vmax.f32 v58, v59  }
0xd4: {  	v37 =	vsel vm15, v20, v37;
	v59 =	vperm.xlane v58, v4  }
0xd5: {  	v60 =	vsel vm2, v21, v37  }
0xd6: {  	v26 =	vsel vm3, v22, v60;
	v37 =	vmax.f32 v58, v59  }
0xd7: {  	v58 =	vsel vm0, v23, v26;
	vm14 =	veq.f32 v36, v37  }
0xd8: {  	v36 =	vnsel vm14, $0x180, v58  }
0xd9: {  	v58 =	vperm.xlane v36, v0;
	_ =	sdelay $0x1  }
0xda: {  	vm0 =	vlt.s32 v36, v58  }
0xdb: {  	v36 =	vsel vm0, v36, v58  }
0xdc: {  	v58 =	vperm.xlane v36, v1;
	_ =	sdelay $0x1  }
0xdd: {  	vm0 =	vlt.s32 v36, v58  }
0xde: {  	v36 =	vsel vm0, v36, v58  }
0xdf: {  	v58 =	vperm.xlane v36, v2;
	_ =	sdelay $0x1  }
0xe0: {  	vm0 =	vlt.s32 v36, v58  }
0xe1: {  	v36 =	vsel vm0, v36, v58  }
0xe2: {  	v58 =	vperm.xlane v36, v4;
	_ =	sdelay $0x1  }
0xe3: {  	vm0 =	vlt.s32 v36, v58  }
0xe4: {  	v36 =	vsel vm0, v36, v58  }
0xe5: {  	vm0 =	veq.s32 v36, v3;
	vm15 =	veq.s32 v36, v5  }
0xe6: {  	v54 =	vsel vm0, $0xFF800000, v54;
	v55 =	vsel vm15, $0xFF800000, v55  }
0xe7: {  	vm4 =	veq.s32 v36, v6;
	vm2 =	vgt.f32 v55, v54  }
0xe8: {  	v56 =	vsel vm4, $0xFF800000, v56;
	v60 =	vsel vm2, v55, v54  }
0xe9: {  	vm5 =	veq.s32 v36, v7;
	vm6 =	vgt.f32 v56, v60  }
0xea: {  	v57 =	vsel vm5, $0xFF800000, v57;
	v58 =	vsel vm6, v56, v60  }
0xeb: {  	vm7 =	veq.s32 v36, v8;
	vm3 =	vgt.f32 v57, v58  }
0xec: {  	v59 =	vsel vm7, $0xFF800000, v38;
	v62 =	vsel vm3, v57, v58  }
0xed: {  	vm8 =	veq.s32 v36, v9;
	vm4 =	vgt.f32 v59, v62  }
0xee: {  	v58 =	vsel vm8, $0xFF800000, v39;
	v38 =	vsel vm4, v59, v62  }
0xef: {  	vm9 =	veq.s32 v36, v10;
	vm5 =	vgt.f32 v58, v38  }
0xf0: {  	v61 =	vimm.s32 $0x0;
	v40 =	vsel vm9, $0xFF800000, v40;
	v38 =	vsel vm5, v58, v38  }
0xf1: {  	vm10 =	veq.s32 v36, v11;
	v24 =	vsel vm6, $0xFFFFFFFF, v61;
	vm6 =	vgt.f32 v40, v38  }
0xf2: {  	v41 =	vsel vm10, $0xFF800000, v41;
	v38 =	vsel vm6, v40, v38  }
0xf3: {  	vm11 =	veq.s32 v36, v12;
	vm7 =	vgt.f32 v41, v38  }
0xf4: {  	v42 =	vsel vm11, $0xFF800000, v42;
	v38 =	vsel vm7, v41, v38  }
0xf5: {  	vm12 =	veq.s32 v36, v13;
	vm1 =	vgt.f32 v42, v38  }
0xf6: {  	v43 =	vsel vm12, $0xFF800000, v43;
	v38 =	vsel vm1, v42, v38  }
0xf7: {  	vm13 =	veq.s32 v36, v14;
	vm8 =	vgt.f32 v43, v38  }
0xf8: {  	v44 =	vsel vm13, $0xFF800000, v44;
	v38 =	vsel vm8, v43, v38  }
0xf9: {  	vm14 =	veq.s32 v36, v15;
	vm9 =	vgt.f32 v44, v38  }
0xfa: {  	v45 =	vsel vm14, $0xFF800000, v45;
	v38 =	vsel vm9, v44, v38  }
0xfb: {  	vm15 =	veq.s32 v36, v16;
	vm10 =	vgt.f32 v45, v38  }
0xfc: {  	v46 =	vsel vm15, $0xFF800000, v46;
	v38 =	vsel vm10, v45, v38  }
0xfd: {  	vm0 =	veq.s32 v36, v17;
	vm11 =	vgt.f32 v46, v38  }
0xfe: {  	v47 =	vsel vm0, $0xFF800000, v47;
	v38 =	vsel vm11, v46, v38  }
0xff: {  	vm0 =	veq.s32 v36, v18;
	vm12 =	vgt.f32 v47, v38  }
0x100: {  	v48 =	vsel vm0, $0xFF800000, v48;
	v38 =	vsel vm12, v47, v38  }
0x101: {  	vm0 =	veq.s32 v36, v19;
	[tilespmem:$0x1FF70] =	vst v24;
	vm13 =	vgt.f32 v48, v38  }
0x102: {  	v49 =	vsel vm0, $0xFF800000, v49;
	v24 =	vld [tilespmem:$0x1FF70];
	v38 =	vsel vm13, v48, v38  }
0x103: {  	vm0 =	veq.s32 v36, v20;
	vm14 =	vgt.f32 v49, v38  }
0x104: {  	v50 =	vsel vm0, $0xFF800000, v50;
	v38 =	vsel vm14, v49, v38  }
0x105: {  	v63 =	vsel vm2, v5, v3;
	vm0 =	veq.s32 v36, v21;
	vm15 =	vgt.f32 v50, v38  }
0x106: {  	v51 =	vsel vm0, $0xFF800000, v51;
	vm0 =	veq.s32 v36, v22;
	v38 =	vsel vm15, v50, v38  }
0x107: {  	v52 =	vsel vm0, $0xFF800000, v52;
	vm0 =	vnez.u8 v24;
	vm2 =	vgt.f32 v51, v38  }
0x108: {  	v39 =	vsel vm0, v6, v63;
	v38 =	vsel vm2, v51, v38  }
0x109: {  	vm0 =	veq.s32 v36, v23;
	v39 =	vsel vm3, v7, v39;
	vm3 =	vgt.f32 v52, v38  }
0x10a: {  	v53 =	vsel vm0, $0xFF800000, v53;
	v39 =	vsel vm4, v8, v39;
	v38 =	vsel vm3, v52, v38  }
0x10b: {  	v39 =	vsel vm5, v9, v39;
	vm0 =	vgt.f32 v53, v38  }
0x10c: {  	v39 =	vsel vm6, v10, v39;
	v38 =	vsel vm0, v53, v38  }
0x10d: {  	v39 =	vsel vm7, v11, v39;
	v25 =	vperm.xlane v38, v0  }
0x10e: {  	v39 =	vsel vm1, v12, v39  }
0x10f: {  	v39 =	vsel vm8, v13, v39;
	v60 =	vmax.f32 v38, v25  }
0x110: {  	v39 =	vsel vm9, v14, v39;
	v61 =	vperm.xlane v60, v1  }
0x111: {  	v39 =	vsel vm10, v15, v39  }
0x112: {  	v39 =	vsel vm11, v16, v39;
	v60 =	vmax.f32 v60, v61  }
0x113: {  	v39 =	vsel vm12, v17, v39;
	v61 =	vperm.xlane v60, v2  }
0x114: {  	v39 =	vsel vm13, v18, v39  }
0x115: {  	v39 =	vsel vm14, v19, v39;
	v60 =	vmax.f32 v60, v61  }
0x116: {  	v39 =	vsel vm15, v20, v39;
	v61 =	vperm.xlane v60, v4  }
0x117: {  	v62 =	vsel vm2, v21, v39  }
0x118: {  	v26 =	vsel vm3, v22, v62;
	v39 =	vmax.f32 v60, v61  }
0x119: {  	v60 =	vsel vm0, v23, v26;
	vm14 =	veq.f32 v38, v39  }
0x11a: {  	v38 =	vnsel vm14, $0x180, v60  }
0x11b: {  	v60 =	vperm.xlane v38, v0;
	_ =	sdelay $0x1  }
0x11c: {  	vm0 =	vlt.s32 v38, v60  }
0x11d: {  	v38 =	vsel vm0, v38, v60  }
0x11e: {  	v60 =	vperm.xlane v38, v1;
	_ =	sdelay $0x1  }
0x11f: {  	vm0 =	vlt.s32 v38, v60  }
0x120: {  	v38 =	vsel vm0, v38, v60  }
0x121: {  	v60 =	vperm.xlane v38, v2;
	_ =	sdelay $0x1  }
0x122: {  	vm0 =	vlt.s32 v38, v60  }
0x123: {  	v38 =	vsel vm0, v38, v60  }
0x124: {  	v60 =	vperm.xlane v38, v4;
	_ =	sdelay $0x1  }
0x125: {  	vm0 =	vlt.s32 v38, v60  }
0x126: {  	v38 =	vsel vm0, v38, v60  }
0x127: {  	vm0 =	veq.s32 v38, v3;
	vm15 =	veq.s32 v38, v5  }
0x128: {  	v54 =	vsel vm0, $0xFF800000, v54;
	v55 =	vsel vm15, $0xFF800000, v55  }
0x129: {  	vm4 =	veq.s32 v38, v6;
	vm2 =	vgt.f32 v55, v54  }
0x12a: {  	v56 =	vsel vm4, $0xFF800000, v56;
	v60 =	vsel vm2, v55, v54  }
0x12b: {  	vm5 =	veq.s32 v38, v7;
	vm6 =	vgt.f32 v56, v60  }
0x12c: {  	v57 =	vsel vm5, $0xFF800000, v57;
	v60 =	vsel vm6, v56, v60  }
0x12d: {  	vm7 =	veq.s32 v38, v8;
	vm3 =	vgt.f32 v57, v60  }
0x12e: {  	v59 =	vsel vm7, $0xFF800000, v59;
	v60 =	vsel vm3, v57, v60  }
0x12f: {  	vm8 =	veq.s32 v38, v9;
	vm4 =	vgt.f32 v59, v60  }
0x130: {  	v58 =	vsel vm8, $0xFF800000, v58;
	v60 =	vsel vm4, v59, v60  }
0x131: {  	vm9 =	veq.s32 v38, v10;
	vm5 =	vgt.f32 v58, v60  }
0x132: {  	v63 =	vimm.s32 $0x0;
	v61 =	vsel vm9, $0xFF800000, v40;
	v26 =	vsel vm5, v58, v60  }
0x133: {  	vm10 =	veq.s32 v38, v11;
	v24 =	vsel vm6, $0xFFFFFFFF, v63;
	vm6 =	vgt.f32 v61, v26  }
0x134: {  	v60 =	vsel vm10, $0xFF800000, v41;
	v40 =	vsel vm6, v61, v26  }
0x135: {  	vm11 =	veq.s32 v38, v12;
	vm7 =	vgt.f32 v60, v40  }
0x136: {  	v42 =	vsel vm11, $0xFF800000, v42;
	v40 =	vsel vm7, v60, v40  }
0x137: {  	vm12 =	veq.s32 v38, v13;
	vm1 =	vgt.f32 v42, v40  }
0x138: {  	v43 =	vsel vm12, $0xFF800000, v43;
	v40 =	vsel vm1, v42, v40  }
0x139: {  	vm13 =	veq.s32 v38, v14;
	vm8 =	vgt.f32 v43, v40  }
0x13a: {  	v44 =	vsel vm13, $0xFF800000, v44;
	v40 =	vsel vm8, v43, v40  }
0x13b: {  	vm14 =	veq.s32 v38, v15;
	vm9 =	vgt.f32 v44, v40  }
0x13c: {  	v45 =	vsel vm14, $0xFF800000, v45;
	v40 =	vsel vm9, v44, v40  }
0x13d: {  	vm15 =	veq.s32 v38, v16;
	vm10 =	vgt.f32 v45, v40  }
0x13e: {  	v46 =	vsel vm15, $0xFF800000, v46;
	v40 =	vsel vm10, v45, v40  }
0x13f: {  	vm0 =	veq.s32 v38, v17;
	vm11 =	vgt.f32 v46, v40  }
0x140: {  	v47 =	vsel vm0, $0xFF800000, v47;
	v40 =	vsel vm11, v46, v40  }
0x141: {  	vm0 =	veq.s32 v38, v18;
	vm12 =	vgt.f32 v47, v40  }
0x142: {  	v48 =	vsel vm0, $0xFF800000, v48;
	v40 =	vsel vm12, v47, v40  }
0x143: {  	vm0 =	veq.s32 v38, v19;
	[tilespmem:$0x1FF80] =	vst v24;
	vm13 =	vgt.f32 v48, v40  }
0x144: {  	v49 =	vsel vm0, $0xFF800000, v49;
	v24 =	vld [tilespmem:$0x1FF80];
	v40 =	vsel vm13, v48, v40  }
0x145: {  	vm0 =	veq.s32 v38, v20;
	vm14 =	vgt.f32 v49, v40  }
0x146: {  	v50 =	vsel vm0, $0xFF800000, v50;
	v40 =	vsel vm14, v49, v40  }
0x147: {  	vm0 =	veq.s32 v38, v21;
	v63 =	vsel vm2, v5, v3;
	vm15 =	vgt.f32 v50, v40  }
0x148: {  	v51 =	vsel vm0, $0xFF800000, v51;
	vm0 =	veq.s32 v38, v22;
	v40 =	vsel vm15, v50, v40  }
0x149: {  	v52 =	vsel vm0, $0xFF800000, v52;
	vm0 =	vnez.u8 v24;
	vm2 =	vgt.f32 v51, v40  }
0x14a: {  	v41 =	vsel vm0, v6, v63;
	v40 =	vsel vm2, v51, v40  }
0x14b: {  	vm0 =	veq.s32 v38, v23;
	v41 =	vsel vm3, v7, v41;
	vm3 =	vgt.f32 v52, v40  }
0x14c: {  	v53 =	vsel vm0, $0xFF800000, v53;
	v41 =	vsel vm4, v8, v41;
	v40 =	vsel vm3, v52, v40  }
0x14d: {  	v41 =	vsel vm5, v9, v41;
	vm0 =	vgt.f32 v53, v40  }
0x14e: {  	v41 =	vsel vm6, v10, v41;
	v40 =	vsel vm0, v53, v40  }
0x14f: {  	v41 =	vsel vm7, v11, v41;
	v26 =	vperm.xlane v40, v0  }
0x150: {  	v41 =	vsel vm1, v12, v41  }
0x151: {  	v41 =	vsel vm8, v13, v41;
	v62 =	vmax.f32 v40, v26  }
0x152: {  	v41 =	vsel vm9, v14, v41;
	v63 =	vperm.xlane v62, v1  }
0x153: {  	v41 =	vsel vm10, v15, v41  }
0x154: {  	v41 =	vsel vm11, v16, v41;
	v62 =	vmax.f32 v62, v63  }
0x155: {  	v41 =	vsel vm12, v17, v41;
	v63 =	vperm.xlane v62, v2  }
0x156: {  	v41 =	vsel vm13, v18, v41  }
0x157: {  	v41 =	vsel vm14, v19, v41;
	v62 =	vmax.f32 v62, v63  }
0x158: {  	v41 =	vsel vm15, v20, v41;
	v63 =	vperm.xlane v62, v4  }
0x159: {  	v24 =	vsel vm2, v21, v41  }
0x15a: {  	v24 =	vsel vm3, v22, v24;
	v41 =	vmax.f32 v62, v63  }
0x15b: {  	v24 =	vsel vm0, v23, v24;
	vm14 =	veq.f32 v40, v41  }
0x15c: {  	v24 =	vnsel vm14, $0x180, v24  }
0x15d: {  	v62 =	vperm.xlane v24, v0;
	_ =	sdelay $0x1  }
0x15e: {  	vm0 =	vlt.s32 v24, v62  }
0x15f: {  	v24 =	vsel vm0, v24, v62  }
0x160: {  	v40 =	vperm.xlane v24, v1;
	_ =	sdelay $0x1  }
0x161: {  	vm0 =	vlt.s32 v24, v40  }
0x162: {  	v24 =	vsel vm0, v24, v40  }
0x163: {  	v40 =	vperm.xlane v24, v2;
	_ =	sdelay $0x1  }
0x164: {  	vm0 =	vlt.s32 v24, v40  }
0x165: {  	v24 =	vsel vm0, v24, v40  }
0x166: {  	v40 =	vperm.xlane v24, v4;
	_ =	sdelay $0x1  }
0x167: {  	vm0 =	vlt.s32 v24, v40  }
0x168: {  	v40 =	vsel vm0, v24, v40  }
0x169: {  	vm0 =	veq.s32 v40, v3;
	vm15 =	veq.s32 v40, v5  }
0x16a: {  	v24 =	vsel vm0, $0xFF800000, v54;
	v54 =	vsel vm15, $0xFF800000, v55  }
0x16b: {  	vm4 =	veq.s32 v40, v6;
	vm2 =	vgt.f32 v54, v24  }
0x16c: {  	v55 =	vsel vm4, $0xFF800000, v56;
	v63 =	vsel vm2, v54, v24  }
0x16d: {  	vm5 =	veq.s32 v40, v7;
	vm6 =	vgt.f32 v55, v63  }
0x16e: {  	v57 =	vsel vm5, $0xFF800000, v57;
	v56 =	vsel vm6, v55, v63  }
0x16f: {  	vm7 =	veq.s32 v40, v8;
	vm3 =	vgt.f32 v57, v56  }
0x170: {  	v59 =	vsel vm7, $0xFF800000, v59;
	v56 =	vsel vm3, v57, v56  }
0x171: {  	vm8 =	veq.s32 v40, v9;
	vm4 =	vgt.f32 v59, v56  }
0x172: {  	v58 =	vsel vm8, $0xFF800000, v58;
	v56 =	vsel vm4, v59, v56  }
0x173: {  	vm9 =	veq.s32 v40, v10;
	vm5 =	vgt.f32 v58, v56  }
0x174: {  	v25 =	vimm.s32 $0x0;
	v61 =	vsel vm9, $0xFF800000, v61;
	v56 =	vsel vm5, v58, v56  }
0x175: {  	vm10 =	veq.s32 v40, v11;
	v25 =	vsel vm6, $0xFFFFFFFF, v25;
	vm6 =	vgt.f32 v61, v56  }
0x176: {  	v60 =	vsel vm10, $0xFF800000, v60;
	v56 =	vsel vm6, v61, v56  }
0x177: {  	vm11 =	veq.s32 v40, v12;
	vm7 =	vgt.f32 v60, v56  }
0x178: {  	v62 =	vsel vm11, $0xFF800000, v42;
	v26 =	vsel vm7, v60, v56  }
0x179: {  	vm12 =	veq.s32 v40, v13;
	vm1 =	vgt.f32 v62, v26  }
0x17a: {  	v56 =	vsel vm12, $0xFF800000, v43;
	v42 =	vsel vm1, v62, v26  }
0x17b: {  	vm13 =	veq.s32 v40, v14;
	vm8 =	vgt.f32 v56, v42  }
0x17c: {  	v44 =	vsel vm13, $0xFF800000, v44;
	v42 =	vsel vm8, v56, v42  }
0x17d: {  	vm14 =	veq.s32 v40, v15;
	vm9 =	vgt.f32 v44, v42  }
0x17e: {  	v45 =	vsel vm14, $0xFF800000, v45;
	v42 =	vsel vm9, v44, v42  }
0x17f: {  	vm15 =	veq.s32 v40, v16;
	vm10 =	vgt.f32 v45, v42  }
0x180: {  	v46 =	vsel vm15, $0xFF800000, v46;
	v42 =	vsel vm10, v45, v42  }
0x181: {  	vm0 =	veq.s32 v40, v17;
	vm11 =	vgt.f32 v46, v42  }
0x182: {  	v47 =	vsel vm0, $0xFF800000, v47;
	v42 =	vsel vm11, v46, v42  }
0x183: {  	vm0 =	veq.s32 v40, v18;
	vm12 =	vgt.f32 v47, v42  }
0x184: {  	v48 =	vsel vm0, $0xFF800000, v48;
	v42 =	vsel vm12, v47, v42  }
0x185: {  	vm0 =	veq.s32 v40, v19;
	[tilespmem:$0x1FF90] =	vst v25;
	vm13 =	vgt.f32 v48, v42  }
0x186: {  	v49 =	vsel vm0, $0xFF800000, v49;
	v25 =	vld [tilespmem:$0x1FF90];
	v42 =	vsel vm13, v48, v42  }
0x187: {  	vm0 =	veq.s32 v40, v20;
	vm14 =	vgt.f32 v49, v42  }
0x188: {  	v50 =	vsel vm0, $0xFF800000, v50;
	v42 =	vsel vm14, v49, v42  }
0x189: {  	vm0 =	veq.s32 v40, v21;
	v63 =	vsel vm2, v5, v3;
	vm15 =	vgt.f32 v50, v42  }
0x18a: {  	v51 =	vsel vm0, $0xFF800000, v51;
	vm0 =	veq.s32 v40, v22;
	v42 =	vsel vm15, v50, v42  }
0x18b: {  	v52 =	vsel vm0, $0xFF800000, v52;
	vm0 =	vnez.u8 v25;
	vm2 =	vgt.f32 v51, v42  }
0x18c: {  	v43 =	vsel vm0, v6, v63;
	v42 =	vsel vm2, v51, v42  }
0x18d: {  	vm0 =	veq.s32 v40, v23;
	v43 =	vsel vm3, v7, v43;
	vm3 =	vgt.f32 v52, v42  }
0x18e: {  	v53 =	vsel vm0, $0xFF800000, v53;
	v43 =	vsel vm4, v8, v43;
	v42 =	vsel vm3, v52, v42  }
0x18f: {  	v43 =	vsel vm5, v9, v43;
	vm0 =	vgt.f32 v53, v42  }
0x190: {  	v43 =	vsel vm6, v10, v43;
	v42 =	vsel vm0, v53, v42  }
0x191: {  	v43 =	vsel vm7, v11, v43;
	v26 =	vperm.xlane v42, v0  }
0x192: {  	v43 =	vsel vm1, v12, v43  }
0x193: {  	v43 =	vsel vm8, v13, v43;
	v63 =	vmax.f32 v42, v26  }
0x194: {  	v43 =	vsel vm9, v14, v43;
	v25 =	vperm.xlane v63, v1  }
0x195: {  	v43 =	vsel vm10, v15, v43  }
0x196: {  	v43 =	vsel vm11, v16, v43;
	v25 =	vmax.f32 v63, v25  }
0x197: {  	v43 =	vsel vm12, v17, v43;
	v63 =	vperm.xlane v25, v2  }
0x198: {  	v43 =	vsel vm13, v18, v43  }
0x199: {  	v43 =	vsel vm14, v19, v43;
	v25 =	vmax.f32 v25, v63  }
0x19a: {  	v43 =	vsel vm15, v20, v43;
	v63 =	vperm.xlane v25, v4  }
0x19b: {  	v26 =	vsel vm2, v21, v43  }
0x19c: {  	v43 =	vmax.f32 v25, v63;
	v63 =	vsel vm3, v22, v26  }
0x19d: {  	v25 =	vsel vm0, v23, v63;
	vm14 =	veq.f32 v42, v43  }
0x19e: {  	v25 =	vnsel vm14, $0x180, v25  }
0x19f: {  	v42 =	vperm.xlane v25, v0;
	_ =	sdelay $0x1  }
0x1a0: {  	vm0 =	vlt.s32 v25, v42  }
0x1a1: {  	v25 =	vsel vm0, v25, v42  }
0x1a2: {  	v26 =	vperm.xlane v25, v1;
	_ =	sdelay $0x1  }
0x1a3: {  	vm0 =	vlt.s32 v25, v26  }
0x1a4: {  	v25 =	vsel vm0, v25, v26  }
0x1a5: {  	v26 =	vperm.xlane v25, v2;
	_ =	sdelay $0x1  }
0x1a6: {  	vm0 =	vlt.s32 v25, v26  }
0x1a7: {  	v25 =	vsel vm0, v25, v26  }
0x1a8: {  	v26 =	vperm.xlane v25, v4;
	_ =	sdelay $0x1  }
0x1a9: {  	vm0 =	vlt.s32 v25, v26  }
0x1aa: {  	v42 =	vsel vm0, v25, v26  }
0x1ab: {  	vm0 =	veq.s32 v42, v3;
	vm15 =	veq.s32 v42, v5  }
0x1ac: {  	v24 =	vsel vm0, $0xFF800000, v24;
	v25 =	vsel vm15, $0xFF800000, v54  }
0x1ad: {  	vm4 =	veq.s32 v42, v6;
	vm2 =	vgt.f32 v25, v24  }
0x1ae: {  	v26 =	vsel vm4, $0xFF800000, v55;
	v54 =	vsel vm2, v25, v24  }
0x1af: {  	vm5 =	veq.s32 v42, v7;
	vm6 =	vgt.f32 v26, v54  }
0x1b0: {  	v55 =	vsel vm5, $0xFF800000, v57;
	v54 =	vsel vm6, v26, v54  }
0x1b1: {  	vm7 =	veq.s32 v42, v8;
	vm3 =	vgt.f32 v55, v54  }
0x1b2: {  	v57 =	vsel vm7, $0xFF800000, v59;
	v54 =	vsel vm3, v55, v54  }
0x1b3: {  	vm8 =	veq.s32 v42, v9;
	vm4 =	vgt.f32 v57, v54  }
0x1b4: {  	v58 =	vsel vm8, $0xFF800000, v58;
	v54 =	vsel vm4, v57, v54  }
0x1b5: {  	vm9 =	veq.s32 v42, v10;
	vm5 =	vgt.f32 v58, v54  }
0x1b6: {  	v27 =	vimm.s32 $0x0;
	v59 =	vsel vm9, $0xFF800000, v61;
	v54 =	vsel vm5, v58, v54  }
0x1b7: {  	vm10 =	veq.s32 v42, v11;
	v27 =	vsel vm6, $0xFFFFFFFF, v27;
	vm6 =	vgt.f32 v59, v54  }
0x1b8: {  	v60 =	vsel vm10, $0xFF800000, v60;
	v54 =	vsel vm6, v59, v54  }
0x1b9: {  	vm11 =	veq.s32 v42, v12;
	vm7 =	vgt.f32 v60, v54  }
0x1ba: {  	v61 =	vsel vm11, $0xFF800000, v62;
	v54 =	vsel vm7, v60, v54  }
0x1bb: {  	vm12 =	veq.s32 v42, v13;
	vm1 =	vgt.f32 v61, v54  }
0x1bc: {  	v56 =	vsel vm12, $0xFF800000, v56;
	v54 =	vsel vm1, v61, v54  }
0x1bd: {  	vm13 =	veq.s32 v42, v14;
	vm8 =	vgt.f32 v56, v54  }
0x1be: {  	v62 =	vsel vm13, $0xFF800000, v44;
	v54 =	vsel vm8, v56, v54  }
0x1bf: {  	vm14 =	veq.s32 v42, v15;
	vm9 =	vgt.f32 v62, v54  }
0x1c0: {  	v45 =	vsel vm14, $0xFF800000, v45;
	v44 =	vsel vm9, v62, v54  }
0x1c1: {  	vm15 =	veq.s32 v42, v16;
	vm10 =	vgt.f32 v45, v44  }
0x1c2: {  	v46 =	vsel vm15, $0xFF800000, v46;
	v44 =	vsel vm10, v45, v44  }
0x1c3: {  	vm0 =	veq.s32 v42, v17;
	vm11 =	vgt.f32 v46, v44  }
0x1c4: {  	v47 =	vsel vm0, $0xFF800000, v47;
	v44 =	vsel vm11, v46, v44  }
0x1c5: {  	vm0 =	veq.s32 v42, v18;
	vm12 =	vgt.f32 v47, v44  }
0x1c6: {  	v48 =	vsel vm0, $0xFF800000, v48;
	v44 =	vsel vm12, v47, v44  }
0x1c7: {  	vm0 =	veq.s32 v42, v19;
	[tilespmem:$0x1FFA0] =	vst v27;
	vm13 =	vgt.f32 v48, v44  }
0x1c8: {  	v49 =	vsel vm0, $0xFF800000, v49;
	v27 =	vld [tilespmem:$0x1FFA0];
	v44 =	vsel vm13, v48, v44  }
0x1c9: {  	vm0 =	veq.s32 v42, v20;
	vm14 =	vgt.f32 v49, v44  }
0x1ca: {  	v50 =	vsel vm0, $0xFF800000, v50;
	v44 =	vsel vm14, v49, v44  }
0x1cb: {  	v63 =	vsel vm2, v5, v3;
	vm0 =	veq.s32 v42, v21;
	vm15 =	vgt.f32 v50, v44  }
0x1cc: {  	v51 =	vsel vm0, $0xFF800000, v51;
	vm0 =	veq.s32 v42, v22;
	v44 =	vsel vm15, v50, v44  }
0x1cd: {  	v52 =	vsel vm0, $0xFF800000, v52;
	vm0 =	vnez.u8 v27;
	vm2 =	vgt.f32 v51, v44  }
0x1ce: {  	v54 =	vsel vm0, v6, v63;
	v44 =	vsel vm2, v51, v44  }
0x1cf: {  	vm0 =	veq.s32 v42, v23;
	v54 =	vsel vm3, v7, v54;
	vm3 =	vgt.f32 v52, v44  }
0x1d0: {  	v53 =	vsel vm0, $0xFF800000, v53;
	v54 =	vsel vm4, v8, v54;
	v44 =	vsel vm3, v52, v44  }
0x1d1: {  	v54 =	vsel vm5, v9, v54;
	vm0 =	vgt.f32 v53, v44  }
0x1d2: {  	v54 =	vsel vm6, v10, v54;
	v44 =	vsel vm0, v53, v44  }
0x1d3: {  	v54 =	vsel vm7, v11, v54;
	v63 =	vperm.xlane v44, v0  }
0x1d4: {  	v54 =	vsel vm1, v12, v54  }
0x1d5: {  	v54 =	vsel vm8, v13, v54;
	v63 =	vmax.f32 v44, v63  }
0x1d6: {  	v54 =	vsel vm9, v14, v54;
	v27 =	vperm.xlane v63, v1  }
0x1d7: {  	v54 =	vsel vm10, v15, v54  }
0x1d8: {  	v54 =	vsel vm11, v16, v54;
	v27 =	vmax.f32 v63, v27  }
0x1d9: {  	v54 =	vsel vm12, v17, v54;
	v63 =	vperm.xlane v27, v2  }
0x1da: {  	v54 =	vsel vm13, v18, v54  }
0x1db: {  	v54 =	vsel vm14, v19, v54;
	v27 =	vmax.f32 v27, v63  }
0x1dc: {  	v54 =	vsel vm15, v20, v54;
	v63 =	vperm.xlane v27, v4  }
0x1dd: {  	v54 =	vsel vm2, v21, v54  }
0x1de: {  	v54 =	vsel vm3, v22, v54;
	v27 =	vmax.f32 v27, v63  }
0x1df: {  	v54 =	vsel vm0, v23, v54;
	vm5 =	veq.f32 v44, v27  }
0x1e0: {  	v44 =	vnsel vm5, $0x180, v54  }
0x1e1: {  	v54 =	vperm.xlane v44, v0;
	_ =	sdelay $0x1  }
0x1e2: {  	vm0 =	vlt.s32 v44, v54  }
0x1e3: {  	v44 =	vsel vm0, v44, v54  }
0x1e4: {  	v54 =	vperm.xlane v44, v1;
	_ =	sdelay $0x1  }
0x1e5: {  	vm0 =	vlt.s32 v44, v54  }
0x1e6: {  	v44 =	vsel vm0, v44, v54  }
0x1e7: {  	v54 =	vperm.xlane v44, v2;
	_ =	sdelay $0x1  }
0x1e8: {  	vm0 =	vlt.s32 v44, v54  }
0x1e9: {  	v44 =	vsel vm0, v44, v54  }
0x1ea: {  	v54 =	vperm.xlane v44, v4;
	_ =	sdelay $0x1  }
0x1eb: {  	vm0 =	vlt.s32 v44, v54  }
0x1ec: {  	v44 =	vsel vm0, v44, v54  }
0x1ed: {  	vm0 =	veq.s32 v44, v3;
	vm6 =	veq.s32 v44, v5  }
0x1ee: {  	v24 =	vsel vm0, $0xFF800000, v24;
	v25 =	vsel vm6, $0xFF800000, v25  }
0x1ef: {  	v63 =	vimm.s32 $0x0;
	vm7 =	veq.s32 v44, v6;
	vm1 =	vgt.f32 v25, v24  }
0x1f0: {  	v54 =	vsel vm1, $0xFFFFFFFF, v63;
	v24 =	vsel vm1, v25, v24;
	v63 =	vsel vm7, $0xFF800000, v26  }
0x1f1: {  	vm8 =	veq.s32 v44, v7;
	vm1 =	vgt.f32 v63, v24  }
0x1f2: {  	v55 =	vsel vm8, $0xFF800000, v55;
	[tilespmem:$0x1FFB0] =	vst v54;
	v54 =	vimm.s32 $0x0;
	v24 =	vsel vm1, v63, v24  }
0x1f3: {  	vm9 =	veq.s32 v44, v8;
	v26 =	vsel vm1, $0xFFFFFFFF, v54;
	vm1 =	vgt.f32 v55, v24  }
0x1f4: {  	v63 =	vimm.s32 $0x0;
	v54 =	vsel vm9, $0xFF800000, v57;
	v24 =	vsel vm1, v55, v24  }
0x1f5: {  	vm10 =	veq.s32 v44, v9;
	[tilespmem:$0x1FFC0] =	vst v26;
	v26 =	vsel vm1, $0xFFFFFFFF, v63;
	vm1 =	vgt.f32 v54, v24  }
0x1f6: {  	v57 =	vsel vm10, $0xFF800000, v58;
	v24 =	vsel vm1, v54, v24  }
0x1f7: {  	vm11 =	veq.s32 v44, v10;
	vm12 =	vgt.f32 v57, v24  }
0x1f8: {  	v58 =	vsel vm11, $0xFF800000, v59;
	v24 =	vsel vm12, v57, v24  }
0x1f9: {  	vm4 =	veq.s32 v44, v11;
	vm13 =	vgt.f32 v58, v24  }
0x1fa: {  	v59 =	vsel vm4, $0xFF800000, v60;
	v24 =	vsel vm13, v58, v24  }
0x1fb: {  	vm5 =	veq.s32 v44, v12;
	vm14 =	vgt.f32 v59, v24  }
0x1fc: {  	v60 =	vsel vm5, $0xFF800000, v61;
	v24 =	vsel vm14, v59, v24  }
0x1fd: {  	vm6 =	veq.s32 v44, v13;
	vm15 =	vgt.f32 v60, v24  }
0x1fe: {  	v61 =	vsel vm6, $0xFF800000, v56;
	v24 =	vsel vm15, v60, v24  }
0x1ff: {  	vm7 =	veq.s32 v44, v14;
	vm10 =	vgt.f32 v61, v24  }
0x200: {  	v63 =	vsel vm7, $0xFF800000, v62;
	v24 =	vsel vm10, v61, v24  }
0x201: {  	vm4 =	veq.s32 v44, v15;
	vm9 =	vgt.f32 v63, v24  }
0x202: {  	v45 =	vsel vm4, $0xFF800000, v45;
	v24 =	vsel vm9, v63, v24  }
0x203: {  	vm5 =	veq.s32 v44, v16;
	vm8 =	vgt.f32 v45, v24  }
0x204: {  	v46 =	vsel vm5, $0xFF800000, v46;
	v24 =	vsel vm8, v45, v24  }
0x205: {  	vm11 =	veq.s32 v44, v17;
	vm4 =	vgt.f32 v46, v24  }
0x206: {  	v47 =	vsel vm11, $0xFF800000, v47;
	v24 =	vsel vm4, v46, v24  }
0x207: {  	vm11 =	veq.s32 v44, v18;
	vm5 =	vgt.f32 v47, v24  }
0x208: {  	v48 =	vsel vm11, $0xFF800000, v48;
	v24 =	vsel vm5, v47, v24  }
0x209: {  	vm11 =	veq.s32 v44, v19;
	vm6 =	vgt.f32 v48, v24  }
0x20a: {  	v49 =	vsel vm11, $0xFF800000, v49;
	v24 =	vsel vm6, v48, v24  }
0x20b: {  	vm11 =	veq.s32 v44, v20;
	vm7 =	vgt.f32 v49, v24  }
0x20c: {  	v50 =	vsel vm11, $0xFF800000, v50;
	v24 =	vsel vm7, v49, v24  }
0x20d: {  	vm11 =	veq.s32 v44, v21;
	vm3 =	vgt.f32 v50, v24  }
0x20e: {  	v51 =	vsel vm11, $0xFF800000, v51;
	v24 =	vsel vm3, v50, v24  }
0x20f: {  	vm11 =	veq.s32 v44, v22;
	vm2 =	vgt.f32 v51, v24  }
0x210: {  	v55 =	vimm.s32 $0x0;
	v54 =	vsel vm11, $0xFF800000, v52;
	v24 =	vsel vm2, v51, v24  }
0x211: {  	[tilespmem:$0x1FFD0] =	vst v26;
	v26 =	vsel vm1, $0xFFFFFFFF, v55;
	vm11 =	veq.s32 v44, v23;
	vm1 =	vgt.f32 v54, v24  }
0x212: {  	v55 =	vsel vm11, $0xFF800000, v53;
	v24 =	vsel vm1, v54, v24  }
0x213: {  	vm0 =	vgt.f32 v55, v24  }
0x214: {  	v57 =	vld [tilespmem:$0x1FFF0];
	v24 =	vsel vm0, v55, v24  }
0x215: {  	v25 =	vperm.xlane v24, v0;
	_ =	sdelay $0x1  }
0x216: {  	v25 =	vmax.f32 v24, v25  }
0x217: {  	v56 =	vperm.xlane v25, v1  }
0x218: {  	vm11 =	vnez.u8 v57  }
0x219: {  	v33 =	vnsel vm11, $0xFF800000, v33;
	vm11 =	vcmask $0x320;
	v25 =	vmax.f32 v25, v56  }
0x21a: {  	v58 =	vsel vm11, v33, v35;
	vm11 =	vcmask $0x720;
	v59 =	vperm.xlane v25, v2  }
0x21b: {  	[tilespmem:$0x1FFE0] =	vst v26;
	v26 =	vsel vm11, v58, v37;
	vm11 =	vcmask $0xB20  }
0x21c: {  	v26 =	vsel vm11, v26, v39;
	vm11 =	vcmask $0xF20;
	v25 =	vmax.f32 v25, v59  }
0x21d: {  	v26 =	vsel vm11, v26, v41;
	vm11 =	vcmask $0x1320;
	v33 =	vperm.xlane v25, v4  }
0x21e: {  	v26 =	vsel vm11, v26, v43;
	vm11 =	vcmask $0x1720  }
0x21f: {  	v26 =	vsel vm11, v26, v27;
	vm11 =	vcmask $0x1B20;
	v25 =	vmax.f32 v25, v33  }
0x220: {  	v26 =	vsel vm11, v26, v25  }
0x221: {  	v27 =	vperm.xlane v26, v0;
	_ =	sdelay $0x1  }
0x222: {  	v27 =	vmax.f32 v26, v27  }
0x223: {  	v63 =	vperm.xlane v27, v1;
	_ =	sdelay $0x1  }
0x224: {  	v27 =	vmax.f32 v27, v63  }
0x225: {  	v33 =	vperm.xlane v27, v2;
	_ =	sdelay $0x1  }
0x226: {  	v27 =	vmax.f32 v27, v33  }
0x227: {  	v33 =	vperm.xlane v27, v4  }
0x228: {  	v43 =	vld [tilespmem:$0x1FFB0]  }
0x229: {  	v45 =	vld [tilespmem:$0x1FFC0];
	v27 =	vmax.f32 v27, v33  }
0x22a: {  	v26 =	vsub.f32 v26, v27;
	v27 =	vld [tilespmem:$0x1FFD0]  }
0x22b: {  	v46 =	vld [tilespmem:$0x1FFE0];
	_ =	sdelay $0x1  }
0x22c: {  	vm11 =	vnez.u8 v43  }
0x22d: {  	v35 =	vsel vm11, v5, v3;
	vm11 =	vnez.u8 v45  }
0x22e: {  	v33 =	vsel vm11, v6, v35;
	vm11 =	vnez.u8 v27  }
0x22f: {  	v27 =	vsel vm11, v7, v33;
	vm11 =	vnez.u8 v46  }
0x230: {  	v26 =	vmul.f32 $1.442695020e+00, v26;
	v27 =	vsel vm11, v8, v27  }
0x231: {  	v27 =	vsel vm12, v9, v27  }
0x232: {  	(erf) = vpow2.f32 v26;
	v27 =	vsel vm13, v10, v27  }
0x233: {  	v47 =	vsel vm14, v11, v27  }
0x234: {  	v26 =	vsel vm15, v12, v47  }
0x235: {  	v26 =	vsel vm10, v13, v26  }
0x236: {  	v26 =	vsel vm9, v14, v26  }
0x237: {  	v26 =	vsel vm8, v15, v26  }
0x238: {  	v26 =	vsel vm4, v16, v26  }
0x239: {  	v26 =	vsel vm5, v17, v26  }
0x23a: {  	v26 =	vsel vm6, v18, v26  }
0x23b: {  	v27 =	vpop (erf);
	v26 =	vsel vm7, v19, v26  }
0x23c: {  	v48 =	vperm.xlane v27, v0;
	v26 =	vsel vm3, v20, v26  }
0x23d: {  	v26 =	vsel vm2, v21, v26  }
0x23e: {  	v33 =	vadd.f32 v27, v48;
	v26 =	vsel vm1, v22, v26  }
0x23f: {  	vm15 =	veq.f32 v24, v25;
	v26 =	vsel vm0, v23, v26  }
0x240: {  	v49 =	vperm.xlane v33, v1;
	v24 =	vnsel vm15, $0x180, v26  }
0x241: {  	v26 =	vperm.xlane v24, v0  }
0x242: {  	v25 =	vadd.f32 v33, v49  }
0x243: {  	(v2sf) =	vpush v32, $0x0;
	vm0 =	vlt.s32 v24, v26  }
0x244: {  	v50 =	vperm.xlane v25, v2;
	v24 =	vsel vm0, v24, v26  }
0x245: {  	(v2sf) =	vpush v34, $0x0;
	v51 =	vperm.xlane v24, v1  }
0x246: {  	v25 =	vadd.f32 v25, v50  }
0x247: {  	(v2sf) =	vpush v36, $0x0;
	vm0 =	vlt.s32 v24, v51  }
0x248: {  	v26 =	vperm.xlane v25, v4;
	v24 =	vsel vm0, v24, v51  }
0x249: {  	(v2sf) =	vpush v38, $0x0;
	v32 =	vperm.xlane v24, v2  }
0x24a: {  	v25 =	vadd.f32 v25, v26  }
0x24b: {  	(v2sf) =	vpush v40, $0x0;
	vm0 =	vlt.s32 v24, v32  }
0x24c: {  	(erf) = vrcp.f32 v25;
	v24 =	vsel vm0, v24, v32  }
0x24d: {  	(v2sf) =	vpush v42, $0x0;
	v52 =	vperm.xlane v24, v4;
	_ =	sdelay $0x1  }
0x24e: {  	(v2sf) =	vpush v44, $0x0;
	vm0 =	vlt.s32 v24, v52  }
0x24f: {  	v24 =	vsel vm0, v24, v52  }
0x250: {  	(v2sf) =	vpush v24, $0x0  }
0x251: {  	s13 =	spop (v2sf)  }
0x252: {  	s13 =	sshll.u32 s13, $0x9  }
0x253: {  	s13 =	sshra.s32 s13, $0x2;
	s14 =	spop (v2sf)  }
0x254: {  	s14 =	sshll.u32 s14, $0x9;
	v54 =	vld [tilespmem:s13+$0xC00];
	v53 =	vpop (erf)  }
0x255: {  	s14 =	sshra.s32 s14, $0x2;
	s15 =	spop (v2sf);
	v24 =	vmul.f32 v53, v27  }
0x256: {  	s15 =	sshll.u32 s15, $0x9;
	v62 =	vimm.s32 $0x0;
	v55 =	vld [tilespmem:s14+$0xC00]  }
0x257: {  	s15 =	sshra.s32 s15, $0x2;
	s16 =	spop (v2sf);
	v32 =	vperm.xlane v24, v62  }
0x258: {  	s16 =	sshll.u32 s16, $0x9;
	v61 =	vimm.s32 $0x1;
	v27 =	vld [tilespmem:s15+$0xC00]  }
0x259: {  	s16 =	sshra.s32 s16, $0x2;
	s17 =	spop (v2sf);
	v33 =	vperm.xlane v24, v61;
	v25 =	vmul.f32 v54, v32  }
0x25a: {  	s17 =	sshll.u32 s17, $0x9;
	v60 =	vimm.s32 $0x2;
	v56 =	vld [tilespmem:s16+$0xC00]  }
0x25b: {  	s17 =	sshra.s32 s17, $0x2;
	s18 =	spop (v2sf);
	v34 =	vperm.xlane v24, v60;
	v26 =	vmul.f32 v55, v33;
	v25 =	vadd.f32 $0.0e+00, v25  }
0x25c: {  	s18 =	sshll.u32 s18, $0x9;
	v57 =	vimm.s32 $0x3;
	v58 =	vld [tilespmem:s17+$0xC00]  }
0x25d: {  	s18 =	sshra.s32 s18, $0x2;
	s19 =	spop (v2sf);
	v35 =	vperm.xlane v24, v57;
	v59 =	vmul.f32 v27, v34;
	v25 =	vadd.f32 v26, v25  }
0x25e: {  	s19 =	sshll.u32 s19, $0x9;
	v27 =	vld [tilespmem:s18+$0xC00]  }
0x25f: {  	s19 =	sshra.s32 s19, $0x2;
	v36 =	vperm.xlane v24, v28;
	v60 =	vmul.f32 v56, v35;
	v25 =	vadd.f32 v59, v25;
	s20 =	spop (v2sf)  }
0x260: {  	v61 =	vld [tilespmem:s19+$0xC00];
	s20 =	sshll.u32 s20, $0x9  }
0x261: {  	v37 =	vperm.xlane v24, v29;
	v62 =	vmul.f32 v58, v36;
	v25 =	vadd.f32 v60, v25;
	s20 =	sshra.s32 s20, $0x2  }
0x262: {  	v63 =	vld [tilespmem:s20+$0xC00]  }
0x263: {  	v38 =	vperm.xlane v24, v30;
	v44 =	vmul.f32 v27, v37;
	v25 =	vadd.f32 v62, v25;
	_ =	sdelay $0x1  }
0x264: {  	v39 =	vperm.xlane v24, v31;
	v45 =	vmul.f32 v61, v38;
	v25 =	vadd.f32 v44, v25;
	_ =	sdelay $0x1  }
0x265: {  	v46 =	vadd.f32 v45, v25;
	v47 =	vmul.f32 v63, v39;
	_ =	sdelay $0x1  }
0x266: {  	v24 =	vadd.f32 v47, v46  }
0x267: {  	s21 =	sshra.s32 s12, $0x2  }
0x268: {  	[tilespmem:s21+$0xCC00] =	vst v24  }
0x269: {  	v24 =	vld [tilespmem:s13+$0xC10];
	_ =	sdelay $0x1  }
0x26a: {  	v48 =	vld [tilespmem:s14+$0xC10];
	_ =	sdelay $0x1  }
0x26b: {  	v49 =	vld [tilespmem:s15+$0xC10]  }
0x26c: {  	v24 =	vmul.f32 v24, v32  }
0x26d: {  	v27 =	vld [tilespmem:s16+$0xC10]  }
0x26e: {  	v25 =	vmul.f32 v48, v33;
	v24 =	vadd.f32 $0.0e+00, v24  }
0x26f: {  	v50 =	vld [tilespmem:s17+$0xC10]  }
0x270: {  	v51 =	vmul.f32 v49, v34;
	v24 =	vadd.f32 v25, v24  }
0x271: {  	v52 =	vld [tilespmem:s18+$0xC10]  }
0x272: {  	v53 =	vmul.f32 v27, v35;
	v24 =	vadd.f32 v51, v24  }
0x273: {  	v27 =	vld [tilespmem:s19+$0xC10]  }
0x274: {  	v54 =	vmul.f32 v50, v36;
	v24 =	vadd.f32 v53, v24  }
0x275: {  	v55 =	vld [tilespmem:s20+$0xC10]  }
0x276: {  	v56 =	vmul.f32 v52, v37;
	v24 =	vadd.f32 v54, v24;
	_ =	sdelay $0x1  }
0x277: {  	v57 =	vmul.f32 v27, v38;
	v24 =	vadd.f32 v56, v24;
	_ =	sdelay $0x1  }
0x278: {  	v58 =	vmul.f32 v55, v39;
	v24 =	vadd.f32 v57, v24;
	_ =	sdelay $0x1  }
0x279: {  	v24 =	vadd.f32 v58, v24;
	_ =	sdelay $0x1  }
0x27a: {  	[tilespmem:s21+$0xCC10] =	vst v24  }
0x27b: {  	v24 =	vld [tilespmem:s13+$0xC20];
	_ =	sdelay $0x1  }
0x27c: {  	v59 =	vld [tilespmem:s14+$0xC20];
	_ =	sdelay $0x1  }
0x27d: {  	v60 =	vld [tilespmem:s15+$0xC20]  }
0x27e: {  	v24 =	vmul.f32 v24, v32  }
0x27f: {  	v27 =	vld [tilespmem:s16+$0xC20]  }
0x280: {  	v25 =	vmul.f32 v59, v33;
	v24 =	vadd.f32 $0.0e+00, v24  }
0x281: {  	v61 =	vld [tilespmem:s17+$0xC20]  }
0x282: {  	v62 =	vmul.f32 v60, v34;
	v24 =	vadd.f32 v25, v24  }
0x283: {  	v63 =	vld [tilespmem:s18+$0xC20]  }
0x284: {  	v44 =	vmul.f32 v27, v35;
	v24 =	vadd.f32 v62, v24  }
0x285: {  	v27 =	vld [tilespmem:s19+$0xC20]  }
0x286: {  	v45 =	vmul.f32 v61, v36;
	v24 =	vadd.f32 v44, v24  }
0x287: {  	v46 =	vld [tilespmem:s20+$0xC20]  }
0x288: {  	v47 =	vmul.f32 v63, v37;
	v24 =	vadd.f32 v45, v24;
	_ =	sdelay $0x1  }
0x289: {  	v48 =	vmul.f32 v27, v38;
	v24 =	vadd.f32 v47, v24;
	_ =	sdelay $0x1  }
0x28a: {  	v49 =	vmul.f32 v46, v39;
	v24 =	vadd.f32 v48, v24;
	_ =	sdelay $0x1  }
0x28b: {  	v24 =	vadd.f32 v49, v24;
	_ =	sdelay $0x1  }
0x28c: {  	[tilespmem:s21+$0xCC20] =	vst v24  }
0x28d: {  	v24 =	vld [tilespmem:s13+$0xC30];
	_ =	sdelay $0x1  }
0x28e: {  	v50 =	vld [tilespmem:s14+$0xC30];
	_ =	sdelay $0x1  }
0x28f: {  	v51 =	vld [tilespmem:s15+$0xC30]  }
0x290: {  	v24 =	vmul.f32 v24, v32  }
0x291: {  	v27 =	vld [tilespmem:s16+$0xC30]  }
0x292: {  	v25 =	vmul.f32 v50, v33;
	v24 =	vadd.f32 $0.0e+00, v24  }
0x293: {  	v52 =	vld [tilespmem:s17+$0xC30]  }
0x294: {  	v53 =	vmul.f32 v51, v34;
	v24 =	vadd.f32 v25, v24  }
0x295: {  	v54 =	vld [tilespmem:s18+$0xC30]  }
0x296: {  	v55 =	vmul.f32 v27, v35;
	v24 =	vadd.f32 v53, v24  }
0x297: {  	v27 =	vld [tilespmem:s19+$0xC30]  }
0x298: {  	v56 =	vmul.f32 v52, v36;
	v24 =	vadd.f32 v55, v24  }
0x299: {  	v57 =	vld [tilespmem:s20+$0xC30]  }
0x29a: {  	v58 =	vmul.f32 v54, v37;
	v24 =	vadd.f32 v56, v24;
	_ =	sdelay $0x1  }
0x29b: {  	v59 =	vmul.f32 v27, v38;
	v24 =	vadd.f32 v58, v24;
	_ =	sdelay $0x1  }
0x29c: {  	v60 =	vmul.f32 v57, v39;
	v24 =	vadd.f32 v59, v24;
	_ =	sdelay $0x1  }
0x29d: {  	v24 =	vadd.f32 v60, v24;
	_ =	sdelay $0x1  }
0x29e: {  	[tilespmem:s21+$0xCC30] =	vst v24  }
0x29f: {  	v24 =	vld [tilespmem:s13+$0xC40];
	_ =	sdelay $0x1  }
0x2a0: {  	v61 =	vld [tilespmem:s14+$0xC40];
	_ =	sdelay $0x1  }
0x2a1: {  	v62 =	vld [tilespmem:s15+$0xC40]  }
0x2a2: {  	v24 =	vmul.f32 v24, v32  }
0x2a3: {  	v27 =	vld [tilespmem:s16+$0xC40]  }
0x2a4: {  	v25 =	vmul.f32 v61, v33;
	v24 =	vadd.f32 $0.0e+00, v24  }
0x2a5: {  	v63 =	vld [tilespmem:s17+$0xC40]  }
0x2a6: {  	v43 =	vmul.f32 v62, v34;
	v24 =	vadd.f32 v25, v24  }
0x2a7: {  	v44 =	vld [tilespmem:s18+$0xC40]  }
0x2a8: {  	v45 =	vmul.f32 v27, v35;
	v24 =	vadd.f32 v43, v24  }
0x2a9: {  	v27 =	vld [tilespmem:s19+$0xC40]  }
0x2aa: {  	v46 =	vmul.f32 v63, v36;
	v24 =	vadd.f32 v45, v24  }
0x2ab: {  	v47 =	vld [tilespmem:s20+$0xC40]  }
0x2ac: {  	v48 =	vmul.f32 v44, v37;
	v24 =	vadd.f32 v46, v24;
	_ =	sdelay $0x1  }
0x2ad: {  	v49 =	vmul.f32 v27, v38;
	v24 =	vadd.f32 v48, v24;
	_ =	sdelay $0x1  }
0x2ae: {  	v50 =	vmul.f32 v47, v39;
	v24 =	vadd.f32 v49, v24;
	_ =	sdelay $0x1  }
0x2af: {  	v24 =	vadd.f32 v50, v24;
	_ =	sdelay $0x1  }
0x2b0: {  	[tilespmem:s21+$0xCC40] =	vst v24  }
0x2b1: {  	v24 =	vld [tilespmem:s13+$0xC50];
	_ =	sdelay $0x1  }
0x2b2: {  	v51 =	vld [tilespmem:s14+$0xC50];
	_ =	sdelay $0x1  }
0x2b3: {  	v52 =	vld [tilespmem:s15+$0xC50]  }
0x2b4: {  	v24 =	vmul.f32 v24, v32  }
0x2b5: {  	v27 =	vld [tilespmem:s16+$0xC50]  }
0x2b6: {  	v25 =	vmul.f32 v51, v33;
	v24 =	vadd.f32 $0.0e+00, v24  }
0x2b7: {  	v53 =	vld [tilespmem:s17+$0xC50]  }
0x2b8: {  	v54 =	vmul.f32 v52, v34;
	v24 =	vadd.f32 v25, v24  }
0x2b9: {  	v55 =	vld [tilespmem:s18+$0xC50]  }
0x2ba: {  	v56 =	vmul.f32 v27, v35;
	v24 =	vadd.f32 v54, v24  }
0x2bb: {  	v27 =	vld [tilespmem:s19+$0xC50]  }
0x2bc: {  	v57 =	vmul.f32 v53, v36;
	v24 =	vadd.f32 v56, v24  }
0x2bd: {  	v58 =	vld [tilespmem:s20+$0xC50]  }
0x2be: {  	v59 =	vmul.f32 v55, v37;
	v24 =	vadd.f32 v57, v24;
	_ =	sdelay $0x1  }
0x2bf: {  	v60 =	vmul.f32 v27, v38;
	v24 =	vadd.f32 v59, v24;
	_ =	sdelay $0x1  }
0x2c0: {  	v61 =	vmul.f32 v58, v39;
	v24 =	vadd.f32 v60, v24;
	_ =	sdelay $0x1  }
0x2c1: {  	v24 =	vadd.f32 v61, v24;
	_ =	sdelay $0x1  }
0x2c2: {  	[tilespmem:s21+$0xCC50] =	vst v24  }
0x2c3: {  	v24 =	vld [tilespmem:s13+$0xC60];
	_ =	sdelay $0x1  }
0x2c4: {  	v62 =	vld [tilespmem:s14+$0xC60];
	_ =	sdelay $0x1  }
0x2c5: {  	v63 =	vld [tilespmem:s15+$0xC60]  }
0x2c6: {  	v24 =	vmul.f32 v24, v32  }
0x2c7: {  	v27 =	vld [tilespmem:s16+$0xC60]  }
0x2c8: {  	v25 =	vmul.f32 v62, v33;
	v24 =	vadd.f32 $0.0e+00, v24  }
0x2c9: {  	v44 =	vld [tilespmem:s17+$0xC60]  }
0x2ca: {  	v45 =	vmul.f32 v63, v34;
	v24 =	vadd.f32 v25, v24  }
0x2cb: {  	v46 =	vld [tilespmem:s18+$0xC60]  }
0x2cc: {  	v47 =	vmul.f32 v27, v35;
	v24 =	vadd.f32 v45, v24  }
0x2cd: {  	v27 =	vld [tilespmem:s19+$0xC60]  }
0x2ce: {  	v48 =	vmul.f32 v44, v36;
	v24 =	vadd.f32 v47, v24  }
0x2cf: {  	v49 =	vld [tilespmem:s20+$0xC60]  }
0x2d0: {  	v50 =	vmul.f32 v46, v37;
	v24 =	vadd.f32 v48, v24;
	_ =	sdelay $0x1  }
0x2d1: {  	v51 =	vmul.f32 v27, v38;
	v24 =	vadd.f32 v50, v24;
	_ =	sdelay $0x1  }
0x2d2: {  	v52 =	vmul.f32 v49, v39;
	v24 =	vadd.f32 v51, v24;
	_ =	sdelay $0x1  }
0x2d3: {  	v24 =	vadd.f32 v52, v24;
	_ =	sdelay $0x1  }
0x2d4: {  	[tilespmem:s21+$0xCC60] =	vst v24  }
0x2d5: {  	v24 =	vld [tilespmem:s13+$0xC70];
	_ =	sdelay $0x1  }
0x2d6: {  	v53 =	vld [tilespmem:s14+$0xC70];
	_ =	sdelay $0x1  }
0x2d7: {  	v54 =	vld [tilespmem:s15+$0xC70]  }
0x2d8: {  	v24 =	vmul.f32 v24, v32  }
0x2d9: {  	v27 =	vld [tilespmem:s16+$0xC70]  }
0x2da: {  	v25 =	vmul.f32 v53, v33;
	v24 =	vadd.f32 $0.0e+00, v24  }
0x2db: {  	v55 =	vld [tilespmem:s17+$0xC70]  }
0x2dc: {  	v56 =	vmul.f32 v54, v34;
	v24 =	vadd.f32 v25, v24  }
0x2dd: {  	v57 =	vld [tilespmem:s18+$0xC70]  }
0x2de: {  	v58 =	vmul.f32 v27, v35;
	v24 =	vadd.f32 v56, v24  }
0x2df: {  	v27 =	vld [tilespmem:s19+$0xC70]  }
0x2e0: {  	v59 =	vmul.f32 v55, v36;
	v24 =	vadd.f32 v58, v24  }
0x2e1: {  	v60 =	vld [tilespmem:s20+$0xC70]  }
0x2e2: {  	v61 =	vmul.f32 v57, v37;
	v24 =	vadd.f32 v59, v24;
	_ =	sdelay $0x1  }
0x2e3: {  	v62 =	vmul.f32 v27, v38;
	v24 =	vadd.f32 v61, v24  }
0x2e4: {  	p0 =	sne.s32 s12, $0xE00  }
.Ltmp0:
0x2e5: {  	v63 =	vmul.f32 v60, v39;
	v24 =	vadd.f32 v62, v24;
	(pc) =	sbr.rel @p0 .LBB2_2-.Ltmp0, $3  }
0x2e6: {  	_ = 	snop  }
0x2e7: {  	v24 =	vadd.f32 v63, v24;
	_ =	sdelay $0x1  }
0x2e8: {  	s11 =	sadd.s32 $0x180, s11;
	s12 =	sadd.s32 $0x200, s12;
	[tilespmem:s21+$0xCC70] =	vst v24  }
0x2e9: {  	s10 =	sadd.s32 $0x1, s10  }
0x2ea: {  	p0 =	sne.s32 s10, s6  }
.Ltmp1:
0x2eb: {  	_ = 	snop;
	(pc) =	sbr.rel @p0 .LBB2_1-.Ltmp1, $4  }
0x2ec: {  	[hbm4b:s5+s2] =	stream.linear.scatter [tilespmem:s9], [sflag:$0x1], $0x400, $0x38;
	[tilespmem:$0xD000] =	vst v63  }
0x2ed: {  	_ =	swait.ge [sflag:s7], $0x400  }
0x2ee: {  	[sflag:s7] =	ssyncset.done $0x0  }
0x2ef: {  	[sflag:s7] =	ssyncadd.s32 $0xFFFFFC00  }
0x2f0: {  	_ =	sfence.sel $0x180000  }
0x2f1: {  	[bflag:$0x0] =	sbarrier.arrive $0xFFFF  }
0x2f2: {  	p0 =	sne.s32 s1, $0x0;
	_ =	strace $0x90000047  }
0x2f3: {  	s0 =	sadd.s32 @!p0 $0x100000, s0;
	[bflag:$0x2] =	sbarrier.arrive $0xFFFF  }
0x2f4: {  	[sflag:s0] =	ssyncadd.tile.s32 @!p0 $0x1;
	_ =	shalt  }
.Lfunc_end2:
_tile_overlayer_lowered:
.L_overlay_start_2:
0x2f5: {  	(tag) =	ssettag $0x2  }
0x2f6: {  	s0 =	rddreg [dreg:$0x0];
	s2 =	stileid.u32  }
0x2f7: {  	s1 =	rddreg [dreg:$0x1];
	p0 =	sne.s32 s2, $0x0  }
0x2f8: {  	s3 =	rddreg [dreg:$0x2];
	[bflag:$0x3] =	sbarrier.arrive $0xFFFF;
	s2 =	simm.s32 @!p0 $0x1C01  }
0x2f9: {  	[timem:s3], [sflag:s2] =	dma.local @!p0 [hbm:s0], s1  }
0x2fa: {  	s0 =	simm.s32 @!p0 $0x1  }
0x2fb: {  	_ =	swait.ge @!p0 [sflag:s0], s1  }
0x2fc: {  	s1 =	ssub.s32 @!p0 $0x0, s1;
	[sflag:s0] =	ssyncset.done @!p0 $0x0  }
0x2fd: {  	[sflag:s0] =	ssyncadd.s32 @!p0 s1  }
0x2fe: {  	[bflag:$0x3] =	sbarrier.arrive $0xFFFF  }
0x2ff: {  	_ =	shalt  }

</sc_bundles>
